<compile_context>
chip_gen: v7x
topology: tpu7x:2x2x1
jax: 0.10.2.dev20260603
libtpu: 0.0.44.dev20260713+nightly
codegen_flags: <defaults>
</compile_context>

<pallas_src>
import functools

import jax
import jax.numpy as jnp
from jax import lax
from jax.experimental import pallas as pl
from jax.experimental.pallas import tpu as pltpu
from jax.experimental.pallas import tpu_sc as plsc

B, S, D = 4, 2048, 1024
VISION_START = 1536
NC, NS, L = 2, 16, 16
NW = NC * NS
SW = S // NW
NV = D // L
CHS = 8
NSET = SW // CHS


def _rsqrt_vec(v):
    i = plsc.bitcast(v, jnp.int32)
    i = jnp.int32(0x5F3759DF) - (i >> 1)
    y = plsc.bitcast(i, jnp.float32)
    for _ in range(2):
        y = y * (1.5 - 0.5 * v * y * y)
    return y


_mesh = plsc.VectorSubcoreMesh(
    core_axis_name="c", subcore_axis_name="s", num_cores=NC, num_subcores=NS
)


@functools.partial(
    pl.kernel,
    out_type=jax.ShapeDtypeStruct((B, S, D), jnp.float32),
    mesh=_mesh,
    compiler_params=pltpu.CompilerParams(needs_layout_passes=False),
    scratch_types=[
        pltpu.VMEM((2, CHS, D), jnp.float32),
        pltpu.VMEM((2, B, CHS, D), jnp.float32),
        pltpu.VMEM((1, D), jnp.float32),
        pltpu.VMEM((D,), jnp.float32),
        pltpu.VMEM((D,), jnp.float32),
        pltpu.SemaphoreType.DMA,
        pltpu.SemaphoreType.DMA,
        pltpu.SemaphoreType.DMA,
        pltpu.SemaphoreType.DMA,
        pltpu.SemaphoreType.DMA,
    ],
)
def _sc_embed_ln(
    emb, pos, mod, gam, bet, out, pos_v, e_v, mod_v, g_v, b_v, si0, si1, so0, so1, sp
):
    wid = lax.axis_index("s") * NC + lax.axis_index("c")
    s0 = wid * SW

    mrow = jnp.where(s0 >= VISION_START, 1, 0)
    h_mod = pltpu.async_copy(mod.at[pl.ds(mrow, 1)], mod_v, sp)
    h_gam = pltpu.async_copy(gam, g_v, sp)
    h_bet = pltpu.async_copy(bet, b_v, sp)

    in_sems = (si0, si1)
    out_sems = (so0, so1)
    inv_d = 1.0 / D
    zero = jnp.zeros((L,), jnp.float32)

    def start_in(si, k):
        tok0 = s0 + si * CHS
        hs = [pltpu.async_copy(pos.at[pl.ds(tok0, CHS)], pos_v.at[k], in_sems[k])]
        for b in range(B):
            hs.append(
                pltpu.async_copy(
                    emb.at[b, pl.ds(tok0, CHS)], e_v.at[k, b], in_sems[k]
                )
            )
        return hs

    def start_out(si, k):
        tok0 = s0 + si * CHS
        return [
            pltpu.async_copy(e_v.at[k, b], out.at[b, pl.ds(tok0, CHS)], out_sems[k])
            for b in range(B)
        ]

    def compute_set(k):
        @plsc.parallel_loop(0, CHS, step=2)
        def per_pos(sl0):
            @plsc.parallel_loop(0, NV, unroll=2, carry=(zero,) * 16)
            def p1(j, carry):
                acc = list(carry)
                col = pl.ds(j * L, L)
                m = mod_v[0, col]
                for d in range(2):
                    sl = sl0 + d
                    c = pos_v[k, sl, col] + m
                    for b in range(B):
                        x = e_v[k, b, sl, col] + c
                        e_v[k, b, sl, col] = x
                        i = 8 * d + 2 * b
                        acc[i] = acc[i] + x
                        acc[i + 1] = acc[i + 1] + x * x
                return tuple(acc)

            carry = p1
            mean_vecs = []
            scale_vecs = []
            for d in range(2):
                for b in range(B):
                    s1 = jnp.sum(carry[8 * d + 2 * b])
                    s2 = jnp.sum(carry[8 * d + 2 * b + 1])
                    mean = s1 * inv_d
                    var = s2 * inv_d - mean * mean
                    mean_vecs.append(jnp.full((L,), mean, jnp.float32))
                    scale_vecs.append(
                        _rsqrt_vec(jnp.full((L,), var + 1e-12, jnp.float32))
                    )

            @plsc.parallel_loop(0, NV, unroll=2)
            def p2(j):
                col = pl.ds(j * L, L)
                g = g_v[col]
                bb = b_v[col]
                for d in range(2):
                    sl = sl0 + d
                    for b in range(B):
                        i = 4 * d + b
                        x = e_v[k, b, sl, col]
                        e_v[k, b, sl, col] = (x - mean_vecs[i]) * scale_vecs[i] * g + bb

    def wait_in(t, k):
        tok0 = s0 + t * CHS
        pltpu.make_async_copy(
            pos.at[pl.ds(tok0, CHS)], pos_v.at[k], in_sems[k]
        ).wait()
        for b in range(B):
            pltpu.make_async_copy(
                emb.at[b, pl.ds(tok0, CHS)], e_v.at[k, b], in_sems[k]
            ).wait()

    def wait_out(t, k):
        tok0 = s0 + t * CHS
        for b in range(B):
            pltpu.make_async_copy(
                e_v.at[k, b], out.at[b, pl.ds(tok0, CHS)], out_sems[k]
            ).wait()

    start_in(0, 0)
    h_mod.wait()
    h_gam.wait()
    h_bet.wait()

    @pl.loop(0, NSET, step=2)
    def _ring(si):
        for k in (0, 1):
            t = si + k

            @pl.when(t + 1 < NSET)
            def _():
                @pl.when(t - 1 >= 0)
                def _():
                    wait_out(t - 1, 1 - k)

                start_in(t + 1, 1 - k)

            wait_in(t, k)
            compute_set(k)
            start_out(t, k)

    wait_out(NSET - 2, 0)
    wait_out(NSET - 1, 1)


def kernel(embeddings, position_table, modality_table, ln_gamma, ln_beta):
    return _sc_embed_ln(
        embeddings, position_table, modality_table, ln_gamma, ln_beta
    )

# --- scband reference (transcript-rebuilt; emitter-appended) ---
"""Pipeline reference for scband-embeddings-63857573756964 (READ-ONLY COPY).

The authoritative reference and input builder live on the scoring server;
editing this copy changes nothing except your own understanding.
"""

import jax, jax.numpy as jnp
import numpy as np

B, S, D = 4, 2048, 1024
LANGUAGE_LEN, VISION_LEN = 1536, 512

def setup_inputs(seed: int = 0) -> dict:
    key = jax.random.key(seed)
    k1, k2, k3 = jax.random.split(key, 3)
    embeddings = jax.random.normal(k1, (B, S, D), dtype=jnp.float32)
    position_table = jax.random.normal(k2, (S, D), dtype=jnp.float32) * 0.02
    modality_table = jax.random.normal(k3, (2, D), dtype=jnp.float32) * 0.02
    ln_gamma = jnp.ones((D,), dtype=jnp.float32)
    ln_beta = jnp.zeros((D,), dtype=jnp.float32)
    return {"embeddings": embeddings, "position_table": position_table, "modality_table": modality_table, "ln_gamma": ln_gamma, "ln_beta": ln_beta}

def reference(embeddings, position_table, modality_table, ln_gamma, ln_beta):
    seq_length = embeddings.shape[1]
    position_ids = jnp.arange(seq_length, dtype=jnp.int32)
    token_type_id = jnp.concatenate([
        jnp.zeros((seq_length - VISION_LEN,), dtype=jnp.int32),
        jnp.ones((VISION_LEN,), dtype=jnp.int32),
    ])
    modality_embeddings = jnp.take(modality_table, token_type_id, axis=0)
    position_embeddings = jnp.take(position_table, position_ids, axis=0)
    x = embeddings + position_embeddings[None, :, :] + modality_embeddings[None, :, :]
    mean = jnp.mean(x, axis=-1, keepdims=True)
    var = jnp.mean(jnp.square(x - mean), axis=-1, keepdims=True)
    x_norm = (x - mean) / jnp.sqrt(var + 1e-12)
    out = x_norm * ln_gamma + ln_beta
    # dropout is identity in eval mode
    return out

if __name__ == "__main__":
    import jax
    _d = setup_inputs()
    print(jax.jit(kernel)(*tuple(_d.values())))

</pallas_src>

<mosaic_0001>
#map = affine_map<(d0, d1) -> (0, 0, 0)>
#map1 = affine_map<(d0, d1) -> (0, 0)>
#map2 = affine_map<(d0, d1) -> (0)>
module attributes {stable_mosaic.version = 14 : i64} {
  func.func @_sc_embed_ln(%arg0: i32, %arg1: i32, %arg2: memref<4x2048x1024xf32, #tpu.memory_space<hbm>>, %arg3: memref<2048x1024xf32, #tpu.memory_space<hbm>>, %arg4: memref<2x1024xf32, #tpu.memory_space<hbm>>, %arg5: memref<1024xf32, #tpu.memory_space<hbm>>, %arg6: memref<1024xf32, #tpu.memory_space<hbm>>, %arg7: memref<4x2048x1024xf32, #tpu.memory_space<hbm>>, %arg8: memref<2x8x1024xf32, #tpu.memory_space<vmem>>, %arg9: memref<2x4x8x1024xf32, #tpu.memory_space<vmem>>, %arg10: memref<1x1024xf32, #tpu.memory_space<vmem>>, %arg11: memref<1024xf32, #tpu.memory_space<vmem>>, %arg12: memref<1024xf32, #tpu.memory_space<vmem>>, %arg13: memref<!tpu.dma_semaphore, #tpu.memory_space<semaphore_mem>>, %arg14: memref<!tpu.dma_semaphore, #tpu.memory_space<semaphore_mem>>, %arg15: memref<!tpu.dma_semaphore, #tpu.memory_space<semaphore_mem>>, %arg16: memref<!tpu.dma_semaphore, #tpu.memory_space<semaphore_mem>>, %arg17: memref<!tpu.dma_semaphore, #tpu.memory_space<semaphore_mem>>) attributes {dimension_semantics = [#tpu.dimension_semantics<core_parallel>, #tpu.dimension_semantics<subcore_parallel>], iteration_bounds = array<i64: 2, 16>, scalar_prefetch = 0 : i64, scratch_operands = 10 : i64, tpu.core_type = #tpu.core_type<sc_vector_subcore>, window_params = [{transform_indices = #map}, {transform_indices = #map1}, {transform_indices = #map1}, {transform_indices = #map2}, {transform_indices = #map2}, {transform_indices = #map}]} {
    %mul3A = arith.constant 2 : i32
    %mul3A_0 = arith.muli %arg1, %mul3A : i32
    %add3A = arith.addi %mul3A_0, %arg0 : i32
    %mul3A_1 = arith.constant 64 : i32
    %mul3A_2 = arith.muli %add3A, %mul3A_1 : i32
    %ge3A = arith.constant 1536 : i32
    %ge3A_3 = arith.cmpi sge, %mul3A_2, %ge3A : i32
    %jit3A = arith.constant 1 : i32
    %jit3A_4 = arith.constant 0 : i32
    %select_n3A = arith.select %ge3A_3, %jit3A, %jit3A_4 : i32
    %dma_start3A = arith.constant 0 : i32
    %dma_start3A_5 = tpu.memref_slice %arg4[%select_n3A, %dma_start3A] : memref<2x1024xf32, #tpu.memory_space<hbm>> -> memref<1x1024xf32, #tpu.memory_space<hbm>>
    %dma_start3A_6 = arith.constant 0 : i32
    %dma_start3A_7 = tpu.memref_slice %arg4[%select_n3A, %dma_start3A_6] : memref<2x1024xf32, #tpu.memory_space<hbm>> -> memref<1x1024xf32, #tpu.memory_space<hbm>>
    tpu.enqueue_dma source(%dma_start3A_7 : memref<1x1024xf32, #tpu.memory_space<hbm>>) target(%arg10 : memref<1x1024xf32, #tpu.memory_space<vmem>>) target_semaphore(%arg17 : memref<!tpu.dma_semaphore, #tpu.memory_space<semaphore_mem>>)
    tpu.enqueue_dma source(%arg5 : memref<1024xf32, #tpu.memory_space<hbm>>) target(%arg11 : memref<1024xf32, #tpu.memory_space<vmem>>) target_semaphore(%arg17 : memref<!tpu.dma_semaphore, #tpu.memory_space<semaphore_mem>>)
    tpu.enqueue_dma source(%arg6 : memref<1024xf32, #tpu.memory_space<hbm>>) target(%arg12 : memref<1024xf32, #tpu.memory_space<vmem>>) target_semaphore(%arg17 : memref<!tpu.dma_semaphore, #tpu.memory_space<semaphore_mem>>)
    %broadcast_in_dim3A = arith.constant 0.000000e+00 : f32
    %broadcast_in_dim3A_8 = vector.broadcast %broadcast_in_dim3A : f32 to vector<16xf32>
    %add3A_9 = arith.constant 0 : i32
    %add3A_10 = arith.addi %mul3A_2, %add3A_9 : i32
    %dma_start3A_11 = arith.constant 0 : i32
    %dma_start3A_12 = arith.constant 0 : i32
    %dma_start3A_13 = arith.constant 0 : i32
    %dma_start3A_14 = tpu.memref_slice %arg8[%dma_start3A_11, %dma_start3A_12, %dma_start3A_13] : memref<2x8x1024xf32, #tpu.memory_space<vmem>> -> memref<1x8x1024xf32, #tpu.memory_space<vmem>>
    %dma_start3A_15 = tpu.memref_squeeze %dma_start3A_14 : memref<1x8x1024xf32, #tpu.memory_space<vmem>> -> memref<8x1024xf32, #tpu.memory_space<vmem>>
    %dma_start3A_16 = arith.constant 0 : i32
    %dma_start3A_17 = tpu.memref_slice %arg3[%add3A_10, %dma_start3A_16] : memref<2048x1024xf32, #tpu.memory_space<hbm>> -> memref<8x1024xf32, #tpu.memory_space<hbm>>
    %dma_start3A_18 = arith.constant 0 : i32
    %dma_start3A_19 = arith.constant 0 : i32
    %dma_start3A_20 = tpu.memref_slice %arg8[%dma_start3A_11, %dma_start3A_18, %dma_start3A_19] : memref<2x8x1024xf32, #tpu.memory_space<vmem>> -> memref<1x8x1024xf32, #tpu.memory_space<vmem>>
    %dma_start3A_21 = tpu.memref_squeeze %dma_start3A_20 : memref<1x8x1024xf32, #tpu.memory_space<vmem>> -> memref<8x1024xf32, #tpu.memory_space<vmem>>
    %dma_start3A_22 = arith.constant 0 : i32
    %dma_start3A_23 = tpu.memref_slice %arg3[%add3A_10, %dma_start3A_22] : memref<2048x1024xf32, #tpu.memory_space<hbm>> -> memref<8x1024xf32, #tpu.memory_space<hbm>>
    tpu.enqueue_dma source(%dma_start3A_23 : memref<8x1024xf32, #tpu.memory_space<hbm>>) target(%dma_start3A_21 : memref<8x1024xf32, #tpu.memory_space<vmem>>) target_semaphore(%arg13 : memref<!tpu.dma_semaphore, #tpu.memory_space<semaphore_mem>>)
    %dma_start3A_24 = arith.constant 0 : i32
    %dma_start3A_25 = arith.constant 0 : i32
    %dma_start3A_26 = arith.constant 0 : i32
    %dma_start3A_27 = arith.constant 0 : i32
    %dma_start3A_28 = arith.constant 0 : i32
    %dma_start3A_29 = tpu.memref_slice %arg9[%dma_start3A_25, %dma_start3A_26, %dma_start3A_27, %dma_start3A_28] : memref<2x4x8x1024xf32, #tpu.memory_space<vmem>> -> memref<1x1x8x1024xf32, #tpu.memory_space<vmem>>
    %dma_start3A_30 = tpu.memref_squeeze %dma_start3A_29 : memref<1x1x8x1024xf32, #tpu.memory_space<vmem>> -> memref<8x1024xf32, #tpu.memory_space<vmem>>
    %dma_start3A_31 = arith.constant 0 : i32
    %dma_start3A_32 = tpu.memref_slice %arg2[%dma_start3A_24, %add3A_10, %dma_start3A_31] : memref<4x2048x1024xf32, #tpu.memory_space<hbm>> -> memref<1x8x1024xf32, #tpu.memory_space<hbm>>
    %dma_start3A_33 = tpu.memref_squeeze %dma_start3A_32 : memref<1x8x1024xf32, #tpu.memory_space<hbm>> -> memref<8x1024xf32, #tpu.memory_space<hbm>>
    %dma_start3A_34 = arith.constant 0 : i32
    %dma_start3A_35 = arith.constant 0 : i32
    %dma_start3A_36 = tpu.memref_slice %arg9[%dma_start3A_25, %dma_start3A_26, %dma_start3A_34, %dma_start3A_35] : memref<2x4x8x1024xf32, #tpu.memory_space<vmem>> -> memref<1x1x8x1024xf32, #tpu.memory_space<vmem>>
    %dma_start3A_37 = tpu.memref_squeeze %dma_start3A_36 : memref<1x1x8x1024xf32, #tpu.memory_space<vmem>> -> memref<8x1024xf32, #tpu.memory_space<vmem>>
    %dma_start3A_38 = arith.constant 0 : i32
    %dma_start3A_39 = tpu.memref_slice %arg2[%dma_start3A_24, %add3A_10, %dma_start3A_38] : memref<4x2048x1024xf32, #tpu.memory_space<hbm>> -> memref<1x8x1024xf32, #tpu.memory_space<hbm>>
    %dma_start3A_40 = tpu.memref_squeeze %dma_start3A_39 : memref<1x8x1024xf32, #tpu.memory_space<hbm>> -> memref<8x1024xf32, #tpu.memory_space<hbm>>
    tpu.enqueue_dma source(%dma_start3A_40 : memref<8x1024xf32, #tpu.memory_space<hbm>>) target(%dma_start3A_37 : memref<8x1024xf32, #tpu.memory_space<vmem>>) target_semaphore(%arg13 : memref<!tpu.dma_semaphore, #tpu.memory_space<semaphore_mem>>)
    %dma_start3A_41 = arith.constant 1 : i32
    %dma_start3A_42 = arith.constant 0 : i32
    %dma_start3A_43 = arith.constant 1 : i32
    %dma_start3A_44 = arith.constant 0 : i32
    %dma_start3A_45 = arith.constant 0 : i32
    %dma_start3A_46 = tpu.memref_slice %arg9[%dma_start3A_42, %dma_start3A_43, %dma_start3A_44, %dma_start3A_45] : memref<2x4x8x1024xf32, #tpu.memory_space<vmem>> -> memref<1x1x8x1024xf32, #tpu.memory_space<vmem>>
    %dma_start3A_47 = tpu.memref_squeeze %dma_start3A_46 : memref<1x1x8x1024xf32, #tpu.memory_space<vmem>> -> memref<8x1024xf32, #tpu.memory_space<vmem>>
    %dma_start3A_48 = arith.constant 0 : i32
    %dma_start3A_49 = tpu.memref_slice %arg2[%dma_start3A_41, %add3A_10, %dma_start3A_48] : memref<4x2048x1024xf32, #tpu.memory_space<hbm>> -> memref<1x8x1024xf32, #tpu.memory_space<hbm>>
    %dma_start3A_50 = tpu.memref_squeeze %dma_start3A_49 : memref<1x8x1024xf32, #tpu.memory_space<hbm>> -> memref<8x1024xf32, #tpu.memory_space<hbm>>
    %dma_start3A_51 = arith.constant 0 : i32
    %dma_start3A_52 = arith.constant 0 : i32
    %dma_start3A_53 = tpu.memref_slice %arg9[%dma_start3A_42, %dma_start3A_43, %dma_start3A_51, %dma_start3A_52] : memref<2x4x8x1024xf32, #tpu.memory_space<vmem>> -> memref<1x1x8x1024xf32, #tpu.memory_space<vmem>>
    %dma_start3A_54 = tpu.memref_squeeze %dma_start3A_53 : memref<1x1x8x1024xf32, #tpu.memory_space<vmem>> -> memref<8x1024xf32, #tpu.memory_space<vmem>>
    %dma_start3A_55 = arith.constant 0 : i32
    %dma_start3A_56 = tpu.memref_slice %arg2[%dma_start3A_41, %add3A_10, %dma_start3A_55] : memref<4x2048x1024xf32, #tpu.memory_space<hbm>> -> memref<1x8x1024xf32, #tpu.memory_space<hbm>>
    %dma_start3A_57 = tpu.memref_squeeze %dma_start3A_56 : memref<1x8x1024xf32, #tpu.memory_space<hbm>> -> memref<8x1024xf32, #tpu.memory_space<hbm>>
    tpu.enqueue_dma source(%dma_start3A_57 : memref<8x1024xf32, #tpu.memory_space<hbm>>) target(%dma_start3A_54 : memref<8x1024xf32, #tpu.memory_space<vmem>>) target_semaphore(%arg13 : memref<!tpu.dma_semaphore, #tpu.memory_space<semaphore_mem>>)
    %dma_start3A_58 = arith.constant 2 : i32
    %dma_start3A_59 = arith.constant 0 : i32
    %dma_start3A_60 = arith.constant 2 : i32
    %dma_start3A_61 = arith.constant 0 : i32
    %dma_start3A_62 = arith.constant 0 : i32
    %dma_start3A_63 = tpu.memref_slice %arg9[%dma_start3A_59, %dma_start3A_60, %dma_start3A_61, %dma_start3A_62] : memref<2x4x8x1024xf32, #tpu.memory_space<vmem>> -> memref<1x1x8x1024xf32, #tpu.memory_space<vmem>>
    %dma_start3A_64 = tpu.memref_squeeze %dma_start3A_63 : memref<1x1x8x1024xf32, #tpu.memory_space<vmem>> -> memref<8x1024xf32, #tpu.memory_space<vmem>>
    %dma_start3A_65 = arith.constant 0 : i32
    %dma_start3A_66 = tpu.memref_slice %arg2[%dma_start3A_58, %add3A_10, %dma_start3A_65] : memref<4x2048x1024xf32, #tpu.memory_space<hbm>> -> memref<1x8x1024xf32, #tpu.memory_space<hbm>>
    %dma_start3A_67 = tpu.memref_squeeze %dma_start3A_66 : memref<1x8x1024xf32, #tpu.memory_space<hbm>> -> memref<8x1024xf32, #tpu.memory_space<hbm>>
    %dma_start3A_68 = arith.constant 0 : i32
    %dma_start3A_69 = arith.constant 0 : i32
    %dma_start3A_70 = tpu.memref_slice %arg9[%dma_start3A_59, %dma_start3A_60, %dma_start3A_68, %dma_start3A_69] : memref<2x4x8x1024xf32, #tpu.memory_space<vmem>> -> memref<1x1x8x1024xf32, #tpu.memory_space<vmem>>
    %dma_start3A_71 = tpu.memref_squeeze %dma_start3A_70 : memref<1x1x8x1024xf32, #tpu.memory_space<vmem>> -> memref<8x1024xf32, #tpu.memory_space<vmem>>
    %dma_start3A_72 = arith.constant 0 : i32
    %dma_start3A_73 = tpu.memref_slice %arg2[%dma_start3A_58, %add3A_10, %dma_start3A_72] : memref<4x2048x1024xf32, #tpu.memory_space<hbm>> -> memref<1x8x1024xf32, #tpu.memory_space<hbm>>
    %dma_start3A_74 = tpu.memref_squeeze %dma_start3A_73 : memref<1x8x1024xf32, #tpu.memory_space<hbm>> -> memref<8x1024xf32, #tpu.memory_space<hbm>>
    tpu.enqueue_dma source(%dma_start3A_74 : memref<8x1024xf32, #tpu.memory_space<hbm>>) target(%dma_start3A_71 : memref<8x1024xf32, #tpu.memory_space<vmem>>) target_semaphore(%arg13 : memref<!tpu.dma_semaphore, #tpu.memory_space<semaphore_mem>>)
    %dma_start3A_75 = arith.constant 3 : i32
    %dma_start3A_76 = arith.constant 0 : i32
    %dma_start3A_77 = arith.constant 3 : i32
    %dma_start3A_78 = arith.constant 0 : i32
    %dma_start3A_79 = arith.constant 0 : i32
    %dma_start3A_80 = tpu.memref_slice %arg9[%dma_start3A_76, %dma_start3A_77, %dma_start3A_78, %dma_start3A_79] : memref<2x4x8x1024xf32, #tpu.memory_space<vmem>> -> memref<1x1x8x1024xf32, #tpu.memory_space<vmem>>
    %dma_start3A_81 = tpu.memref_squeeze %dma_start3A_80 : memref<1x1x8x1024xf32, #tpu.memory_space<vmem>> -> memref<8x1024xf32, #tpu.memory_space<vmem>>
    %dma_start3A_82 = arith.constant 0 : i32
    %dma_start3A_83 = tpu.memref_slice %arg2[%dma_start3A_75, %add3A_10, %dma_start3A_82] : memref<4x2048x1024xf32, #tpu.memory_space<hbm>> -> memref<1x8x1024xf32, #tpu.memory_space<hbm>>
    %dma_start3A_84 = tpu.memref_squeeze %dma_start3A_83 : memref<1x8x1024xf32, #tpu.memory_space<hbm>> -> memref<8x1024xf32, #tpu.memory_space<hbm>>
    %dma_start3A_85 = arith.constant 0 : i32
    %dma_start3A_86 = arith.constant 0 : i32
    %dma_start3A_87 = tpu.memref_slice %arg9[%dma_start3A_76, %dma_start3A_77, %dma_start3A_85, %dma_start3A_86] : memref<2x4x8x1024xf32, #tpu.memory_space<vmem>> -> memref<1x1x8x1024xf32, #tpu.memory_space<vmem>>
    %dma_start3A_88 = tpu.memref_squeeze %dma_start3A_87 : memref<1x1x8x1024xf32, #tpu.memory_space<vmem>> -> memref<8x1024xf32, #tpu.memory_space<vmem>>
    %dma_start3A_89 = arith.constant 0 : i32
    %dma_start3A_90 = tpu.memref_slice %arg2[%dma_start3A_75, %add3A_10, %dma_start3A_89] : memref<4x2048x1024xf32, #tpu.memory_space<hbm>> -> memref<1x8x1024xf32, #tpu.memory_space<hbm>>
    %dma_start3A_91 = tpu.memref_squeeze %dma_start3A_90 : memref<1x8x1024xf32, #tpu.memory_space<hbm>> -> memref<8x1024xf32, #tpu.memory_space<hbm>>
    tpu.enqueue_dma source(%dma_start3A_91 : memref<8x1024xf32, #tpu.memory_space<hbm>>) target(%dma_start3A_88 : memref<8x1024xf32, #tpu.memory_space<vmem>>) target_semaphore(%arg13 : memref<!tpu.dma_semaphore, #tpu.memory_space<semaphore_mem>>)
    %dma_wait3A = arith.constant 0 : i32
    %dma_wait3A_92 = tpu.memref_slice %arg4[%select_n3A, %dma_wait3A] : memref<2x1024xf32, #tpu.memory_space<hbm>> -> memref<1x1024xf32, #tpu.memory_space<hbm>>
    %dma_wait3A_93 = arith.constant 0 : i32
    %dma_wait3A_94 = tpu.memref_slice %arg4[%select_n3A, %dma_wait3A_93] : memref<2x1024xf32, #tpu.memory_space<hbm>> -> memref<1x1024xf32, #tpu.memory_space<hbm>>
    tpu.wait_dma2 semaphore(%arg17 : memref<!tpu.dma_semaphore, #tpu.memory_space<semaphore_mem>>) src(%dma_wait3A_94 : memref<1x1024xf32, #tpu.memory_space<hbm>>) dst(%arg10 : memref<1x1024xf32, #tpu.memory_space<vmem>>)
    tpu.wait_dma2 semaphore(%arg17 : memref<!tpu.dma_semaphore, #tpu.memory_space<semaphore_mem>>) src(%arg5 : memref<1024xf32, #tpu.memory_space<hbm>>) dst(%arg11 : memref<1024xf32, #tpu.memory_space<vmem>>)
    tpu.wait_dma2 semaphore(%arg17 : memref<!tpu.dma_semaphore, #tpu.memory_space<semaphore_mem>>) src(%arg6 : memref<1024xf32, #tpu.memory_space<hbm>>) dst(%arg12 : memref<1024xf32, #tpu.memory_space<vmem>>)
    %scan3A = arith.constant 0 : i32
    %scan3A_95 = arith.constant 4 : i32
    %scan3A_96 = arith.addi %scan3A, %scan3A_95 : i32
    %scan3A_97 = arith.constant 1 : i32
    scf.for %scan3A_239 = %scan3A to %scan3A_96 step %scan3A_97  : i32 {
      %mul3A_240 = arith.constant 2 : i32
      %mul3A_241 = arith.muli %scan3A_239, %mul3A_240 : i32
      %add3A_242 = arith.constant 0 : i32
      %add3A_243 = arith.addi %add3A_242, %mul3A_241 : i32
      %add3A_244 = arith.constant 0 : i32
      %add3A_245 = arith.addi %add3A_243, %add3A_244 : i32
      %add3A_246 = arith.constant 1 : i32
      %add3A_247 = arith.addi %add3A_245, %add3A_246 : i32
      %lt3A = arith.constant 8 : i32
      %lt3A_248 = arith.cmpi slt, %add3A_247, %lt3A : i32
      %convert_element_type3A = arith.extui %lt3A_248 : i1 to i32
      %cond3A = arith.constant 0 : i32
      %cond3A_249 = arith.cmpi ne, %convert_element_type3A, %cond3A : i32
      scf.if %cond3A_249 {
        %sub3A = arith.constant 1 : i32
        %sub3A_574 = arith.subi %add3A_245, %sub3A : i32
        %ge3A_575 = arith.constant 0 : i32
        %ge3A_576 = arith.cmpi sge, %sub3A_574, %ge3A_575 : i32
        %convert_element_type3A_577 = arith.extui %ge3A_576 : i1 to i32
        %cond3A_578 = arith.constant 0 : i32
        %cond3A_579 = arith.cmpi ne, %convert_element_type3A_577, %cond3A_578 : i32
        scf.if %cond3A_579 {
          %sub3A_666 = arith.constant 1 : i32
          %sub3A_667 = arith.subi %add3A_245, %sub3A_666 : i32
          %mul3A_668 = arith.constant 8 : i32
          %mul3A_669 = arith.muli %sub3A_667, %mul3A_668 : i32
          %add3A_670 = arith.addi %mul3A_2, %mul3A_669 : i32
          %dma_wait3A_671 = arith.constant 1 : i32
          %dma_wait3A_672 = arith.constant 0 : i32
          %dma_wait3A_673 = arith.constant 0 : i32
          %dma_wait3A_674 = arith.constant 0 : i32
          %dma_wait3A_675 = arith.constant 0 : i32
          %dma_wait3A_676 = tpu.memref_slice %arg9[%dma_wait3A_671, %dma_wait3A_672, %dma_wait3A_674, %dma_wait3A_675] : memref<2x4x8x1024xf32, #tpu.memory_space<vmem>> -> memref<1x1x8x1024xf32, #tpu.memory_space<vmem>>
          %dma_wait3A_677 = tpu.memref_squeeze %dma_wait3A_676 : memref<1x1x8x1024xf32, #tpu.memory_space<vmem>> -> memref<8x1024xf32, #tpu.memory_space<vmem>>
          %dma_wait3A_678 = arith.constant 0 : i32
          %dma_wait3A_679 = tpu.memref_slice %arg7[%dma_wait3A_673, %add3A_670, %dma_wait3A_678] : memref<4x2048x1024xf32, #tpu.memory_space<hbm>> -> memref<1x8x1024xf32, #tpu.memory_space<hbm>>
          %dma_wait3A_680 = tpu.memref_squeeze %dma_wait3A_679 : memref<1x8x1024xf32, #tpu.memory_space<hbm>> -> memref<8x1024xf32, #tpu.memory_space<hbm>>
          %dma_wait3A_681 = arith.constant 0 : i32
          %dma_wait3A_682 = tpu.memref_slice %arg7[%dma_wait3A_673, %add3A_670, %dma_wait3A_681] : memref<4x2048x1024xf32, #tpu.memory_space<hbm>> -> memref<1x8x1024xf32, #tpu.memory_space<hbm>>
          %dma_wait3A_683 = tpu.memref_squeeze %dma_wait3A_682 : memref<1x8x1024xf32, #tpu.memory_space<hbm>> -> memref<8x1024xf32, #tpu.memory_space<hbm>>
          %dma_wait3A_684 = arith.constant 0 : i32
          %dma_wait3A_685 = arith.constant 0 : i32
          %dma_wait3A_686 = tpu.memref_slice %arg9[%dma_wait3A_671, %dma_wait3A_672, %dma_wait3A_684, %dma_wait3A_685] : memref<2x4x8x1024xf32, #tpu.memory_space<vmem>> -> memref<1x1x8x1024xf32, #tpu.memory_space<vmem>>
          %dma_wait3A_687 = tpu.memref_squeeze %dma_wait3A_686 : memref<1x1x8x1024xf32, #tpu.memory_space<vmem>> -> memref<8x1024xf32, #tpu.memory_space<vmem>>
          tpu.wait_dma2 semaphore(%arg16 : memref<!tpu.dma_semaphore, #tpu.memory_space<semaphore_mem>>) src(%dma_wait3A_687 : memref<8x1024xf32, #tpu.memory_space<vmem>>) dst(%dma_wait3A_683 : memref<8x1024xf32, #tpu.memory_space<hbm>>)
          %dma_wait3A_688 = arith.constant 1 : i32
          %dma_wait3A_689 = arith.constant 1 : i32
          %dma_wait3A_690 = arith.constant 1 : i32
          %dma_wait3A_691 = arith.constant 0 : i32
          %dma_wait3A_692 = arith.constant 0 : i32
          %dma_wait3A_693 = tpu.memref_slice %arg9[%dma_wait3A_688, %dma_wait3A_689, %dma_wait3A_691, %dma_wait3A_692] : memref<2x4x8x1024xf32, #tpu.memory_space<vmem>> -> memref<1x1x8x1024xf32, #tpu.memory_space<vmem>>
          %dma_wait3A_694 = tpu.memref_squeeze %dma_wait3A_693 : memref<1x1x8x1024xf32, #tpu.memory_space<vmem>> -> memref<8x1024xf32, #tpu.memory_space<vmem>>
          %dma_wait3A_695 = arith.constant 0 : i32
          %dma_wait3A_696 = tpu.memref_slice %arg7[%dma_wait3A_690, %add3A_670, %dma_wait3A_695] : memref<4x2048x1024xf32, #tpu.memory_space<hbm>> -> memref<1x8x1024xf32, #tpu.memory_space<hbm>>
          %dma_wait3A_697 = tpu.memref_squeeze %dma_wait3A_696 : memref<1x8x1024xf32, #tpu.memory_space<hbm>> -> memref<8x1024xf32, #tpu.memory_space<hbm>>
          %dma_wait3A_698 = arith.constant 0 : i32
          %dma_wait3A_699 = tpu.memref_slice %arg7[%dma_wait3A_690, %add3A_670, %dma_wait3A_698] : memref<4x2048x1024xf32, #tpu.memory_space<hbm>> -> memref<1x8x1024xf32, #tpu.memory_space<hbm>>
          %dma_wait3A_700 = tpu.memref_squeeze %dma_wait3A_699 : memref<1x8x1024xf32, #tpu.memory_space<hbm>> -> memref<8x1024xf32, #tpu.memory_space<hbm>>
          %dma_wait3A_701 = arith.constant 0 : i32
          %dma_wait3A_702 = arith.constant 0 : i32
          %dma_wait3A_703 = tpu.memref_slice %arg9[%dma_wait3A_688, %dma_wait3A_689, %dma_wait3A_701, %dma_wait3A_702] : memref<2x4x8x1024xf32, #tpu.memory_space<vmem>> -> memref<1x1x8x1024xf32, #tpu.memory_space<vmem>>
          %dma_wait3A_704 = tpu.memref_squeeze %dma_wait3A_703 : memref<1x1x8x1024xf32, #tpu.memory_space<vmem>> -> memref<8x1024xf32, #tpu.memory_space<vmem>>
          tpu.wait_dma2 semaphore(%arg16 : memref<!tpu.dma_semaphore, #tpu.memory_space<semaphore_mem>>) src(%dma_wait3A_704 : memref<8x1024xf32, #tpu.memory_space<vmem>>) dst(%dma_wait3A_700 : memref<8x1024xf32, #tpu.memory_space<hbm>>)
          %dma_wait3A_705 = arith.constant 1 : i32
          %dma_wait3A_706 = arith.constant 2 : i32
          %dma_wait3A_707 = arith.constant 2 : i32
          %dma_wait3A_708 = arith.constant 0 : i32
          %dma_wait3A_709 = arith.constant 0 : i32
          %dma_wait3A_710 = tpu.memref_slice %arg9[%dma_wait3A_705, %dma_wait3A_706, %dma_wait3A_708, %dma_wait3A_709] : memref<2x4x8x1024xf32, #tpu.memory_space<vmem>> -> memref<1x1x8x1024xf32, #tpu.memory_space<vmem>>
          %dma_wait3A_711 = tpu.memref_squeeze %dma_wait3A_710 : memref<1x1x8x1024xf32, #tpu.memory_space<vmem>> -> memref<8x1024xf32, #tpu.memory_space<vmem>>
          %dma_wait3A_712 = arith.constant 0 : i32
          %dma_wait3A_713 = tpu.memref_slice %arg7[%dma_wait3A_707, %add3A_670, %dma_wait3A_712] : memref<4x2048x1024xf32, #tpu.memory_space<hbm>> -> memref<1x8x1024xf32, #tpu.memory_space<hbm>>
          %dma_wait3A_714 = tpu.memref_squeeze %dma_wait3A_713 : memref<1x8x1024xf32, #tpu.memory_space<hbm>> -> memref<8x1024xf32, #tpu.memory_space<hbm>>
          %dma_wait3A_715 = arith.constant 0 : i32
          %dma_wait3A_716 = tpu.memref_slice %arg7[%dma_wait3A_707, %add3A_670, %dma_wait3A_715] : memref<4x2048x1024xf32, #tpu.memory_space<hbm>> -> memref<1x8x1024xf32, #tpu.memory_space<hbm>>
          %dma_wait3A_717 = tpu.memref_squeeze %dma_wait3A_716 : memref<1x8x1024xf32, #tpu.memory_space<hbm>> -> memref<8x1024xf32, #tpu.memory_space<hbm>>
          %dma_wait3A_718 = arith.constant 0 : i32
          %dma_wait3A_719 = arith.constant 0 : i32
          %dma_wait3A_720 = tpu.memref_slice %arg9[%dma_wait3A_705, %dma_wait3A_706, %dma_wait3A_718, %dma_wait3A_719] : memref<2x4x8x1024xf32, #tpu.memory_space<vmem>> -> memref<1x1x8x1024xf32, #tpu.memory_space<vmem>>
          %dma_wait3A_721 = tpu.memref_squeeze %dma_wait3A_720 : memref<1x1x8x1024xf32, #tpu.memory_space<vmem>> -> memref<8x1024xf32, #tpu.memory_space<vmem>>
          tpu.wait_dma2 semaphore(%arg16 : memref<!tpu.dma_semaphore, #tpu.memory_space<semaphore_mem>>) src(%dma_wait3A_721 : memref<8x1024xf32, #tpu.memory_space<vmem>>) dst(%dma_wait3A_717 : memref<8x1024xf32, #tpu.memory_space<hbm>>)
          %dma_wait3A_722 = arith.constant 1 : i32
          %dma_wait3A_723 = arith.constant 3 : i32
          %dma_wait3A_724 = arith.constant 3 : i32
          %dma_wait3A_725 = arith.constant 0 : i32
          %dma_wait3A_726 = arith.constant 0 : i32
          %dma_wait3A_727 = tpu.memref_slice %arg9[%dma_wait3A_722, %dma_wait3A_723, %dma_wait3A_725, %dma_wait3A_726] : memref<2x4x8x1024xf32, #tpu.memory_space<vmem>> -> memref<1x1x8x1024xf32, #tpu.memory_space<vmem>>
          %dma_wait3A_728 = tpu.memref_squeeze %dma_wait3A_727 : memref<1x1x8x1024xf32, #tpu.memory_space<vmem>> -> memref<8x1024xf32, #tpu.memory_space<vmem>>
          %dma_wait3A_729 = arith.constant 0 : i32
          %dma_wait3A_730 = tpu.memref_slice %arg7[%dma_wait3A_724, %add3A_670, %dma_wait3A_729] : memref<4x2048x1024xf32, #tpu.memory_space<hbm>> -> memref<1x8x1024xf32, #tpu.memory_space<hbm>>
          %dma_wait3A_731 = tpu.memref_squeeze %dma_wait3A_730 : memref<1x8x1024xf32, #tpu.memory_space<hbm>> -> memref<8x1024xf32, #tpu.memory_space<hbm>>
          %dma_wait3A_732 = arith.constant 0 : i32
          %dma_wait3A_733 = tpu.memref_slice %arg7[%dma_wait3A_724, %add3A_670, %dma_wait3A_732] : memref<4x2048x1024xf32, #tpu.memory_space<hbm>> -> memref<1x8x1024xf32, #tpu.memory_space<hbm>>
          %dma_wait3A_734 = tpu.memref_squeeze %dma_wait3A_733 : memref<1x8x1024xf32, #tpu.memory_space<hbm>> -> memref<8x1024xf32, #tpu.memory_space<hbm>>
          %dma_wait3A_735 = arith.constant 0 : i32
          %dma_wait3A_736 = arith.constant 0 : i32
          %dma_wait3A_737 = tpu.memref_slice %arg9[%dma_wait3A_722, %dma_wait3A_723, %dma_wait3A_735, %dma_wait3A_736] : memref<2x4x8x1024xf32, #tpu.memory_space<vmem>> -> memref<1x1x8x1024xf32, #tpu.memory_space<vmem>>
          %dma_wait3A_738 = tpu.memref_squeeze %dma_wait3A_737 : memref<1x1x8x1024xf32, #tpu.memory_space<vmem>> -> memref<8x1024xf32, #tpu.memory_space<vmem>>
          tpu.wait_dma2 semaphore(%arg16 : memref<!tpu.dma_semaphore, #tpu.memory_space<semaphore_mem>>) src(%dma_wait3A_738 : memref<8x1024xf32, #tpu.memory_space<vmem>>) dst(%dma_wait3A_734 : memref<8x1024xf32, #tpu.memory_space<hbm>>)
        } else {
        }
        %add3A_580 = arith.constant 1 : i32
        %add3A_581 = arith.addi %add3A_245, %add3A_580 : i32
        %mul3A_582 = arith.constant 8 : i32
        %mul3A_583 = arith.muli %add3A_581, %mul3A_582 : i32
        %add3A_584 = arith.addi %mul3A_2, %mul3A_583 : i32
        %dma_start3A_585 = arith.constant 1 : i32
        %dma_start3A_586 = arith.constant 0 : i32
        %dma_start3A_587 = arith.constant 0 : i32
        %dma_start3A_588 = tpu.memref_slice %arg8[%dma_start3A_585, %dma_start3A_586, %dma_start3A_587] : memref<2x8x1024xf32, #tpu.memory_space<vmem>> -> memref<1x8x1024xf32, #tpu.memory_space<vmem>>
        %dma_start3A_589 = tpu.memref_squeeze %dma_start3A_588 : memref<1x8x1024xf32, #tpu.memory_space<vmem>> -> memref<8x1024xf32, #tpu.memory_space<vmem>>
        %dma_start3A_590 = arith.constant 0 : i32
        %dma_start3A_591 = tpu.memref_slice %arg3[%add3A_584, %dma_start3A_590] : memref<2048x1024xf32, #tpu.memory_space<hbm>> -> memref<8x1024xf32, #tpu.memory_space<hbm>>
        %dma_start3A_592 = arith.constant 0 : i32
        %dma_start3A_593 = arith.constant 0 : i32
        %dma_start3A_594 = tpu.memref_slice %arg8[%dma_start3A_585, %dma_start3A_592, %dma_start3A_593] : memref<2x8x1024xf32, #tpu.memory_space<vmem>> -> memref<1x8x1024xf32, #tpu.memory_space<vmem>>
        %dma_start3A_595 = tpu.memref_squeeze %dma_start3A_594 : memref<1x8x1024xf32, #tpu.memory_space<vmem>> -> memref<8x1024xf32, #tpu.memory_space<vmem>>
        %dma_start3A_596 = arith.constant 0 : i32
        %dma_start3A_597 = tpu.memref_slice %arg3[%add3A_584, %dma_start3A_596] : memref<2048x1024xf32, #tpu.memory_space<hbm>> -> memref<8x1024xf32, #tpu.memory_space<hbm>>
        tpu.enqueue_dma source(%dma_start3A_597 : memref<8x1024xf32, #tpu.memory_space<hbm>>) target(%dma_start3A_595 : memref<8x1024xf32, #tpu.memory_space<vmem>>) target_semaphore(%arg14 : memref<!tpu.dma_semaphore, #tpu.memory_space<semaphore_mem>>)
        %dma_start3A_598 = arith.constant 0 : i32
        %dma_start3A_599 = arith.constant 1 : i32
        %dma_start3A_600 = arith.constant 0 : i32
        %dma_start3A_601 = arith.constant 0 : i32
        %dma_start3A_602 = arith.constant 0 : i32
        %dma_start3A_603 = tpu.memref_slice %arg9[%dma_start3A_599, %dma_start3A_600, %dma_start3A_601, %dma_start3A_602] : memref<2x4x8x1024xf32, #tpu.memory_space<vmem>> -> memref<1x1x8x1024xf32, #tpu.memory_space<vmem>>
        %dma_start3A_604 = tpu.memref_squeeze %dma_start3A_603 : memref<1x1x8x1024xf32, #tpu.memory_space<vmem>> -> memref<8x1024xf32, #tpu.memory_space<vmem>>
        %dma_start3A_605 = arith.constant 0 : i32
        %dma_start3A_606 = tpu.memref_slice %arg2[%dma_start3A_598, %add3A_584, %dma_start3A_605] : memref<4x2048x1024xf32, #tpu.memory_space<hbm>> -> memref<1x8x1024xf32, #tpu.memory_space<hbm>>
        %dma_start3A_607 = tpu.memref_squeeze %dma_start3A_606 : memref<1x8x1024xf32, #tpu.memory_space<hbm>> -> memref<8x1024xf32, #tpu.memory_space<hbm>>
        %dma_start3A_608 = arith.constant 0 : i32
        %dma_start3A_609 = arith.constant 0 : i32
        %dma_start3A_610 = tpu.memref_slice %arg9[%dma_start3A_599, %dma_start3A_600, %dma_start3A_608, %dma_start3A_609] : memref<2x4x8x1024xf32, #tpu.memory_space<vmem>> -> memref<1x1x8x1024xf32, #tpu.memory_space<vmem>>
        %dma_start3A_611 = tpu.memref_squeeze %dma_start3A_610 : memref<1x1x8x1024xf32, #tpu.memory_space<vmem>> -> memref<8x1024xf32, #tpu.memory_space<vmem>>
        %dma_start3A_612 = arith.constant 0 : i32
        %dma_start3A_613 = tpu.memref_slice %arg2[%dma_start3A_598, %add3A_584, %dma_start3A_612] : memref<4x2048x1024xf32, #tpu.memory_space<hbm>> -> memref<1x8x1024xf32, #tpu.memory_space<hbm>>
        %dma_start3A_614 = tpu.memref_squeeze %dma_start3A_613 : memref<1x8x1024xf32, #tpu.memory_space<hbm>> -> memref<8x1024xf32, #tpu.memory_space<hbm>>
        tpu.enqueue_dma source(%dma_start3A_614 : memref<8x1024xf32, #tpu.memory_space<hbm>>) target(%dma_start3A_611 : memref<8x1024xf32, #tpu.memory_space<vmem>>) target_semaphore(%arg14 : memref<!tpu.dma_semaphore, #tpu.memory_space<semaphore_mem>>)
        %dma_start3A_615 = arith.constant 1 : i32
        %dma_start3A_616 = arith.constant 1 : i32
        %dma_start3A_617 = arith.constant 1 : i32
        %dma_start3A_618 = arith.constant 0 : i32
        %dma_start3A_619 = arith.constant 0 : i32
        %dma_start3A_620 = tpu.memref_slice %arg9[%dma_start3A_616, %dma_start3A_617, %dma_start3A_618, %dma_start3A_619] : memref<2x4x8x1024xf32, #tpu.memory_space<vmem>> -> memref<1x1x8x1024xf32, #tpu.memory_space<vmem>>
        %dma_start3A_621 = tpu.memref_squeeze %dma_start3A_620 : memref<1x1x8x1024xf32, #tpu.memory_space<vmem>> -> memref<8x1024xf32, #tpu.memory_space<vmem>>
        %dma_start3A_622 = arith.constant 0 : i32
        %dma_start3A_623 = tpu.memref_slice %arg2[%dma_start3A_615, %add3A_584, %dma_start3A_622] : memref<4x2048x1024xf32, #tpu.memory_space<hbm>> -> memref<1x8x1024xf32, #tpu.memory_space<hbm>>
        %dma_start3A_624 = tpu.memref_squeeze %dma_start3A_623 : memref<1x8x1024xf32, #tpu.memory_space<hbm>> -> memref<8x1024xf32, #tpu.memory_space<hbm>>
        %dma_start3A_625 = arith.constant 0 : i32
        %dma_start3A_626 = arith.constant 0 : i32
        %dma_start3A_627 = tpu.memref_slice %arg9[%dma_start3A_616, %dma_start3A_617, %dma_start3A_625, %dma_start3A_626] : memref<2x4x8x1024xf32, #tpu.memory_space<vmem>> -> memref<1x1x8x1024xf32, #tpu.memory_space<vmem>>
        %dma_start3A_628 = tpu.memref_squeeze %dma_start3A_627 : memref<1x1x8x1024xf32, #tpu.memory_space<vmem>> -> memref<8x1024xf32, #tpu.memory_space<vmem>>
        %dma_start3A_629 = arith.constant 0 : i32
        %dma_start3A_630 = tpu.memref_slice %arg2[%dma_start3A_615, %add3A_584, %dma_start3A_629] : memref<4x2048x1024xf32, #tpu.memory_space<hbm>> -> memref<1x8x1024xf32, #tpu.memory_space<hbm>>
        %dma_start3A_631 = tpu.memref_squeeze %dma_start3A_630 : memref<1x8x1024xf32, #tpu.memory_space<hbm>> -> memref<8x1024xf32, #tpu.memory_space<hbm>>
        tpu.enqueue_dma source(%dma_start3A_631 : memref<8x1024xf32, #tpu.memory_space<hbm>>) target(%dma_start3A_628 : memref<8x1024xf32, #tpu.memory_space<vmem>>) target_semaphore(%arg14 : memref<!tpu.dma_semaphore, #tpu.memory_space<semaphore_mem>>)
        %dma_start3A_632 = arith.constant 2 : i32
        %dma_start3A_633 = arith.constant 1 : i32
        %dma_start3A_634 = arith.constant 2 : i32
        %dma_start3A_635 = arith.constant 0 : i32
        %dma_start3A_636 = arith.constant 0 : i32
        %dma_start3A_637 = tpu.memref_slice %arg9[%dma_start3A_633, %dma_start3A_634, %dma_start3A_635, %dma_start3A_636] : memref<2x4x8x1024xf32, #tpu.memory_space<vmem>> -> memref<1x1x8x1024xf32, #tpu.memory_space<vmem>>
        %dma_start3A_638 = tpu.memref_squeeze %dma_start3A_637 : memref<1x1x8x1024xf32, #tpu.memory_space<vmem>> -> memref<8x1024xf32, #tpu.memory_space<vmem>>
        %dma_start3A_639 = arith.constant 0 : i32
        %dma_start3A_640 = tpu.memref_slice %arg2[%dma_start3A_632, %add3A_584, %dma_start3A_639] : memref<4x2048x1024xf32, #tpu.memory_space<hbm>> -> memref<1x8x1024xf32, #tpu.memory_space<hbm>>
        %dma_start3A_641 = tpu.memref_squeeze %dma_start3A_640 : memref<1x8x1024xf32, #tpu.memory_space<hbm>> -> memref<8x1024xf32, #tpu.memory_space<hbm>>
        %dma_start3A_642 = arith.constant 0 : i32
        %dma_start3A_643 = arith.constant 0 : i32
        %dma_start3A_644 = tpu.memref_slice %arg9[%dma_start3A_633, %dma_start3A_634, %dma_start3A_642, %dma_start3A_643] : memref<2x4x8x1024xf32, #tpu.memory_space<vmem>> -> memref<1x1x8x1024xf32, #tpu.memory_space<vmem>>
        %dma_start3A_645 = tpu.memref_squeeze %dma_start3A_644 : memref<1x1x8x1024xf32, #tpu.memory_space<vmem>> -> memref<8x1024xf32, #tpu.memory_space<vmem>>
        %dma_start3A_646 = arith.constant 0 : i32
        %dma_start3A_647 = tpu.memref_slice %arg2[%dma_start3A_632, %add3A_584, %dma_start3A_646] : memref<4x2048x1024xf32, #tpu.memory_space<hbm>> -> memref<1x8x1024xf32, #tpu.memory_space<hbm>>
        %dma_start3A_648 = tpu.memref_squeeze %dma_start3A_647 : memref<1x8x1024xf32, #tpu.memory_space<hbm>> -> memref<8x1024xf32, #tpu.memory_space<hbm>>
        tpu.enqueue_dma source(%dma_start3A_648 : memref<8x1024xf32, #tpu.memory_space<hbm>>) target(%dma_start3A_645 : memref<8x1024xf32, #tpu.memory_space<vmem>>) target_semaphore(%arg14 : memref<!tpu.dma_semaphore, #tpu.memory_space<semaphore_mem>>)
        %dma_start3A_649 = arith.constant 3 : i32
        %dma_start3A_650 = arith.constant 1 : i32
        %dma_start3A_651 = arith.constant 3 : i32
        %dma_start3A_652 = arith.constant 0 : i32
        %dma_start3A_653 = arith.constant 0 : i32
        %dma_start3A_654 = tpu.memref_slice %arg9[%dma_start3A_650, %dma_start3A_651, %dma_start3A_652, %dma_start3A_653] : memref<2x4x8x1024xf32, #tpu.memory_space<vmem>> -> memref<1x1x8x1024xf32, #tpu.memory_space<vmem>>
        %dma_start3A_655 = tpu.memref_squeeze %dma_start3A_654 : memref<1x1x8x1024xf32, #tpu.memory_space<vmem>> -> memref<8x1024xf32, #tpu.memory_space<vmem>>
        %dma_start3A_656 = arith.constant 0 : i32
        %dma_start3A_657 = tpu.memref_slice %arg2[%dma_start3A_649, %add3A_584, %dma_start3A_656] : memref<4x2048x1024xf32, #tpu.memory_space<hbm>> -> memref<1x8x1024xf32, #tpu.memory_space<hbm>>
        %dma_start3A_658 = tpu.memref_squeeze %dma_start3A_657 : memref<1x8x1024xf32, #tpu.memory_space<hbm>> -> memref<8x1024xf32, #tpu.memory_space<hbm>>
        %dma_start3A_659 = arith.constant 0 : i32
        %dma_start3A_660 = arith.constant 0 : i32
        %dma_start3A_661 = tpu.memref_slice %arg9[%dma_start3A_650, %dma_start3A_651, %dma_start3A_659, %dma_start3A_660] : memref<2x4x8x1024xf32, #tpu.memory_space<vmem>> -> memref<1x1x8x1024xf32, #tpu.memory_space<vmem>>
        %dma_start3A_662 = tpu.memref_squeeze %dma_start3A_661 : memref<1x1x8x1024xf32, #tpu.memory_space<vmem>> -> memref<8x1024xf32, #tpu.memory_space<vmem>>
        %dma_start3A_663 = arith.constant 0 : i32
        %dma_start3A_664 = tpu.memref_slice %arg2[%dma_start3A_649, %add3A_584, %dma_start3A_663] : memref<4x2048x1024xf32, #tpu.memory_space<hbm>> -> memref<1x8x1024xf32, #tpu.memory_space<hbm>>
        %dma_start3A_665 = tpu.memref_squeeze %dma_start3A_664 : memref<1x8x1024xf32, #tpu.memory_space<hbm>> -> memref<8x1024xf32, #tpu.memory_space<hbm>>
        tpu.enqueue_dma source(%dma_start3A_665 : memref<8x1024xf32, #tpu.memory_space<hbm>>) target(%dma_start3A_662 : memref<8x1024xf32, #tpu.memory_space<vmem>>) target_semaphore(%arg14 : memref<!tpu.dma_semaphore, #tpu.memory_space<semaphore_mem>>)
      } else {
      }
      %mul3A_250 = arith.constant 8 : i32
      %mul3A_251 = arith.muli %add3A_245, %mul3A_250 : i32
      %add3A_252 = arith.addi %mul3A_2, %mul3A_251 : i32
      %dma_wait3A_253 = arith.constant 0 : i32
      %dma_wait3A_254 = arith.constant 0 : i32
      %dma_wait3A_255 = arith.constant 0 : i32
      %dma_wait3A_256 = tpu.memref_slice %arg8[%dma_wait3A_253, %dma_wait3A_254, %dma_wait3A_255] : memref<2x8x1024xf32, #tpu.memory_space<vmem>> -> memref<1x8x1024xf32, #tpu.memory_space<vmem>>
      %dma_wait3A_257 = tpu.memref_squeeze %dma_wait3A_256 : memref<1x8x1024xf32, #tpu.memory_space<vmem>> -> memref<8x1024xf32, #tpu.memory_space<vmem>>
      %dma_wait3A_258 = arith.constant 0 : i32
      %dma_wait3A_259 = tpu.memref_slice %arg3[%add3A_252, %dma_wait3A_258] : memref<2048x1024xf32, #tpu.memory_space<hbm>> -> memref<8x1024xf32, #tpu.memory_space<hbm>>
      %dma_wait3A_260 = arith.constant 0 : i32
      %dma_wait3A_261 = arith.constant 0 : i32
      %dma_wait3A_262 = tpu.memref_slice %arg8[%dma_wait3A_253, %dma_wait3A_260, %dma_wait3A_261] : memref<2x8x1024xf32, #tpu.memory_space<vmem>> -> memref<1x8x1024xf32, #tpu.memory_space<vmem>>
      %dma_wait3A_263 = tpu.memref_squeeze %dma_wait3A_262 : memref<1x8x1024xf32, #tpu.memory_space<vmem>> -> memref<8x1024xf32, #tpu.memory_space<vmem>>
      %dma_wait3A_264 = arith.constant 0 : i32
      %dma_wait3A_265 = tpu.memref_slice %arg3[%add3A_252, %dma_wait3A_264] : memref<2048x1024xf32, #tpu.memory_space<hbm>> -> memref<8x1024xf32, #tpu.memory_space<hbm>>
      tpu.wait_dma2 semaphore(%arg13 : memref<!tpu.dma_semaphore, #tpu.memory_space<semaphore_mem>>) src(%dma_wait3A_265 : memref<8x1024xf32, #tpu.memory_space<hbm>>) dst(%dma_wait3A_263 : memref<8x1024xf32, #tpu.memory_space<vmem>>)
      %dma_wait3A_266 = arith.constant 0 : i32
      %dma_wait3A_267 = arith.constant 0 : i32
      %dma_wait3A_268 = arith.constant 0 : i32
      %dma_wait3A_269 = arith.constant 0 : i32
      %dma_wait3A_270 = arith.constant 0 : i32
      %dma_wait3A_271 = tpu.memref_slice %arg9[%dma_wait3A_267, %dma_wait3A_268, %dma_wait3A_269, %dma_wait3A_270] : memref<2x4x8x1024xf32, #tpu.memory_space<vmem>> -> memref<1x1x8x1024xf32, #tpu.memory_space<vmem>>
      %dma_wait3A_272 = tpu.memref_squeeze %dma_wait3A_271 : memref<1x1x8x1024xf32, #tpu.memory_space<vmem>> -> memref<8x1024xf32, #tpu.memory_space<vmem>>
      %dma_wait3A_273 = arith.constant 0 : i32
      %dma_wait3A_274 = tpu.memref_slice %arg2[%dma_wait3A_266, %add3A_252, %dma_wait3A_273] : memref<4x2048x1024xf32, #tpu.memory_space<hbm>> -> memref<1x8x1024xf32, #tpu.memory_space<hbm>>
      %dma_wait3A_275 = tpu.memref_squeeze %dma_wait3A_274 : memref<1x8x1024xf32, #tpu.memory_space<hbm>> -> memref<8x1024xf32, #tpu.memory_space<hbm>>
      %dma_wait3A_276 = arith.constant 0 : i32
      %dma_wait3A_277 = arith.constant 0 : i32
      %dma_wait3A_278 = tpu.memref_slice %arg9[%dma_wait3A_267, %dma_wait3A_268, %dma_wait3A_276, %dma_wait3A_277] : memref<2x4x8x1024xf32, #tpu.memory_space<vmem>> -> memref<1x1x8x1024xf32, #tpu.memory_space<vmem>>
      %dma_wait3A_279 = tpu.memref_squeeze %dma_wait3A_278 : memref<1x1x8x1024xf32, #tpu.memory_space<vmem>> -> memref<8x1024xf32, #tpu.memory_space<vmem>>
      %dma_wait3A_280 = arith.constant 0 : i32
      %dma_wait3A_281 = tpu.memref_slice %arg2[%dma_wait3A_266, %add3A_252, %dma_wait3A_280] : memref<4x2048x1024xf32, #tpu.memory_space<hbm>> -> memref<1x8x1024xf32, #tpu.memory_space<hbm>>
      %dma_wait3A_282 = tpu.memref_squeeze %dma_wait3A_281 : memref<1x8x1024xf32, #tpu.memory_space<hbm>> -> memref<8x1024xf32, #tpu.memory_space<hbm>>
      tpu.wait_dma2 semaphore(%arg13 : memref<!tpu.dma_semaphore, #tpu.memory_space<semaphore_mem>>) src(%dma_wait3A_282 : memref<8x1024xf32, #tpu.memory_space<hbm>>) dst(%dma_wait3A_279 : memref<8x1024xf32, #tpu.memory_space<vmem>>)
      %dma_wait3A_283 = arith.constant 1 : i32
      %dma_wait3A_284 = arith.constant 0 : i32
      %dma_wait3A_285 = arith.constant 1 : i32
      %dma_wait3A_286 = arith.constant 0 : i32
      %dma_wait3A_287 = arith.constant 0 : i32
      %dma_wait3A_288 = tpu.memref_slice %arg9[%dma_wait3A_284, %dma_wait3A_285, %dma_wait3A_286, %dma_wait3A_287] : memref<2x4x8x1024xf32, #tpu.memory_space<vmem>> -> memref<1x1x8x1024xf32, #tpu.memory_space<vmem>>
      %dma_wait3A_289 = tpu.memref_squeeze %dma_wait3A_288 : memref<1x1x8x1024xf32, #tpu.memory_space<vmem>> -> memref<8x1024xf32, #tpu.memory_space<vmem>>
      %dma_wait3A_290 = arith.constant 0 : i32
      %dma_wait3A_291 = tpu.memref_slice %arg2[%dma_wait3A_283, %add3A_252, %dma_wait3A_290] : memref<4x2048x1024xf32, #tpu.memory_space<hbm>> -> memref<1x8x1024xf32, #tpu.memory_space<hbm>>
      %dma_wait3A_292 = tpu.memref_squeeze %dma_wait3A_291 : memref<1x8x1024xf32, #tpu.memory_space<hbm>> -> memref<8x1024xf32, #tpu.memory_space<hbm>>
      %dma_wait3A_293 = arith.constant 0 : i32
      %dma_wait3A_294 = arith.constant 0 : i32
      %dma_wait3A_295 = tpu.memref_slice %arg9[%dma_wait3A_284, %dma_wait3A_285, %dma_wait3A_293, %dma_wait3A_294] : memref<2x4x8x1024xf32, #tpu.memory_space<vmem>> -> memref<1x1x8x1024xf32, #tpu.memory_space<vmem>>
      %dma_wait3A_296 = tpu.memref_squeeze %dma_wait3A_295 : memref<1x1x8x1024xf32, #tpu.memory_space<vmem>> -> memref<8x1024xf32, #tpu.memory_space<vmem>>
      %dma_wait3A_297 = arith.constant 0 : i32
      %dma_wait3A_298 = tpu.memref_slice %arg2[%dma_wait3A_283, %add3A_252, %dma_wait3A_297] : memref<4x2048x1024xf32, #tpu.memory_space<hbm>> -> memref<1x8x1024xf32, #tpu.memory_space<hbm>>
      %dma_wait3A_299 = tpu.memref_squeeze %dma_wait3A_298 : memref<1x8x1024xf32, #tpu.memory_space<hbm>> -> memref<8x1024xf32, #tpu.memory_space<hbm>>
      tpu.wait_dma2 semaphore(%arg13 : memref<!tpu.dma_semaphore, #tpu.memory_space<semaphore_mem>>) src(%dma_wait3A_299 : memref<8x1024xf32, #tpu.memory_space<hbm>>) dst(%dma_wait3A_296 : memref<8x1024xf32, #tpu.memory_space<vmem>>)
      %dma_wait3A_300 = arith.constant 2 : i32
      %dma_wait3A_301 = arith.constant 0 : i32
      %dma_wait3A_302 = arith.constant 2 : i32
      %dma_wait3A_303 = arith.constant 0 : i32
      %dma_wait3A_304 = arith.constant 0 : i32
      %dma_wait3A_305 = tpu.memref_slice %arg9[%dma_wait3A_301, %dma_wait3A_302, %dma_wait3A_303, %dma_wait3A_304] : memref<2x4x8x1024xf32, #tpu.memory_space<vmem>> -> memref<1x1x8x1024xf32, #tpu.memory_space<vmem>>
      %dma_wait3A_306 = tpu.memref_squeeze %dma_wait3A_305 : memref<1x1x8x1024xf32, #tpu.memory_space<vmem>> -> memref<8x1024xf32, #tpu.memory_space<vmem>>
      %dma_wait3A_307 = arith.constant 0 : i32
      %dma_wait3A_308 = tpu.memref_slice %arg2[%dma_wait3A_300, %add3A_252, %dma_wait3A_307] : memref<4x2048x1024xf32, #tpu.memory_space<hbm>> -> memref<1x8x1024xf32, #tpu.memory_space<hbm>>
      %dma_wait3A_309 = tpu.memref_squeeze %dma_wait3A_308 : memref<1x8x1024xf32, #tpu.memory_space<hbm>> -> memref<8x1024xf32, #tpu.memory_space<hbm>>
      %dma_wait3A_310 = arith.constant 0 : i32
      %dma_wait3A_311 = arith.constant 0 : i32
      %dma_wait3A_312 = tpu.memref_slice %arg9[%dma_wait3A_301, %dma_wait3A_302, %dma_wait3A_310, %dma_wait3A_311] : memref<2x4x8x1024xf32, #tpu.memory_space<vmem>> -> memref<1x1x8x1024xf32, #tpu.memory_space<vmem>>
      %dma_wait3A_313 = tpu.memref_squeeze %dma_wait3A_312 : memref<1x1x8x1024xf32, #tpu.memory_space<vmem>> -> memref<8x1024xf32, #tpu.memory_space<vmem>>
      %dma_wait3A_314 = arith.constant 0 : i32
      %dma_wait3A_315 = tpu.memref_slice %arg2[%dma_wait3A_300, %add3A_252, %dma_wait3A_314] : memref<4x2048x1024xf32, #tpu.memory_space<hbm>> -> memref<1x8x1024xf32, #tpu.memory_space<hbm>>
      %dma_wait3A_316 = tpu.memref_squeeze %dma_wait3A_315 : memref<1x8x1024xf32, #tpu.memory_space<hbm>> -> memref<8x1024xf32, #tpu.memory_space<hbm>>
      tpu.wait_dma2 semaphore(%arg13 : memref<!tpu.dma_semaphore, #tpu.memory_space<semaphore_mem>>) src(%dma_wait3A_316 : memref<8x1024xf32, #tpu.memory_space<hbm>>) dst(%dma_wait3A_313 : memref<8x1024xf32, #tpu.memory_space<vmem>>)
      %dma_wait3A_317 = arith.constant 3 : i32
      %dma_wait3A_318 = arith.constant 0 : i32
      %dma_wait3A_319 = arith.constant 3 : i32
      %dma_wait3A_320 = arith.constant 0 : i32
      %dma_wait3A_321 = arith.constant 0 : i32
      %dma_wait3A_322 = tpu.memref_slice %arg9[%dma_wait3A_318, %dma_wait3A_319, %dma_wait3A_320, %dma_wait3A_321] : memref<2x4x8x1024xf32, #tpu.memory_space<vmem>> -> memref<1x1x8x1024xf32, #tpu.memory_space<vmem>>
      %dma_wait3A_323 = tpu.memref_squeeze %dma_wait3A_322 : memref<1x1x8x1024xf32, #tpu.memory_space<vmem>> -> memref<8x1024xf32, #tpu.memory_space<vmem>>
      %dma_wait3A_324 = arith.constant 0 : i32
      %dma_wait3A_325 = tpu.memref_slice %arg2[%dma_wait3A_317, %add3A_252, %dma_wait3A_324] : memref<4x2048x1024xf32, #tpu.memory_space<hbm>> -> memref<1x8x1024xf32, #tpu.memory_space<hbm>>
      %dma_wait3A_326 = tpu.memref_squeeze %dma_wait3A_325 : memref<1x8x1024xf32, #tpu.memory_space<hbm>> -> memref<8x1024xf32, #tpu.memory_space<hbm>>
      %dma_wait3A_327 = arith.constant 0 : i32
      %dma_wait3A_328 = arith.constant 0 : i32
      %dma_wait3A_329 = tpu.memref_slice %arg9[%dma_wait3A_318, %dma_wait3A_319, %dma_wait3A_327, %dma_wait3A_328] : memref<2x4x8x1024xf32, #tpu.memory_space<vmem>> -> memref<1x1x8x1024xf32, #tpu.memory_space<vmem>>
      %dma_wait3A_330 = tpu.memref_squeeze %dma_wait3A_329 : memref<1x1x8x1024xf32, #tpu.memory_space<vmem>> -> memref<8x1024xf32, #tpu.memory_space<vmem>>
      %dma_wait3A_331 = arith.constant 0 : i32
      %dma_wait3A_332 = tpu.memref_slice %arg2[%dma_wait3A_317, %add3A_252, %dma_wait3A_331] : memref<4x2048x1024xf32, #tpu.memory_space<hbm>> -> memref<1x8x1024xf32, #tpu.memory_space<hbm>>
      %dma_wait3A_333 = tpu.memref_squeeze %dma_wait3A_332 : memref<1x8x1024xf32, #tpu.memory_space<hbm>> -> memref<8x1024xf32, #tpu.memory_space<hbm>>
      tpu.wait_dma2 semaphore(%arg13 : memref<!tpu.dma_semaphore, #tpu.memory_space<semaphore_mem>>) src(%dma_wait3A_333 : memref<8x1024xf32, #tpu.memory_space<hbm>>) dst(%dma_wait3A_330 : memref<8x1024xf32, #tpu.memory_space<vmem>>)
      %parallel_loop3A = arith.constant 0 : i32
      %parallel_loop3A_334 = arith.constant 8 : i32
      %parallel_loop3A_335 = arith.constant 2 : i32
      scf.for %parallel_loop3A_574 = %parallel_loop3A to %parallel_loop3A_334 step %parallel_loop3A_335  : i32 {
        %parallel_loop3A_575 = arith.constant 0 : i32
        %parallel_loop3A_576 = arith.constant 64 : i32
        %parallel_loop3A_577 = arith.constant 1 : i32
        %parallel_loop3A_578:16 = scf.for %parallel_loop3A_934 = %parallel_loop3A_575 to %parallel_loop3A_576 step %parallel_loop3A_577 iter_args(%parallel_loop3A_935 = %broadcast_in_dim3A_8, %parallel_loop3A_936 = %broadcast_in_dim3A_8, %parallel_loop3A_937 = %broadcast_in_dim3A_8, %parallel_loop3A_938 = %broadcast_in_dim3A_8, %parallel_loop3A_939 = %broadcast_in_dim3A_8, %parallel_loop3A_940 = %broadcast_in_dim3A_8, %parallel_loop3A_941 = %broadcast_in_dim3A_8, %parallel_loop3A_942 = %broadcast_in_dim3A_8, %parallel_loop3A_943 = %broadcast_in_dim3A_8, %parallel_loop3A_944 = %broadcast_in_dim3A_8, %parallel_loop3A_945 = %broadcast_in_dim3A_8, %parallel_loop3A_946 = %broadcast_in_dim3A_8, %parallel_loop3A_947 = %broadcast_in_dim3A_8, %parallel_loop3A_948 = %broadcast_in_dim3A_8, %parallel_loop3A_949 = %broadcast_in_dim3A_8, %parallel_loop3A_950 = %broadcast_in_dim3A_8) -> (vector<16xf32>, vector<16xf32>, vector<16xf32>, vector<16xf32>, vector<16xf32>, vector<16xf32>, vector<16xf32>, vector<16xf32>, vector<16xf32>, vector<16xf32>, vector<16xf32>, vector<16xf32>, vector<16xf32>, vector<16xf32>, vector<16xf32>, vector<16xf32>)  : i32 {
          %parallel_loop3A_951 = arith.constant 16 : i32
          %parallel_loop3A_952 = arith.muli %parallel_loop3A_934, %parallel_loop3A_951 : i32
          %parallel_loop3A_953 = arith.constant 0 : i32
          %parallel_loop3A_954 = arith.index_cast %parallel_loop3A_953 : i32 to index
          %parallel_loop3A_955 = arith.index_cast %parallel_loop3A_952 : i32 to index
          %parallel_loop3A_956 = tpu.vector_load %arg10[%parallel_loop3A_954, %parallel_loop3A_955] {strides = array<i32>} : memref<1x1024xf32, #tpu.memory_space<vmem>>, vector<16xf32>,
          %parallel_loop3A_957 = arith.constant 0 : i32
          %parallel_loop3A_958 = arith.addi %parallel_loop3A_574, %parallel_loop3A_957 : i32
          %parallel_loop3A_959 = arith.constant 0 : i32
          %parallel_loop3A_960 = arith.index_cast %parallel_loop3A_959 : i32 to index
          %parallel_loop3A_961 = arith.index_cast %parallel_loop3A_958 : i32 to index
          %parallel_loop3A_962 = arith.index_cast %parallel_loop3A_952 : i32 to index
          %parallel_loop3A_963 = tpu.vector_load %arg8[%parallel_loop3A_960, %parallel_loop3A_961, %parallel_loop3A_962] {strides = array<i32>} : memref<2x8x1024xf32, #tpu.memory_space<vmem>>, vector<16xf32>,
          %parallel_loop3A_964 = arith.addf %parallel_loop3A_963, %parallel_loop3A_956 : vector<16xf32>
          %parallel_loop3A_965 = arith.constant 0 : i32
          %parallel_loop3A_966 = arith.constant 0 : i32
          %parallel_loop3A_967 = arith.index_cast %parallel_loop3A_965 : i32 to index
          %parallel_loop3A_968 = arith.index_cast %parallel_loop3A_966 : i32 to index
          %parallel_loop3A_969 = arith.index_cast %parallel_loop3A_958 : i32 to index
          %parallel_loop3A_970 = arith.index_cast %parallel_loop3A_952 : i32 to index
          %parallel_loop3A_971 = tpu.vector_load %arg9[%parallel_loop3A_967, %parallel_loop3A_968, %parallel_loop3A_969, %parallel_loop3A_970] {strides = array<i32>} : memref<2x4x8x1024xf32, #tpu.memory_space<vmem>>, vector<16xf32>,
          %parallel_loop3A_972 = arith.addf %parallel_loop3A_971, %parallel_loop3A_964 : vector<16xf32>
          %parallel_loop3A_973 = arith.constant 0 : i32
          %parallel_loop3A_974 = arith.constant 0 : i32
          %parallel_loop3A_975 = arith.index_cast %parallel_loop3A_973 : i32 to index
          %parallel_loop3A_976 = arith.index_cast %parallel_loop3A_974 : i32 to index
          %parallel_loop3A_977 = arith.index_cast %parallel_loop3A_958 : i32 to index
          %parallel_loop3A_978 = arith.index_cast %parallel_loop3A_952 : i32 to index
          %parallel_loop3A_979 = tpu.vector_load %arg9[%parallel_loop3A_975, %parallel_loop3A_976, %parallel_loop3A_977, %parallel_loop3A_978] {strides = array<i32>} : memref<2x4x8x1024xf32, #tpu.memory_space<vmem>>, vector<16xf32>,
          tpu.vector_store %arg9[%parallel_loop3A_975, %parallel_loop3A_976, %parallel_loop3A_977, %parallel_loop3A_978], %parallel_loop3A_972 {strides = array<i32>} : memref<2x4x8x1024xf32, #tpu.memory_space<vmem>>, vector<16xf32>,
          %parallel_loop3A_980 = arith.addf %parallel_loop3A_935, %parallel_loop3A_972 : vector<16xf32>
          %parallel_loop3A_981 = arith.mulf %parallel_loop3A_972, %parallel_loop3A_972 : vector<16xf32>
          %parallel_loop3A_982 = arith.addf %parallel_loop3A_936, %parallel_loop3A_981 : vector<16xf32>
          %parallel_loop3A_983 = arith.constant 0 : i32
          %parallel_loop3A_984 = arith.constant 1 : i32
          %parallel_loop3A_985 = arith.index_cast %parallel_loop3A_983 : i32 to index
          %parallel_loop3A_986 = arith.index_cast %parallel_loop3A_984 : i32 to index
          %parallel_loop3A_987 = arith.index_cast %parallel_loop3A_958 : i32 to index
          %parallel_loop3A_988 = arith.index_cast %parallel_loop3A_952 : i32 to index
          %parallel_loop3A_989 = tpu.vector_load %arg9[%parallel_loop3A_985, %parallel_loop3A_986, %parallel_loop3A_987, %parallel_loop3A_988] {strides = array<i32>} : memref<2x4x8x1024xf32, #tpu.memory_space<vmem>>, vector<16xf32>,
          %parallel_loop3A_990 = arith.addf %parallel_loop3A_989, %parallel_loop3A_964 : vector<16xf32>
          %parallel_loop3A_991 = arith.constant 0 : i32
          %parallel_loop3A_992 = arith.constant 1 : i32
          %parallel_loop3A_993 = arith.index_cast %parallel_loop3A_991 : i32 to index
          %parallel_loop3A_994 = arith.index_cast %parallel_loop3A_992 : i32 to index
          %parallel_loop3A_995 = arith.index_cast %parallel_loop3A_958 : i32 to index
          %parallel_loop3A_996 = arith.index_cast %parallel_loop3A_952 : i32 to index
          %parallel_loop3A_997 = tpu.vector_load %arg9[%parallel_loop3A_993, %parallel_loop3A_994, %parallel_loop3A_995, %parallel_loop3A_996] {strides = array<i32>} : memref<2x4x8x1024xf32, #tpu.memory_space<vmem>>, vector<16xf32>,
          tpu.vector_store %arg9[%parallel_loop3A_993, %parallel_loop3A_994, %parallel_loop3A_995, %parallel_loop3A_996], %parallel_loop3A_990 {strides = array<i32>} : memref<2x4x8x1024xf32, #tpu.memory_space<vmem>>, vector<16xf32>,
          %parallel_loop3A_998 = arith.addf %parallel_loop3A_937, %parallel_loop3A_990 : vector<16xf32>
          %parallel_loop3A_999 = arith.mulf %parallel_loop3A_990, %parallel_loop3A_990 : vector<16xf32>
          %parallel_loop3A_1000 = arith.addf %parallel_loop3A_938, %parallel_loop3A_999 : vector<16xf32>
          %parallel_loop3A_1001 = arith.constant 0 : i32
          %parallel_loop3A_1002 = arith.constant 2 : i32
          %parallel_loop3A_1003 = arith.index_cast %parallel_loop3A_1001 : i32 to index
          %parallel_loop3A_1004 = arith.index_cast %parallel_loop3A_1002 : i32 to index
          %parallel_loop3A_1005 = arith.index_cast %parallel_loop3A_958 : i32 to index
          %parallel_loop3A_1006 = arith.index_cast %parallel_loop3A_952 : i32 to index
          %parallel_loop3A_1007 = tpu.vector_load %arg9[%parallel_loop3A_1003, %parallel_loop3A_1004, %parallel_loop3A_1005, %parallel_loop3A_1006] {strides = array<i32>} : memref<2x4x8x1024xf32, #tpu.memory_space<vmem>>, vector<16xf32>,
          %parallel_loop3A_1008 = arith.addf %parallel_loop3A_1007, %parallel_loop3A_964 : vector<16xf32>
          %parallel_loop3A_1009 = arith.constant 0 : i32
          %parallel_loop3A_1010 = arith.constant 2 : i32
          %parallel_loop3A_1011 = arith.index_cast %parallel_loop3A_1009 : i32 to index
          %parallel_loop3A_1012 = arith.index_cast %parallel_loop3A_1010 : i32 to index
          %parallel_loop3A_1013 = arith.index_cast %parallel_loop3A_958 : i32 to index
          %parallel_loop3A_1014 = arith.index_cast %parallel_loop3A_952 : i32 to index
          %parallel_loop3A_1015 = tpu.vector_load %arg9[%parallel_loop3A_1011, %parallel_loop3A_1012, %parallel_loop3A_1013, %parallel_loop3A_1014] {strides = array<i32>} : memref<2x4x8x1024xf32, #tpu.memory_space<vmem>>, vector<16xf32>,
          tpu.vector_store %arg9[%parallel_loop3A_1011, %parallel_loop3A_1012, %parallel_loop3A_1013, %parallel_loop3A_1014], %parallel_loop3A_1008 {strides = array<i32>} : memref<2x4x8x1024xf32, #tpu.memory_space<vmem>>, vector<16xf32>,
          %parallel_loop3A_1016 = arith.addf %parallel_loop3A_939, %parallel_loop3A_1008 : vector<16xf32>
          %parallel_loop3A_1017 = arith.mulf %parallel_loop3A_1008, %parallel_loop3A_1008 : vector<16xf32>
          %parallel_loop3A_1018 = arith.addf %parallel_loop3A_940, %parallel_loop3A_1017 : vector<16xf32>
          %parallel_loop3A_1019 = arith.constant 0 : i32
          %parallel_loop3A_1020 = arith.constant 3 : i32
          %parallel_loop3A_1021 = arith.index_cast %parallel_loop3A_1019 : i32 to index
          %parallel_loop3A_1022 = arith.index_cast %parallel_loop3A_1020 : i32 to index
          %parallel_loop3A_1023 = arith.index_cast %parallel_loop3A_958 : i32 to index
          %parallel_loop3A_1024 = arith.index_cast %parallel_loop3A_952 : i32 to index
          %parallel_loop3A_1025 = tpu.vector_load %arg9[%parallel_loop3A_1021, %parallel_loop3A_1022, %parallel_loop3A_1023, %parallel_loop3A_1024] {strides = array<i32>} : memref<2x4x8x1024xf32, #tpu.memory_space<vmem>>, vector<16xf32>,
          %parallel_loop3A_1026 = arith.addf %parallel_loop3A_1025, %parallel_loop3A_964 : vector<16xf32>
          %parallel_loop3A_1027 = arith.constant 0 : i32
          %parallel_loop3A_1028 = arith.constant 3 : i32
          %parallel_loop3A_1029 = arith.index_cast %parallel_loop3A_1027 : i32 to index
          %parallel_loop3A_1030 = arith.index_cast %parallel_loop3A_1028 : i32 to index
          %parallel_loop3A_1031 = arith.index_cast %parallel_loop3A_958 : i32 to index
          %parallel_loop3A_1032 = arith.index_cast %parallel_loop3A_952 : i32 to index
          %parallel_loop3A_1033 = tpu.vector_load %arg9[%parallel_loop3A_1029, %parallel_loop3A_1030, %parallel_loop3A_1031, %parallel_loop3A_1032] {strides = array<i32>} : memref<2x4x8x1024xf32, #tpu.memory_space<vmem>>, vector<16xf32>,
          tpu.vector_store %arg9[%parallel_loop3A_1029, %parallel_loop3A_1030, %parallel_loop3A_1031, %parallel_loop3A_1032], %parallel_loop3A_1026 {strides = array<i32>} : memref<2x4x8x1024xf32, #tpu.memory_space<vmem>>, vector<16xf32>,
          %parallel_loop3A_1034 = arith.addf %parallel_loop3A_941, %parallel_loop3A_1026 : vector<16xf32>
          %parallel_loop3A_1035 = arith.mulf %parallel_loop3A_1026, %parallel_loop3A_1026 : vector<16xf32>
          %parallel_loop3A_1036 = arith.addf %parallel_loop3A_942, %parallel_loop3A_1035 : vector<16xf32>
          %parallel_loop3A_1037 = arith.constant 1 : i32
          %parallel_loop3A_1038 = arith.addi %parallel_loop3A_574, %parallel_loop3A_1037 : i32
          %parallel_loop3A_1039 = arith.constant 0 : i32
          %parallel_loop3A_1040 = arith.index_cast %parallel_loop3A_1039 : i32 to index
          %parallel_loop3A_1041 = arith.index_cast %parallel_loop3A_1038 : i32 to index
          %parallel_loop3A_1042 = arith.index_cast %parallel_loop3A_952 : i32 to index
          %parallel_loop3A_1043 = tpu.vector_load %arg8[%parallel_loop3A_1040, %parallel_loop3A_1041, %parallel_loop3A_1042] {strides = array<i32>} : memref<2x8x1024xf32, #tpu.memory_space<vmem>>, vector<16xf32>,
          %parallel_loop3A_1044 = arith.addf %parallel_loop3A_1043, %parallel_loop3A_956 : vector<16xf32>
          %parallel_loop3A_1045 = arith.constant 0 : i32
          %parallel_loop3A_1046 = arith.constant 0 : i32
          %parallel_loop3A_1047 = arith.index_cast %parallel_loop3A_1045 : i32 to index
          %parallel_loop3A_1048 = arith.index_cast %parallel_loop3A_1046 : i32 to index
          %parallel_loop3A_1049 = arith.index_cast %parallel_loop3A_1038 : i32 to index
          %parallel_loop3A_1050 = arith.index_cast %parallel_loop3A_952 : i32 to index
          %parallel_loop3A_1051 = tpu.vector_load %arg9[%parallel_loop3A_1047, %parallel_loop3A_1048, %parallel_loop3A_1049, %parallel_loop3A_1050] {strides = array<i32>} : memref<2x4x8x1024xf32, #tpu.memory_space<vmem>>, vector<16xf32>,
          %parallel_loop3A_1052 = arith.addf %parallel_loop3A_1051, %parallel_loop3A_1044 : vector<16xf32>
          %parallel_loop3A_1053 = arith.constant 0 : i32
          %parallel_loop3A_1054 = arith.constant 0 : i32
          %parallel_loop3A_1055 = arith.index_cast %parallel_loop3A_1053 : i32 to index
          %parallel_loop3A_1056 = arith.index_cast %parallel_loop3A_1054 : i32 to index
          %parallel_loop3A_1057 = arith.index_cast %parallel_loop3A_1038 : i32 to index
          %parallel_loop3A_1058 = arith.index_cast %parallel_loop3A_952 : i32 to index
          %parallel_loop3A_1059 = tpu.vector_load %arg9[%parallel_loop3A_1055, %parallel_loop3A_1056, %parallel_loop3A_1057, %parallel_loop3A_1058] {strides = array<i32>} : memref<2x4x8x1024xf32, #tpu.memory_space<vmem>>, vector<16xf32>,
          tpu.vector_store %arg9[%parallel_loop3A_1055, %parallel_loop3A_1056, %parallel_loop3A_1057, %parallel_loop3A_1058], %parallel_loop3A_1052 {strides = array<i32>} : memref<2x4x8x1024xf32, #tpu.memory_space<vmem>>, vector<16xf32>,
          %parallel_loop3A_1060 = arith.addf %parallel_loop3A_943, %parallel_loop3A_1052 : vector<16xf32>
          %parallel_loop3A_1061 = arith.mulf %parallel_loop3A_1052, %parallel_loop3A_1052 : vector<16xf32>
          %parallel_loop3A_1062 = arith.addf %parallel_loop3A_944, %parallel_loop3A_1061 : vector<16xf32>
          %parallel_loop3A_1063 = arith.constant 0 : i32
          %parallel_loop3A_1064 = arith.constant 1 : i32
          %parallel_loop3A_1065 = arith.index_cast %parallel_loop3A_1063 : i32 to index
          %parallel_loop3A_1066 = arith.index_cast %parallel_loop3A_1064 : i32 to index
          %parallel_loop3A_1067 = arith.index_cast %parallel_loop3A_1038 : i32 to index
          %parallel_loop3A_1068 = arith.index_cast %parallel_loop3A_952 : i32 to index
          %parallel_loop3A_1069 = tpu.vector_load %arg9[%parallel_loop3A_1065, %parallel_loop3A_1066, %parallel_loop3A_1067, %parallel_loop3A_1068] {strides = array<i32>} : memref<2x4x8x1024xf32, #tpu.memory_space<vmem>>, vector<16xf32>,
          %parallel_loop3A_1070 = arith.addf %parallel_loop3A_1069, %parallel_loop3A_1044 : vector<16xf32>
          %parallel_loop3A_1071 = arith.constant 0 : i32
          %parallel_loop3A_1072 = arith.constant 1 : i32
          %parallel_loop3A_1073 = arith.index_cast %parallel_loop3A_1071 : i32 to index
          %parallel_loop3A_1074 = arith.index_cast %parallel_loop3A_1072 : i32 to index
          %parallel_loop3A_1075 = arith.index_cast %parallel_loop3A_1038 : i32 to index
          %parallel_loop3A_1076 = arith.index_cast %parallel_loop3A_952 : i32 to index
          %parallel_loop3A_1077 = tpu.vector_load %arg9[%parallel_loop3A_1073, %parallel_loop3A_1074, %parallel_loop3A_1075, %parallel_loop3A_1076] {strides = array<i32>} : memref<2x4x8x1024xf32, #tpu.memory_space<vmem>>, vector<16xf32>,
          tpu.vector_store %arg9[%parallel_loop3A_1073, %parallel_loop3A_1074, %parallel_loop3A_1075, %parallel_loop3A_1076], %parallel_loop3A_1070 {strides = array<i32>} : memref<2x4x8x1024xf32, #tpu.memory_space<vmem>>, vector<16xf32>,
          %parallel_loop3A_1078 = arith.addf %parallel_loop3A_945, %parallel_loop3A_1070 : vector<16xf32>
          %parallel_loop3A_1079 = arith.mulf %parallel_loop3A_1070, %parallel_loop3A_1070 : vector<16xf32>
          %parallel_loop3A_1080 = arith.addf %parallel_loop3A_946, %parallel_loop3A_1079 : vector<16xf32>
          %parallel_loop3A_1081 = arith.constant 0 : i32
          %parallel_loop3A_1082 = arith.constant 2 : i32
          %parallel_loop3A_1083 = arith.index_cast %parallel_loop3A_1081 : i32 to index
          %parallel_loop3A_1084 = arith.index_cast %parallel_loop3A_1082 : i32 to index
          %parallel_loop3A_1085 = arith.index_cast %parallel_loop3A_1038 : i32 to index
          %parallel_loop3A_1086 = arith.index_cast %parallel_loop3A_952 : i32 to index
          %parallel_loop3A_1087 = tpu.vector_load %arg9[%parallel_loop3A_1083, %parallel_loop3A_1084, %parallel_loop3A_1085, %parallel_loop3A_1086] {strides = array<i32>} : memref<2x4x8x1024xf32, #tpu.memory_space<vmem>>, vector<16xf32>,
          %parallel_loop3A_1088 = arith.addf %parallel_loop3A_1087, %parallel_loop3A_1044 : vector<16xf32>
          %parallel_loop3A_1089 = arith.constant 0 : i32
          %parallel_loop3A_1090 = arith.constant 2 : i32
          %parallel_loop3A_1091 = arith.index_cast %parallel_loop3A_1089 : i32 to index
          %parallel_loop3A_1092 = arith.index_cast %parallel_loop3A_1090 : i32 to index
          %parallel_loop3A_1093 = arith.index_cast %parallel_loop3A_1038 : i32 to index
          %parallel_loop3A_1094 = arith.index_cast %parallel_loop3A_952 : i32 to index
          %parallel_loop3A_1095 = tpu.vector_load %arg9[%parallel_loop3A_1091, %parallel_loop3A_1092, %parallel_loop3A_1093, %parallel_loop3A_1094] {strides = array<i32>} : memref<2x4x8x1024xf32, #tpu.memory_space<vmem>>, vector<16xf32>,
          tpu.vector_store %arg9[%parallel_loop3A_1091, %parallel_loop3A_1092, %parallel_loop3A_1093, %parallel_loop3A_1094], %parallel_loop3A_1088 {strides = array<i32>} : memref<2x4x8x1024xf32, #tpu.memory_space<vmem>>, vector<16xf32>,
          %parallel_loop3A_1096 = arith.addf %parallel_loop3A_947, %parallel_loop3A_1088 : vector<16xf32>
          %parallel_loop3A_1097 = arith.mulf %parallel_loop3A_1088, %parallel_loop3A_1088 : vector<16xf32>
          %parallel_loop3A_1098 = arith.addf %parallel_loop3A_948, %parallel_loop3A_1097 : vector<16xf32>
          %parallel_loop3A_1099 = arith.constant 0 : i32
          %parallel_loop3A_1100 = arith.constant 3 : i32
          %parallel_loop3A_1101 = arith.index_cast %parallel_loop3A_1099 : i32 to index
          %parallel_loop3A_1102 = arith.index_cast %parallel_loop3A_1100 : i32 to index
          %parallel_loop3A_1103 = arith.index_cast %parallel_loop3A_1038 : i32 to index
          %parallel_loop3A_1104 = arith.index_cast %parallel_loop3A_952 : i32 to index
          %parallel_loop3A_1105 = tpu.vector_load %arg9[%parallel_loop3A_1101, %parallel_loop3A_1102, %parallel_loop3A_1103, %parallel_loop3A_1104] {strides = array<i32>} : memref<2x4x8x1024xf32, #tpu.memory_space<vmem>>, vector<16xf32>,
          %parallel_loop3A_1106 = arith.addf %parallel_loop3A_1105, %parallel_loop3A_1044 : vector<16xf32>
          %parallel_loop3A_1107 = arith.constant 0 : i32
          %parallel_loop3A_1108 = arith.constant 3 : i32
          %parallel_loop3A_1109 = arith.index_cast %parallel_loop3A_1107 : i32 to index
          %parallel_loop3A_1110 = arith.index_cast %parallel_loop3A_1108 : i32 to index
          %parallel_loop3A_1111 = arith.index_cast %parallel_loop3A_1038 : i32 to index
          %parallel_loop3A_1112 = arith.index_cast %parallel_loop3A_952 : i32 to index
          %parallel_loop3A_1113 = tpu.vector_load %arg9[%parallel_loop3A_1109, %parallel_loop3A_1110, %parallel_loop3A_1111, %parallel_loop3A_1112] {strides = array<i32>} : memref<2x4x8x1024xf32, #tpu.memory_space<vmem>>, vector<16xf32>,
          tpu.vector_store %arg9[%parallel_loop3A_1109, %parallel_loop3A_1110, %parallel_loop3A_1111, %parallel_loop3A_1112], %parallel_loop3A_1106 {strides = array<i32>} : memref<2x4x8x1024xf32, #tpu.memory_space<vmem>>, vector<16xf32>,
          %parallel_loop3A_1114 = arith.addf %parallel_loop3A_949, %parallel_loop3A_1106 : vector<16xf32>
          %parallel_loop3A_1115 = arith.mulf %parallel_loop3A_1106, %parallel_loop3A_1106 : vector<16xf32>
          %parallel_loop3A_1116 = arith.addf %parallel_loop3A_950, %parallel_loop3A_1115 : vector<16xf32>
          scf.yield %parallel_loop3A_980, %parallel_loop3A_982, %parallel_loop3A_998, %parallel_loop3A_1000, %parallel_loop3A_1016, %parallel_loop3A_1018, %parallel_loop3A_1034, %parallel_loop3A_1036, %parallel_loop3A_1060, %parallel_loop3A_1062, %parallel_loop3A_1078, %parallel_loop3A_1080, %parallel_loop3A_1096, %parallel_loop3A_1098, %parallel_loop3A_1114, %parallel_loop3A_1116 : vector<16xf32>, vector<16xf32>, vector<16xf32>, vector<16xf32>, vector<16xf32>, vector<16xf32>, vector<16xf32>, vector<16xf32>, vector<16xf32>, vector<16xf32>, vector<16xf32>, vector<16xf32>, vector<16xf32>, vector<16xf32>, vector<16xf32>, vector<16xf32>
        } {sc.loop_unroll_factor = 2 : i64, sc.parallel_access}
        %parallel_loop3A_579 = arith.constant true
        %parallel_loop3A_580 = vector.broadcast %parallel_loop3A_579 : i1 to vector<16xi1>
        %parallel_loop3A_581 = tpu.scan <sum>, %parallel_loop3A_578#0 masked %parallel_loop3A_580 : vector<16xf32>, vector<16xi1> -> vector<16xf32>
        %parallel_loop3A_582 = vector.extract %parallel_loop3A_581[15] : f32 from vector<16xf32>
        %parallel_loop3A_583 = arith.constant true
        %parallel_loop3A_584 = vector.broadcast %parallel_loop3A_583 : i1 to vector<16xi1>
        %parallel_loop3A_585 = tpu.scan <sum>, %parallel_loop3A_578#1 masked %parallel_loop3A_584 : vector<16xf32>, vector<16xi1> -> vector<16xf32>
        %parallel_loop3A_586 = vector.extract %parallel_loop3A_585[15] : f32 from vector<16xf32>
        %parallel_loop3A_587 = arith.constant 9.765625E-4 : f32
        %parallel_loop3A_588 = arith.mulf %parallel_loop3A_582, %parallel_loop3A_587 : f32
        %parallel_loop3A_589 = arith.constant 9.765625E-4 : f32
        %parallel_loop3A_590 = arith.mulf %parallel_loop3A_586, %parallel_loop3A_589 : f32
        %parallel_loop3A_591 = arith.mulf %parallel_loop3A_588, %parallel_loop3A_588 : f32
        %parallel_loop3A_592 = arith.subf %parallel_loop3A_590, %parallel_loop3A_591 : f32
        %parallel_loop3A_593 = vector.broadcast %parallel_loop3A_588 : f32 to vector<16xf32>
        %parallel_loop3A_594 = arith.constant 9.99999996E-13 : f32
        %parallel_loop3A_595 = arith.addf %parallel_loop3A_592, %parallel_loop3A_594 : f32
        %parallel_loop3A_596 = vector.broadcast %parallel_loop3A_595 : f32 to vector<16xf32>
        %parallel_loop3A_597 = vector.bitcast %parallel_loop3A_596 : vector<16xf32> to vector<16xi32>
        %parallel_loop3A_598 = arith.constant 1 : i32
        %parallel_loop3A_599 = vector.broadcast %parallel_loop3A_598 : i32 to vector<16xi32>
        %parallel_loop3A_600 = arith.shrsi %parallel_loop3A_597, %parallel_loop3A_599 : vector<16xi32>
        %parallel_loop3A_601 = arith.constant 1597463007 : i32
        %parallel_loop3A_602 = vector.broadcast %parallel_loop3A_601 : i32 to vector<16xi32>
        %parallel_loop3A_603 = arith.subi %parallel_loop3A_602, %parallel_loop3A_600 : vector<16xi32>
        %parallel_loop3A_604 = vector.bitcast %parallel_loop3A_603 : vector<16xi32> to vector<16xf32>
        %parallel_loop3A_605 = arith.constant 5.000000e-01 : f32
        %parallel_loop3A_606 = vector.broadcast %parallel_loop3A_605 : f32 to vector<16xf32>
        %parallel_loop3A_607 = arith.mulf %parallel_loop3A_606, %parallel_loop3A_596 : vector<16xf32>
        %parallel_loop3A_608 = arith.mulf %parallel_loop3A_607, %parallel_loop3A_604 : vector<16xf32>
        %parallel_loop3A_609 = arith.mulf %parallel_loop3A_608, %parallel_loop3A_604 : vector<16xf32>
        %parallel_loop3A_610 = arith.constant 1.500000e+00 : f32
        %parallel_loop3A_611 = vector.broadcast %parallel_loop3A_610 : f32 to vector<16xf32>
        %parallel_loop3A_612 = arith.subf %parallel_loop3A_611, %parallel_loop3A_609 : vector<16xf32>
        %parallel_loop3A_613 = arith.mulf %parallel_loop3A_604, %parallel_loop3A_612 : vector<16xf32>
        %parallel_loop3A_614 = arith.constant 5.000000e-01 : f32
        %parallel_loop3A_615 = vector.broadcast %parallel_loop3A_614 : f32 to vector<16xf32>
        %parallel_loop3A_616 = arith.mulf %parallel_loop3A_615, %parallel_loop3A_596 : vector<16xf32>
        %parallel_loop3A_617 = arith.mulf %parallel_loop3A_616, %parallel_loop3A_613 : vector<16xf32>
        %parallel_loop3A_618 = arith.mulf %parallel_loop3A_617, %parallel_loop3A_613 : vector<16xf32>
        %parallel_loop3A_619 = arith.constant 1.500000e+00 : f32
        %parallel_loop3A_620 = vector.broadcast %parallel_loop3A_619 : f32 to vector<16xf32>
        %parallel_loop3A_621 = arith.subf %parallel_loop3A_620, %parallel_loop3A_618 : vector<16xf32>
        %parallel_loop3A_622 = arith.mulf %parallel_loop3A_613, %parallel_loop3A_621 : vector<16xf32>
        %parallel_loop3A_623 = arith.constant true
        %parallel_loop3A_624 = vector.broadcast %parallel_loop3A_623 : i1 to vector<16xi1>
        %parallel_loop3A_625 = tpu.scan <sum>, %parallel_loop3A_578#2 masked %parallel_loop3A_624 : vector<16xf32>, vector<16xi1> -> vector<16xf32>
        %parallel_loop3A_626 = vector.extract %parallel_loop3A_625[15] : f32 from vector<16xf32>
        %parallel_loop3A_627 = arith.constant true
        %parallel_loop3A_628 = vector.broadcast %parallel_loop3A_627 : i1 to vector<16xi1>
        %parallel_loop3A_629 = tpu.scan <sum>, %parallel_loop3A_578#3 masked %parallel_loop3A_628 : vector<16xf32>, vector<16xi1> -> vector<16xf32>
        %parallel_loop3A_630 = vector.extract %parallel_loop3A_629[15] : f32 from vector<16xf32>
        %parallel_loop3A_631 = arith.constant 9.765625E-4 : f32
        %parallel_loop3A_632 = arith.mulf %parallel_loop3A_626, %parallel_loop3A_631 : f32
        %parallel_loop3A_633 = arith.constant 9.765625E-4 : f32
        %parallel_loop3A_634 = arith.mulf %parallel_loop3A_630, %parallel_loop3A_633 : f32
        %parallel_loop3A_635 = arith.mulf %parallel_loop3A_632, %parallel_loop3A_632 : f32
        %parallel_loop3A_636 = arith.subf %parallel_loop3A_634, %parallel_loop3A_635 : f32
        %parallel_loop3A_637 = vector.broadcast %parallel_loop3A_632 : f32 to vector<16xf32>
        %parallel_loop3A_638 = arith.constant 9.99999996E-13 : f32
        %parallel_loop3A_639 = arith.addf %parallel_loop3A_636, %parallel_loop3A_638 : f32
        %parallel_loop3A_640 = vector.broadcast %parallel_loop3A_639 : f32 to vector<16xf32>
        %parallel_loop3A_641 = vector.bitcast %parallel_loop3A_640 : vector<16xf32> to vector<16xi32>
        %parallel_loop3A_642 = arith.constant 1 : i32
        %parallel_loop3A_643 = vector.broadcast %parallel_loop3A_642 : i32 to vector<16xi32>
        %parallel_loop3A_644 = arith.shrsi %parallel_loop3A_641, %parallel_loop3A_643 : vector<16xi32>
        %parallel_loop3A_645 = arith.constant 1597463007 : i32
        %parallel_loop3A_646 = vector.broadcast %parallel_loop3A_645 : i32 to vector<16xi32>
        %parallel_loop3A_647 = arith.subi %parallel_loop3A_646, %parallel_loop3A_644 : vector<16xi32>
        %parallel_loop3A_648 = vector.bitcast %parallel_loop3A_647 : vector<16xi32> to vector<16xf32>
        %parallel_loop3A_649 = arith.constant 5.000000e-01 : f32
        %parallel_loop3A_650 = vector.broadcast %parallel_loop3A_649 : f32 to vector<16xf32>
        %parallel_loop3A_651 = arith.mulf %parallel_loop3A_650, %parallel_loop3A_640 : vector<16xf32>
        %parallel_loop3A_652 = arith.mulf %parallel_loop3A_651, %parallel_loop3A_648 : vector<16xf32>
        %parallel_loop3A_653 = arith.mulf %parallel_loop3A_652, %parallel_loop3A_648 : vector<16xf32>
        %parallel_loop3A_654 = arith.constant 1.500000e+00 : f32
        %parallel_loop3A_655 = vector.broadcast %parallel_loop3A_654 : f32 to vector<16xf32>
        %parallel_loop3A_656 = arith.subf %parallel_loop3A_655, %parallel_loop3A_653 : vector<16xf32>
        %parallel_loop3A_657 = arith.mulf %parallel_loop3A_648, %parallel_loop3A_656 : vector<16xf32>
        %parallel_loop3A_658 = arith.constant 5.000000e-01 : f32
        %parallel_loop3A_659 = vector.broadcast %parallel_loop3A_658 : f32 to vector<16xf32>
        %parallel_loop3A_660 = arith.mulf %parallel_loop3A_659, %parallel_loop3A_640 : vector<16xf32>
        %parallel_loop3A_661 = arith.mulf %parallel_loop3A_660, %parallel_loop3A_657 : vector<16xf32>
        %parallel_loop3A_662 = arith.mulf %parallel_loop3A_661, %parallel_loop3A_657 : vector<16xf32>
        %parallel_loop3A_663 = arith.constant 1.500000e+00 : f32
        %parallel_loop3A_664 = vector.broadcast %parallel_loop3A_663 : f32 to vector<16xf32>
        %parallel_loop3A_665 = arith.subf %parallel_loop3A_664, %parallel_loop3A_662 : vector<16xf32>
        %parallel_loop3A_666 = arith.mulf %parallel_loop3A_657, %parallel_loop3A_665 : vector<16xf32>
        %parallel_loop3A_667 = arith.constant true
        %parallel_loop3A_668 = vector.broadcast %parallel_loop3A_667 : i1 to vector<16xi1>
        %parallel_loop3A_669 = tpu.scan <sum>, %parallel_loop3A_578#4 masked %parallel_loop3A_668 : vector<16xf32>, vector<16xi1> -> vector<16xf32>
        %parallel_loop3A_670 = vector.extract %parallel_loop3A_669[15] : f32 from vector<16xf32>
        %parallel_loop3A_671 = arith.constant true
        %parallel_loop3A_672 = vector.broadcast %parallel_loop3A_671 : i1 to vector<16xi1>
        %parallel_loop3A_673 = tpu.scan <sum>, %parallel_loop3A_578#5 masked %parallel_loop3A_672 : vector<16xf32>, vector<16xi1> -> vector<16xf32>
        %parallel_loop3A_674 = vector.extract %parallel_loop3A_673[15] : f32 from vector<16xf32>
        %parallel_loop3A_675 = arith.constant 9.765625E-4 : f32
        %parallel_loop3A_676 = arith.mulf %parallel_loop3A_670, %parallel_loop3A_675 : f32
        %parallel_loop3A_677 = arith.constant 9.765625E-4 : f32
        %parallel_loop3A_678 = arith.mulf %parallel_loop3A_674, %parallel_loop3A_677 : f32
        %parallel_loop3A_679 = arith.mulf %parallel_loop3A_676, %parallel_loop3A_676 : f32
        %parallel_loop3A_680 = arith.subf %parallel_loop3A_678, %parallel_loop3A_679 : f32
        %parallel_loop3A_681 = vector.broadcast %parallel_loop3A_676 : f32 to vector<16xf32>
        %parallel_loop3A_682 = arith.constant 9.99999996E-13 : f32
        %parallel_loop3A_683 = arith.addf %parallel_loop3A_680, %parallel_loop3A_682 : f32
        %parallel_loop3A_684 = vector.broadcast %parallel_loop3A_683 : f32 to vector<16xf32>
        %parallel_loop3A_685 = vector.bitcast %parallel_loop3A_684 : vector<16xf32> to vector<16xi32>
        %parallel_loop3A_686 = arith.constant 1 : i32
        %parallel_loop3A_687 = vector.broadcast %parallel_loop3A_686 : i32 to vector<16xi32>
        %parallel_loop3A_688 = arith.shrsi %parallel_loop3A_685, %parallel_loop3A_687 : vector<16xi32>
        %parallel_loop3A_689 = arith.constant 1597463007 : i32
        %parallel_loop3A_690 = vector.broadcast %parallel_loop3A_689 : i32 to vector<16xi32>
        %parallel_loop3A_691 = arith.subi %parallel_loop3A_690, %parallel_loop3A_688 : vector<16xi32>
        %parallel_loop3A_692 = vector.bitcast %parallel_loop3A_691 : vector<16xi32> to vector<16xf32>
        %parallel_loop3A_693 = arith.constant 5.000000e-01 : f32
        %parallel_loop3A_694 = vector.broadcast %parallel_loop3A_693 : f32 to vector<16xf32>
        %parallel_loop3A_695 = arith.mulf %parallel_loop3A_694, %parallel_loop3A_684 : vector<16xf32>
        %parallel_loop3A_696 = arith.mulf %parallel_loop3A_695, %parallel_loop3A_692 : vector<16xf32>
        %parallel_loop3A_697 = arith.mulf %parallel_loop3A_696, %parallel_loop3A_692 : vector<16xf32>
        %parallel_loop3A_698 = arith.constant 1.500000e+00 : f32
        %parallel_loop3A_699 = vector.broadcast %parallel_loop3A_698 : f32 to vector<16xf32>
        %parallel_loop3A_700 = arith.subf %parallel_loop3A_699, %parallel_loop3A_697 : vector<16xf32>
        %parallel_loop3A_701 = arith.mulf %parallel_loop3A_692, %parallel_loop3A_700 : vector<16xf32>
        %parallel_loop3A_702 = arith.constant 5.000000e-01 : f32
        %parallel_loop3A_703 = vector.broadcast %parallel_loop3A_702 : f32 to vector<16xf32>
        %parallel_loop3A_704 = arith.mulf %parallel_loop3A_703, %parallel_loop3A_684 : vector<16xf32>
        %parallel_loop3A_705 = arith.mulf %parallel_loop3A_704, %parallel_loop3A_701 : vector<16xf32>
        %parallel_loop3A_706 = arith.mulf %parallel_loop3A_705, %parallel_loop3A_701 : vector<16xf32>
        %parallel_loop3A_707 = arith.constant 1.500000e+00 : f32
        %parallel_loop3A_708 = vector.broadcast %parallel_loop3A_707 : f32 to vector<16xf32>
        %parallel_loop3A_709 = arith.subf %parallel_loop3A_708, %parallel_loop3A_706 : vector<16xf32>
        %parallel_loop3A_710 = arith.mulf %parallel_loop3A_701, %parallel_loop3A_709 : vector<16xf32>
        %parallel_loop3A_711 = arith.constant true
        %parallel_loop3A_712 = vector.broadcast %parallel_loop3A_711 : i1 to vector<16xi1>
        %parallel_loop3A_713 = tpu.scan <sum>, %parallel_loop3A_578#6 masked %parallel_loop3A_712 : vector<16xf32>, vector<16xi1> -> vector<16xf32>
        %parallel_loop3A_714 = vector.extract %parallel_loop3A_713[15] : f32 from vector<16xf32>
        %parallel_loop3A_715 = arith.constant true
        %parallel_loop3A_716 = vector.broadcast %parallel_loop3A_715 : i1 to vector<16xi1>
        %parallel_loop3A_717 = tpu.scan <sum>, %parallel_loop3A_578#7 masked %parallel_loop3A_716 : vector<16xf32>, vector<16xi1> -> vector<16xf32>
        %parallel_loop3A_718 = vector.extract %parallel_loop3A_717[15] : f32 from vector<16xf32>
        %parallel_loop3A_719 = arith.constant 9.765625E-4 : f32
        %parallel_loop3A_720 = arith.mulf %parallel_loop3A_714, %parallel_loop3A_719 : f32
        %parallel_loop3A_721 = arith.constant 9.765625E-4 : f32
        %parallel_loop3A_722 = arith.mulf %parallel_loop3A_718, %parallel_loop3A_721 : f32
        %parallel_loop3A_723 = arith.mulf %parallel_loop3A_720, %parallel_loop3A_720 : f32
        %parallel_loop3A_724 = arith.subf %parallel_loop3A_722, %parallel_loop3A_723 : f32
        %parallel_loop3A_725 = vector.broadcast %parallel_loop3A_720 : f32 to vector<16xf32>
        %parallel_loop3A_726 = arith.constant 9.99999996E-13 : f32
        %parallel_loop3A_727 = arith.addf %parallel_loop3A_724, %parallel_loop3A_726 : f32
        %parallel_loop3A_728 = vector.broadcast %parallel_loop3A_727 : f32 to vector<16xf32>
        %parallel_loop3A_729 = vector.bitcast %parallel_loop3A_728 : vector<16xf32> to vector<16xi32>
        %parallel_loop3A_730 = arith.constant 1 : i32
        %parallel_loop3A_731 = vector.broadcast %parallel_loop3A_730 : i32 to vector<16xi32>
        %parallel_loop3A_732 = arith.shrsi %parallel_loop3A_729, %parallel_loop3A_731 : vector<16xi32>
        %parallel_loop3A_733 = arith.constant 1597463007 : i32
        %parallel_loop3A_734 = vector.broadcast %parallel_loop3A_733 : i32 to vector<16xi32>
        %parallel_loop3A_735 = arith.subi %parallel_loop3A_734, %parallel_loop3A_732 : vector<16xi32>
        %parallel_loop3A_736 = vector.bitcast %parallel_loop3A_735 : vector<16xi32> to vector<16xf32>
        %parallel_loop3A_737 = arith.constant 5.000000e-01 : f32
        %parallel_loop3A_738 = vector.broadcast %parallel_loop3A_737 : f32 to vector<16xf32>
        %parallel_loop3A_739 = arith.mulf %parallel_loop3A_738, %parallel_loop3A_728 : vector<16xf32>
        %parallel_loop3A_740 = arith.mulf %parallel_loop3A_739, %parallel_loop3A_736 : vector<16xf32>
        %parallel_loop3A_741 = arith.mulf %parallel_loop3A_740, %parallel_loop3A_736 : vector<16xf32>
        %parallel_loop3A_742 = arith.constant 1.500000e+00 : f32
        %parallel_loop3A_743 = vector.broadcast %parallel_loop3A_742 : f32 to vector<16xf32>
        %parallel_loop3A_744 = arith.subf %parallel_loop3A_743, %parallel_loop3A_741 : vector<16xf32>
        %parallel_loop3A_745 = arith.mulf %parallel_loop3A_736, %parallel_loop3A_744 : vector<16xf32>
        %parallel_loop3A_746 = arith.constant 5.000000e-01 : f32
        %parallel_loop3A_747 = vector.broadcast %parallel_loop3A_746 : f32 to vector<16xf32>
        %parallel_loop3A_748 = arith.mulf %parallel_loop3A_747, %parallel_loop3A_728 : vector<16xf32>
        %parallel_loop3A_749 = arith.mulf %parallel_loop3A_748, %parallel_loop3A_745 : vector<16xf32>
        %parallel_loop3A_750 = arith.mulf %parallel_loop3A_749, %parallel_loop3A_745 : vector<16xf32>
        %parallel_loop3A_751 = arith.constant 1.500000e+00 : f32
        %parallel_loop3A_752 = vector.broadcast %parallel_loop3A_751 : f32 to vector<16xf32>
        %parallel_loop3A_753 = arith.subf %parallel_loop3A_752, %parallel_loop3A_750 : vector<16xf32>
        %parallel_loop3A_754 = arith.mulf %parallel_loop3A_745, %parallel_loop3A_753 : vector<16xf32>
        %parallel_loop3A_755 = arith.constant true
        %parallel_loop3A_756 = vector.broadcast %parallel_loop3A_755 : i1 to vector<16xi1>
        %parallel_loop3A_757 = tpu.scan <sum>, %parallel_loop3A_578#8 masked %parallel_loop3A_756 : vector<16xf32>, vector<16xi1> -> vector<16xf32>
        %parallel_loop3A_758 = vector.extract %parallel_loop3A_757[15] : f32 from vector<16xf32>
        %parallel_loop3A_759 = arith.constant true
        %parallel_loop3A_760 = vector.broadcast %parallel_loop3A_759 : i1 to vector<16xi1>
        %parallel_loop3A_761 = tpu.scan <sum>, %parallel_loop3A_578#9 masked %parallel_loop3A_760 : vector<16xf32>, vector<16xi1> -> vector<16xf32>
        %parallel_loop3A_762 = vector.extract %parallel_loop3A_761[15] : f32 from vector<16xf32>
        %parallel_loop3A_763 = arith.constant 9.765625E-4 : f32
        %parallel_loop3A_764 = arith.mulf %parallel_loop3A_758, %parallel_loop3A_763 : f32
        %parallel_loop3A_765 = arith.constant 9.765625E-4 : f32
        %parallel_loop3A_766 = arith.mulf %parallel_loop3A_762, %parallel_loop3A_765 : f32
        %parallel_loop3A_767 = arith.mulf %parallel_loop3A_764, %parallel_loop3A_764 : f32
        %parallel_loop3A_768 = arith.subf %parallel_loop3A_766, %parallel_loop3A_767 : f32
        %parallel_loop3A_769 = vector.broadcast %parallel_loop3A_764 : f32 to vector<16xf32>
        %parallel_loop3A_770 = arith.constant 9.99999996E-13 : f32
        %parallel_loop3A_771 = arith.addf %parallel_loop3A_768, %parallel_loop3A_770 : f32
        %parallel_loop3A_772 = vector.broadcast %parallel_loop3A_771 : f32 to vector<16xf32>
        %parallel_loop3A_773 = vector.bitcast %parallel_loop3A_772 : vector<16xf32> to vector<16xi32>
        %parallel_loop3A_774 = arith.constant 1 : i32
        %parallel_loop3A_775 = vector.broadcast %parallel_loop3A_774 : i32 to vector<16xi32>
        %parallel_loop3A_776 = arith.shrsi %parallel_loop3A_773, %parallel_loop3A_775 : vector<16xi32>
        %parallel_loop3A_777 = arith.constant 1597463007 : i32
        %parallel_loop3A_778 = vector.broadcast %parallel_loop3A_777 : i32 to vector<16xi32>
        %parallel_loop3A_779 = arith.subi %parallel_loop3A_778, %parallel_loop3A_776 : vector<16xi32>
        %parallel_loop3A_780 = vector.bitcast %parallel_loop3A_779 : vector<16xi32> to vector<16xf32>
        %parallel_loop3A_781 = arith.constant 5.000000e-01 : f32
        %parallel_loop3A_782 = vector.broadcast %parallel_loop3A_781 : f32 to vector<16xf32>
        %parallel_loop3A_783 = arith.mulf %parallel_loop3A_782, %parallel_loop3A_772 : vector<16xf32>
        %parallel_loop3A_784 = arith.mulf %parallel_loop3A_783, %parallel_loop3A_780 : vector<16xf32>
        %parallel_loop3A_785 = arith.mulf %parallel_loop3A_784, %parallel_loop3A_780 : vector<16xf32>
        %parallel_loop3A_786 = arith.constant 1.500000e+00 : f32
        %parallel_loop3A_787 = vector.broadcast %parallel_loop3A_786 : f32 to vector<16xf32>
        %parallel_loop3A_788 = arith.subf %parallel_loop3A_787, %parallel_loop3A_785 : vector<16xf32>
        %parallel_loop3A_789 = arith.mulf %parallel_loop3A_780, %parallel_loop3A_788 : vector<16xf32>
        %parallel_loop3A_790 = arith.constant 5.000000e-01 : f32
        %parallel_loop3A_791 = vector.broadcast %parallel_loop3A_790 : f32 to vector<16xf32>
        %parallel_loop3A_792 = arith.mulf %parallel_loop3A_791, %parallel_loop3A_772 : vector<16xf32>
        %parallel_loop3A_793 = arith.mulf %parallel_loop3A_792, %parallel_loop3A_789 : vector<16xf32>
        %parallel_loop3A_794 = arith.mulf %parallel_loop3A_793, %parallel_loop3A_789 : vector<16xf32>
        %parallel_loop3A_795 = arith.constant 1.500000e+00 : f32
        %parallel_loop3A_796 = vector.broadcast %parallel_loop3A_795 : f32 to vector<16xf32>
        %parallel_loop3A_797 = arith.subf %parallel_loop3A_796, %parallel_loop3A_794 : vector<16xf32>
        %parallel_loop3A_798 = arith.mulf %parallel_loop3A_789, %parallel_loop3A_797 : vector<16xf32>
        %parallel_loop3A_799 = arith.constant true
        %parallel_loop3A_800 = vector.broadcast %parallel_loop3A_799 : i1 to vector<16xi1>
        %parallel_loop3A_801 = tpu.scan <sum>, %parallel_loop3A_578#10 masked %parallel_loop3A_800 : vector<16xf32>, vector<16xi1> -> vector<16xf32>
        %parallel_loop3A_802 = vector.extract %parallel_loop3A_801[15] : f32 from vector<16xf32>
        %parallel_loop3A_803 = arith.constant true
        %parallel_loop3A_804 = vector.broadcast %parallel_loop3A_803 : i1 to vector<16xi1>
        %parallel_loop3A_805 = tpu.scan <sum>, %parallel_loop3A_578#11 masked %parallel_loop3A_804 : vector<16xf32>, vector<16xi1> -> vector<16xf32>
        %parallel_loop3A_806 = vector.extract %parallel_loop3A_805[15] : f32 from vector<16xf32>
        %parallel_loop3A_807 = arith.constant 9.765625E-4 : f32
        %parallel_loop3A_808 = arith.mulf %parallel_loop3A_802, %parallel_loop3A_807 : f32
        %parallel_loop3A_809 = arith.constant 9.765625E-4 : f32
        %parallel_loop3A_810 = arith.mulf %parallel_loop3A_806, %parallel_loop3A_809 : f32
        %parallel_loop3A_811 = arith.mulf %parallel_loop3A_808, %parallel_loop3A_808 : f32
        %parallel_loop3A_812 = arith.subf %parallel_loop3A_810, %parallel_loop3A_811 : f32
        %parallel_loop3A_813 = vector.broadcast %parallel_loop3A_808 : f32 to vector<16xf32>
        %parallel_loop3A_814 = arith.constant 9.99999996E-13 : f32
        %parallel_loop3A_815 = arith.addf %parallel_loop3A_812, %parallel_loop3A_814 : f32
        %parallel_loop3A_816 = vector.broadcast %parallel_loop3A_815 : f32 to vector<16xf32>
        %parallel_loop3A_817 = vector.bitcast %parallel_loop3A_816 : vector<16xf32> to vector<16xi32>
        %parallel_loop3A_818 = arith.constant 1 : i32
        %parallel_loop3A_819 = vector.broadcast %parallel_loop3A_818 : i32 to vector<16xi32>
        %parallel_loop3A_820 = arith.shrsi %parallel_loop3A_817, %parallel_loop3A_819 : vector<16xi32>
        %parallel_loop3A_821 = arith.constant 1597463007 : i32
        %parallel_loop3A_822 = vector.broadcast %parallel_loop3A_821 : i32 to vector<16xi32>
        %parallel_loop3A_823 = arith.subi %parallel_loop3A_822, %parallel_loop3A_820 : vector<16xi32>
        %parallel_loop3A_824 = vector.bitcast %parallel_loop3A_823 : vector<16xi32> to vector<16xf32>
        %parallel_loop3A_825 = arith.constant 5.000000e-01 : f32
        %parallel_loop3A_826 = vector.broadcast %parallel_loop3A_825 : f32 to vector<16xf32>
        %parallel_loop3A_827 = arith.mulf %parallel_loop3A_826, %parallel_loop3A_816 : vector<16xf32>
        %parallel_loop3A_828 = arith.mulf %parallel_loop3A_827, %parallel_loop3A_824 : vector<16xf32>
        %parallel_loop3A_829 = arith.mulf %parallel_loop3A_828, %parallel_loop3A_824 : vector<16xf32>
        %parallel_loop3A_830 = arith.constant 1.500000e+00 : f32
        %parallel_loop3A_831 = vector.broadcast %parallel_loop3A_830 : f32 to vector<16xf32>
        %parallel_loop3A_832 = arith.subf %parallel_loop3A_831, %parallel_loop3A_829 : vector<16xf32>
        %parallel_loop3A_833 = arith.mulf %parallel_loop3A_824, %parallel_loop3A_832 : vector<16xf32>
        %parallel_loop3A_834 = arith.constant 5.000000e-01 : f32
        %parallel_loop3A_835 = vector.broadcast %parallel_loop3A_834 : f32 to vector<16xf32>
        %parallel_loop3A_836 = arith.mulf %parallel_loop3A_835, %parallel_loop3A_816 : vector<16xf32>
        %parallel_loop3A_837 = arith.mulf %parallel_loop3A_836, %parallel_loop3A_833 : vector<16xf32>
        %parallel_loop3A_838 = arith.mulf %parallel_loop3A_837, %parallel_loop3A_833 : vector<16xf32>
        %parallel_loop3A_839 = arith.constant 1.500000e+00 : f32
        %parallel_loop3A_840 = vector.broadcast %parallel_loop3A_839 : f32 to vector<16xf32>
        %parallel_loop3A_841 = arith.subf %parallel_loop3A_840, %parallel_loop3A_838 : vector<16xf32>
        %parallel_loop3A_842 = arith.mulf %parallel_loop3A_833, %parallel_loop3A_841 : vector<16xf32>
        %parallel_loop3A_843 = arith.constant true
        %parallel_loop3A_844 = vector.broadcast %parallel_loop3A_843 : i1 to vector<16xi1>
        %parallel_loop3A_845 = tpu.scan <sum>, %parallel_loop3A_578#12 masked %parallel_loop3A_844 : vector<16xf32>, vector<16xi1> -> vector<16xf32>
        %parallel_loop3A_846 = vector.extract %parallel_loop3A_845[15] : f32 from vector<16xf32>
        %parallel_loop3A_847 = arith.constant true
        %parallel_loop3A_848 = vector.broadcast %parallel_loop3A_847 : i1 to vector<16xi1>
        %parallel_loop3A_849 = tpu.scan <sum>, %parallel_loop3A_578#13 masked %parallel_loop3A_848 : vector<16xf32>, vector<16xi1> -> vector<16xf32>
        %parallel_loop3A_850 = vector.extract %parallel_loop3A_849[15] : f32 from vector<16xf32>
        %parallel_loop3A_851 = arith.constant 9.765625E-4 : f32
        %parallel_loop3A_852 = arith.mulf %parallel_loop3A_846, %parallel_loop3A_851 : f32
        %parallel_loop3A_853 = arith.constant 9.765625E-4 : f32
        %parallel_loop3A_854 = arith.mulf %parallel_loop3A_850, %parallel_loop3A_853 : f32
        %parallel_loop3A_855 = arith.mulf %parallel_loop3A_852, %parallel_loop3A_852 : f32
        %parallel_loop3A_856 = arith.subf %parallel_loop3A_854, %parallel_loop3A_855 : f32
        %parallel_loop3A_857 = vector.broadcast %parallel_loop3A_852 : f32 to vector<16xf32>
        %parallel_loop3A_858 = arith.constant 9.99999996E-13 : f32
        %parallel_loop3A_859 = arith.addf %parallel_loop3A_856, %parallel_loop3A_858 : f32
        %parallel_loop3A_860 = vector.broadcast %parallel_loop3A_859 : f32 to vector<16xf32>
        %parallel_loop3A_861 = vector.bitcast %parallel_loop3A_860 : vector<16xf32> to vector<16xi32>
        %parallel_loop3A_862 = arith.constant 1 : i32
        %parallel_loop3A_863 = vector.broadcast %parallel_loop3A_862 : i32 to vector<16xi32>
        %parallel_loop3A_864 = arith.shrsi %parallel_loop3A_861, %parallel_loop3A_863 : vector<16xi32>
        %parallel_loop3A_865 = arith.constant 1597463007 : i32
        %parallel_loop3A_866 = vector.broadcast %parallel_loop3A_865 : i32 to vector<16xi32>
        %parallel_loop3A_867 = arith.subi %parallel_loop3A_866, %parallel_loop3A_864 : vector<16xi32>
        %parallel_loop3A_868 = vector.bitcast %parallel_loop3A_867 : vector<16xi32> to vector<16xf32>
        %parallel_loop3A_869 = arith.constant 5.000000e-01 : f32
        %parallel_loop3A_870 = vector.broadcast %parallel_loop3A_869 : f32 to vector<16xf32>
        %parallel_loop3A_871 = arith.mulf %parallel_loop3A_870, %parallel_loop3A_860 : vector<16xf32>
        %parallel_loop3A_872 = arith.mulf %parallel_loop3A_871, %parallel_loop3A_868 : vector<16xf32>
        %parallel_loop3A_873 = arith.mulf %parallel_loop3A_872, %parallel_loop3A_868 : vector<16xf32>
        %parallel_loop3A_874 = arith.constant 1.500000e+00 : f32
        %parallel_loop3A_875 = vector.broadcast %parallel_loop3A_874 : f32 to vector<16xf32>
        %parallel_loop3A_876 = arith.subf %parallel_loop3A_875, %parallel_loop3A_873 : vector<16xf32>
        %parallel_loop3A_877 = arith.mulf %parallel_loop3A_868, %parallel_loop3A_876 : vector<16xf32>
        %parallel_loop3A_878 = arith.constant 5.000000e-01 : f32
        %parallel_loop3A_879 = vector.broadcast %parallel_loop3A_878 : f32 to vector<16xf32>
        %parallel_loop3A_880 = arith.mulf %parallel_loop3A_879, %parallel_loop3A_860 : vector<16xf32>
        %parallel_loop3A_881 = arith.mulf %parallel_loop3A_880, %parallel_loop3A_877 : vector<16xf32>
        %parallel_loop3A_882 = arith.mulf %parallel_loop3A_881, %parallel_loop3A_877 : vector<16xf32>
        %parallel_loop3A_883 = arith.constant 1.500000e+00 : f32
        %parallel_loop3A_884 = vector.broadcast %parallel_loop3A_883 : f32 to vector<16xf32>
        %parallel_loop3A_885 = arith.subf %parallel_loop3A_884, %parallel_loop3A_882 : vector<16xf32>
        %parallel_loop3A_886 = arith.mulf %parallel_loop3A_877, %parallel_loop3A_885 : vector<16xf32>
        %parallel_loop3A_887 = arith.constant true
        %parallel_loop3A_888 = vector.broadcast %parallel_loop3A_887 : i1 to vector<16xi1>
        %parallel_loop3A_889 = tpu.scan <sum>, %parallel_loop3A_578#14 masked %parallel_loop3A_888 : vector<16xf32>, vector<16xi1> -> vector<16xf32>
        %parallel_loop3A_890 = vector.extract %parallel_loop3A_889[15] : f32 from vector<16xf32>
        %parallel_loop3A_891 = arith.constant true
        %parallel_loop3A_892 = vector.broadcast %parallel_loop3A_891 : i1 to vector<16xi1>
        %parallel_loop3A_893 = tpu.scan <sum>, %parallel_loop3A_578#15 masked %parallel_loop3A_892 : vector<16xf32>, vector<16xi1> -> vector<16xf32>
        %parallel_loop3A_894 = vector.extract %parallel_loop3A_893[15] : f32 from vector<16xf32>
        %parallel_loop3A_895 = arith.constant 9.765625E-4 : f32
        %parallel_loop3A_896 = arith.mulf %parallel_loop3A_890, %parallel_loop3A_895 : f32
        %parallel_loop3A_897 = arith.constant 9.765625E-4 : f32
        %parallel_loop3A_898 = arith.mulf %parallel_loop3A_894, %parallel_loop3A_897 : f32
        %parallel_loop3A_899 = arith.mulf %parallel_loop3A_896, %parallel_loop3A_896 : f32
        %parallel_loop3A_900 = arith.subf %parallel_loop3A_898, %parallel_loop3A_899 : f32
        %parallel_loop3A_901 = vector.broadcast %parallel_loop3A_896 : f32 to vector<16xf32>
        %parallel_loop3A_902 = arith.constant 9.99999996E-13 : f32
        %parallel_loop3A_903 = arith.addf %parallel_loop3A_900, %parallel_loop3A_902 : f32
        %parallel_loop3A_904 = vector.broadcast %parallel_loop3A_903 : f32 to vector<16xf32>
        %parallel_loop3A_905 = vector.bitcast %parallel_loop3A_904 : vector<16xf32> to vector<16xi32>
        %parallel_loop3A_906 = arith.constant 1 : i32
        %parallel_loop3A_907 = vector.broadcast %parallel_loop3A_906 : i32 to vector<16xi32>
        %parallel_loop3A_908 = arith.shrsi %parallel_loop3A_905, %parallel_loop3A_907 : vector<16xi32>
        %parallel_loop3A_909 = arith.constant 1597463007 : i32
        %parallel_loop3A_910 = vector.broadcast %parallel_loop3A_909 : i32 to vector<16xi32>
        %parallel_loop3A_911 = arith.subi %parallel_loop3A_910, %parallel_loop3A_908 : vector<16xi32>
        %parallel_loop3A_912 = vector.bitcast %parallel_loop3A_911 : vector<16xi32> to vector<16xf32>
        %parallel_loop3A_913 = arith.constant 5.000000e-01 : f32
        %parallel_loop3A_914 = vector.broadcast %parallel_loop3A_913 : f32 to vector<16xf32>
        %parallel_loop3A_915 = arith.mulf %parallel_loop3A_914, %parallel_loop3A_904 : vector<16xf32>
        %parallel_loop3A_916 = arith.mulf %parallel_loop3A_915, %parallel_loop3A_912 : vector<16xf32>
        %parallel_loop3A_917 = arith.mulf %parallel_loop3A_916, %parallel_loop3A_912 : vector<16xf32>
        %parallel_loop3A_918 = arith.constant 1.500000e+00 : f32
        %parallel_loop3A_919 = vector.broadcast %parallel_loop3A_918 : f32 to vector<16xf32>
        %parallel_loop3A_920 = arith.subf %parallel_loop3A_919, %parallel_loop3A_917 : vector<16xf32>
        %parallel_loop3A_921 = arith.mulf %parallel_loop3A_912, %parallel_loop3A_920 : vector<16xf32>
        %parallel_loop3A_922 = arith.constant 5.000000e-01 : f32
        %parallel_loop3A_923 = vector.broadcast %parallel_loop3A_922 : f32 to vector<16xf32>
        %parallel_loop3A_924 = arith.mulf %parallel_loop3A_923, %parallel_loop3A_904 : vector<16xf32>
        %parallel_loop3A_925 = arith.mulf %parallel_loop3A_924, %parallel_loop3A_921 : vector<16xf32>
        %parallel_loop3A_926 = arith.mulf %parallel_loop3A_925, %parallel_loop3A_921 : vector<16xf32>
        %parallel_loop3A_927 = arith.constant 1.500000e+00 : f32
        %parallel_loop3A_928 = vector.broadcast %parallel_loop3A_927 : f32 to vector<16xf32>
        %parallel_loop3A_929 = arith.subf %parallel_loop3A_928, %parallel_loop3A_926 : vector<16xf32>
        %parallel_loop3A_930 = arith.mulf %parallel_loop3A_921, %parallel_loop3A_929 : vector<16xf32>
        %parallel_loop3A_931 = arith.constant 0 : i32
        %parallel_loop3A_932 = arith.constant 64 : i32
        %parallel_loop3A_933 = arith.constant 1 : i32
        scf.for %parallel_loop3A_934 = %parallel_loop3A_931 to %parallel_loop3A_932 step %parallel_loop3A_933  : i32 {
          %parallel_loop3A_935 = arith.constant 16 : i32
          %parallel_loop3A_936 = arith.muli %parallel_loop3A_934, %parallel_loop3A_935 : i32
          %parallel_loop3A_937 = arith.index_cast %parallel_loop3A_936 : i32 to index
          %parallel_loop3A_938 = tpu.vector_load %arg11[%parallel_loop3A_937] {strides = array<i32>} : memref<1024xf32, #tpu.memory_space<vmem>>, vector<16xf32>,
          %parallel_loop3A_939 = arith.index_cast %parallel_loop3A_936 : i32 to index
          %parallel_loop3A_940 = tpu.vector_load %arg12[%parallel_loop3A_939] {strides = array<i32>} : memref<1024xf32, #tpu.memory_space<vmem>>, vector<16xf32>,
          %parallel_loop3A_941 = arith.constant 0 : i32
          %parallel_loop3A_942 = arith.addi %parallel_loop3A_574, %parallel_loop3A_941 : i32
          %parallel_loop3A_943 = arith.constant 0 : i32
          %parallel_loop3A_944 = arith.constant 0 : i32
          %parallel_loop3A_945 = arith.index_cast %parallel_loop3A_943 : i32 to index
          %parallel_loop3A_946 = arith.index_cast %parallel_loop3A_944 : i32 to index
          %parallel_loop3A_947 = arith.index_cast %parallel_loop3A_942 : i32 to index
          %parallel_loop3A_948 = arith.index_cast %parallel_loop3A_936 : i32 to index
          %parallel_loop3A_949 = tpu.vector_load %arg9[%parallel_loop3A_945, %parallel_loop3A_946, %parallel_loop3A_947, %parallel_loop3A_948] {strides = array<i32>} : memref<2x4x8x1024xf32, #tpu.memory_space<vmem>>, vector<16xf32>,
          %parallel_loop3A_950 = arith.subf %parallel_loop3A_949, %parallel_loop3A_593 : vector<16xf32>
          %parallel_loop3A_951 = arith.mulf %parallel_loop3A_950, %parallel_loop3A_622 : vector<16xf32>
          %parallel_loop3A_952 = arith.mulf %parallel_loop3A_951, %parallel_loop3A_938 : vector<16xf32>
          %parallel_loop3A_953 = arith.addf %parallel_loop3A_952, %parallel_loop3A_940 : vector<16xf32>
          %parallel_loop3A_954 = arith.constant 0 : i32
          %parallel_loop3A_955 = arith.constant 0 : i32
          %parallel_loop3A_956 = arith.index_cast %parallel_loop3A_954 : i32 to index
          %parallel_loop3A_957 = arith.index_cast %parallel_loop3A_955 : i32 to index
          %parallel_loop3A_958 = arith.index_cast %parallel_loop3A_942 : i32 to index
          %parallel_loop3A_959 = arith.index_cast %parallel_loop3A_936 : i32 to index
          %parallel_loop3A_960 = tpu.vector_load %arg9[%parallel_loop3A_956, %parallel_loop3A_957, %parallel_loop3A_958, %parallel_loop3A_959] {strides = array<i32>} : memref<2x4x8x1024xf32, #tpu.memory_space<vmem>>, vector<16xf32>,
          tpu.vector_store %arg9[%parallel_loop3A_956, %parallel_loop3A_957, %parallel_loop3A_958, %parallel_loop3A_959], %parallel_loop3A_953 {strides = array<i32>} : memref<2x4x8x1024xf32, #tpu.memory_space<vmem>>, vector<16xf32>,
          %parallel_loop3A_961 = arith.constant 0 : i32
          %parallel_loop3A_962 = arith.constant 1 : i32
          %parallel_loop3A_963 = arith.index_cast %parallel_loop3A_961 : i32 to index
          %parallel_loop3A_964 = arith.index_cast %parallel_loop3A_962 : i32 to index
          %parallel_loop3A_965 = arith.index_cast %parallel_loop3A_942 : i32 to index
          %parallel_loop3A_966 = arith.index_cast %parallel_loop3A_936 : i32 to index
          %parallel_loop3A_967 = tpu.vector_load %arg9[%parallel_loop3A_963, %parallel_loop3A_964, %parallel_loop3A_965, %parallel_loop3A_966] {strides = array<i32>} : memref<2x4x8x1024xf32, #tpu.memory_space<vmem>>, vector<16xf32>,
          %parallel_loop3A_968 = arith.subf %parallel_loop3A_967, %parallel_loop3A_637 : vector<16xf32>
          %parallel_loop3A_969 = arith.mulf %parallel_loop3A_968, %parallel_loop3A_666 : vector<16xf32>
          %parallel_loop3A_970 = arith.mulf %parallel_loop3A_969, %parallel_loop3A_938 : vector<16xf32>
          %parallel_loop3A_971 = arith.addf %parallel_loop3A_970, %parallel_loop3A_940 : vector<16xf32>
          %parallel_loop3A_972 = arith.constant 0 : i32
          %parallel_loop3A_973 = arith.constant 1 : i32
          %parallel_loop3A_974 = arith.index_cast %parallel_loop3A_972 : i32 to index
          %parallel_loop3A_975 = arith.index_cast %parallel_loop3A_973 : i32 to index
          %parallel_loop3A_976 = arith.index_cast %parallel_loop3A_942 : i32 to index
          %parallel_loop3A_977 = arith.index_cast %parallel_loop3A_936 : i32 to index
          %parallel_loop3A_978 = tpu.vector_load %arg9[%parallel_loop3A_974, %parallel_loop3A_975, %parallel_loop3A_976, %parallel_loop3A_977] {strides = array<i32>} : memref<2x4x8x1024xf32, #tpu.memory_space<vmem>>, vector<16xf32>,
          tpu.vector_store %arg9[%parallel_loop3A_974, %parallel_loop3A_975, %parallel_loop3A_976, %parallel_loop3A_977], %parallel_loop3A_971 {strides = array<i32>} : memref<2x4x8x1024xf32, #tpu.memory_space<vmem>>, vector<16xf32>,
          %parallel_loop3A_979 = arith.constant 0 : i32
          %parallel_loop3A_980 = arith.constant 2 : i32
          %parallel_loop3A_981 = arith.index_cast %parallel_loop3A_979 : i32 to index
          %parallel_loop3A_982 = arith.index_cast %parallel_loop3A_980 : i32 to index
          %parallel_loop3A_983 = arith.index_cast %parallel_loop3A_942 : i32 to index
          %parallel_loop3A_984 = arith.index_cast %parallel_loop3A_936 : i32 to index
          %parallel_loop3A_985 = tpu.vector_load %arg9[%parallel_loop3A_981, %parallel_loop3A_982, %parallel_loop3A_983, %parallel_loop3A_984] {strides = array<i32>} : memref<2x4x8x1024xf32, #tpu.memory_space<vmem>>, vector<16xf32>,
          %parallel_loop3A_986 = arith.subf %parallel_loop3A_985, %parallel_loop3A_681 : vector<16xf32>
          %parallel_loop3A_987 = arith.mulf %parallel_loop3A_986, %parallel_loop3A_710 : vector<16xf32>
          %parallel_loop3A_988 = arith.mulf %parallel_loop3A_987, %parallel_loop3A_938 : vector<16xf32>
          %parallel_loop3A_989 = arith.addf %parallel_loop3A_988, %parallel_loop3A_940 : vector<16xf32>
          %parallel_loop3A_990 = arith.constant 0 : i32
          %parallel_loop3A_991 = arith.constant 2 : i32
          %parallel_loop3A_992 = arith.index_cast %parallel_loop3A_990 : i32 to index
          %parallel_loop3A_993 = arith.index_cast %parallel_loop3A_991 : i32 to index
          %parallel_loop3A_994 = arith.index_cast %parallel_loop3A_942 : i32 to index
          %parallel_loop3A_995 = arith.index_cast %parallel_loop3A_936 : i32 to index
          %parallel_loop3A_996 = tpu.vector_load %arg9[%parallel_loop3A_992, %parallel_loop3A_993, %parallel_loop3A_994, %parallel_loop3A_995] {strides = array<i32>} : memref<2x4x8x1024xf32, #tpu.memory_space<vmem>>, vector<16xf32>,
          tpu.vector_store %arg9[%parallel_loop3A_992, %parallel_loop3A_993, %parallel_loop3A_994, %parallel_loop3A_995], %parallel_loop3A_989 {strides = array<i32>} : memref<2x4x8x1024xf32, #tpu.memory_space<vmem>>, vector<16xf32>,
          %parallel_loop3A_997 = arith.constant 0 : i32
          %parallel_loop3A_998 = arith.constant 3 : i32
          %parallel_loop3A_999 = arith.index_cast %parallel_loop3A_997 : i32 to index
          %parallel_loop3A_1000 = arith.index_cast %parallel_loop3A_998 : i32 to index
          %parallel_loop3A_1001 = arith.index_cast %parallel_loop3A_942 : i32 to index
          %parallel_loop3A_1002 = arith.index_cast %parallel_loop3A_936 : i32 to index
          %parallel_loop3A_1003 = tpu.vector_load %arg9[%parallel_loop3A_999, %parallel_loop3A_1000, %parallel_loop3A_1001, %parallel_loop3A_1002] {strides = array<i32>} : memref<2x4x8x1024xf32, #tpu.memory_space<vmem>>, vector<16xf32>,
          %parallel_loop3A_1004 = arith.subf %parallel_loop3A_1003, %parallel_loop3A_725 : vector<16xf32>
          %parallel_loop3A_1005 = arith.mulf %parallel_loop3A_1004, %parallel_loop3A_754 : vector<16xf32>
          %parallel_loop3A_1006 = arith.mulf %parallel_loop3A_1005, %parallel_loop3A_938 : vector<16xf32>
          %parallel_loop3A_1007 = arith.addf %parallel_loop3A_1006, %parallel_loop3A_940 : vector<16xf32>
          %parallel_loop3A_1008 = arith.constant 0 : i32
          %parallel_loop3A_1009 = arith.constant 3 : i32
          %parallel_loop3A_1010 = arith.index_cast %parallel_loop3A_1008 : i32 to index
          %parallel_loop3A_1011 = arith.index_cast %parallel_loop3A_1009 : i32 to index
          %parallel_loop3A_1012 = arith.index_cast %parallel_loop3A_942 : i32 to index
          %parallel_loop3A_1013 = arith.index_cast %parallel_loop3A_936 : i32 to index
          %parallel_loop3A_1014 = tpu.vector_load %arg9[%parallel_loop3A_1010, %parallel_loop3A_1011, %parallel_loop3A_1012, %parallel_loop3A_1013] {strides = array<i32>} : memref<2x4x8x1024xf32, #tpu.memory_space<vmem>>, vector<16xf32>,
          tpu.vector_store %arg9[%parallel_loop3A_1010, %parallel_loop3A_1011, %parallel_loop3A_1012, %parallel_loop3A_1013], %parallel_loop3A_1007 {strides = array<i32>} : memref<2x4x8x1024xf32, #tpu.memory_space<vmem>>, vector<16xf32>,
          %parallel_loop3A_1015 = arith.constant 1 : i32
          %parallel_loop3A_1016 = arith.addi %parallel_loop3A_574, %parallel_loop3A_1015 : i32
          %parallel_loop3A_1017 = arith.constant 0 : i32
          %parallel_loop3A_1018 = arith.constant 0 : i32
          %parallel_loop3A_1019 = arith.index_cast %parallel_loop3A_1017 : i32 to index
          %parallel_loop3A_1020 = arith.index_cast %parallel_loop3A_1018 : i32 to index
          %parallel_loop3A_1021 = arith.index_cast %parallel_loop3A_1016 : i32 to index
          %parallel_loop3A_1022 = arith.index_cast %parallel_loop3A_936 : i32 to index
          %parallel_loop3A_1023 = tpu.vector_load %arg9[%parallel_loop3A_1019, %parallel_loop3A_1020, %parallel_loop3A_1021, %parallel_loop3A_1022] {strides = array<i32>} : memref<2x4x8x1024xf32, #tpu.memory_space<vmem>>, vector<16xf32>,
          %parallel_loop3A_1024 = arith.subf %parallel_loop3A_1023, %parallel_loop3A_769 : vector<16xf32>
          %parallel_loop3A_1025 = arith.mulf %parallel_loop3A_1024, %parallel_loop3A_798 : vector<16xf32>
          %parallel_loop3A_1026 = arith.mulf %parallel_loop3A_1025, %parallel_loop3A_938 : vector<16xf32>
          %parallel_loop3A_1027 = arith.addf %parallel_loop3A_1026, %parallel_loop3A_940 : vector<16xf32>
          %parallel_loop3A_1028 = arith.constant 0 : i32
          %parallel_loop3A_1029 = arith.constant 0 : i32
          %parallel_loop3A_1030 = arith.index_cast %parallel_loop3A_1028 : i32 to index
          %parallel_loop3A_1031 = arith.index_cast %parallel_loop3A_1029 : i32 to index
          %parallel_loop3A_1032 = arith.index_cast %parallel_loop3A_1016 : i32 to index
          %parallel_loop3A_1033 = arith.index_cast %parallel_loop3A_936 : i32 to index
          %parallel_loop3A_1034 = tpu.vector_load %arg9[%parallel_loop3A_1030, %parallel_loop3A_1031, %parallel_loop3A_1032, %parallel_loop3A_1033] {strides = array<i32>} : memref<2x4x8x1024xf32, #tpu.memory_space<vmem>>, vector<16xf32>,
          tpu.vector_store %arg9[%parallel_loop3A_1030, %parallel_loop3A_1031, %parallel_loop3A_1032, %parallel_loop3A_1033], %parallel_loop3A_1027 {strides = array<i32>} : memref<2x4x8x1024xf32, #tpu.memory_space<vmem>>, vector<16xf32>,
          %parallel_loop3A_1035 = arith.constant 0 : i32
          %parallel_loop3A_1036 = arith.constant 1 : i32
          %parallel_loop3A_1037 = arith.index_cast %parallel_loop3A_1035 : i32 to index
          %parallel_loop3A_1038 = arith.index_cast %parallel_loop3A_1036 : i32 to index
          %parallel_loop3A_1039 = arith.index_cast %parallel_loop3A_1016 : i32 to index
          %parallel_loop3A_1040 = arith.index_cast %parallel_loop3A_936 : i32 to index
          %parallel_loop3A_1041 = tpu.vector_load %arg9[%parallel_loop3A_1037, %parallel_loop3A_1038, %parallel_loop3A_1039, %parallel_loop3A_1040] {strides = array<i32>} : memref<2x4x8x1024xf32, #tpu.memory_space<vmem>>, vector<16xf32>,
          %parallel_loop3A_1042 = arith.subf %parallel_loop3A_1041, %parallel_loop3A_813 : vector<16xf32>
          %parallel_loop3A_1043 = arith.mulf %parallel_loop3A_1042, %parallel_loop3A_842 : vector<16xf32>
          %parallel_loop3A_1044 = arith.mulf %parallel_loop3A_1043, %parallel_loop3A_938 : vector<16xf32>
          %parallel_loop3A_1045 = arith.addf %parallel_loop3A_1044, %parallel_loop3A_940 : vector<16xf32>
          %parallel_loop3A_1046 = arith.constant 0 : i32
          %parallel_loop3A_1047 = arith.constant 1 : i32
          %parallel_loop3A_1048 = arith.index_cast %parallel_loop3A_1046 : i32 to index
          %parallel_loop3A_1049 = arith.index_cast %parallel_loop3A_1047 : i32 to index
          %parallel_loop3A_1050 = arith.index_cast %parallel_loop3A_1016 : i32 to index
          %parallel_loop3A_1051 = arith.index_cast %parallel_loop3A_936 : i32 to index
          %parallel_loop3A_1052 = tpu.vector_load %arg9[%parallel_loop3A_1048, %parallel_loop3A_1049, %parallel_loop3A_1050, %parallel_loop3A_1051] {strides = array<i32>} : memref<2x4x8x1024xf32, #tpu.memory_space<vmem>>, vector<16xf32>,
          tpu.vector_store %arg9[%parallel_loop3A_1048, %parallel_loop3A_1049, %parallel_loop3A_1050, %parallel_loop3A_1051], %parallel_loop3A_1045 {strides = array<i32>} : memref<2x4x8x1024xf32, #tpu.memory_space<vmem>>, vector<16xf32>,
          %parallel_loop3A_1053 = arith.constant 0 : i32
          %parallel_loop3A_1054 = arith.constant 2 : i32
          %parallel_loop3A_1055 = arith.index_cast %parallel_loop3A_1053 : i32 to index
          %parallel_loop3A_1056 = arith.index_cast %parallel_loop3A_1054 : i32 to index
          %parallel_loop3A_1057 = arith.index_cast %parallel_loop3A_1016 : i32 to index
          %parallel_loop3A_1058 = arith.index_cast %parallel_loop3A_936 : i32 to index
          %parallel_loop3A_1059 = tpu.vector_load %arg9[%parallel_loop3A_1055, %parallel_loop3A_1056, %parallel_loop3A_1057, %parallel_loop3A_1058] {strides = array<i32>} : memref<2x4x8x1024xf32, #tpu.memory_space<vmem>>, vector<16xf32>,
          %parallel_loop3A_1060 = arith.subf %parallel_loop3A_1059, %parallel_loop3A_857 : vector<16xf32>
          %parallel_loop3A_1061 = arith.mulf %parallel_loop3A_1060, %parallel_loop3A_886 : vector<16xf32>
          %parallel_loop3A_1062 = arith.mulf %parallel_loop3A_1061, %parallel_loop3A_938 : vector<16xf32>
          %parallel_loop3A_1063 = arith.addf %parallel_loop3A_1062, %parallel_loop3A_940 : vector<16xf32>
          %parallel_loop3A_1064 = arith.constant 0 : i32
          %parallel_loop3A_1065 = arith.constant 2 : i32
          %parallel_loop3A_1066 = arith.index_cast %parallel_loop3A_1064 : i32 to index
          %parallel_loop3A_1067 = arith.index_cast %parallel_loop3A_1065 : i32 to index
          %parallel_loop3A_1068 = arith.index_cast %parallel_loop3A_1016 : i32 to index
          %parallel_loop3A_1069 = arith.index_cast %parallel_loop3A_936 : i32 to index
          %parallel_loop3A_1070 = tpu.vector_load %arg9[%parallel_loop3A_1066, %parallel_loop3A_1067, %parallel_loop3A_1068, %parallel_loop3A_1069] {strides = array<i32>} : memref<2x4x8x1024xf32, #tpu.memory_space<vmem>>, vector<16xf32>,
          tpu.vector_store %arg9[%parallel_loop3A_1066, %parallel_loop3A_1067, %parallel_loop3A_1068, %parallel_loop3A_1069], %parallel_loop3A_1063 {strides = array<i32>} : memref<2x4x8x1024xf32, #tpu.memory_space<vmem>>, vector<16xf32>,
          %parallel_loop3A_1071 = arith.constant 0 : i32
          %parallel_loop3A_1072 = arith.constant 3 : i32
          %parallel_loop3A_1073 = arith.index_cast %parallel_loop3A_1071 : i32 to index
          %parallel_loop3A_1074 = arith.index_cast %parallel_loop3A_1072 : i32 to index
          %parallel_loop3A_1075 = arith.index_cast %parallel_loop3A_1016 : i32 to index
          %parallel_loop3A_1076 = arith.index_cast %parallel_loop3A_936 : i32 to index
          %parallel_loop3A_1077 = tpu.vector_load %arg9[%parallel_loop3A_1073, %parallel_loop3A_1074, %parallel_loop3A_1075, %parallel_loop3A_1076] {strides = array<i32>} : memref<2x4x8x1024xf32, #tpu.memory_space<vmem>>, vector<16xf32>,
          %parallel_loop3A_1078 = arith.subf %parallel_loop3A_1077, %parallel_loop3A_901 : vector<16xf32>
          %parallel_loop3A_1079 = arith.mulf %parallel_loop3A_1078, %parallel_loop3A_930 : vector<16xf32>
          %parallel_loop3A_1080 = arith.mulf %parallel_loop3A_1079, %parallel_loop3A_938 : vector<16xf32>
          %parallel_loop3A_1081 = arith.addf %parallel_loop3A_1080, %parallel_loop3A_940 : vector<16xf32>
          %parallel_loop3A_1082 = arith.constant 0 : i32
          %parallel_loop3A_1083 = arith.constant 3 : i32
          %parallel_loop3A_1084 = arith.index_cast %parallel_loop3A_1082 : i32 to index
          %parallel_loop3A_1085 = arith.index_cast %parallel_loop3A_1083 : i32 to index
          %parallel_loop3A_1086 = arith.index_cast %parallel_loop3A_1016 : i32 to index
          %parallel_loop3A_1087 = arith.index_cast %parallel_loop3A_936 : i32 to index
          %parallel_loop3A_1088 = tpu.vector_load %arg9[%parallel_loop3A_1084, %parallel_loop3A_1085, %parallel_loop3A_1086, %parallel_loop3A_1087] {strides = array<i32>} : memref<2x4x8x1024xf32, #tpu.memory_space<vmem>>, vector<16xf32>,
          tpu.vector_store %arg9[%parallel_loop3A_1084, %parallel_loop3A_1085, %parallel_loop3A_1086, %parallel_loop3A_1087], %parallel_loop3A_1081 {strides = array<i32>} : memref<2x4x8x1024xf32, #tpu.memory_space<vmem>>, vector<16xf32>,
        } {sc.loop_unroll_factor = 2 : i64, sc.parallel_access}
      } {sc.loop_unroll_factor = 1 : i64, sc.parallel_access}
      %mul3A_336 = arith.constant 8 : i32
      %mul3A_337 = arith.muli %add3A_245, %mul3A_336 : i32
      %add3A_338 = arith.addi %mul3A_2, %mul3A_337 : i32
      %dma_start3A_339 = arith.constant 0 : i32
      %dma_start3A_340 = arith.constant 0 : i32
      %dma_start3A_341 = arith.constant 0 : i32
      %dma_start3A_342 = arith.constant 0 : i32
      %dma_start3A_343 = arith.constant 0 : i32
      %dma_start3A_344 = tpu.memref_slice %arg9[%dma_start3A_339, %dma_start3A_340, %dma_start3A_342, %dma_start3A_343] : memref<2x4x8x1024xf32, #tpu.memory_space<vmem>> -> memref<1x1x8x1024xf32, #tpu.memory_space<vmem>>
      %dma_start3A_345 = tpu.memref_squeeze %dma_start3A_344 : memref<1x1x8x1024xf32, #tpu.memory_space<vmem>> -> memref<8x1024xf32, #tpu.memory_space<vmem>>
      %dma_start3A_346 = arith.constant 0 : i32
      %dma_start3A_347 = tpu.memref_slice %arg7[%dma_start3A_341, %add3A_338, %dma_start3A_346] : memref<4x2048x1024xf32, #tpu.memory_space<hbm>> -> memref<1x8x1024xf32, #tpu.memory_space<hbm>>
      %dma_start3A_348 = tpu.memref_squeeze %dma_start3A_347 : memref<1x8x1024xf32, #tpu.memory_space<hbm>> -> memref<8x1024xf32, #tpu.memory_space<hbm>>
      %dma_start3A_349 = arith.constant 0 : i32
      %dma_start3A_350 = tpu.memref_slice %arg7[%dma_start3A_341, %add3A_338, %dma_start3A_349] : memref<4x2048x1024xf32, #tpu.memory_space<hbm>> -> memref<1x8x1024xf32, #tpu.memory_space<hbm>>
      %dma_start3A_351 = tpu.memref_squeeze %dma_start3A_350 : memref<1x8x1024xf32, #tpu.memory_space<hbm>> -> memref<8x1024xf32, #tpu.memory_space<hbm>>
      %dma_start3A_352 = arith.constant 0 : i32
      %dma_start3A_353 = arith.constant 0 : i32
      %dma_start3A_354 = tpu.memref_slice %arg9[%dma_start3A_339, %dma_start3A_340, %dma_start3A_352, %dma_start3A_353] : memref<2x4x8x1024xf32, #tpu.memory_space<vmem>> -> memref<1x1x8x1024xf32, #tpu.memory_space<vmem>>
      %dma_start3A_355 = tpu.memref_squeeze %dma_start3A_354 : memref<1x1x8x1024xf32, #tpu.memory_space<vmem>> -> memref<8x1024xf32, #tpu.memory_space<vmem>>
      tpu.enqueue_dma source(%dma_start3A_355 : memref<8x1024xf32, #tpu.memory_space<vmem>>) target(%dma_start3A_351 : memref<8x1024xf32, #tpu.memory_space<hbm>>) target_semaphore(%arg15 : memref<!tpu.dma_semaphore, #tpu.memory_space<semaphore_mem>>)
      %dma_start3A_356 = arith.constant 0 : i32
      %dma_start3A_357 = arith.constant 1 : i32
      %dma_start3A_358 = arith.constant 1 : i32
      %dma_start3A_359 = arith.constant 0 : i32
      %dma_start3A_360 = arith.constant 0 : i32
      %dma_start3A_361 = tpu.memref_slice %arg9[%dma_start3A_356, %dma_start3A_357, %dma_start3A_359, %dma_start3A_360] : memref<2x4x8x1024xf32, #tpu.memory_space<vmem>> -> memref<1x1x8x1024xf32, #tpu.memory_space<vmem>>
      %dma_start3A_362 = tpu.memref_squeeze %dma_start3A_361 : memref<1x1x8x1024xf32, #tpu.memory_space<vmem>> -> memref<8x1024xf32, #tpu.memory_space<vmem>>
      %dma_start3A_363 = arith.constant 0 : i32
      %dma_start3A_364 = tpu.memref_slice %arg7[%dma_start3A_358, %add3A_338, %dma_start3A_363] : memref<4x2048x1024xf32, #tpu.memory_space<hbm>> -> memref<1x8x1024xf32, #tpu.memory_space<hbm>>
      %dma_start3A_365 = tpu.memref_squeeze %dma_start3A_364 : memref<1x8x1024xf32, #tpu.memory_space<hbm>> -> memref<8x1024xf32, #tpu.memory_space<hbm>>
      %dma_start3A_366 = arith.constant 0 : i32
      %dma_start3A_367 = tpu.memref_slice %arg7[%dma_start3A_358, %add3A_338, %dma_start3A_366] : memref<4x2048x1024xf32, #tpu.memory_space<hbm>> -> memref<1x8x1024xf32, #tpu.memory_space<hbm>>
      %dma_start3A_368 = tpu.memref_squeeze %dma_start3A_367 : memref<1x8x1024xf32, #tpu.memory_space<hbm>> -> memref<8x1024xf32, #tpu.memory_space<hbm>>
      %dma_start3A_369 = arith.constant 0 : i32
      %dma_start3A_370 = arith.constant 0 : i32
      %dma_start3A_371 = tpu.memref_slice %arg9[%dma_start3A_356, %dma_start3A_357, %dma_start3A_369, %dma_start3A_370] : memref<2x4x8x1024xf32, #tpu.memory_space<vmem>> -> memref<1x1x8x1024xf32, #tpu.memory_space<vmem>>
      %dma_start3A_372 = tpu.memref_squeeze %dma_start3A_371 : memref<1x1x8x1024xf32, #tpu.memory_space<vmem>> -> memref<8x1024xf32, #tpu.memory_space<vmem>>
      tpu.enqueue_dma source(%dma_start3A_372 : memref<8x1024xf32, #tpu.memory_space<vmem>>) target(%dma_start3A_368 : memref<8x1024xf32, #tpu.memory_space<hbm>>) target_semaphore(%arg15 : memref<!tpu.dma_semaphore, #tpu.memory_space<semaphore_mem>>)
      %dma_start3A_373 = arith.constant 0 : i32
      %dma_start3A_374 = arith.constant 2 : i32
      %dma_start3A_375 = arith.constant 2 : i32
      %dma_start3A_376 = arith.constant 0 : i32
      %dma_start3A_377 = arith.constant 0 : i32
      %dma_start3A_378 = tpu.memref_slice %arg9[%dma_start3A_373, %dma_start3A_374, %dma_start3A_376, %dma_start3A_377] : memref<2x4x8x1024xf32, #tpu.memory_space<vmem>> -> memref<1x1x8x1024xf32, #tpu.memory_space<vmem>>
      %dma_start3A_379 = tpu.memref_squeeze %dma_start3A_378 : memref<1x1x8x1024xf32, #tpu.memory_space<vmem>> -> memref<8x1024xf32, #tpu.memory_space<vmem>>
      %dma_start3A_380 = arith.constant 0 : i32
      %dma_start3A_381 = tpu.memref_slice %arg7[%dma_start3A_375, %add3A_338, %dma_start3A_380] : memref<4x2048x1024xf32, #tpu.memory_space<hbm>> -> memref<1x8x1024xf32, #tpu.memory_space<hbm>>
      %dma_start3A_382 = tpu.memref_squeeze %dma_start3A_381 : memref<1x8x1024xf32, #tpu.memory_space<hbm>> -> memref<8x1024xf32, #tpu.memory_space<hbm>>
      %dma_start3A_383 = arith.constant 0 : i32
      %dma_start3A_384 = tpu.memref_slice %arg7[%dma_start3A_375, %add3A_338, %dma_start3A_383] : memref<4x2048x1024xf32, #tpu.memory_space<hbm>> -> memref<1x8x1024xf32, #tpu.memory_space<hbm>>
      %dma_start3A_385 = tpu.memref_squeeze %dma_start3A_384 : memref<1x8x1024xf32, #tpu.memory_space<hbm>> -> memref<8x1024xf32, #tpu.memory_space<hbm>>
      %dma_start3A_386 = arith.constant 0 : i32
      %dma_start3A_387 = arith.constant 0 : i32
      %dma_start3A_388 = tpu.memref_slice %arg9[%dma_start3A_373, %dma_start3A_374, %dma_start3A_386, %dma_start3A_387] : memref<2x4x8x1024xf32, #tpu.memory_space<vmem>> -> memref<1x1x8x1024xf32, #tpu.memory_space<vmem>>
      %dma_start3A_389 = tpu.memref_squeeze %dma_start3A_388 : memref<1x1x8x1024xf32, #tpu.memory_space<vmem>> -> memref<8x1024xf32, #tpu.memory_space<vmem>>
      tpu.enqueue_dma source(%dma_start3A_389 : memref<8x1024xf32, #tpu.memory_space<vmem>>) target(%dma_start3A_385 : memref<8x1024xf32, #tpu.memory_space<hbm>>) target_semaphore(%arg15 : memref<!tpu.dma_semaphore, #tpu.memory_space<semaphore_mem>>)
      %dma_start3A_390 = arith.constant 0 : i32
      %dma_start3A_391 = arith.constant 3 : i32
      %dma_start3A_392 = arith.constant 3 : i32
      %dma_start3A_393 = arith.constant 0 : i32
      %dma_start3A_394 = arith.constant 0 : i32
      %dma_start3A_395 = tpu.memref_slice %arg9[%dma_start3A_390, %dma_start3A_391, %dma_start3A_393, %dma_start3A_394] : memref<2x4x8x1024xf32, #tpu.memory_space<vmem>> -> memref<1x1x8x1024xf32, #tpu.memory_space<vmem>>
      %dma_start3A_396 = tpu.memref_squeeze %dma_start3A_395 : memref<1x1x8x1024xf32, #tpu.memory_space<vmem>> -> memref<8x1024xf32, #tpu.memory_space<vmem>>
      %dma_start3A_397 = arith.constant 0 : i32
      %dma_start3A_398 = tpu.memref_slice %arg7[%dma_start3A_392, %add3A_338, %dma_start3A_397] : memref<4x2048x1024xf32, #tpu.memory_space<hbm>> -> memref<1x8x1024xf32, #tpu.memory_space<hbm>>
      %dma_start3A_399 = tpu.memref_squeeze %dma_start3A_398 : memref<1x8x1024xf32, #tpu.memory_space<hbm>> -> memref<8x1024xf32, #tpu.memory_space<hbm>>
      %dma_start3A_400 = arith.constant 0 : i32
      %dma_start3A_401 = tpu.memref_slice %arg7[%dma_start3A_392, %add3A_338, %dma_start3A_400] : memref<4x2048x1024xf32, #tpu.memory_space<hbm>> -> memref<1x8x1024xf32, #tpu.memory_space<hbm>>
      %dma_start3A_402 = tpu.memref_squeeze %dma_start3A_401 : memref<1x8x1024xf32, #tpu.memory_space<hbm>> -> memref<8x1024xf32, #tpu.memory_space<hbm>>
      %dma_start3A_403 = arith.constant 0 : i32
      %dma_start3A_404 = arith.constant 0 : i32
      %dma_start3A_405 = tpu.memref_slice %arg9[%dma_start3A_390, %dma_start3A_391, %dma_start3A_403, %dma_start3A_404] : memref<2x4x8x1024xf32, #tpu.memory_space<vmem>> -> memref<1x1x8x1024xf32, #tpu.memory_space<vmem>>
      %dma_start3A_406 = tpu.memref_squeeze %dma_start3A_405 : memref<1x1x8x1024xf32, #tpu.memory_space<vmem>> -> memref<8x1024xf32, #tpu.memory_space<vmem>>
      tpu.enqueue_dma source(%dma_start3A_406 : memref<8x1024xf32, #tpu.memory_space<vmem>>) target(%dma_start3A_402 : memref<8x1024xf32, #tpu.memory_space<hbm>>) target_semaphore(%arg15 : memref<!tpu.dma_semaphore, #tpu.memory_space<semaphore_mem>>)
      %add3A_407 = arith.constant 1 : i32
      %add3A_408 = arith.addi %add3A_243, %add3A_407 : i32
      %add3A_409 = arith.constant 1 : i32
      %add3A_410 = arith.addi %add3A_408, %add3A_409 : i32
      %lt3A_411 = arith.constant 8 : i32
      %lt3A_412 = arith.cmpi slt, %add3A_410, %lt3A_411 : i32
      %convert_element_type3A_413 = arith.extui %lt3A_412 : i1 to i32
      %cond3A_414 = arith.constant 0 : i32
      %cond3A_415 = arith.cmpi ne, %convert_element_type3A_413, %cond3A_414 : i32
      scf.if %cond3A_415 {
        %sub3A = arith.constant 1 : i32
        %sub3A_574 = arith.subi %add3A_408, %sub3A : i32
        %ge3A_575 = arith.constant 0 : i32
        %ge3A_576 = arith.cmpi sge, %sub3A_574, %ge3A_575 : i32
        %convert_element_type3A_577 = arith.extui %ge3A_576 : i1 to i32
        %cond3A_578 = arith.constant 0 : i32
        %cond3A_579 = arith.cmpi ne, %convert_element_type3A_577, %cond3A_578 : i32
        scf.if %cond3A_579 {
          %sub3A_666 = arith.constant 1 : i32
          %sub3A_667 = arith.subi %add3A_408, %sub3A_666 : i32
          %mul3A_668 = arith.constant 8 : i32
          %mul3A_669 = arith.muli %sub3A_667, %mul3A_668 : i32
          %add3A_670 = arith.addi %mul3A_2, %mul3A_669 : i32
          %dma_wait3A_671 = arith.constant 0 : i32
          %dma_wait3A_672 = arith.constant 0 : i32
          %dma_wait3A_673 = arith.constant 0 : i32
          %dma_wait3A_674 = arith.constant 0 : i32
          %dma_wait3A_675 = arith.constant 0 : i32
          %dma_wait3A_676 = tpu.memref_slice %arg9[%dma_wait3A_671, %dma_wait3A_672, %dma_wait3A_674, %dma_wait3A_675] : memref<2x4x8x1024xf32, #tpu.memory_space<vmem>> -> memref<1x1x8x1024xf32, #tpu.memory_space<vmem>>
          %dma_wait3A_677 = tpu.memref_squeeze %dma_wait3A_676 : memref<1x1x8x1024xf32, #tpu.memory_space<vmem>> -> memref<8x1024xf32, #tpu.memory_space<vmem>>
          %dma_wait3A_678 = arith.constant 0 : i32
          %dma_wait3A_679 = tpu.memref_slice %arg7[%dma_wait3A_673, %add3A_670, %dma_wait3A_678] : memref<4x2048x1024xf32, #tpu.memory_space<hbm>> -> memref<1x8x1024xf32, #tpu.memory_space<hbm>>
          %dma_wait3A_680 = tpu.memref_squeeze %dma_wait3A_679 : memref<1x8x1024xf32, #tpu.memory_space<hbm>> -> memref<8x1024xf32, #tpu.memory_space<hbm>>
          %dma_wait3A_681 = arith.constant 0 : i32
          %dma_wait3A_682 = tpu.memref_slice %arg7[%dma_wait3A_673, %add3A_670, %dma_wait3A_681] : memref<4x2048x1024xf32, #tpu.memory_space<hbm>> -> memref<1x8x1024xf32, #tpu.memory_space<hbm>>
          %dma_wait3A_683 = tpu.memref_squeeze %dma_wait3A_682 : memref<1x8x1024xf32, #tpu.memory_space<hbm>> -> memref<8x1024xf32, #tpu.memory_space<hbm>>
          %dma_wait3A_684 = arith.constant 0 : i32
          %dma_wait3A_685 = arith.constant 0 : i32
          %dma_wait3A_686 = tpu.memref_slice %arg9[%dma_wait3A_671, %dma_wait3A_672, %dma_wait3A_684, %dma_wait3A_685] : memref<2x4x8x1024xf32, #tpu.memory_space<vmem>> -> memref<1x1x8x1024xf32, #tpu.memory_space<vmem>>
          %dma_wait3A_687 = tpu.memref_squeeze %dma_wait3A_686 : memref<1x1x8x1024xf32, #tpu.memory_space<vmem>> -> memref<8x1024xf32, #tpu.memory_space<vmem>>
          tpu.wait_dma2 semaphore(%arg15 : memref<!tpu.dma_semaphore, #tpu.memory_space<semaphore_mem>>) src(%dma_wait3A_687 : memref<8x1024xf32, #tpu.memory_space<vmem>>) dst(%dma_wait3A_683 : memref<8x1024xf32, #tpu.memory_space<hbm>>)
          %dma_wait3A_688 = arith.constant 0 : i32
          %dma_wait3A_689 = arith.constant 1 : i32
          %dma_wait3A_690 = arith.constant 1 : i32
          %dma_wait3A_691 = arith.constant 0 : i32
          %dma_wait3A_692 = arith.constant 0 : i32
          %dma_wait3A_693 = tpu.memref_slice %arg9[%dma_wait3A_688, %dma_wait3A_689, %dma_wait3A_691, %dma_wait3A_692] : memref<2x4x8x1024xf32, #tpu.memory_space<vmem>> -> memref<1x1x8x1024xf32, #tpu.memory_space<vmem>>
          %dma_wait3A_694 = tpu.memref_squeeze %dma_wait3A_693 : memref<1x1x8x1024xf32, #tpu.memory_space<vmem>> -> memref<8x1024xf32, #tpu.memory_space<vmem>>
          %dma_wait3A_695 = arith.constant 0 : i32
          %dma_wait3A_696 = tpu.memref_slice %arg7[%dma_wait3A_690, %add3A_670, %dma_wait3A_695] : memref<4x2048x1024xf32, #tpu.memory_space<hbm>> -> memref<1x8x1024xf32, #tpu.memory_space<hbm>>
          %dma_wait3A_697 = tpu.memref_squeeze %dma_wait3A_696 : memref<1x8x1024xf32, #tpu.memory_space<hbm>> -> memref<8x1024xf32, #tpu.memory_space<hbm>>
          %dma_wait3A_698 = arith.constant 0 : i32
          %dma_wait3A_699 = tpu.memref_slice %arg7[%dma_wait3A_690, %add3A_670, %dma_wait3A_698] : memref<4x2048x1024xf32, #tpu.memory_space<hbm>> -> memref<1x8x1024xf32, #tpu.memory_space<hbm>>
          %dma_wait3A_700 = tpu.memref_squeeze %dma_wait3A_699 : memref<1x8x1024xf32, #tpu.memory_space<hbm>> -> memref<8x1024xf32, #tpu.memory_space<hbm>>
          %dma_wait3A_701 = arith.constant 0 : i32
          %dma_wait3A_702 = arith.constant 0 : i32
          %dma_wait3A_703 = tpu.memref_slice %arg9[%dma_wait3A_688, %dma_wait3A_689, %dma_wait3A_701, %dma_wait3A_702] : memref<2x4x8x1024xf32, #tpu.memory_space<vmem>> -> memref<1x1x8x1024xf32, #tpu.memory_space<vmem>>
          %dma_wait3A_704 = tpu.memref_squeeze %dma_wait3A_703 : memref<1x1x8x1024xf32, #tpu.memory_space<vmem>> -> memref<8x1024xf32, #tpu.memory_space<vmem>>
          tpu.wait_dma2 semaphore(%arg15 : memref<!tpu.dma_semaphore, #tpu.memory_space<semaphore_mem>>) src(%dma_wait3A_704 : memref<8x1024xf32, #tpu.memory_space<vmem>>) dst(%dma_wait3A_700 : memref<8x1024xf32, #tpu.memory_space<hbm>>)
          %dma_wait3A_705 = arith.constant 0 : i32
          %dma_wait3A_706 = arith.constant 2 : i32
          %dma_wait3A_707 = arith.constant 2 : i32
          %dma_wait3A_708 = arith.constant 0 : i32
          %dma_wait3A_709 = arith.constant 0 : i32
          %dma_wait3A_710 = tpu.memref_slice %arg9[%dma_wait3A_705, %dma_wait3A_706, %dma_wait3A_708, %dma_wait3A_709] : memref<2x4x8x1024xf32, #tpu.memory_space<vmem>> -> memref<1x1x8x1024xf32, #tpu.memory_space<vmem>>
          %dma_wait3A_711 = tpu.memref_squeeze %dma_wait3A_710 : memref<1x1x8x1024xf32, #tpu.memory_space<vmem>> -> memref<8x1024xf32, #tpu.memory_space<vmem>>
          %dma_wait3A_712 = arith.constant 0 : i32
          %dma_wait3A_713 = tpu.memref_slice %arg7[%dma_wait3A_707, %add3A_670, %dma_wait3A_712] : memref<4x2048x1024xf32, #tpu.memory_space<hbm>> -> memref<1x8x1024xf32, #tpu.memory_space<hbm>>
          %dma_wait3A_714 = tpu.memref_squeeze %dma_wait3A_713 : memref<1x8x1024xf32, #tpu.memory_space<hbm>> -> memref<8x1024xf32, #tpu.memory_space<hbm>>
          %dma_wait3A_715 = arith.constant 0 : i32
          %dma_wait3A_716 = tpu.memref_slice %arg7[%dma_wait3A_707, %add3A_670, %dma_wait3A_715] : memref<4x2048x1024xf32, #tpu.memory_space<hbm>> -> memref<1x8x1024xf32, #tpu.memory_space<hbm>>
          %dma_wait3A_717 = tpu.memref_squeeze %dma_wait3A_716 : memref<1x8x1024xf32, #tpu.memory_space<hbm>> -> memref<8x1024xf32, #tpu.memory_space<hbm>>
          %dma_wait3A_718 = arith.constant 0 : i32
          %dma_wait3A_719 = arith.constant 0 : i32
          %dma_wait3A_720 = tpu.memref_slice %arg9[%dma_wait3A_705, %dma_wait3A_706, %dma_wait3A_718, %dma_wait3A_719] : memref<2x4x8x1024xf32, #tpu.memory_space<vmem>> -> memref<1x1x8x1024xf32, #tpu.memory_space<vmem>>
          %dma_wait3A_721 = tpu.memref_squeeze %dma_wait3A_720 : memref<1x1x8x1024xf32, #tpu.memory_space<vmem>> -> memref<8x1024xf32, #tpu.memory_space<vmem>>
          tpu.wait_dma2 semaphore(%arg15 : memref<!tpu.dma_semaphore, #tpu.memory_space<semaphore_mem>>) src(%dma_wait3A_721 : memref<8x1024xf32, #tpu.memory_space<vmem>>) dst(%dma_wait3A_717 : memref<8x1024xf32, #tpu.memory_space<hbm>>)
          %dma_wait3A_722 = arith.constant 0 : i32
          %dma_wait3A_723 = arith.constant 3 : i32
          %dma_wait3A_724 = arith.constant 3 : i32
          %dma_wait3A_725 = arith.constant 0 : i32
          %dma_wait3A_726 = arith.constant 0 : i32
          %dma_wait3A_727 = tpu.memref_slice %arg9[%dma_wait3A_722, %dma_wait3A_723, %dma_wait3A_725, %dma_wait3A_726] : memref<2x4x8x1024xf32, #tpu.memory_space<vmem>> -> memref<1x1x8x1024xf32, #tpu.memory_space<vmem>>
          %dma_wait3A_728 = tpu.memref_squeeze %dma_wait3A_727 : memref<1x1x8x1024xf32, #tpu.memory_space<vmem>> -> memref<8x1024xf32, #tpu.memory_space<vmem>>
          %dma_wait3A_729 = arith.constant 0 : i32
          %dma_wait3A_730 = tpu.memref_slice %arg7[%dma_wait3A_724, %add3A_670, %dma_wait3A_729] : memref<4x2048x1024xf32, #tpu.memory_space<hbm>> -> memref<1x8x1024xf32, #tpu.memory_space<hbm>>
          %dma_wait3A_731 = tpu.memref_squeeze %dma_wait3A_730 : memref<1x8x1024xf32, #tpu.memory_space<hbm>> -> memref<8x1024xf32, #tpu.memory_space<hbm>>
          %dma_wait3A_732 = arith.constant 0 : i32
          %dma_wait3A_733 = tpu.memref_slice %arg7[%dma_wait3A_724, %add3A_670, %dma_wait3A_732] : memref<4x2048x1024xf32, #tpu.memory_space<hbm>> -> memref<1x8x1024xf32, #tpu.memory_space<hbm>>
          %dma_wait3A_734 = tpu.memref_squeeze %dma_wait3A_733 : memref<1x8x1024xf32, #tpu.memory_space<hbm>> -> memref<8x1024xf32, #tpu.memory_space<hbm>>
          %dma_wait3A_735 = arith.constant 0 : i32
          %dma_wait3A_736 = arith.constant 0 : i32
          %dma_wait3A_737 = tpu.memref_slice %arg9[%dma_wait3A_722, %dma_wait3A_723, %dma_wait3A_735, %dma_wait3A_736] : memref<2x4x8x1024xf32, #tpu.memory_space<vmem>> -> memref<1x1x8x1024xf32, #tpu.memory_space<vmem>>
          %dma_wait3A_738 = tpu.memref_squeeze %dma_wait3A_737 : memref<1x1x8x1024xf32, #tpu.memory_space<vmem>> -> memref<8x1024xf32, #tpu.memory_space<vmem>>
          tpu.wait_dma2 semaphore(%arg15 : memref<!tpu.dma_semaphore, #tpu.memory_space<semaphore_mem>>) src(%dma_wait3A_738 : memref<8x1024xf32, #tpu.memory_space<vmem>>) dst(%dma_wait3A_734 : memref<8x1024xf32, #tpu.memory_space<hbm>>)
        } else {
        }
        %add3A_580 = arith.constant 1 : i32
        %add3A_581 = arith.addi %add3A_408, %add3A_580 : i32
        %mul3A_582 = arith.constant 8 : i32
        %mul3A_583 = arith.muli %add3A_581, %mul3A_582 : i32
        %add3A_584 = arith.addi %mul3A_2, %mul3A_583 : i32
        %dma_start3A_585 = arith.constant 0 : i32
        %dma_start3A_586 = arith.constant 0 : i32
        %dma_start3A_587 = arith.constant 0 : i32
        %dma_start3A_588 = tpu.memref_slice %arg8[%dma_start3A_585, %dma_start3A_586, %dma_start3A_587] : memref<2x8x1024xf32, #tpu.memory_space<vmem>> -> memref<1x8x1024xf32, #tpu.memory_space<vmem>>
        %dma_start3A_589 = tpu.memref_squeeze %dma_start3A_588 : memref<1x8x1024xf32, #tpu.memory_space<vmem>> -> memref<8x1024xf32, #tpu.memory_space<vmem>>
        %dma_start3A_590 = arith.constant 0 : i32
        %dma_start3A_591 = tpu.memref_slice %arg3[%add3A_584, %dma_start3A_590] : memref<2048x1024xf32, #tpu.memory_space<hbm>> -> memref<8x1024xf32, #tpu.memory_space<hbm>>
        %dma_start3A_592 = arith.constant 0 : i32
        %dma_start3A_593 = arith.constant 0 : i32
        %dma_start3A_594 = tpu.memref_slice %arg8[%dma_start3A_585, %dma_start3A_592, %dma_start3A_593] : memref<2x8x1024xf32, #tpu.memory_space<vmem>> -> memref<1x8x1024xf32, #tpu.memory_space<vmem>>
        %dma_start3A_595 = tpu.memref_squeeze %dma_start3A_594 : memref<1x8x1024xf32, #tpu.memory_space<vmem>> -> memref<8x1024xf32, #tpu.memory_space<vmem>>
        %dma_start3A_596 = arith.constant 0 : i32
        %dma_start3A_597 = tpu.memref_slice %arg3[%add3A_584, %dma_start3A_596] : memref<2048x1024xf32, #tpu.memory_space<hbm>> -> memref<8x1024xf32, #tpu.memory_space<hbm>>
        tpu.enqueue_dma source(%dma_start3A_597 : memref<8x1024xf32, #tpu.memory_space<hbm>>) target(%dma_start3A_595 : memref<8x1024xf32, #tpu.memory_space<vmem>>) target_semaphore(%arg13 : memref<!tpu.dma_semaphore, #tpu.memory_space<semaphore_mem>>)
        %dma_start3A_598 = arith.constant 0 : i32
        %dma_start3A_599 = arith.constant 0 : i32
        %dma_start3A_600 = arith.constant 0 : i32
        %dma_start3A_601 = arith.constant 0 : i32
        %dma_start3A_602 = arith.constant 0 : i32
        %dma_start3A_603 = tpu.memref_slice %arg9[%dma_start3A_599, %dma_start3A_600, %dma_start3A_601, %dma_start3A_602] : memref<2x4x8x1024xf32, #tpu.memory_space<vmem>> -> memref<1x1x8x1024xf32, #tpu.memory_space<vmem>>
        %dma_start3A_604 = tpu.memref_squeeze %dma_start3A_603 : memref<1x1x8x1024xf32, #tpu.memory_space<vmem>> -> memref<8x1024xf32, #tpu.memory_space<vmem>>
        %dma_start3A_605 = arith.constant 0 : i32
        %dma_start3A_606 = tpu.memref_slice %arg2[%dma_start3A_598, %add3A_584, %dma_start3A_605] : memref<4x2048x1024xf32, #tpu.memory_space<hbm>> -> memref<1x8x1024xf32, #tpu.memory_space<hbm>>
        %dma_start3A_607 = tpu.memref_squeeze %dma_start3A_606 : memref<1x8x1024xf32, #tpu.memory_space<hbm>> -> memref<8x1024xf32, #tpu.memory_space<hbm>>
        %dma_start3A_608 = arith.constant 0 : i32
        %dma_start3A_609 = arith.constant 0 : i32
        %dma_start3A_610 = tpu.memref_slice %arg9[%dma_start3A_599, %dma_start3A_600, %dma_start3A_608, %dma_start3A_609] : memref<2x4x8x1024xf32, #tpu.memory_space<vmem>> -> memref<1x1x8x1024xf32, #tpu.memory_space<vmem>>
        %dma_start3A_611 = tpu.memref_squeeze %dma_start3A_610 : memref<1x1x8x1024xf32, #tpu.memory_space<vmem>> -> memref<8x1024xf32, #tpu.memory_space<vmem>>
        %dma_start3A_612 = arith.constant 0 : i32
        %dma_start3A_613 = tpu.memref_slice %arg2[%dma_start3A_598, %add3A_584, %dma_start3A_612] : memref<4x2048x1024xf32, #tpu.memory_space<hbm>> -> memref<1x8x1024xf32, #tpu.memory_space<hbm>>
        %dma_start3A_614 = tpu.memref_squeeze %dma_start3A_613 : memref<1x8x1024xf32, #tpu.memory_space<hbm>> -> memref<8x1024xf32, #tpu.memory_space<hbm>>
        tpu.enqueue_dma source(%dma_start3A_614 : memref<8x1024xf32, #tpu.memory_space<hbm>>) target(%dma_start3A_611 : memref<8x1024xf32, #tpu.memory_space<vmem>>) target_semaphore(%arg13 : memref<!tpu.dma_semaphore, #tpu.memory_space<semaphore_mem>>)
        %dma_start3A_615 = arith.constant 1 : i32
        %dma_start3A_616 = arith.constant 0 : i32
        %dma_start3A_617 = arith.constant 1 : i32
        %dma_start3A_618 = arith.constant 0 : i32
        %dma_start3A_619 = arith.constant 0 : i32
        %dma_start3A_620 = tpu.memref_slice %arg9[%dma_start3A_616, %dma_start3A_617, %dma_start3A_618, %dma_start3A_619] : memref<2x4x8x1024xf32, #tpu.memory_space<vmem>> -> memref<1x1x8x1024xf32, #tpu.memory_space<vmem>>
        %dma_start3A_621 = tpu.memref_squeeze %dma_start3A_620 : memref<1x1x8x1024xf32, #tpu.memory_space<vmem>> -> memref<8x1024xf32, #tpu.memory_space<vmem>>
        %dma_start3A_622 = arith.constant 0 : i32
        %dma_start3A_623 = tpu.memref_slice %arg2[%dma_start3A_615, %add3A_584, %dma_start3A_622] : memref<4x2048x1024xf32, #tpu.memory_space<hbm>> -> memref<1x8x1024xf32, #tpu.memory_space<hbm>>
        %dma_start3A_624 = tpu.memref_squeeze %dma_start3A_623 : memref<1x8x1024xf32, #tpu.memory_space<hbm>> -> memref<8x1024xf32, #tpu.memory_space<hbm>>
        %dma_start3A_625 = arith.constant 0 : i32
        %dma_start3A_626 = arith.constant 0 : i32
        %dma_start3A_627 = tpu.memref_slice %arg9[%dma_start3A_616, %dma_start3A_617, %dma_start3A_625, %dma_start3A_626] : memref<2x4x8x1024xf32, #tpu.memory_space<vmem>> -> memref<1x1x8x1024xf32, #tpu.memory_space<vmem>>
        %dma_start3A_628 = tpu.memref_squeeze %dma_start3A_627 : memref<1x1x8x1024xf32, #tpu.memory_space<vmem>> -> memref<8x1024xf32, #tpu.memory_space<vmem>>
        %dma_start3A_629 = arith.constant 0 : i32
        %dma_start3A_630 = tpu.memref_slice %arg2[%dma_start3A_615, %add3A_584, %dma_start3A_629] : memref<4x2048x1024xf32, #tpu.memory_space<hbm>> -> memref<1x8x1024xf32, #tpu.memory_space<hbm>>
        %dma_start3A_631 = tpu.memref_squeeze %dma_start3A_630 : memref<1x8x1024xf32, #tpu.memory_space<hbm>> -> memref<8x1024xf32, #tpu.memory_space<hbm>>
        tpu.enqueue_dma source(%dma_start3A_631 : memref<8x1024xf32, #tpu.memory_space<hbm>>) target(%dma_start3A_628 : memref<8x1024xf32, #tpu.memory_space<vmem>>) target_semaphore(%arg13 : memref<!tpu.dma_semaphore, #tpu.memory_space<semaphore_mem>>)
        %dma_start3A_632 = arith.constant 2 : i32
        %dma_start3A_633 = arith.constant 0 : i32
        %dma_start3A_634 = arith.constant 2 : i32
        %dma_start3A_635 = arith.constant 0 : i32
        %dma_start3A_636 = arith.constant 0 : i32
        %dma_start3A_637 = tpu.memref_slice %arg9[%dma_start3A_633, %dma_start3A_634, %dma_start3A_635, %dma_start3A_636] : memref<2x4x8x1024xf32, #tpu.memory_space<vmem>> -> memref<1x1x8x1024xf32, #tpu.memory_space<vmem>>
        %dma_start3A_638 = tpu.memref_squeeze %dma_start3A_637 : memref<1x1x8x1024xf32, #tpu.memory_space<vmem>> -> memref<8x1024xf32, #tpu.memory_space<vmem>>
        %dma_start3A_639 = arith.constant 0 : i32
        %dma_start3A_640 = tpu.memref_slice %arg2[%dma_start3A_632, %add3A_584, %dma_start3A_639] : memref<4x2048x1024xf32, #tpu.memory_space<hbm>> -> memref<1x8x1024xf32, #tpu.memory_space<hbm>>
        %dma_start3A_641 = tpu.memref_squeeze %dma_start3A_640 : memref<1x8x1024xf32, #tpu.memory_space<hbm>> -> memref<8x1024xf32, #tpu.memory_space<hbm>>
        %dma_start3A_642 = arith.constant 0 : i32
        %dma_start3A_643 = arith.constant 0 : i32
        %dma_start3A_644 = tpu.memref_slice %arg9[%dma_start3A_633, %dma_start3A_634, %dma_start3A_642, %dma_start3A_643] : memref<2x4x8x1024xf32, #tpu.memory_space<vmem>> -> memref<1x1x8x1024xf32, #tpu.memory_space<vmem>>
        %dma_start3A_645 = tpu.memref_squeeze %dma_start3A_644 : memref<1x1x8x1024xf32, #tpu.memory_space<vmem>> -> memref<8x1024xf32, #tpu.memory_space<vmem>>
        %dma_start3A_646 = arith.constant 0 : i32
        %dma_start3A_647 = tpu.memref_slice %arg2[%dma_start3A_632, %add3A_584, %dma_start3A_646] : memref<4x2048x1024xf32, #tpu.memory_space<hbm>> -> memref<1x8x1024xf32, #tpu.memory_space<hbm>>
        %dma_start3A_648 = tpu.memref_squeeze %dma_start3A_647 : memref<1x8x1024xf32, #tpu.memory_space<hbm>> -> memref<8x1024xf32, #tpu.memory_space<hbm>>
        tpu.enqueue_dma source(%dma_start3A_648 : memref<8x1024xf32, #tpu.memory_space<hbm>>) target(%dma_start3A_645 : memref<8x1024xf32, #tpu.memory_space<vmem>>) target_semaphore(%arg13 : memref<!tpu.dma_semaphore, #tpu.memory_space<semaphore_mem>>)
        %dma_start3A_649 = arith.constant 3 : i32
        %dma_start3A_650 = arith.constant 0 : i32
        %dma_start3A_651 = arith.constant 3 : i32
        %dma_start3A_652 = arith.constant 0 : i32
        %dma_start3A_653 = arith.constant 0 : i32
        %dma_start3A_654 = tpu.memref_slice %arg9[%dma_start3A_650, %dma_start3A_651, %dma_start3A_652, %dma_start3A_653] : memref<2x4x8x1024xf32, #tpu.memory_space<vmem>> -> memref<1x1x8x1024xf32, #tpu.memory_space<vmem>>
        %dma_start3A_655 = tpu.memref_squeeze %dma_start3A_654 : memref<1x1x8x1024xf32, #tpu.memory_space<vmem>> -> memref<8x1024xf32, #tpu.memory_space<vmem>>
        %dma_start3A_656 = arith.constant 0 : i32
        %dma_start3A_657 = tpu.memref_slice %arg2[%dma_start3A_649, %add3A_584, %dma_start3A_656] : memref<4x2048x1024xf32, #tpu.memory_space<hbm>> -> memref<1x8x1024xf32, #tpu.memory_space<hbm>>
        %dma_start3A_658 = tpu.memref_squeeze %dma_start3A_657 : memref<1x8x1024xf32, #tpu.memory_space<hbm>> -> memref<8x1024xf32, #tpu.memory_space<hbm>>
        %dma_start3A_659 = arith.constant 0 : i32
        %dma_start3A_660 = arith.constant 0 : i32
        %dma_start3A_661 = tpu.memref_slice %arg9[%dma_start3A_650, %dma_start3A_651, %dma_start3A_659, %dma_start3A_660] : memref<2x4x8x1024xf32, #tpu.memory_space<vmem>> -> memref<1x1x8x1024xf32, #tpu.memory_space<vmem>>
        %dma_start3A_662 = tpu.memref_squeeze %dma_start3A_661 : memref<1x1x8x1024xf32, #tpu.memory_space<vmem>> -> memref<8x1024xf32, #tpu.memory_space<vmem>>
        %dma_start3A_663 = arith.constant 0 : i32
        %dma_start3A_664 = tpu.memref_slice %arg2[%dma_start3A_649, %add3A_584, %dma_start3A_663] : memref<4x2048x1024xf32, #tpu.memory_space<hbm>> -> memref<1x8x1024xf32, #tpu.memory_space<hbm>>
        %dma_start3A_665 = tpu.memref_squeeze %dma_start3A_664 : memref<1x8x1024xf32, #tpu.memory_space<hbm>> -> memref<8x1024xf32, #tpu.memory_space<hbm>>
        tpu.enqueue_dma source(%dma_start3A_665 : memref<8x1024xf32, #tpu.memory_space<hbm>>) target(%dma_start3A_662 : memref<8x1024xf32, #tpu.memory_space<vmem>>) target_semaphore(%arg13 : memref<!tpu.dma_semaphore, #tpu.memory_space<semaphore_mem>>)
      } else {
      }
      %mul3A_416 = arith.constant 8 : i32
      %mul3A_417 = arith.muli %add3A_408, %mul3A_416 : i32
      %add3A_418 = arith.addi %mul3A_2, %mul3A_417 : i32
      %dma_wait3A_419 = arith.constant 1 : i32
      %dma_wait3A_420 = arith.constant 0 : i32
      %dma_wait3A_421 = arith.constant 0 : i32
      %dma_wait3A_422 = tpu.memref_slice %arg8[%dma_wait3A_419, %dma_wait3A_420, %dma_wait3A_421] : memref<2x8x1024xf32, #tpu.memory_space<vmem>> -> memref<1x8x1024xf32, #tpu.memory_space<vmem>>
      %dma_wait3A_423 = tpu.memref_squeeze %dma_wait3A_422 : memref<1x8x1024xf32, #tpu.memory_space<vmem>> -> memref<8x1024xf32, #tpu.memory_space<vmem>>
      %dma_wait3A_424 = arith.constant 0 : i32
      %dma_wait3A_425 = tpu.memref_slice %arg3[%add3A_418, %dma_wait3A_424] : memref<2048x1024xf32, #tpu.memory_space<hbm>> -> memref<8x1024xf32, #tpu.memory_space<hbm>>
      %dma_wait3A_426 = arith.constant 0 : i32
      %dma_wait3A_427 = arith.constant 0 : i32
      %dma_wait3A_428 = tpu.memref_slice %arg8[%dma_wait3A_419, %dma_wait3A_426, %dma_wait3A_427] : memref<2x8x1024xf32, #tpu.memory_space<vmem>> -> memref<1x8x1024xf32, #tpu.memory_space<vmem>>
      %dma_wait3A_429 = tpu.memref_squeeze %dma_wait3A_428 : memref<1x8x1024xf32, #tpu.memory_space<vmem>> -> memref<8x1024xf32, #tpu.memory_space<vmem>>
      %dma_wait3A_430 = arith.constant 0 : i32
      %dma_wait3A_431 = tpu.memref_slice %arg3[%add3A_418, %dma_wait3A_430] : memref<2048x1024xf32, #tpu.memory_space<hbm>> -> memref<8x1024xf32, #tpu.memory_space<hbm>>
      tpu.wait_dma2 semaphore(%arg14 : memref<!tpu.dma_semaphore, #tpu.memory_space<semaphore_mem>>) src(%dma_wait3A_431 : memref<8x1024xf32, #tpu.memory_space<hbm>>) dst(%dma_wait3A_429 : memref<8x1024xf32, #tpu.memory_space<vmem>>)
      %dma_wait3A_432 = arith.constant 0 : i32
      %dma_wait3A_433 = arith.constant 1 : i32
      %dma_wait3A_434 = arith.constant 0 : i32
      %dma_wait3A_435 = arith.constant 0 : i32
      %dma_wait3A_436 = arith.constant 0 : i32
      %dma_wait3A_437 = tpu.memref_slice %arg9[%dma_wait3A_433, %dma_wait3A_434, %dma_wait3A_435, %dma_wait3A_436] : memref<2x4x8x1024xf32, #tpu.memory_space<vmem>> -> memref<1x1x8x1024xf32, #tpu.memory_space<vmem>>
      %dma_wait3A_438 = tpu.memref_squeeze %dma_wait3A_437 : memref<1x1x8x1024xf32, #tpu.memory_space<vmem>> -> memref<8x1024xf32, #tpu.memory_space<vmem>>
      %dma_wait3A_439 = arith.constant 0 : i32
      %dma_wait3A_440 = tpu.memref_slice %arg2[%dma_wait3A_432, %add3A_418, %dma_wait3A_439] : memref<4x2048x1024xf32, #tpu.memory_space<hbm>> -> memref<1x8x1024xf32, #tpu.memory_space<hbm>>
      %dma_wait3A_441 = tpu.memref_squeeze %dma_wait3A_440 : memref<1x8x1024xf32, #tpu.memory_space<hbm>> -> memref<8x1024xf32, #tpu.memory_space<hbm>>
      %dma_wait3A_442 = arith.constant 0 : i32
      %dma_wait3A_443 = arith.constant 0 : i32
      %dma_wait3A_444 = tpu.memref_slice %arg9[%dma_wait3A_433, %dma_wait3A_434, %dma_wait3A_442, %dma_wait3A_443] : memref<2x4x8x1024xf32, #tpu.memory_space<vmem>> -> memref<1x1x8x1024xf32, #tpu.memory_space<vmem>>
      %dma_wait3A_445 = tpu.memref_squeeze %dma_wait3A_444 : memref<1x1x8x1024xf32, #tpu.memory_space<vmem>> -> memref<8x1024xf32, #tpu.memory_space<vmem>>
      %dma_wait3A_446 = arith.constant 0 : i32
      %dma_wait3A_447 = tpu.memref_slice %arg2[%dma_wait3A_432, %add3A_418, %dma_wait3A_446] : memref<4x2048x1024xf32, #tpu.memory_space<hbm>> -> memref<1x8x1024xf32, #tpu.memory_space<hbm>>
      %dma_wait3A_448 = tpu.memref_squeeze %dma_wait3A_447 : memref<1x8x1024xf32, #tpu.memory_space<hbm>> -> memref<8x1024xf32, #tpu.memory_space<hbm>>
      tpu.wait_dma2 semaphore(%arg14 : memref<!tpu.dma_semaphore, #tpu.memory_space<semaphore_mem>>) src(%dma_wait3A_448 : memref<8x1024xf32, #tpu.memory_space<hbm>>) dst(%dma_wait3A_445 : memref<8x1024xf32, #tpu.memory_space<vmem>>)
      %dma_wait3A_449 = arith.constant 1 : i32
      %dma_wait3A_450 = arith.constant 1 : i32
      %dma_wait3A_451 = arith.constant 1 : i32
      %dma_wait3A_452 = arith.constant 0 : i32
      %dma_wait3A_453 = arith.constant 0 : i32
      %dma_wait3A_454 = tpu.memref_slice %arg9[%dma_wait3A_450, %dma_wait3A_451, %dma_wait3A_452, %dma_wait3A_453] : memref<2x4x8x1024xf32, #tpu.memory_space<vmem>> -> memref<1x1x8x1024xf32, #tpu.memory_space<vmem>>
      %dma_wait3A_455 = tpu.memref_squeeze %dma_wait3A_454 : memref<1x1x8x1024xf32, #tpu.memory_space<vmem>> -> memref<8x1024xf32, #tpu.memory_space<vmem>>
      %dma_wait3A_456 = arith.constant 0 : i32
      %dma_wait3A_457 = tpu.memref_slice %arg2[%dma_wait3A_449, %add3A_418, %dma_wait3A_456] : memref<4x2048x1024xf32, #tpu.memory_space<hbm>> -> memref<1x8x1024xf32, #tpu.memory_space<hbm>>
      %dma_wait3A_458 = tpu.memref_squeeze %dma_wait3A_457 : memref<1x8x1024xf32, #tpu.memory_space<hbm>> -> memref<8x1024xf32, #tpu.memory_space<hbm>>
      %dma_wait3A_459 = arith.constant 0 : i32
      %dma_wait3A_460 = arith.constant 0 : i32
      %dma_wait3A_461 = tpu.memref_slice %arg9[%dma_wait3A_450, %dma_wait3A_451, %dma_wait3A_459, %dma_wait3A_460] : memref<2x4x8x1024xf32, #tpu.memory_space<vmem>> -> memref<1x1x8x1024xf32, #tpu.memory_space<vmem>>
      %dma_wait3A_462 = tpu.memref_squeeze %dma_wait3A_461 : memref<1x1x8x1024xf32, #tpu.memory_space<vmem>> -> memref<8x1024xf32, #tpu.memory_space<vmem>>
      %dma_wait3A_463 = arith.constant 0 : i32
      %dma_wait3A_464 = tpu.memref_slice %arg2[%dma_wait3A_449, %add3A_418, %dma_wait3A_463] : memref<4x2048x1024xf32, #tpu.memory_space<hbm>> -> memref<1x8x1024xf32, #tpu.memory_space<hbm>>
      %dma_wait3A_465 = tpu.memref_squeeze %dma_wait3A_464 : memref<1x8x1024xf32, #tpu.memory_space<hbm>> -> memref<8x1024xf32, #tpu.memory_space<hbm>>
      tpu.wait_dma2 semaphore(%arg14 : memref<!tpu.dma_semaphore, #tpu.memory_space<semaphore_mem>>) src(%dma_wait3A_465 : memref<8x1024xf32, #tpu.memory_space<hbm>>) dst(%dma_wait3A_462 : memref<8x1024xf32, #tpu.memory_space<vmem>>)
      %dma_wait3A_466 = arith.constant 2 : i32
      %dma_wait3A_467 = arith.constant 1 : i32
      %dma_wait3A_468 = arith.constant 2 : i32
      %dma_wait3A_469 = arith.constant 0 : i32
      %dma_wait3A_470 = arith.constant 0 : i32
      %dma_wait3A_471 = tpu.memref_slice %arg9[%dma_wait3A_467, %dma_wait3A_468, %dma_wait3A_469, %dma_wait3A_470] : memref<2x4x8x1024xf32, #tpu.memory_space<vmem>> -> memref<1x1x8x1024xf32, #tpu.memory_space<vmem>>
      %dma_wait3A_472 = tpu.memref_squeeze %dma_wait3A_471 : memref<1x1x8x1024xf32, #tpu.memory_space<vmem>> -> memref<8x1024xf32, #tpu.memory_space<vmem>>
      %dma_wait3A_473 = arith.constant 0 : i32
      %dma_wait3A_474 = tpu.memref_slice %arg2[%dma_wait3A_466, %add3A_418, %dma_wait3A_473] : memref<4x2048x1024xf32, #tpu.memory_space<hbm>> -> memref<1x8x1024xf32, #tpu.memory_space<hbm>>
      %dma_wait3A_475 = tpu.memref_squeeze %dma_wait3A_474 : memref<1x8x1024xf32, #tpu.memory_space<hbm>> -> memref<8x1024xf32, #tpu.memory_space<hbm>>
      %dma_wait3A_476 = arith.constant 0 : i32
      %dma_wait3A_477 = arith.constant 0 : i32
      %dma_wait3A_478 = tpu.memref_slice %arg9[%dma_wait3A_467, %dma_wait3A_468, %dma_wait3A_476, %dma_wait3A_477] : memref<2x4x8x1024xf32, #tpu.memory_space<vmem>> -> memref<1x1x8x1024xf32, #tpu.memory_space<vmem>>
      %dma_wait3A_479 = tpu.memref_squeeze %dma_wait3A_478 : memref<1x1x8x1024xf32, #tpu.memory_space<vmem>> -> memref<8x1024xf32, #tpu.memory_space<vmem>>
      %dma_wait3A_480 = arith.constant 0 : i32
      %dma_wait3A_481 = tpu.memref_slice %arg2[%dma_wait3A_466, %add3A_418, %dma_wait3A_480] : memref<4x2048x1024xf32, #tpu.memory_space<hbm>> -> memref<1x8x1024xf32, #tpu.memory_space<hbm>>
      %dma_wait3A_482 = tpu.memref_squeeze %dma_wait3A_481 : memref<1x8x1024xf32, #tpu.memory_space<hbm>> -> memref<8x1024xf32, #tpu.memory_space<hbm>>
      tpu.wait_dma2 semaphore(%arg14 : memref<!tpu.dma_semaphore, #tpu.memory_space<semaphore_mem>>) src(%dma_wait3A_482 : memref<8x1024xf32, #tpu.memory_space<hbm>>) dst(%dma_wait3A_479 : memref<8x1024xf32, #tpu.memory_space<vmem>>)
      %dma_wait3A_483 = arith.constant 3 : i32
      %dma_wait3A_484 = arith.constant 1 : i32
      %dma_wait3A_485 = arith.constant 3 : i32
      %dma_wait3A_486 = arith.constant 0 : i32
      %dma_wait3A_487 = arith.constant 0 : i32
      %dma_wait3A_488 = tpu.memref_slice %arg9[%dma_wait3A_484, %dma_wait3A_485, %dma_wait3A_486, %dma_wait3A_487] : memref<2x4x8x1024xf32, #tpu.memory_space<vmem>> -> memref<1x1x8x1024xf32, #tpu.memory_space<vmem>>
      %dma_wait3A_489 = tpu.memref_squeeze %dma_wait3A_488 : memref<1x1x8x1024xf32, #tpu.memory_space<vmem>> -> memref<8x1024xf32, #tpu.memory_space<vmem>>
      %dma_wait3A_490 = arith.constant 0 : i32
      %dma_wait3A_491 = tpu.memref_slice %arg2[%dma_wait3A_483, %add3A_418, %dma_wait3A_490] : memref<4x2048x1024xf32, #tpu.memory_space<hbm>> -> memref<1x8x1024xf32, #tpu.memory_space<hbm>>
      %dma_wait3A_492 = tpu.memref_squeeze %dma_wait3A_491 : memref<1x8x1024xf32, #tpu.memory_space<hbm>> -> memref<8x1024xf32, #tpu.memory_space<hbm>>
      %dma_wait3A_493 = arith.constant 0 : i32
      %dma_wait3A_494 = arith.constant 0 : i32
      %dma_wait3A_495 = tpu.memref_slice %arg9[%dma_wait3A_484, %dma_wait3A_485, %dma_wait3A_493, %dma_wait3A_494] : memref<2x4x8x1024xf32, #tpu.memory_space<vmem>> -> memref<1x1x8x1024xf32, #tpu.memory_space<vmem>>
      %dma_wait3A_496 = tpu.memref_squeeze %dma_wait3A_495 : memref<1x1x8x1024xf32, #tpu.memory_space<vmem>> -> memref<8x1024xf32, #tpu.memory_space<vmem>>
      %dma_wait3A_497 = arith.constant 0 : i32
      %dma_wait3A_498 = tpu.memref_slice %arg2[%dma_wait3A_483, %add3A_418, %dma_wait3A_497] : memref<4x2048x1024xf32, #tpu.memory_space<hbm>> -> memref<1x8x1024xf32, #tpu.memory_space<hbm>>
      %dma_wait3A_499 = tpu.memref_squeeze %dma_wait3A_498 : memref<1x8x1024xf32, #tpu.memory_space<hbm>> -> memref<8x1024xf32, #tpu.memory_space<hbm>>
      tpu.wait_dma2 semaphore(%arg14 : memref<!tpu.dma_semaphore, #tpu.memory_space<semaphore_mem>>) src(%dma_wait3A_499 : memref<8x1024xf32, #tpu.memory_space<hbm>>) dst(%dma_wait3A_496 : memref<8x1024xf32, #tpu.memory_space<vmem>>)
      %parallel_loop3A_500 = arith.constant 0 : i32
      %parallel_loop3A_501 = arith.constant 8 : i32
      %parallel_loop3A_502 = arith.constant 2 : i32
      scf.for %parallel_loop3A_574 = %parallel_loop3A_500 to %parallel_loop3A_501 step %parallel_loop3A_502  : i32 {
        %parallel_loop3A_575 = arith.constant 0 : i32
        %parallel_loop3A_576 = arith.constant 64 : i32
        %parallel_loop3A_577 = arith.constant 1 : i32
        %parallel_loop3A_578:16 = scf.for %parallel_loop3A_934 = %parallel_loop3A_575 to %parallel_loop3A_576 step %parallel_loop3A_577 iter_args(%parallel_loop3A_935 = %broadcast_in_dim3A_8, %parallel_loop3A_936 = %broadcast_in_dim3A_8, %parallel_loop3A_937 = %broadcast_in_dim3A_8, %parallel_loop3A_938 = %broadcast_in_dim3A_8, %parallel_loop3A_939 = %broadcast_in_dim3A_8, %parallel_loop3A_940 = %broadcast_in_dim3A_8, %parallel_loop3A_941 = %broadcast_in_dim3A_8, %parallel_loop3A_942 = %broadcast_in_dim3A_8, %parallel_loop3A_943 = %broadcast_in_dim3A_8, %parallel_loop3A_944 = %broadcast_in_dim3A_8, %parallel_loop3A_945 = %broadcast_in_dim3A_8, %parallel_loop3A_946 = %broadcast_in_dim3A_8, %parallel_loop3A_947 = %broadcast_in_dim3A_8, %parallel_loop3A_948 = %broadcast_in_dim3A_8, %parallel_loop3A_949 = %broadcast_in_dim3A_8, %parallel_loop3A_950 = %broadcast_in_dim3A_8) -> (vector<16xf32>, vector<16xf32>, vector<16xf32>, vector<16xf32>, vector<16xf32>, vector<16xf32>, vector<16xf32>, vector<16xf32>, vector<16xf32>, vector<16xf32>, vector<16xf32>, vector<16xf32>, vector<16xf32>, vector<16xf32>, vector<16xf32>, vector<16xf32>)  : i32 {
          %parallel_loop3A_951 = arith.constant 16 : i32
          %parallel_loop3A_952 = arith.muli %parallel_loop3A_934, %parallel_loop3A_951 : i32
          %parallel_loop3A_953 = arith.constant 0 : i32
          %parallel_loop3A_954 = arith.index_cast %parallel_loop3A_953 : i32 to index
          %parallel_loop3A_955 = arith.index_cast %parallel_loop3A_952 : i32 to index
          %parallel_loop3A_956 = tpu.vector_load %arg10[%parallel_loop3A_954, %parallel_loop3A_955] {strides = array<i32>} : memref<1x1024xf32, #tpu.memory_space<vmem>>, vector<16xf32>,
          %parallel_loop3A_957 = arith.constant 0 : i32
          %parallel_loop3A_958 = arith.addi %parallel_loop3A_574, %parallel_loop3A_957 : i32
          %parallel_loop3A_959 = arith.constant 1 : i32
          %parallel_loop3A_960 = arith.index_cast %parallel_loop3A_959 : i32 to index
          %parallel_loop3A_961 = arith.index_cast %parallel_loop3A_958 : i32 to index
          %parallel_loop3A_962 = arith.index_cast %parallel_loop3A_952 : i32 to index
          %parallel_loop3A_963 = tpu.vector_load %arg8[%parallel_loop3A_960, %parallel_loop3A_961, %parallel_loop3A_962] {strides = array<i32>} : memref<2x8x1024xf32, #tpu.memory_space<vmem>>, vector<16xf32>,
          %parallel_loop3A_964 = arith.addf %parallel_loop3A_963, %parallel_loop3A_956 : vector<16xf32>
          %parallel_loop3A_965 = arith.constant 1 : i32
          %parallel_loop3A_966 = arith.constant 0 : i32
          %parallel_loop3A_967 = arith.index_cast %parallel_loop3A_965 : i32 to index
          %parallel_loop3A_968 = arith.index_cast %parallel_loop3A_966 : i32 to index
          %parallel_loop3A_969 = arith.index_cast %parallel_loop3A_958 : i32 to index
          %parallel_loop3A_970 = arith.index_cast %parallel_loop3A_952 : i32 to index
          %parallel_loop3A_971 = tpu.vector_load %arg9[%parallel_loop3A_967, %parallel_loop3A_968, %parallel_loop3A_969, %parallel_loop3A_970] {strides = array<i32>} : memref<2x4x8x1024xf32, #tpu.memory_space<vmem>>, vector<16xf32>,
          %parallel_loop3A_972 = arith.addf %parallel_loop3A_971, %parallel_loop3A_964 : vector<16xf32>
          %parallel_loop3A_973 = arith.constant 1 : i32
          %parallel_loop3A_974 = arith.constant 0 : i32
          %parallel_loop3A_975 = arith.index_cast %parallel_loop3A_973 : i32 to index
          %parallel_loop3A_976 = arith.index_cast %parallel_loop3A_974 : i32 to index
          %parallel_loop3A_977 = arith.index_cast %parallel_loop3A_958 : i32 to index
          %parallel_loop3A_978 = arith.index_cast %parallel_loop3A_952 : i32 to index
          %parallel_loop3A_979 = tpu.vector_load %arg9[%parallel_loop3A_975, %parallel_loop3A_976, %parallel_loop3A_977, %parallel_loop3A_978] {strides = array<i32>} : memref<2x4x8x1024xf32, #tpu.memory_space<vmem>>, vector<16xf32>,
          tpu.vector_store %arg9[%parallel_loop3A_975, %parallel_loop3A_976, %parallel_loop3A_977, %parallel_loop3A_978], %parallel_loop3A_972 {strides = array<i32>} : memref<2x4x8x1024xf32, #tpu.memory_space<vmem>>, vector<16xf32>,
          %parallel_loop3A_980 = arith.addf %parallel_loop3A_935, %parallel_loop3A_972 : vector<16xf32>
          %parallel_loop3A_981 = arith.mulf %parallel_loop3A_972, %parallel_loop3A_972 : vector<16xf32>
          %parallel_loop3A_982 = arith.addf %parallel_loop3A_936, %parallel_loop3A_981 : vector<16xf32>
          %parallel_loop3A_983 = arith.constant 1 : i32
          %parallel_loop3A_984 = arith.constant 1 : i32
          %parallel_loop3A_985 = arith.index_cast %parallel_loop3A_983 : i32 to index
          %parallel_loop3A_986 = arith.index_cast %parallel_loop3A_984 : i32 to index
          %parallel_loop3A_987 = arith.index_cast %parallel_loop3A_958 : i32 to index
          %parallel_loop3A_988 = arith.index_cast %parallel_loop3A_952 : i32 to index
          %parallel_loop3A_989 = tpu.vector_load %arg9[%parallel_loop3A_985, %parallel_loop3A_986, %parallel_loop3A_987, %parallel_loop3A_988] {strides = array<i32>} : memref<2x4x8x1024xf32, #tpu.memory_space<vmem>>, vector<16xf32>,
          %parallel_loop3A_990 = arith.addf %parallel_loop3A_989, %parallel_loop3A_964 : vector<16xf32>
          %parallel_loop3A_991 = arith.constant 1 : i32
          %parallel_loop3A_992 = arith.constant 1 : i32
          %parallel_loop3A_993 = arith.index_cast %parallel_loop3A_991 : i32 to index
          %parallel_loop3A_994 = arith.index_cast %parallel_loop3A_992 : i32 to index
          %parallel_loop3A_995 = arith.index_cast %parallel_loop3A_958 : i32 to index
          %parallel_loop3A_996 = arith.index_cast %parallel_loop3A_952 : i32 to index
          %parallel_loop3A_997 = tpu.vector_load %arg9[%parallel_loop3A_993, %parallel_loop3A_994, %parallel_loop3A_995, %parallel_loop3A_996] {strides = array<i32>} : memref<2x4x8x1024xf32, #tpu.memory_space<vmem>>, vector<16xf32>,
          tpu.vector_store %arg9[%parallel_loop3A_993, %parallel_loop3A_994, %parallel_loop3A_995, %parallel_loop3A_996], %parallel_loop3A_990 {strides = array<i32>} : memref<2x4x8x1024xf32, #tpu.memory_space<vmem>>, vector<16xf32>,
          %parallel_loop3A_998 = arith.addf %parallel_loop3A_937, %parallel_loop3A_990 : vector<16xf32>
          %parallel_loop3A_999 = arith.mulf %parallel_loop3A_990, %parallel_loop3A_990 : vector<16xf32>
          %parallel_loop3A_1000 = arith.addf %parallel_loop3A_938, %parallel_loop3A_999 : vector<16xf32>
          %parallel_loop3A_1001 = arith.constant 1 : i32
          %parallel_loop3A_1002 = arith.constant 2 : i32
          %parallel_loop3A_1003 = arith.index_cast %parallel_loop3A_1001 : i32 to index
          %parallel_loop3A_1004 = arith.index_cast %parallel_loop3A_1002 : i32 to index
          %parallel_loop3A_1005 = arith.index_cast %parallel_loop3A_958 : i32 to index
          %parallel_loop3A_1006 = arith.index_cast %parallel_loop3A_952 : i32 to index
          %parallel_loop3A_1007 = tpu.vector_load %arg9[%parallel_loop3A_1003, %parallel_loop3A_1004, %parallel_loop3A_1005, %parallel_loop3A_1006] {strides = array<i32>} : memref<2x4x8x1024xf32, #tpu.memory_space<vmem>>, vector<16xf32>,
          %parallel_loop3A_1008 = arith.addf %parallel_loop3A_1007, %parallel_loop3A_964 : vector<16xf32>
          %parallel_loop3A_1009 = arith.constant 1 : i32
          %parallel_loop3A_1010 = arith.constant 2 : i32
          %parallel_loop3A_1011 = arith.index_cast %parallel_loop3A_1009 : i32 to index
          %parallel_loop3A_1012 = arith.index_cast %parallel_loop3A_1010 : i32 to index
          %parallel_loop3A_1013 = arith.index_cast %parallel_loop3A_958 : i32 to index
          %parallel_loop3A_1014 = arith.index_cast %parallel_loop3A_952 : i32 to index
          %parallel_loop3A_1015 = tpu.vector_load %arg9[%parallel_loop3A_1011, %parallel_loop3A_1012, %parallel_loop3A_1013, %parallel_loop3A_1014] {strides = array<i32>} : memref<2x4x8x1024xf32, #tpu.memory_space<vmem>>, vector<16xf32>,
          tpu.vector_store %arg9[%parallel_loop3A_1011, %parallel_loop3A_1012, %parallel_loop3A_1013, %parallel_loop3A_1014], %parallel_loop3A_1008 {strides = array<i32>} : memref<2x4x8x1024xf32, #tpu.memory_space<vmem>>, vector<16xf32>,
          %parallel_loop3A_1016 = arith.addf %parallel_loop3A_939, %parallel_loop3A_1008 : vector<16xf32>
          %parallel_loop3A_1017 = arith.mulf %parallel_loop3A_1008, %parallel_loop3A_1008 : vector<16xf32>
          %parallel_loop3A_1018 = arith.addf %parallel_loop3A_940, %parallel_loop3A_1017 : vector<16xf32>
          %parallel_loop3A_1019 = arith.constant 1 : i32
          %parallel_loop3A_1020 = arith.constant 3 : i32
          %parallel_loop3A_1021 = arith.index_cast %parallel_loop3A_1019 : i32 to index
          %parallel_loop3A_1022 = arith.index_cast %parallel_loop3A_1020 : i32 to index
          %parallel_loop3A_1023 = arith.index_cast %parallel_loop3A_958 : i32 to index
          %parallel_loop3A_1024 = arith.index_cast %parallel_loop3A_952 : i32 to index
          %parallel_loop3A_1025 = tpu.vector_load %arg9[%parallel_loop3A_1021, %parallel_loop3A_1022, %parallel_loop3A_1023, %parallel_loop3A_1024] {strides = array<i32>} : memref<2x4x8x1024xf32, #tpu.memory_space<vmem>>, vector<16xf32>,
          %parallel_loop3A_1026 = arith.addf %parallel_loop3A_1025, %parallel_loop3A_964 : vector<16xf32>
          %parallel_loop3A_1027 = arith.constant 1 : i32
          %parallel_loop3A_1028 = arith.constant 3 : i32
          %parallel_loop3A_1029 = arith.index_cast %parallel_loop3A_1027 : i32 to index
          %parallel_loop3A_1030 = arith.index_cast %parallel_loop3A_1028 : i32 to index
          %parallel_loop3A_1031 = arith.index_cast %parallel_loop3A_958 : i32 to index
          %parallel_loop3A_1032 = arith.index_cast %parallel_loop3A_952 : i32 to index
          %parallel_loop3A_1033 = tpu.vector_load %arg9[%parallel_loop3A_1029, %parallel_loop3A_1030, %parallel_loop3A_1031, %parallel_loop3A_1032] {strides = array<i32>} : memref<2x4x8x1024xf32, #tpu.memory_space<vmem>>, vector<16xf32>,
          tpu.vector_store %arg9[%parallel_loop3A_1029, %parallel_loop3A_1030, %parallel_loop3A_1031, %parallel_loop3A_1032], %parallel_loop3A_1026 {strides = array<i32>} : memref<2x4x8x1024xf32, #tpu.memory_space<vmem>>, vector<16xf32>,
          %parallel_loop3A_1034 = arith.addf %parallel_loop3A_941, %parallel_loop3A_1026 : vector<16xf32>
          %parallel_loop3A_1035 = arith.mulf %parallel_loop3A_1026, %parallel_loop3A_1026 : vector<16xf32>
          %parallel_loop3A_1036 = arith.addf %parallel_loop3A_942, %parallel_loop3A_1035 : vector<16xf32>
          %parallel_loop3A_1037 = arith.constant 1 : i32
          %parallel_loop3A_1038 = arith.addi %parallel_loop3A_574, %parallel_loop3A_1037 : i32
          %parallel_loop3A_1039 = arith.constant 1 : i32
          %parallel_loop3A_1040 = arith.index_cast %parallel_loop3A_1039 : i32 to index
          %parallel_loop3A_1041 = arith.index_cast %parallel_loop3A_1038 : i32 to index
          %parallel_loop3A_1042 = arith.index_cast %parallel_loop3A_952 : i32 to index
          %parallel_loop3A_1043 = tpu.vector_load %arg8[%parallel_loop3A_1040, %parallel_loop3A_1041, %parallel_loop3A_1042] {strides = array<i32>} : memref<2x8x1024xf32, #tpu.memory_space<vmem>>, vector<16xf32>,
          %parallel_loop3A_1044 = arith.addf %parallel_loop3A_1043, %parallel_loop3A_956 : vector<16xf32>
          %parallel_loop3A_1045 = arith.constant 1 : i32
          %parallel_loop3A_1046 = arith.constant 0 : i32
          %parallel_loop3A_1047 = arith.index_cast %parallel_loop3A_1045 : i32 to index
          %parallel_loop3A_1048 = arith.index_cast %parallel_loop3A_1046 : i32 to index
          %parallel_loop3A_1049 = arith.index_cast %parallel_loop3A_1038 : i32 to index
          %parallel_loop3A_1050 = arith.index_cast %parallel_loop3A_952 : i32 to index
          %parallel_loop3A_1051 = tpu.vector_load %arg9[%parallel_loop3A_1047, %parallel_loop3A_1048, %parallel_loop3A_1049, %parallel_loop3A_1050] {strides = array<i32>} : memref<2x4x8x1024xf32, #tpu.memory_space<vmem>>, vector<16xf32>,
          %parallel_loop3A_1052 = arith.addf %parallel_loop3A_1051, %parallel_loop3A_1044 : vector<16xf32>
          %parallel_loop3A_1053 = arith.constant 1 : i32
          %parallel_loop3A_1054 = arith.constant 0 : i32
          %parallel_loop3A_1055 = arith.index_cast %parallel_loop3A_1053 : i32 to index
          %parallel_loop3A_1056 = arith.index_cast %parallel_loop3A_1054 : i32 to index
          %parallel_loop3A_1057 = arith.index_cast %parallel_loop3A_1038 : i32 to index
          %parallel_loop3A_1058 = arith.index_cast %parallel_loop3A_952 : i32 to index
          %parallel_loop3A_1059 = tpu.vector_load %arg9[%parallel_loop3A_1055, %parallel_loop3A_1056, %parallel_loop3A_1057, %parallel_loop3A_1058] {strides = array<i32>} : memref<2x4x8x1024xf32, #tpu.memory_space<vmem>>, vector<16xf32>,
          tpu.vector_store %arg9[%parallel_loop3A_1055, %parallel_loop3A_1056, %parallel_loop3A_1057, %parallel_loop3A_1058], %parallel_loop3A_1052 {strides = array<i32>} : memref<2x4x8x1024xf32, #tpu.memory_space<vmem>>, vector<16xf32>,
          %parallel_loop3A_1060 = arith.addf %parallel_loop3A_943, %parallel_loop3A_1052 : vector<16xf32>
          %parallel_loop3A_1061 = arith.mulf %parallel_loop3A_1052, %parallel_loop3A_1052 : vector<16xf32>
          %parallel_loop3A_1062 = arith.addf %parallel_loop3A_944, %parallel_loop3A_1061 : vector<16xf32>
          %parallel_loop3A_1063 = arith.constant 1 : i32
          %parallel_loop3A_1064 = arith.constant 1 : i32
          %parallel_loop3A_1065 = arith.index_cast %parallel_loop3A_1063 : i32 to index
          %parallel_loop3A_1066 = arith.index_cast %parallel_loop3A_1064 : i32 to index
          %parallel_loop3A_1067 = arith.index_cast %parallel_loop3A_1038 : i32 to index
          %parallel_loop3A_1068 = arith.index_cast %parallel_loop3A_952 : i32 to index
          %parallel_loop3A_1069 = tpu.vector_load %arg9[%parallel_loop3A_1065, %parallel_loop3A_1066, %parallel_loop3A_1067, %parallel_loop3A_1068] {strides = array<i32>} : memref<2x4x8x1024xf32, #tpu.memory_space<vmem>>, vector<16xf32>,
          %parallel_loop3A_1070 = arith.addf %parallel_loop3A_1069, %parallel_loop3A_1044 : vector<16xf32>
          %parallel_loop3A_1071 = arith.constant 1 : i32
          %parallel_loop3A_1072 = arith.constant 1 : i32
          %parallel_loop3A_1073 = arith.index_cast %parallel_loop3A_1071 : i32 to index
          %parallel_loop3A_1074 = arith.index_cast %parallel_loop3A_1072 : i32 to index
          %parallel_loop3A_1075 = arith.index_cast %parallel_loop3A_1038 : i32 to index
          %parallel_loop3A_1076 = arith.index_cast %parallel_loop3A_952 : i32 to index
          %parallel_loop3A_1077 = tpu.vector_load %arg9[%parallel_loop3A_1073, %parallel_loop3A_1074, %parallel_loop3A_1075, %parallel_loop3A_1076] {strides = array<i32>} : memref<2x4x8x1024xf32, #tpu.memory_space<vmem>>, vector<16xf32>,
          tpu.vector_store %arg9[%parallel_loop3A_1073, %parallel_loop3A_1074, %parallel_loop3A_1075, %parallel_loop3A_1076], %parallel_loop3A_1070 {strides = array<i32>} : memref<2x4x8x1024xf32, #tpu.memory_space<vmem>>, vector<16xf32>,
          %parallel_loop3A_1078 = arith.addf %parallel_loop3A_945, %parallel_loop3A_1070 : vector<16xf32>
          %parallel_loop3A_1079 = arith.mulf %parallel_loop3A_1070, %parallel_loop3A_1070 : vector<16xf32>
          %parallel_loop3A_1080 = arith.addf %parallel_loop3A_946, %parallel_loop3A_1079 : vector<16xf32>
          %parallel_loop3A_1081 = arith.constant 1 : i32
          %parallel_loop3A_1082 = arith.constant 2 : i32
          %parallel_loop3A_1083 = arith.index_cast %parallel_loop3A_1081 : i32 to index
          %parallel_loop3A_1084 = arith.index_cast %parallel_loop3A_1082 : i32 to index
          %parallel_loop3A_1085 = arith.index_cast %parallel_loop3A_1038 : i32 to index
          %parallel_loop3A_1086 = arith.index_cast %parallel_loop3A_952 : i32 to index
          %parallel_loop3A_1087 = tpu.vector_load %arg9[%parallel_loop3A_1083, %parallel_loop3A_1084, %parallel_loop3A_1085, %parallel_loop3A_1086] {strides = array<i32>} : memref<2x4x8x1024xf32, #tpu.memory_space<vmem>>, vector<16xf32>,
          %parallel_loop3A_1088 = arith.addf %parallel_loop3A_1087, %parallel_loop3A_1044 : vector<16xf32>
          %parallel_loop3A_1089 = arith.constant 1 : i32
          %parallel_loop3A_1090 = arith.constant 2 : i32
          %parallel_loop3A_1091 = arith.index_cast %parallel_loop3A_1089 : i32 to index
          %parallel_loop3A_1092 = arith.index_cast %parallel_loop3A_1090 : i32 to index
          %parallel_loop3A_1093 = arith.index_cast %parallel_loop3A_1038 : i32 to index
          %parallel_loop3A_1094 = arith.index_cast %parallel_loop3A_952 : i32 to index
          %parallel_loop3A_1095 = tpu.vector_load %arg9[%parallel_loop3A_1091, %parallel_loop3A_1092, %parallel_loop3A_1093, %parallel_loop3A_1094] {strides = array<i32>} : memref<2x4x8x1024xf32, #tpu.memory_space<vmem>>, vector<16xf32>,
          tpu.vector_store %arg9[%parallel_loop3A_1091, %parallel_loop3A_1092, %parallel_loop3A_1093, %parallel_loop3A_1094], %parallel_loop3A_1088 {strides = array<i32>} : memref<2x4x8x1024xf32, #tpu.memory_space<vmem>>, vector<16xf32>,
          %parallel_loop3A_1096 = arith.addf %parallel_loop3A_947, %parallel_loop3A_1088 : vector<16xf32>
          %parallel_loop3A_1097 = arith.mulf %parallel_loop3A_1088, %parallel_loop3A_1088 : vector<16xf32>
          %parallel_loop3A_1098 = arith.addf %parallel_loop3A_948, %parallel_loop3A_1097 : vector<16xf32>
          %parallel_loop3A_1099 = arith.constant 1 : i32
          %parallel_loop3A_1100 = arith.constant 3 : i32
          %parallel_loop3A_1101 = arith.index_cast %parallel_loop3A_1099 : i32 to index
          %parallel_loop3A_1102 = arith.index_cast %parallel_loop3A_1100 : i32 to index
          %parallel_loop3A_1103 = arith.index_cast %parallel_loop3A_1038 : i32 to index
          %parallel_loop3A_1104 = arith.index_cast %parallel_loop3A_952 : i32 to index
          %parallel_loop3A_1105 = tpu.vector_load %arg9[%parallel_loop3A_1101, %parallel_loop3A_1102, %parallel_loop3A_1103, %parallel_loop3A_1104] {strides = array<i32>} : memref<2x4x8x1024xf32, #tpu.memory_space<vmem>>, vector<16xf32>,
          %parallel_loop3A_1106 = arith.addf %parallel_loop3A_1105, %parallel_loop3A_1044 : vector<16xf32>
          %parallel_loop3A_1107 = arith.constant 1 : i32
          %parallel_loop3A_1108 = arith.constant 3 : i32
          %parallel_loop3A_1109 = arith.index_cast %parallel_loop3A_1107 : i32 to index
          %parallel_loop3A_1110 = arith.index_cast %parallel_loop3A_1108 : i32 to index
          %parallel_loop3A_1111 = arith.index_cast %parallel_loop3A_1038 : i32 to index
          %parallel_loop3A_1112 = arith.index_cast %parallel_loop3A_952 : i32 to index
          %parallel_loop3A_1113 = tpu.vector_load %arg9[%parallel_loop3A_1109, %parallel_loop3A_1110, %parallel_loop3A_1111, %parallel_loop3A_1112] {strides = array<i32>} : memref<2x4x8x1024xf32, #tpu.memory_space<vmem>>, vector<16xf32>,
          tpu.vector_store %arg9[%parallel_loop3A_1109, %parallel_loop3A_1110, %parallel_loop3A_1111, %parallel_loop3A_1112], %parallel_loop3A_1106 {strides = array<i32>} : memref<2x4x8x1024xf32, #tpu.memory_space<vmem>>, vector<16xf32>,
          %parallel_loop3A_1114 = arith.addf %parallel_loop3A_949, %parallel_loop3A_1106 : vector<16xf32>
          %parallel_loop3A_1115 = arith.mulf %parallel_loop3A_1106, %parallel_loop3A_1106 : vector<16xf32>
          %parallel_loop3A_1116 = arith.addf %parallel_loop3A_950, %parallel_loop3A_1115 : vector<16xf32>
          scf.yield %parallel_loop3A_980, %parallel_loop3A_982, %parallel_loop3A_998, %parallel_loop3A_1000, %parallel_loop3A_1016, %parallel_loop3A_1018, %parallel_loop3A_1034, %parallel_loop3A_1036, %parallel_loop3A_1060, %parallel_loop3A_1062, %parallel_loop3A_1078, %parallel_loop3A_1080, %parallel_loop3A_1096, %parallel_loop3A_1098, %parallel_loop3A_1114, %parallel_loop3A_1116 : vector<16xf32>, vector<16xf32>, vector<16xf32>, vector<16xf32>, vector<16xf32>, vector<16xf32>, vector<16xf32>, vector<16xf32>, vector<16xf32>, vector<16xf32>, vector<16xf32>, vector<16xf32>, vector<16xf32>, vector<16xf32>, vector<16xf32>, vector<16xf32>
        } {sc.loop_unroll_factor = 2 : i64, sc.parallel_access}
        %parallel_loop3A_579 = arith.constant true
        %parallel_loop3A_580 = vector.broadcast %parallel_loop3A_579 : i1 to vector<16xi1>
        %parallel_loop3A_581 = tpu.scan <sum>, %parallel_loop3A_578#0 masked %parallel_loop3A_580 : vector<16xf32>, vector<16xi1> -> vector<16xf32>
        %parallel_loop3A_582 = vector.extract %parallel_loop3A_581[15] : f32 from vector<16xf32>
        %parallel_loop3A_583 = arith.constant true
        %parallel_loop3A_584 = vector.broadcast %parallel_loop3A_583 : i1 to vector<16xi1>
        %parallel_loop3A_585 = tpu.scan <sum>, %parallel_loop3A_578#1 masked %parallel_loop3A_584 : vector<16xf32>, vector<16xi1> -> vector<16xf32>
        %parallel_loop3A_586 = vector.extract %parallel_loop3A_585[15] : f32 from vector<16xf32>
        %parallel_loop3A_587 = arith.constant 9.765625E-4 : f32
        %parallel_loop3A_588 = arith.mulf %parallel_loop3A_582, %parallel_loop3A_587 : f32
        %parallel_loop3A_589 = arith.constant 9.765625E-4 : f32
        %parallel_loop3A_590 = arith.mulf %parallel_loop3A_586, %parallel_loop3A_589 : f32
        %parallel_loop3A_591 = arith.mulf %parallel_loop3A_588, %parallel_loop3A_588 : f32
        %parallel_loop3A_592 = arith.subf %parallel_loop3A_590, %parallel_loop3A_591 : f32
        %parallel_loop3A_593 = vector.broadcast %parallel_loop3A_588 : f32 to vector<16xf32>
        %parallel_loop3A_594 = arith.constant 9.99999996E-13 : f32
        %parallel_loop3A_595 = arith.addf %parallel_loop3A_592, %parallel_loop3A_594 : f32
        %parallel_loop3A_596 = vector.broadcast %parallel_loop3A_595 : f32 to vector<16xf32>
        %parallel_loop3A_597 = vector.bitcast %parallel_loop3A_596 : vector<16xf32> to vector<16xi32>
        %parallel_loop3A_598 = arith.constant 1 : i32
        %parallel_loop3A_599 = vector.broadcast %parallel_loop3A_598 : i32 to vector<16xi32>
        %parallel_loop3A_600 = arith.shrsi %parallel_loop3A_597, %parallel_loop3A_599 : vector<16xi32>
        %parallel_loop3A_601 = arith.constant 1597463007 : i32
        %parallel_loop3A_602 = vector.broadcast %parallel_loop3A_601 : i32 to vector<16xi32>
        %parallel_loop3A_603 = arith.subi %parallel_loop3A_602, %parallel_loop3A_600 : vector<16xi32>
        %parallel_loop3A_604 = vector.bitcast %parallel_loop3A_603 : vector<16xi32> to vector<16xf32>
        %parallel_loop3A_605 = arith.constant 5.000000e-01 : f32
        %parallel_loop3A_606 = vector.broadcast %parallel_loop3A_605 : f32 to vector<16xf32>
        %parallel_loop3A_607 = arith.mulf %parallel_loop3A_606, %parallel_loop3A_596 : vector<16xf32>
        %parallel_loop3A_608 = arith.mulf %parallel_loop3A_607, %parallel_loop3A_604 : vector<16xf32>
        %parallel_loop3A_609 = arith.mulf %parallel_loop3A_608, %parallel_loop3A_604 : vector<16xf32>
        %parallel_loop3A_610 = arith.constant 1.500000e+00 : f32
        %parallel_loop3A_611 = vector.broadcast %parallel_loop3A_610 : f32 to vector<16xf32>
        %parallel_loop3A_612 = arith.subf %parallel_loop3A_611, %parallel_loop3A_609 : vector<16xf32>
        %parallel_loop3A_613 = arith.mulf %parallel_loop3A_604, %parallel_loop3A_612 : vector<16xf32>
        %parallel_loop3A_614 = arith.constant 5.000000e-01 : f32
        %parallel_loop3A_615 = vector.broadcast %parallel_loop3A_614 : f32 to vector<16xf32>
        %parallel_loop3A_616 = arith.mulf %parallel_loop3A_615, %parallel_loop3A_596 : vector<16xf32>
        %parallel_loop3A_617 = arith.mulf %parallel_loop3A_616, %parallel_loop3A_613 : vector<16xf32>
        %parallel_loop3A_618 = arith.mulf %parallel_loop3A_617, %parallel_loop3A_613 : vector<16xf32>
        %parallel_loop3A_619 = arith.constant 1.500000e+00 : f32
        %parallel_loop3A_620 = vector.broadcast %parallel_loop3A_619 : f32 to vector<16xf32>
        %parallel_loop3A_621 = arith.subf %parallel_loop3A_620, %parallel_loop3A_618 : vector<16xf32>
        %parallel_loop3A_622 = arith.mulf %parallel_loop3A_613, %parallel_loop3A_621 : vector<16xf32>
        %parallel_loop3A_623 = arith.constant true
        %parallel_loop3A_624 = vector.broadcast %parallel_loop3A_623 : i1 to vector<16xi1>
        %parallel_loop3A_625 = tpu.scan <sum>, %parallel_loop3A_578#2 masked %parallel_loop3A_624 : vector<16xf32>, vector<16xi1> -> vector<16xf32>
        %parallel_loop3A_626 = vector.extract %parallel_loop3A_625[15] : f32 from vector<16xf32>
        %parallel_loop3A_627 = arith.constant true
        %parallel_loop3A_628 = vector.broadcast %parallel_loop3A_627 : i1 to vector<16xi1>
        %parallel_loop3A_629 = tpu.scan <sum>, %parallel_loop3A_578#3 masked %parallel_loop3A_628 : vector<16xf32>, vector<16xi1> -> vector<16xf32>
        %parallel_loop3A_630 = vector.extract %parallel_loop3A_629[15] : f32 from vector<16xf32>
        %parallel_loop3A_631 = arith.constant 9.765625E-4 : f32
        %parallel_loop3A_632 = arith.mulf %parallel_loop3A_626, %parallel_loop3A_631 : f32
        %parallel_loop3A_633 = arith.constant 9.765625E-4 : f32
        %parallel_loop3A_634 = arith.mulf %parallel_loop3A_630, %parallel_loop3A_633 : f32
        %parallel_loop3A_635 = arith.mulf %parallel_loop3A_632, %parallel_loop3A_632 : f32
        %parallel_loop3A_636 = arith.subf %parallel_loop3A_634, %parallel_loop3A_635 : f32
        %parallel_loop3A_637 = vector.broadcast %parallel_loop3A_632 : f32 to vector<16xf32>
        %parallel_loop3A_638 = arith.constant 9.99999996E-13 : f32
        %parallel_loop3A_639 = arith.addf %parallel_loop3A_636, %parallel_loop3A_638 : f32
        %parallel_loop3A_640 = vector.broadcast %parallel_loop3A_639 : f32 to vector<16xf32>
        %parallel_loop3A_641 = vector.bitcast %parallel_loop3A_640 : vector<16xf32> to vector<16xi32>
        %parallel_loop3A_642 = arith.constant 1 : i32
        %parallel_loop3A_643 = vector.broadcast %parallel_loop3A_642 : i32 to vector<16xi32>
        %parallel_loop3A_644 = arith.shrsi %parallel_loop3A_641, %parallel_loop3A_643 : vector<16xi32>
        %parallel_loop3A_645 = arith.constant 1597463007 : i32
        %parallel_loop3A_646 = vector.broadcast %parallel_loop3A_645 : i32 to vector<16xi32>
        %parallel_loop3A_647 = arith.subi %parallel_loop3A_646, %parallel_loop3A_644 : vector<16xi32>
        %parallel_loop3A_648 = vector.bitcast %parallel_loop3A_647 : vector<16xi32> to vector<16xf32>
        %parallel_loop3A_649 = arith.constant 5.000000e-01 : f32
        %parallel_loop3A_650 = vector.broadcast %parallel_loop3A_649 : f32 to vector<16xf32>
        %parallel_loop3A_651 = arith.mulf %parallel_loop3A_650, %parallel_loop3A_640 : vector<16xf32>
        %parallel_loop3A_652 = arith.mulf %parallel_loop3A_651, %parallel_loop3A_648 : vector<16xf32>
        %parallel_loop3A_653 = arith.mulf %parallel_loop3A_652, %parallel_loop3A_648 : vector<16xf32>
        %parallel_loop3A_654 = arith.constant 1.500000e+00 : f32
        %parallel_loop3A_655 = vector.broadcast %parallel_loop3A_654 : f32 to vector<16xf32>
        %parallel_loop3A_656 = arith.subf %parallel_loop3A_655, %parallel_loop3A_653 : vector<16xf32>
        %parallel_loop3A_657 = arith.mulf %parallel_loop3A_648, %parallel_loop3A_656 : vector<16xf32>
        %parallel_loop3A_658 = arith.constant 5.000000e-01 : f32
        %parallel_loop3A_659 = vector.broadcast %parallel_loop3A_658 : f32 to vector<16xf32>
        %parallel_loop3A_660 = arith.mulf %parallel_loop3A_659, %parallel_loop3A_640 : vector<16xf32>
        %parallel_loop3A_661 = arith.mulf %parallel_loop3A_660, %parallel_loop3A_657 : vector<16xf32>
        %parallel_loop3A_662 = arith.mulf %parallel_loop3A_661, %parallel_loop3A_657 : vector<16xf32>
        %parallel_loop3A_663 = arith.constant 1.500000e+00 : f32
        %parallel_loop3A_664 = vector.broadcast %parallel_loop3A_663 : f32 to vector<16xf32>
        %parallel_loop3A_665 = arith.subf %parallel_loop3A_664, %parallel_loop3A_662 : vector<16xf32>
        %parallel_loop3A_666 = arith.mulf %parallel_loop3A_657, %parallel_loop3A_665 : vector<16xf32>
        %parallel_loop3A_667 = arith.constant true
        %parallel_loop3A_668 = vector.broadcast %parallel_loop3A_667 : i1 to vector<16xi1>
        %parallel_loop3A_669 = tpu.scan <sum>, %parallel_loop3A_578#4 masked %parallel_loop3A_668 : vector<16xf32>, vector<16xi1> -> vector<16xf32>
        %parallel_loop3A_670 = vector.extract %parallel_loop3A_669[15] : f32 from vector<16xf32>
        %parallel_loop3A_671 = arith.constant true
        %parallel_loop3A_672 = vector.broadcast %parallel_loop3A_671 : i1 to vector<16xi1>
        %parallel_loop3A_673 = tpu.scan <sum>, %parallel_loop3A_578#5 masked %parallel_loop3A_672 : vector<16xf32>, vector<16xi1> -> vector<16xf32>
        %parallel_loop3A_674 = vector.extract %parallel_loop3A_673[15] : f32 from vector<16xf32>
        %parallel_loop3A_675 = arith.constant 9.765625E-4 : f32
        %parallel_loop3A_676 = arith.mulf %parallel_loop3A_670, %parallel_loop3A_675 : f32
        %parallel_loop3A_677 = arith.constant 9.765625E-4 : f32
        %parallel_loop3A_678 = arith.mulf %parallel_loop3A_674, %parallel_loop3A_677 : f32
        %parallel_loop3A_679 = arith.mulf %parallel_loop3A_676, %parallel_loop3A_676 : f32
        %parallel_loop3A_680 = arith.subf %parallel_loop3A_678, %parallel_loop3A_679 : f32
        %parallel_loop3A_681 = vector.broadcast %parallel_loop3A_676 : f32 to vector<16xf32>
        %parallel_loop3A_682 = arith.constant 9.99999996E-13 : f32
        %parallel_loop3A_683 = arith.addf %parallel_loop3A_680, %parallel_loop3A_682 : f32
        %parallel_loop3A_684 = vector.broadcast %parallel_loop3A_683 : f32 to vector<16xf32>
        %parallel_loop3A_685 = vector.bitcast %parallel_loop3A_684 : vector<16xf32> to vector<16xi32>
        %parallel_loop3A_686 = arith.constant 1 : i32
        %parallel_loop3A_687 = vector.broadcast %parallel_loop3A_686 : i32 to vector<16xi32>
        %parallel_loop3A_688 = arith.shrsi %parallel_loop3A_685, %parallel_loop3A_687 : vector<16xi32>
        %parallel_loop3A_689 = arith.constant 1597463007 : i32
        %parallel_loop3A_690 = vector.broadcast %parallel_loop3A_689 : i32 to vector<16xi32>
        %parallel_loop3A_691 = arith.subi %parallel_loop3A_690, %parallel_loop3A_688 : vector<16xi32>
        %parallel_loop3A_692 = vector.bitcast %parallel_loop3A_691 : vector<16xi32> to vector<16xf32>
        %parallel_loop3A_693 = arith.constant 5.000000e-01 : f32
        %parallel_loop3A_694 = vector.broadcast %parallel_loop3A_693 : f32 to vector<16xf32>
        %parallel_loop3A_695 = arith.mulf %parallel_loop3A_694, %parallel_loop3A_684 : vector<16xf32>
        %parallel_loop3A_696 = arith.mulf %parallel_loop3A_695, %parallel_loop3A_692 : vector<16xf32>
        %parallel_loop3A_697 = arith.mulf %parallel_loop3A_696, %parallel_loop3A_692 : vector<16xf32>
        %parallel_loop3A_698 = arith.constant 1.500000e+00 : f32
        %parallel_loop3A_699 = vector.broadcast %parallel_loop3A_698 : f32 to vector<16xf32>
        %parallel_loop3A_700 = arith.subf %parallel_loop3A_699, %parallel_loop3A_697 : vector<16xf32>
        %parallel_loop3A_701 = arith.mulf %parallel_loop3A_692, %parallel_loop3A_700 : vector<16xf32>
        %parallel_loop3A_702 = arith.constant 5.000000e-01 : f32
        %parallel_loop3A_703 = vector.broadcast %parallel_loop3A_702 : f32 to vector<16xf32>
        %parallel_loop3A_704 = arith.mulf %parallel_loop3A_703, %parallel_loop3A_684 : vector<16xf32>
        %parallel_loop3A_705 = arith.mulf %parallel_loop3A_704, %parallel_loop3A_701 : vector<16xf32>
        %parallel_loop3A_706 = arith.mulf %parallel_loop3A_705, %parallel_loop3A_701 : vector<16xf32>
        %parallel_loop3A_707 = arith.constant 1.500000e+00 : f32
        %parallel_loop3A_708 = vector.broadcast %parallel_loop3A_707 : f32 to vector<16xf32>
        %parallel_loop3A_709 = arith.subf %parallel_loop3A_708, %parallel_loop3A_706 : vector<16xf32>
        %parallel_loop3A_710 = arith.mulf %parallel_loop3A_701, %parallel_loop3A_709 : vector<16xf32>
        %parallel_loop3A_711 = arith.constant true
        %parallel_loop3A_712 = vector.broadcast %parallel_loop3A_711 : i1 to vector<16xi1>
        %parallel_loop3A_713 = tpu.scan <sum>, %parallel_loop3A_578#6 masked %parallel_loop3A_712 : vector<16xf32>, vector<16xi1> -> vector<16xf32>
        %parallel_loop3A_714 = vector.extract %parallel_loop3A_713[15] : f32 from vector<16xf32>
        %parallel_loop3A_715 = arith.constant true
        %parallel_loop3A_716 = vector.broadcast %parallel_loop3A_715 : i1 to vector<16xi1>
        %parallel_loop3A_717 = tpu.scan <sum>, %parallel_loop3A_578#7 masked %parallel_loop3A_716 : vector<16xf32>, vector<16xi1> -> vector<16xf32>
        %parallel_loop3A_718 = vector.extract %parallel_loop3A_717[15] : f32 from vector<16xf32>
        %parallel_loop3A_719 = arith.constant 9.765625E-4 : f32
        %parallel_loop3A_720 = arith.mulf %parallel_loop3A_714, %parallel_loop3A_719 : f32
        %parallel_loop3A_721 = arith.constant 9.765625E-4 : f32
        %parallel_loop3A_722 = arith.mulf %parallel_loop3A_718, %parallel_loop3A_721 : f32
        %parallel_loop3A_723 = arith.mulf %parallel_loop3A_720, %parallel_loop3A_720 : f32
        %parallel_loop3A_724 = arith.subf %parallel_loop3A_722, %parallel_loop3A_723 : f32
        %parallel_loop3A_725 = vector.broadcast %parallel_loop3A_720 : f32 to vector<16xf32>
        %parallel_loop3A_726 = arith.constant 9.99999996E-13 : f32
        %parallel_loop3A_727 = arith.addf %parallel_loop3A_724, %parallel_loop3A_726 : f32
        %parallel_loop3A_728 = vector.broadcast %parallel_loop3A_727 : f32 to vector<16xf32>
        %parallel_loop3A_729 = vector.bitcast %parallel_loop3A_728 : vector<16xf32> to vector<16xi32>
        %parallel_loop3A_730 = arith.constant 1 : i32
        %parallel_loop3A_731 = vector.broadcast %parallel_loop3A_730 : i32 to vector<16xi32>
        %parallel_loop3A_732 = arith.shrsi %parallel_loop3A_729, %parallel_loop3A_731 : vector<16xi32>
        %parallel_loop3A_733 = arith.constant 1597463007 : i32
        %parallel_loop3A_734 = vector.broadcast %parallel_loop3A_733 : i32 to vector<16xi32>
        %parallel_loop3A_735 = arith.subi %parallel_loop3A_734, %parallel_loop3A_732 : vector<16xi32>
        %parallel_loop3A_736 = vector.bitcast %parallel_loop3A_735 : vector<16xi32> to vector<16xf32>
        %parallel_loop3A_737 = arith.constant 5.000000e-01 : f32
        %parallel_loop3A_738 = vector.broadcast %parallel_loop3A_737 : f32 to vector<16xf32>
        %parallel_loop3A_739 = arith.mulf %parallel_loop3A_738, %parallel_loop3A_728 : vector<16xf32>
        %parallel_loop3A_740 = arith.mulf %parallel_loop3A_739, %parallel_loop3A_736 : vector<16xf32>
        %parallel_loop3A_741 = arith.mulf %parallel_loop3A_740, %parallel_loop3A_736 : vector<16xf32>
        %parallel_loop3A_742 = arith.constant 1.500000e+00 : f32
        %parallel_loop3A_743 = vector.broadcast %parallel_loop3A_742 : f32 to vector<16xf32>
        %parallel_loop3A_744 = arith.subf %parallel_loop3A_743, %parallel_loop3A_741 : vector<16xf32>
        %parallel_loop3A_745 = arith.mulf %parallel_loop3A_736, %parallel_loop3A_744 : vector<16xf32>
        %parallel_loop3A_746 = arith.constant 5.000000e-01 : f32
        %parallel_loop3A_747 = vector.broadcast %parallel_loop3A_746 : f32 to vector<16xf32>
        %parallel_loop3A_748 = arith.mulf %parallel_loop3A_747, %parallel_loop3A_728 : vector<16xf32>
        %parallel_loop3A_749 = arith.mulf %parallel_loop3A_748, %parallel_loop3A_745 : vector<16xf32>
        %parallel_loop3A_750 = arith.mulf %parallel_loop3A_749, %parallel_loop3A_745 : vector<16xf32>
        %parallel_loop3A_751 = arith.constant 1.500000e+00 : f32
        %parallel_loop3A_752 = vector.broadcast %parallel_loop3A_751 : f32 to vector<16xf32>
        %parallel_loop3A_753 = arith.subf %parallel_loop3A_752, %parallel_loop3A_750 : vector<16xf32>
        %parallel_loop3A_754 = arith.mulf %parallel_loop3A_745, %parallel_loop3A_753 : vector<16xf32>
        %parallel_loop3A_755 = arith.constant true
        %parallel_loop3A_756 = vector.broadcast %parallel_loop3A_755 : i1 to vector<16xi1>
        %parallel_loop3A_757 = tpu.scan <sum>, %parallel_loop3A_578#8 masked %parallel_loop3A_756 : vector<16xf32>, vector<16xi1> -> vector<16xf32>
        %parallel_loop3A_758 = vector.extract %parallel_loop3A_757[15] : f32 from vector<16xf32>
        %parallel_loop3A_759 = arith.constant true
        %parallel_loop3A_760 = vector.broadcast %parallel_loop3A_759 : i1 to vector<16xi1>
        %parallel_loop3A_761 = tpu.scan <sum>, %parallel_loop3A_578#9 masked %parallel_loop3A_760 : vector<16xf32>, vector<16xi1> -> vector<16xf32>
        %parallel_loop3A_762 = vector.extract %parallel_loop3A_761[15] : f32 from vector<16xf32>
        %parallel_loop3A_763 = arith.constant 9.765625E-4 : f32
        %parallel_loop3A_764 = arith.mulf %parallel_loop3A_758, %parallel_loop3A_763 : f32
        %parallel_loop3A_765 = arith.constant 9.765625E-4 : f32
        %parallel_loop3A_766 = arith.mulf %parallel_loop3A_762, %parallel_loop3A_765 : f32
        %parallel_loop3A_767 = arith.mulf %parallel_loop3A_764, %parallel_loop3A_764 : f32
        %parallel_loop3A_768 = arith.subf %parallel_loop3A_766, %parallel_loop3A_767 : f32
        %parallel_loop3A_769 = vector.broadcast %parallel_loop3A_764 : f32 to vector<16xf32>
        %parallel_loop3A_770 = arith.constant 9.99999996E-13 : f32
        %parallel_loop3A_771 = arith.addf %parallel_loop3A_768, %parallel_loop3A_770 : f32
        %parallel_loop3A_772 = vector.broadcast %parallel_loop3A_771 : f32 to vector<16xf32>
        %parallel_loop3A_773 = vector.bitcast %parallel_loop3A_772 : vector<16xf32> to vector<16xi32>
        %parallel_loop3A_774 = arith.constant 1 : i32
        %parallel_loop3A_775 = vector.broadcast %parallel_loop3A_774 : i32 to vector<16xi32>
        %parallel_loop3A_776 = arith.shrsi %parallel_loop3A_773, %parallel_loop3A_775 : vector<16xi32>
        %parallel_loop3A_777 = arith.constant 1597463007 : i32
        %parallel_loop3A_778 = vector.broadcast %parallel_loop3A_777 : i32 to vector<16xi32>
        %parallel_loop3A_779 = arith.subi %parallel_loop3A_778, %parallel_loop3A_776 : vector<16xi32>
        %parallel_loop3A_780 = vector.bitcast %parallel_loop3A_779 : vector<16xi32> to vector<16xf32>
        %parallel_loop3A_781 = arith.constant 5.000000e-01 : f32
        %parallel_loop3A_782 = vector.broadcast %parallel_loop3A_781 : f32 to vector<16xf32>
        %parallel_loop3A_783 = arith.mulf %parallel_loop3A_782, %parallel_loop3A_772 : vector<16xf32>
        %parallel_loop3A_784 = arith.mulf %parallel_loop3A_783, %parallel_loop3A_780 : vector<16xf32>
        %parallel_loop3A_785 = arith.mulf %parallel_loop3A_784, %parallel_loop3A_780 : vector<16xf32>
        %parallel_loop3A_786 = arith.constant 1.500000e+00 : f32
        %parallel_loop3A_787 = vector.broadcast %parallel_loop3A_786 : f32 to vector<16xf32>
        %parallel_loop3A_788 = arith.subf %parallel_loop3A_787, %parallel_loop3A_785 : vector<16xf32>
        %parallel_loop3A_789 = arith.mulf %parallel_loop3A_780, %parallel_loop3A_788 : vector<16xf32>
        %parallel_loop3A_790 = arith.constant 5.000000e-01 : f32
        %parallel_loop3A_791 = vector.broadcast %parallel_loop3A_790 : f32 to vector<16xf32>
        %parallel_loop3A_792 = arith.mulf %parallel_loop3A_791, %parallel_loop3A_772 : vector<16xf32>
        %parallel_loop3A_793 = arith.mulf %parallel_loop3A_792, %parallel_loop3A_789 : vector<16xf32>
        %parallel_loop3A_794 = arith.mulf %parallel_loop3A_793, %parallel_loop3A_789 : vector<16xf32>
        %parallel_loop3A_795 = arith.constant 1.500000e+00 : f32
        %parallel_loop3A_796 = vector.broadcast %parallel_loop3A_795 : f32 to vector<16xf32>
        %parallel_loop3A_797 = arith.subf %parallel_loop3A_796, %parallel_loop3A_794 : vector<16xf32>
        %parallel_loop3A_798 = arith.mulf %parallel_loop3A_789, %parallel_loop3A_797 : vector<16xf32>
        %parallel_loop3A_799 = arith.constant true
        %parallel_loop3A_800 = vector.broadcast %parallel_loop3A_799 : i1 to vector<16xi1>
        %parallel_loop3A_801 = tpu.scan <sum>, %parallel_loop3A_578#10 masked %parallel_loop3A_800 : vector<16xf32>, vector<16xi1> -> vector<16xf32>
        %parallel_loop3A_802 = vector.extract %parallel_loop3A_801[15] : f32 from vector<16xf32>
        %parallel_loop3A_803 = arith.constant true
        %parallel_loop3A_804 = vector.broadcast %parallel_loop3A_803 : i1 to vector<16xi1>
        %parallel_loop3A_805 = tpu.scan <sum>, %parallel_loop3A_578#11 masked %parallel_loop3A_804 : vector<16xf32>, vector<16xi1> -> vector<16xf32>
        %parallel_loop3A_806 = vector.extract %parallel_loop3A_805[15] : f32 from vector<16xf32>
        %parallel_loop3A_807 = arith.constant 9.765625E-4 : f32
        %parallel_loop3A_808 = arith.mulf %parallel_loop3A_802, %parallel_loop3A_807 : f32
        %parallel_loop3A_809 = arith.constant 9.765625E-4 : f32
        %parallel_loop3A_810 = arith.mulf %parallel_loop3A_806, %parallel_loop3A_809 : f32
        %parallel_loop3A_811 = arith.mulf %parallel_loop3A_808, %parallel_loop3A_808 : f32
        %parallel_loop3A_812 = arith.subf %parallel_loop3A_810, %parallel_loop3A_811 : f32
        %parallel_loop3A_813 = vector.broadcast %parallel_loop3A_808 : f32 to vector<16xf32>
        %parallel_loop3A_814 = arith.constant 9.99999996E-13 : f32
        %parallel_loop3A_815 = arith.addf %parallel_loop3A_812, %parallel_loop3A_814 : f32
        %parallel_loop3A_816 = vector.broadcast %parallel_loop3A_815 : f32 to vector<16xf32>
        %parallel_loop3A_817 = vector.bitcast %parallel_loop3A_816 : vector<16xf32> to vector<16xi32>
        %parallel_loop3A_818 = arith.constant 1 : i32
        %parallel_loop3A_819 = vector.broadcast %parallel_loop3A_818 : i32 to vector<16xi32>
        %parallel_loop3A_820 = arith.shrsi %parallel_loop3A_817, %parallel_loop3A_819 : vector<16xi32>
        %parallel_loop3A_821 = arith.constant 1597463007 : i32
        %parallel_loop3A_822 = vector.broadcast %parallel_loop3A_821 : i32 to vector<16xi32>
        %parallel_loop3A_823 = arith.subi %parallel_loop3A_822, %parallel_loop3A_820 : vector<16xi32>
        %parallel_loop3A_824 = vector.bitcast %parallel_loop3A_823 : vector<16xi32> to vector<16xf32>
        %parallel_loop3A_825 = arith.constant 5.000000e-01 : f32
        %parallel_loop3A_826 = vector.broadcast %parallel_loop3A_825 : f32 to vector<16xf32>
        %parallel_loop3A_827 = arith.mulf %parallel_loop3A_826, %parallel_loop3A_816 : vector<16xf32>
        %parallel_loop3A_828 = arith.mulf %parallel_loop3A_827, %parallel_loop3A_824 : vector<16xf32>
        %parallel_loop3A_829 = arith.mulf %parallel_loop3A_828, %parallel_loop3A_824 : vector<16xf32>
        %parallel_loop3A_830 = arith.constant 1.500000e+00 : f32
        %parallel_loop3A_831 = vector.broadcast %parallel_loop3A_830 : f32 to vector<16xf32>
        %parallel_loop3A_832 = arith.subf %parallel_loop3A_831, %parallel_loop3A_829 : vector<16xf32>
        %parallel_loop3A_833 = arith.mulf %parallel_loop3A_824, %parallel_loop3A_832 : vector<16xf32>
        %parallel_loop3A_834 = arith.constant 5.000000e-01 : f32
        %parallel_loop3A_835 = vector.broadcast %parallel_loop3A_834 : f32 to vector<16xf32>
        %parallel_loop3A_836 = arith.mulf %parallel_loop3A_835, %parallel_loop3A_816 : vector<16xf32>
        %parallel_loop3A_837 = arith.mulf %parallel_loop3A_836, %parallel_loop3A_833 : vector<16xf32>
        %parallel_loop3A_838 = arith.mulf %parallel_loop3A_837, %parallel_loop3A_833 : vector<16xf32>
        %parallel_loop3A_839 = arith.constant 1.500000e+00 : f32
        %parallel_loop3A_840 = vector.broadcast %parallel_loop3A_839 : f32 to vector<16xf32>
        %parallel_loop3A_841 = arith.subf %parallel_loop3A_840, %parallel_loop3A_838 : vector<16xf32>
        %parallel_loop3A_842 = arith.mulf %parallel_loop3A_833, %parallel_loop3A_841 : vector<16xf32>
        %parallel_loop3A_843 = arith.constant true
        %parallel_loop3A_844 = vector.broadcast %parallel_loop3A_843 : i1 to vector<16xi1>
        %parallel_loop3A_845 = tpu.scan <sum>, %parallel_loop3A_578#12 masked %parallel_loop3A_844 : vector<16xf32>, vector<16xi1> -> vector<16xf32>
        %parallel_loop3A_846 = vector.extract %parallel_loop3A_845[15] : f32 from vector<16xf32>
        %parallel_loop3A_847 = arith.constant true
        %parallel_loop3A_848 = vector.broadcast %parallel_loop3A_847 : i1 to vector<16xi1>
        %parallel_loop3A_849 = tpu.scan <sum>, %parallel_loop3A_578#13 masked %parallel_loop3A_848 : vector<16xf32>, vector<16xi1> -> vector<16xf32>
        %parallel_loop3A_850 = vector.extract %parallel_loop3A_849[15] : f32 from vector<16xf32>
        %parallel_loop3A_851 = arith.constant 9.765625E-4 : f32
        %parallel_loop3A_852 = arith.mulf %parallel_loop3A_846, %parallel_loop3A_851 : f32
        %parallel_loop3A_853 = arith.constant 9.765625E-4 : f32
        %parallel_loop3A_854 = arith.mulf %parallel_loop3A_850, %parallel_loop3A_853 : f32
        %parallel_loop3A_855 = arith.mulf %parallel_loop3A_852, %parallel_loop3A_852 : f32
        %parallel_loop3A_856 = arith.subf %parallel_loop3A_854, %parallel_loop3A_855 : f32
        %parallel_loop3A_857 = vector.broadcast %parallel_loop3A_852 : f32 to vector<16xf32>
        %parallel_loop3A_858 = arith.constant 9.99999996E-13 : f32
        %parallel_loop3A_859 = arith.addf %parallel_loop3A_856, %parallel_loop3A_858 : f32
        %parallel_loop3A_860 = vector.broadcast %parallel_loop3A_859 : f32 to vector<16xf32>
        %parallel_loop3A_861 = vector.bitcast %parallel_loop3A_860 : vector<16xf32> to vector<16xi32>
        %parallel_loop3A_862 = arith.constant 1 : i32
        %parallel_loop3A_863 = vector.broadcast %parallel_loop3A_862 : i32 to vector<16xi32>
        %parallel_loop3A_864 = arith.shrsi %parallel_loop3A_861, %parallel_loop3A_863 : vector<16xi32>
        %parallel_loop3A_865 = arith.constant 1597463007 : i32
        %parallel_loop3A_866 = vector.broadcast %parallel_loop3A_865 : i32 to vector<16xi32>
        %parallel_loop3A_867 = arith.subi %parallel_loop3A_866, %parallel_loop3A_864 : vector<16xi32>
        %parallel_loop3A_868 = vector.bitcast %parallel_loop3A_867 : vector<16xi32> to vector<16xf32>
        %parallel_loop3A_869 = arith.constant 5.000000e-01 : f32
        %parallel_loop3A_870 = vector.broadcast %parallel_loop3A_869 : f32 to vector<16xf32>
        %parallel_loop3A_871 = arith.mulf %parallel_loop3A_870, %parallel_loop3A_860 : vector<16xf32>
        %parallel_loop3A_872 = arith.mulf %parallel_loop3A_871, %parallel_loop3A_868 : vector<16xf32>
        %parallel_loop3A_873 = arith.mulf %parallel_loop3A_872, %parallel_loop3A_868 : vector<16xf32>
        %parallel_loop3A_874 = arith.constant 1.500000e+00 : f32
        %parallel_loop3A_875 = vector.broadcast %parallel_loop3A_874 : f32 to vector<16xf32>
        %parallel_loop3A_876 = arith.subf %parallel_loop3A_875, %parallel_loop3A_873 : vector<16xf32>
        %parallel_loop3A_877 = arith.mulf %parallel_loop3A_868, %parallel_loop3A_876 : vector<16xf32>
        %parallel_loop3A_878 = arith.constant 5.000000e-01 : f32
        %parallel_loop3A_879 = vector.broadcast %parallel_loop3A_878 : f32 to vector<16xf32>
        %parallel_loop3A_880 = arith.mulf %parallel_loop3A_879, %parallel_loop3A_860 : vector<16xf32>
        %parallel_loop3A_881 = arith.mulf %parallel_loop3A_880, %parallel_loop3A_877 : vector<16xf32>
        %parallel_loop3A_882 = arith.mulf %parallel_loop3A_881, %parallel_loop3A_877 : vector<16xf32>
        %parallel_loop3A_883 = arith.constant 1.500000e+00 : f32
        %parallel_loop3A_884 = vector.broadcast %parallel_loop3A_883 : f32 to vector<16xf32>
        %parallel_loop3A_885 = arith.subf %parallel_loop3A_884, %parallel_loop3A_882 : vector<16xf32>
        %parallel_loop3A_886 = arith.mulf %parallel_loop3A_877, %parallel_loop3A_885 : vector<16xf32>
        %parallel_loop3A_887 = arith.constant true
        %parallel_loop3A_888 = vector.broadcast %parallel_loop3A_887 : i1 to vector<16xi1>
        %parallel_loop3A_889 = tpu.scan <sum>, %parallel_loop3A_578#14 masked %parallel_loop3A_888 : vector<16xf32>, vector<16xi1> -> vector<16xf32>
        %parallel_loop3A_890 = vector.extract %parallel_loop3A_889[15] : f32 from vector<16xf32>
        %parallel_loop3A_891 = arith.constant true
        %parallel_loop3A_892 = vector.broadcast %parallel_loop3A_891 : i1 to vector<16xi1>
        %parallel_loop3A_893 = tpu.scan <sum>, %parallel_loop3A_578#15 masked %parallel_loop3A_892 : vector<16xf32>, vector<16xi1> -> vector<16xf32>
        %parallel_loop3A_894 = vector.extract %parallel_loop3A_893[15] : f32 from vector<16xf32>
        %parallel_loop3A_895 = arith.constant 9.765625E-4 : f32
        %parallel_loop3A_896 = arith.mulf %parallel_loop3A_890, %parallel_loop3A_895 : f32
        %parallel_loop3A_897 = arith.constant 9.765625E-4 : f32
        %parallel_loop3A_898 = arith.mulf %parallel_loop3A_894, %parallel_loop3A_897 : f32
        %parallel_loop3A_899 = arith.mulf %parallel_loop3A_896, %parallel_loop3A_896 : f32
        %parallel_loop3A_900 = arith.subf %parallel_loop3A_898, %parallel_loop3A_899 : f32
        %parallel_loop3A_901 = vector.broadcast %parallel_loop3A_896 : f32 to vector<16xf32>
        %parallel_loop3A_902 = arith.constant 9.99999996E-13 : f32
        %parallel_loop3A_903 = arith.addf %parallel_loop3A_900, %parallel_loop3A_902 : f32
        %parallel_loop3A_904 = vector.broadcast %parallel_loop3A_903 : f32 to vector<16xf32>
        %parallel_loop3A_905 = vector.bitcast %parallel_loop3A_904 : vector<16xf32> to vector<16xi32>
        %parallel_loop3A_906 = arith.constant 1 : i32
        %parallel_loop3A_907 = vector.broadcast %parallel_loop3A_906 : i32 to vector<16xi32>
        %parallel_loop3A_908 = arith.shrsi %parallel_loop3A_905, %parallel_loop3A_907 : vector<16xi32>
        %parallel_loop3A_909 = arith.constant 1597463007 : i32
        %parallel_loop3A_910 = vector.broadcast %parallel_loop3A_909 : i32 to vector<16xi32>
        %parallel_loop3A_911 = arith.subi %parallel_loop3A_910, %parallel_loop3A_908 : vector<16xi32>
        %parallel_loop3A_912 = vector.bitcast %parallel_loop3A_911 : vector<16xi32> to vector<16xf32>
        %parallel_loop3A_913 = arith.constant 5.000000e-01 : f32
        %parallel_loop3A_914 = vector.broadcast %parallel_loop3A_913 : f32 to vector<16xf32>
        %parallel_loop3A_915 = arith.mulf %parallel_loop3A_914, %parallel_loop3A_904 : vector<16xf32>
        %parallel_loop3A_916 = arith.mulf %parallel_loop3A_915, %parallel_loop3A_912 : vector<16xf32>
        %parallel_loop3A_917 = arith.mulf %parallel_loop3A_916, %parallel_loop3A_912 : vector<16xf32>
        %parallel_loop3A_918 = arith.constant 1.500000e+00 : f32
        %parallel_loop3A_919 = vector.broadcast %parallel_loop3A_918 : f32 to vector<16xf32>
        %parallel_loop3A_920 = arith.subf %parallel_loop3A_919, %parallel_loop3A_917 : vector<16xf32>
        %parallel_loop3A_921 = arith.mulf %parallel_loop3A_912, %parallel_loop3A_920 : vector<16xf32>
        %parallel_loop3A_922 = arith.constant 5.000000e-01 : f32
        %parallel_loop3A_923 = vector.broadcast %parallel_loop3A_922 : f32 to vector<16xf32>
        %parallel_loop3A_924 = arith.mulf %parallel_loop3A_923, %parallel_loop3A_904 : vector<16xf32>
        %parallel_loop3A_925 = arith.mulf %parallel_loop3A_924, %parallel_loop3A_921 : vector<16xf32>
        %parallel_loop3A_926 = arith.mulf %parallel_loop3A_925, %parallel_loop3A_921 : vector<16xf32>
        %parallel_loop3A_927 = arith.constant 1.500000e+00 : f32
        %parallel_loop3A_928 = vector.broadcast %parallel_loop3A_927 : f32 to vector<16xf32>
        %parallel_loop3A_929 = arith.subf %parallel_loop3A_928, %parallel_loop3A_926 : vector<16xf32>
        %parallel_loop3A_930 = arith.mulf %parallel_loop3A_921, %parallel_loop3A_929 : vector<16xf32>
        %parallel_loop3A_931 = arith.constant 0 : i32
        %parallel_loop3A_932 = arith.constant 64 : i32
        %parallel_loop3A_933 = arith.constant 1 : i32
        scf.for %parallel_loop3A_934 = %parallel_loop3A_931 to %parallel_loop3A_932 step %parallel_loop3A_933  : i32 {
          %parallel_loop3A_935 = arith.constant 16 : i32
          %parallel_loop3A_936 = arith.muli %parallel_loop3A_934, %parallel_loop3A_935 : i32
          %parallel_loop3A_937 = arith.index_cast %parallel_loop3A_936 : i32 to index
          %parallel_loop3A_938 = tpu.vector_load %arg11[%parallel_loop3A_937] {strides = array<i32>} : memref<1024xf32, #tpu.memory_space<vmem>>, vector<16xf32>,
          %parallel_loop3A_939 = arith.index_cast %parallel_loop3A_936 : i32 to index
          %parallel_loop3A_940 = tpu.vector_load %arg12[%parallel_loop3A_939] {strides = array<i32>} : memref<1024xf32, #tpu.memory_space<vmem>>, vector<16xf32>,
          %parallel_loop3A_941 = arith.constant 0 : i32
          %parallel_loop3A_942 = arith.addi %parallel_loop3A_574, %parallel_loop3A_941 : i32
          %parallel_loop3A_943 = arith.constant 1 : i32
          %parallel_loop3A_944 = arith.constant 0 : i32
          %parallel_loop3A_945 = arith.index_cast %parallel_loop3A_943 : i32 to index
          %parallel_loop3A_946 = arith.index_cast %parallel_loop3A_944 : i32 to index
          %parallel_loop3A_947 = arith.index_cast %parallel_loop3A_942 : i32 to index
          %parallel_loop3A_948 = arith.index_cast %parallel_loop3A_936 : i32 to index
          %parallel_loop3A_949 = tpu.vector_load %arg9[%parallel_loop3A_945, %parallel_loop3A_946, %parallel_loop3A_947, %parallel_loop3A_948] {strides = array<i32>} : memref<2x4x8x1024xf32, #tpu.memory_space<vmem>>, vector<16xf32>,
          %parallel_loop3A_950 = arith.subf %parallel_loop3A_949, %parallel_loop3A_593 : vector<16xf32>
          %parallel_loop3A_951 = arith.mulf %parallel_loop3A_950, %parallel_loop3A_622 : vector<16xf32>
          %parallel_loop3A_952 = arith.mulf %parallel_loop3A_951, %parallel_loop3A_938 : vector<16xf32>
          %parallel_loop3A_953 = arith.addf %parallel_loop3A_952, %parallel_loop3A_940 : vector<16xf32>
          %parallel_loop3A_954 = arith.constant 1 : i32
          %parallel_loop3A_955 = arith.constant 0 : i32
          %parallel_loop3A_956 = arith.index_cast %parallel_loop3A_954 : i32 to index
          %parallel_loop3A_957 = arith.index_cast %parallel_loop3A_955 : i32 to index
          %parallel_loop3A_958 = arith.index_cast %parallel_loop3A_942 : i32 to index
          %parallel_loop3A_959 = arith.index_cast %parallel_loop3A_936 : i32 to index
          %parallel_loop3A_960 = tpu.vector_load %arg9[%parallel_loop3A_956, %parallel_loop3A_957, %parallel_loop3A_958, %parallel_loop3A_959] {strides = array<i32>} : memref<2x4x8x1024xf32, #tpu.memory_space<vmem>>, vector<16xf32>,
          tpu.vector_store %arg9[%parallel_loop3A_956, %parallel_loop3A_957, %parallel_loop3A_958, %parallel_loop3A_959], %parallel_loop3A_953 {strides = array<i32>} : memref<2x4x8x1024xf32, #tpu.memory_space<vmem>>, vector<16xf32>,
          %parallel_loop3A_961 = arith.constant 1 : i32
          %parallel_loop3A_962 = arith.constant 1 : i32
          %parallel_loop3A_963 = arith.index_cast %parallel_loop3A_961 : i32 to index
          %parallel_loop3A_964 = arith.index_cast %parallel_loop3A_962 : i32 to index
          %parallel_loop3A_965 = arith.index_cast %parallel_loop3A_942 : i32 to index
          %parallel_loop3A_966 = arith.index_cast %parallel_loop3A_936 : i32 to index
          %parallel_loop3A_967 = tpu.vector_load %arg9[%parallel_loop3A_963, %parallel_loop3A_964, %parallel_loop3A_965, %parallel_loop3A_966] {strides = array<i32>} : memref<2x4x8x1024xf32, #tpu.memory_space<vmem>>, vector<16xf32>,
          %parallel_loop3A_968 = arith.subf %parallel_loop3A_967, %parallel_loop3A_637 : vector<16xf32>
          %parallel_loop3A_969 = arith.mulf %parallel_loop3A_968, %parallel_loop3A_666 : vector<16xf32>
          %parallel_loop3A_970 = arith.mulf %parallel_loop3A_969, %parallel_loop3A_938 : vector<16xf32>
          %parallel_loop3A_971 = arith.addf %parallel_loop3A_970, %parallel_loop3A_940 : vector<16xf32>
          %parallel_loop3A_972 = arith.constant 1 : i32
          %parallel_loop3A_973 = arith.constant 1 : i32
          %parallel_loop3A_974 = arith.index_cast %parallel_loop3A_972 : i32 to index
          %parallel_loop3A_975 = arith.index_cast %parallel_loop3A_973 : i32 to index
          %parallel_loop3A_976 = arith.index_cast %parallel_loop3A_942 : i32 to index
          %parallel_loop3A_977 = arith.index_cast %parallel_loop3A_936 : i32 to index
          %parallel_loop3A_978 = tpu.vector_load %arg9[%parallel_loop3A_974, %parallel_loop3A_975, %parallel_loop3A_976, %parallel_loop3A_977] {strides = array<i32>} : memref<2x4x8x1024xf32, #tpu.memory_space<vmem>>, vector<16xf32>,
          tpu.vector_store %arg9[%parallel_loop3A_974, %parallel_loop3A_975, %parallel_loop3A_976, %parallel_loop3A_977], %parallel_loop3A_971 {strides = array<i32>} : memref<2x4x8x1024xf32, #tpu.memory_space<vmem>>, vector<16xf32>,
          %parallel_loop3A_979 = arith.constant 1 : i32
          %parallel_loop3A_980 = arith.constant 2 : i32
          %parallel_loop3A_981 = arith.index_cast %parallel_loop3A_979 : i32 to index
          %parallel_loop3A_982 = arith.index_cast %parallel_loop3A_980 : i32 to index
          %parallel_loop3A_983 = arith.index_cast %parallel_loop3A_942 : i32 to index
          %parallel_loop3A_984 = arith.index_cast %parallel_loop3A_936 : i32 to index
          %parallel_loop3A_985 = tpu.vector_load %arg9[%parallel_loop3A_981, %parallel_loop3A_982, %parallel_loop3A_983, %parallel_loop3A_984] {strides = array<i32>} : memref<2x4x8x1024xf32, #tpu.memory_space<vmem>>, vector<16xf32>,
          %parallel_loop3A_986 = arith.subf %parallel_loop3A_985, %parallel_loop3A_681 : vector<16xf32>
          %parallel_loop3A_987 = arith.mulf %parallel_loop3A_986, %parallel_loop3A_710 : vector<16xf32>
          %parallel_loop3A_988 = arith.mulf %parallel_loop3A_987, %parallel_loop3A_938 : vector<16xf32>
          %parallel_loop3A_989 = arith.addf %parallel_loop3A_988, %parallel_loop3A_940 : vector<16xf32>
          %parallel_loop3A_990 = arith.constant 1 : i32
          %parallel_loop3A_991 = arith.constant 2 : i32
          %parallel_loop3A_992 = arith.index_cast %parallel_loop3A_990 : i32 to index
          %parallel_loop3A_993 = arith.index_cast %parallel_loop3A_991 : i32 to index
          %parallel_loop3A_994 = arith.index_cast %parallel_loop3A_942 : i32 to index
          %parallel_loop3A_995 = arith.index_cast %parallel_loop3A_936 : i32 to index
          %parallel_loop3A_996 = tpu.vector_load %arg9[%parallel_loop3A_992, %parallel_loop3A_993, %parallel_loop3A_994, %parallel_loop3A_995] {strides = array<i32>} : memref<2x4x8x1024xf32, #tpu.memory_space<vmem>>, vector<16xf32>,
          tpu.vector_store %arg9[%parallel_loop3A_992, %parallel_loop3A_993, %parallel_loop3A_994, %parallel_loop3A_995], %parallel_loop3A_989 {strides = array<i32>} : memref<2x4x8x1024xf32, #tpu.memory_space<vmem>>, vector<16xf32>,
          %parallel_loop3A_997 = arith.constant 1 : i32
          %parallel_loop3A_998 = arith.constant 3 : i32
          %parallel_loop3A_999 = arith.index_cast %parallel_loop3A_997 : i32 to index
          %parallel_loop3A_1000 = arith.index_cast %parallel_loop3A_998 : i32 to index
          %parallel_loop3A_1001 = arith.index_cast %parallel_loop3A_942 : i32 to index
          %parallel_loop3A_1002 = arith.index_cast %parallel_loop3A_936 : i32 to index
          %parallel_loop3A_1003 = tpu.vector_load %arg9[%parallel_loop3A_999, %parallel_loop3A_1000, %parallel_loop3A_1001, %parallel_loop3A_1002] {strides = array<i32>} : memref<2x4x8x1024xf32, #tpu.memory_space<vmem>>, vector<16xf32>,
          %parallel_loop3A_1004 = arith.subf %parallel_loop3A_1003, %parallel_loop3A_725 : vector<16xf32>
          %parallel_loop3A_1005 = arith.mulf %parallel_loop3A_1004, %parallel_loop3A_754 : vector<16xf32>
          %parallel_loop3A_1006 = arith.mulf %parallel_loop3A_1005, %parallel_loop3A_938 : vector<16xf32>
          %parallel_loop3A_1007 = arith.addf %parallel_loop3A_1006, %parallel_loop3A_940 : vector<16xf32>
          %parallel_loop3A_1008 = arith.constant 1 : i32
          %parallel_loop3A_1009 = arith.constant 3 : i32
          %parallel_loop3A_1010 = arith.index_cast %parallel_loop3A_1008 : i32 to index
          %parallel_loop3A_1011 = arith.index_cast %parallel_loop3A_1009 : i32 to index
          %parallel_loop3A_1012 = arith.index_cast %parallel_loop3A_942 : i32 to index
          %parallel_loop3A_1013 = arith.index_cast %parallel_loop3A_936 : i32 to index
          %parallel_loop3A_1014 = tpu.vector_load %arg9[%parallel_loop3A_1010, %parallel_loop3A_1011, %parallel_loop3A_1012, %parallel_loop3A_1013] {strides = array<i32>} : memref<2x4x8x1024xf32, #tpu.memory_space<vmem>>, vector<16xf32>,
          tpu.vector_store %arg9[%parallel_loop3A_1010, %parallel_loop3A_1011, %parallel_loop3A_1012, %parallel_loop3A_1013], %parallel_loop3A_1007 {strides = array<i32>} : memref<2x4x8x1024xf32, #tpu.memory_space<vmem>>, vector<16xf32>,
          %parallel_loop3A_1015 = arith.constant 1 : i32
          %parallel_loop3A_1016 = arith.addi %parallel_loop3A_574, %parallel_loop3A_1015 : i32
          %parallel_loop3A_1017 = arith.constant 1 : i32
          %parallel_loop3A_1018 = arith.constant 0 : i32
          %parallel_loop3A_1019 = arith.index_cast %parallel_loop3A_1017 : i32 to index
          %parallel_loop3A_1020 = arith.index_cast %parallel_loop3A_1018 : i32 to index
          %parallel_loop3A_1021 = arith.index_cast %parallel_loop3A_1016 : i32 to index
          %parallel_loop3A_1022 = arith.index_cast %parallel_loop3A_936 : i32 to index
          %parallel_loop3A_1023 = tpu.vector_load %arg9[%parallel_loop3A_1019, %parallel_loop3A_1020, %parallel_loop3A_1021, %parallel_loop3A_1022] {strides = array<i32>} : memref<2x4x8x1024xf32, #tpu.memory_space<vmem>>, vector<16xf32>,
          %parallel_loop3A_1024 = arith.subf %parallel_loop3A_1023, %parallel_loop3A_769 : vector<16xf32>
          %parallel_loop3A_1025 = arith.mulf %parallel_loop3A_1024, %parallel_loop3A_798 : vector<16xf32>
          %parallel_loop3A_1026 = arith.mulf %parallel_loop3A_1025, %parallel_loop3A_938 : vector<16xf32>
          %parallel_loop3A_1027 = arith.addf %parallel_loop3A_1026, %parallel_loop3A_940 : vector<16xf32>
          %parallel_loop3A_1028 = arith.constant 1 : i32
          %parallel_loop3A_1029 = arith.constant 0 : i32
          %parallel_loop3A_1030 = arith.index_cast %parallel_loop3A_1028 : i32 to index
          %parallel_loop3A_1031 = arith.index_cast %parallel_loop3A_1029 : i32 to index
          %parallel_loop3A_1032 = arith.index_cast %parallel_loop3A_1016 : i32 to index
          %parallel_loop3A_1033 = arith.index_cast %parallel_loop3A_936 : i32 to index
          %parallel_loop3A_1034 = tpu.vector_load %arg9[%parallel_loop3A_1030, %parallel_loop3A_1031, %parallel_loop3A_1032, %parallel_loop3A_1033] {strides = array<i32>} : memref<2x4x8x1024xf32, #tpu.memory_space<vmem>>, vector<16xf32>,
          tpu.vector_store %arg9[%parallel_loop3A_1030, %parallel_loop3A_1031, %parallel_loop3A_1032, %parallel_loop3A_1033], %parallel_loop3A_1027 {strides = array<i32>} : memref<2x4x8x1024xf32, #tpu.memory_space<vmem>>, vector<16xf32>,
          %parallel_loop3A_1035 = arith.constant 1 : i32
          %parallel_loop3A_1036 = arith.constant 1 : i32
          %parallel_loop3A_1037 = arith.index_cast %parallel_loop3A_1035 : i32 to index
          %parallel_loop3A_1038 = arith.index_cast %parallel_loop3A_1036 : i32 to index
          %parallel_loop3A_1039 = arith.index_cast %parallel_loop3A_1016 : i32 to index
          %parallel_loop3A_1040 = arith.index_cast %parallel_loop3A_936 : i32 to index
          %parallel_loop3A_1041 = tpu.vector_load %arg9[%parallel_loop3A_1037, %parallel_loop3A_1038, %parallel_loop3A_1039, %parallel_loop3A_1040] {strides = array<i32>} : memref<2x4x8x1024xf32, #tpu.memory_space<vmem>>, vector<16xf32>,
          %parallel_loop3A_1042 = arith.subf %parallel_loop3A_1041, %parallel_loop3A_813 : vector<16xf32>
          %parallel_loop3A_1043 = arith.mulf %parallel_loop3A_1042, %parallel_loop3A_842 : vector<16xf32>
          %parallel_loop3A_1044 = arith.mulf %parallel_loop3A_1043, %parallel_loop3A_938 : vector<16xf32>
          %parallel_loop3A_1045 = arith.addf %parallel_loop3A_1044, %parallel_loop3A_940 : vector<16xf32>
          %parallel_loop3A_1046 = arith.constant 1 : i32
          %parallel_loop3A_1047 = arith.constant 1 : i32
          %parallel_loop3A_1048 = arith.index_cast %parallel_loop3A_1046 : i32 to index
          %parallel_loop3A_1049 = arith.index_cast %parallel_loop3A_1047 : i32 to index
          %parallel_loop3A_1050 = arith.index_cast %parallel_loop3A_1016 : i32 to index
          %parallel_loop3A_1051 = arith.index_cast %parallel_loop3A_936 : i32 to index
          %parallel_loop3A_1052 = tpu.vector_load %arg9[%parallel_loop3A_1048, %parallel_loop3A_1049, %parallel_loop3A_1050, %parallel_loop3A_1051] {strides = array<i32>} : memref<2x4x8x1024xf32, #tpu.memory_space<vmem>>, vector<16xf32>,
          tpu.vector_store %arg9[%parallel_loop3A_1048, %parallel_loop3A_1049, %parallel_loop3A_1050, %parallel_loop3A_1051], %parallel_loop3A_1045 {strides = array<i32>} : memref<2x4x8x1024xf32, #tpu.memory_space<vmem>>, vector<16xf32>,
          %parallel_loop3A_1053 = arith.constant 1 : i32
          %parallel_loop3A_1054 = arith.constant 2 : i32
          %parallel_loop3A_1055 = arith.index_cast %parallel_loop3A_1053 : i32 to index
          %parallel_loop3A_1056 = arith.index_cast %parallel_loop3A_1054 : i32 to index
          %parallel_loop3A_1057 = arith.index_cast %parallel_loop3A_1016 : i32 to index
          %parallel_loop3A_1058 = arith.index_cast %parallel_loop3A_936 : i32 to index
          %parallel_loop3A_1059 = tpu.vector_load %arg9[%parallel_loop3A_1055, %parallel_loop3A_1056, %parallel_loop3A_1057, %parallel_loop3A_1058] {strides = array<i32>} : memref<2x4x8x1024xf32, #tpu.memory_space<vmem>>, vector<16xf32>,
          %parallel_loop3A_1060 = arith.subf %parallel_loop3A_1059, %parallel_loop3A_857 : vector<16xf32>
          %parallel_loop3A_1061 = arith.mulf %parallel_loop3A_1060, %parallel_loop3A_886 : vector<16xf32>
          %parallel_loop3A_1062 = arith.mulf %parallel_loop3A_1061, %parallel_loop3A_938 : vector<16xf32>
          %parallel_loop3A_1063 = arith.addf %parallel_loop3A_1062, %parallel_loop3A_940 : vector<16xf32>
          %parallel_loop3A_1064 = arith.constant 1 : i32
          %parallel_loop3A_1065 = arith.constant 2 : i32
          %parallel_loop3A_1066 = arith.index_cast %parallel_loop3A_1064 : i32 to index
          %parallel_loop3A_1067 = arith.index_cast %parallel_loop3A_1065 : i32 to index
          %parallel_loop3A_1068 = arith.index_cast %parallel_loop3A_1016 : i32 to index
          %parallel_loop3A_1069 = arith.index_cast %parallel_loop3A_936 : i32 to index
          %parallel_loop3A_1070 = tpu.vector_load %arg9[%parallel_loop3A_1066, %parallel_loop3A_1067, %parallel_loop3A_1068, %parallel_loop3A_1069] {strides = array<i32>} : memref<2x4x8x1024xf32, #tpu.memory_space<vmem>>, vector<16xf32>,
          tpu.vector_store %arg9[%parallel_loop3A_1066, %parallel_loop3A_1067, %parallel_loop3A_1068, %parallel_loop3A_1069], %parallel_loop3A_1063 {strides = array<i32>} : memref<2x4x8x1024xf32, #tpu.memory_space<vmem>>, vector<16xf32>,
          %parallel_loop3A_1071 = arith.constant 1 : i32
          %parallel_loop3A_1072 = arith.constant 3 : i32
          %parallel_loop3A_1073 = arith.index_cast %parallel_loop3A_1071 : i32 to index
          %parallel_loop3A_1074 = arith.index_cast %parallel_loop3A_1072 : i32 to index
          %parallel_loop3A_1075 = arith.index_cast %parallel_loop3A_1016 : i32 to index
          %parallel_loop3A_1076 = arith.index_cast %parallel_loop3A_936 : i32 to index
          %parallel_loop3A_1077 = tpu.vector_load %arg9[%parallel_loop3A_1073, %parallel_loop3A_1074, %parallel_loop3A_1075, %parallel_loop3A_1076] {strides = array<i32>} : memref<2x4x8x1024xf32, #tpu.memory_space<vmem>>, vector<16xf32>,
          %parallel_loop3A_1078 = arith.subf %parallel_loop3A_1077, %parallel_loop3A_901 : vector<16xf32>
          %parallel_loop3A_1079 = arith.mulf %parallel_loop3A_1078, %parallel_loop3A_930 : vector<16xf32>
          %parallel_loop3A_1080 = arith.mulf %parallel_loop3A_1079, %parallel_loop3A_938 : vector<16xf32>
          %parallel_loop3A_1081 = arith.addf %parallel_loop3A_1080, %parallel_loop3A_940 : vector<16xf32>
          %parallel_loop3A_1082 = arith.constant 1 : i32
          %parallel_loop3A_1083 = arith.constant 3 : i32
          %parallel_loop3A_1084 = arith.index_cast %parallel_loop3A_1082 : i32 to index
          %parallel_loop3A_1085 = arith.index_cast %parallel_loop3A_1083 : i32 to index
          %parallel_loop3A_1086 = arith.index_cast %parallel_loop3A_1016 : i32 to index
          %parallel_loop3A_1087 = arith.index_cast %parallel_loop3A_936 : i32 to index
          %parallel_loop3A_1088 = tpu.vector_load %arg9[%parallel_loop3A_1084, %parallel_loop3A_1085, %parallel_loop3A_1086, %parallel_loop3A_1087] {strides = array<i32>} : memref<2x4x8x1024xf32, #tpu.memory_space<vmem>>, vector<16xf32>,
          tpu.vector_store %arg9[%parallel_loop3A_1084, %parallel_loop3A_1085, %parallel_loop3A_1086, %parallel_loop3A_1087], %parallel_loop3A_1081 {strides = array<i32>} : memref<2x4x8x1024xf32, #tpu.memory_space<vmem>>, vector<16xf32>,
        } {sc.loop_unroll_factor = 2 : i64, sc.parallel_access}
      } {sc.loop_unroll_factor = 1 : i64, sc.parallel_access}
      %mul3A_503 = arith.constant 8 : i32
      %mul3A_504 = arith.muli %add3A_408, %mul3A_503 : i32
      %add3A_505 = arith.addi %mul3A_2, %mul3A_504 : i32
      %dma_start3A_506 = arith.constant 1 : i32
      %dma_start3A_507 = arith.constant 0 : i32
      %dma_start3A_508 = arith.constant 0 : i32
      %dma_start3A_509 = arith.constant 0 : i32
      %dma_start3A_510 = arith.constant 0 : i32
      %dma_start3A_511 = tpu.memref_slice %arg9[%dma_start3A_506, %dma_start3A_507, %dma_start3A_509, %dma_start3A_510] : memref<2x4x8x1024xf32, #tpu.memory_space<vmem>> -> memref<1x1x8x1024xf32, #tpu.memory_space<vmem>>
      %dma_start3A_512 = tpu.memref_squeeze %dma_start3A_511 : memref<1x1x8x1024xf32, #tpu.memory_space<vmem>> -> memref<8x1024xf32, #tpu.memory_space<vmem>>
      %dma_start3A_513 = arith.constant 0 : i32
      %dma_start3A_514 = tpu.memref_slice %arg7[%dma_start3A_508, %add3A_505, %dma_start3A_513] : memref<4x2048x1024xf32, #tpu.memory_space<hbm>> -> memref<1x8x1024xf32, #tpu.memory_space<hbm>>
      %dma_start3A_515 = tpu.memref_squeeze %dma_start3A_514 : memref<1x8x1024xf32, #tpu.memory_space<hbm>> -> memref<8x1024xf32, #tpu.memory_space<hbm>>
      %dma_start3A_516 = arith.constant 0 : i32
      %dma_start3A_517 = tpu.memref_slice %arg7[%dma_start3A_508, %add3A_505, %dma_start3A_516] : memref<4x2048x1024xf32, #tpu.memory_space<hbm>> -> memref<1x8x1024xf32, #tpu.memory_space<hbm>>
      %dma_start3A_518 = tpu.memref_squeeze %dma_start3A_517 : memref<1x8x1024xf32, #tpu.memory_space<hbm>> -> memref<8x1024xf32, #tpu.memory_space<hbm>>
      %dma_start3A_519 = arith.constant 0 : i32
      %dma_start3A_520 = arith.constant 0 : i32
      %dma_start3A_521 = tpu.memref_slice %arg9[%dma_start3A_506, %dma_start3A_507, %dma_start3A_519, %dma_start3A_520] : memref<2x4x8x1024xf32, #tpu.memory_space<vmem>> -> memref<1x1x8x1024xf32, #tpu.memory_space<vmem>>
      %dma_start3A_522 = tpu.memref_squeeze %dma_start3A_521 : memref<1x1x8x1024xf32, #tpu.memory_space<vmem>> -> memref<8x1024xf32, #tpu.memory_space<vmem>>
      tpu.enqueue_dma source(%dma_start3A_522 : memref<8x1024xf32, #tpu.memory_space<vmem>>) target(%dma_start3A_518 : memref<8x1024xf32, #tpu.memory_space<hbm>>) target_semaphore(%arg16 : memref<!tpu.dma_semaphore, #tpu.memory_space<semaphore_mem>>)
      %dma_start3A_523 = arith.constant 1 : i32
      %dma_start3A_524 = arith.constant 1 : i32
      %dma_start3A_525 = arith.constant 1 : i32
      %dma_start3A_526 = arith.constant 0 : i32
      %dma_start3A_527 = arith.constant 0 : i32
      %dma_start3A_528 = tpu.memref_slice %arg9[%dma_start3A_523, %dma_start3A_524, %dma_start3A_526, %dma_start3A_527] : memref<2x4x8x1024xf32, #tpu.memory_space<vmem>> -> memref<1x1x8x1024xf32, #tpu.memory_space<vmem>>
      %dma_start3A_529 = tpu.memref_squeeze %dma_start3A_528 : memref<1x1x8x1024xf32, #tpu.memory_space<vmem>> -> memref<8x1024xf32, #tpu.memory_space<vmem>>
      %dma_start3A_530 = arith.constant 0 : i32
      %dma_start3A_531 = tpu.memref_slice %arg7[%dma_start3A_525, %add3A_505, %dma_start3A_530] : memref<4x2048x1024xf32, #tpu.memory_space<hbm>> -> memref<1x8x1024xf32, #tpu.memory_space<hbm>>
      %dma_start3A_532 = tpu.memref_squeeze %dma_start3A_531 : memref<1x8x1024xf32, #tpu.memory_space<hbm>> -> memref<8x1024xf32, #tpu.memory_space<hbm>>
      %dma_start3A_533 = arith.constant 0 : i32
      %dma_start3A_534 = tpu.memref_slice %arg7[%dma_start3A_525, %add3A_505, %dma_start3A_533] : memref<4x2048x1024xf32, #tpu.memory_space<hbm>> -> memref<1x8x1024xf32, #tpu.memory_space<hbm>>
      %dma_start3A_535 = tpu.memref_squeeze %dma_start3A_534 : memref<1x8x1024xf32, #tpu.memory_space<hbm>> -> memref<8x1024xf32, #tpu.memory_space<hbm>>
      %dma_start3A_536 = arith.constant 0 : i32
      %dma_start3A_537 = arith.constant 0 : i32
      %dma_start3A_538 = tpu.memref_slice %arg9[%dma_start3A_523, %dma_start3A_524, %dma_start3A_536, %dma_start3A_537] : memref<2x4x8x1024xf32, #tpu.memory_space<vmem>> -> memref<1x1x8x1024xf32, #tpu.memory_space<vmem>>
      %dma_start3A_539 = tpu.memref_squeeze %dma_start3A_538 : memref<1x1x8x1024xf32, #tpu.memory_space<vmem>> -> memref<8x1024xf32, #tpu.memory_space<vmem>>
      tpu.enqueue_dma source(%dma_start3A_539 : memref<8x1024xf32, #tpu.memory_space<vmem>>) target(%dma_start3A_535 : memref<8x1024xf32, #tpu.memory_space<hbm>>) target_semaphore(%arg16 : memref<!tpu.dma_semaphore, #tpu.memory_space<semaphore_mem>>)
      %dma_start3A_540 = arith.constant 1 : i32
      %dma_start3A_541 = arith.constant 2 : i32
      %dma_start3A_542 = arith.constant 2 : i32
      %dma_start3A_543 = arith.constant 0 : i32
      %dma_start3A_544 = arith.constant 0 : i32
      %dma_start3A_545 = tpu.memref_slice %arg9[%dma_start3A_540, %dma_start3A_541, %dma_start3A_543, %dma_start3A_544] : memref<2x4x8x1024xf32, #tpu.memory_space<vmem>> -> memref<1x1x8x1024xf32, #tpu.memory_space<vmem>>
      %dma_start3A_546 = tpu.memref_squeeze %dma_start3A_545 : memref<1x1x8x1024xf32, #tpu.memory_space<vmem>> -> memref<8x1024xf32, #tpu.memory_space<vmem>>
      %dma_start3A_547 = arith.constant 0 : i32
      %dma_start3A_548 = tpu.memref_slice %arg7[%dma_start3A_542, %add3A_505, %dma_start3A_547] : memref<4x2048x1024xf32, #tpu.memory_space<hbm>> -> memref<1x8x1024xf32, #tpu.memory_space<hbm>>
      %dma_start3A_549 = tpu.memref_squeeze %dma_start3A_548 : memref<1x8x1024xf32, #tpu.memory_space<hbm>> -> memref<8x1024xf32, #tpu.memory_space<hbm>>
      %dma_start3A_550 = arith.constant 0 : i32
      %dma_start3A_551 = tpu.memref_slice %arg7[%dma_start3A_542, %add3A_505, %dma_start3A_550] : memref<4x2048x1024xf32, #tpu.memory_space<hbm>> -> memref<1x8x1024xf32, #tpu.memory_space<hbm>>
      %dma_start3A_552 = tpu.memref_squeeze %dma_start3A_551 : memref<1x8x1024xf32, #tpu.memory_space<hbm>> -> memref<8x1024xf32, #tpu.memory_space<hbm>>
      %dma_start3A_553 = arith.constant 0 : i32
      %dma_start3A_554 = arith.constant 0 : i32
      %dma_start3A_555 = tpu.memref_slice %arg9[%dma_start3A_540, %dma_start3A_541, %dma_start3A_553, %dma_start3A_554] : memref<2x4x8x1024xf32, #tpu.memory_space<vmem>> -> memref<1x1x8x1024xf32, #tpu.memory_space<vmem>>
      %dma_start3A_556 = tpu.memref_squeeze %dma_start3A_555 : memref<1x1x8x1024xf32, #tpu.memory_space<vmem>> -> memref<8x1024xf32, #tpu.memory_space<vmem>>
      tpu.enqueue_dma source(%dma_start3A_556 : memref<8x1024xf32, #tpu.memory_space<vmem>>) target(%dma_start3A_552 : memref<8x1024xf32, #tpu.memory_space<hbm>>) target_semaphore(%arg16 : memref<!tpu.dma_semaphore, #tpu.memory_space<semaphore_mem>>)
      %dma_start3A_557 = arith.constant 1 : i32
      %dma_start3A_558 = arith.constant 3 : i32
      %dma_start3A_559 = arith.constant 3 : i32
      %dma_start3A_560 = arith.constant 0 : i32
      %dma_start3A_561 = arith.constant 0 : i32
      %dma_start3A_562 = tpu.memref_slice %arg9[%dma_start3A_557, %dma_start3A_558, %dma_start3A_560, %dma_start3A_561] : memref<2x4x8x1024xf32, #tpu.memory_space<vmem>> -> memref<1x1x8x1024xf32, #tpu.memory_space<vmem>>
      %dma_start3A_563 = tpu.memref_squeeze %dma_start3A_562 : memref<1x1x8x1024xf32, #tpu.memory_space<vmem>> -> memref<8x1024xf32, #tpu.memory_space<vmem>>
      %dma_start3A_564 = arith.constant 0 : i32
      %dma_start3A_565 = tpu.memref_slice %arg7[%dma_start3A_559, %add3A_505, %dma_start3A_564] : memref<4x2048x1024xf32, #tpu.memory_space<hbm>> -> memref<1x8x1024xf32, #tpu.memory_space<hbm>>
      %dma_start3A_566 = tpu.memref_squeeze %dma_start3A_565 : memref<1x8x1024xf32, #tpu.memory_space<hbm>> -> memref<8x1024xf32, #tpu.memory_space<hbm>>
      %dma_start3A_567 = arith.constant 0 : i32
      %dma_start3A_568 = tpu.memref_slice %arg7[%dma_start3A_559, %add3A_505, %dma_start3A_567] : memref<4x2048x1024xf32, #tpu.memory_space<hbm>> -> memref<1x8x1024xf32, #tpu.memory_space<hbm>>
      %dma_start3A_569 = tpu.memref_squeeze %dma_start3A_568 : memref<1x8x1024xf32, #tpu.memory_space<hbm>> -> memref<8x1024xf32, #tpu.memory_space<hbm>>
      %dma_start3A_570 = arith.constant 0 : i32
      %dma_start3A_571 = arith.constant 0 : i32
      %dma_start3A_572 = tpu.memref_slice %arg9[%dma_start3A_557, %dma_start3A_558, %dma_start3A_570, %dma_start3A_571] : memref<2x4x8x1024xf32, #tpu.memory_space<vmem>> -> memref<1x1x8x1024xf32, #tpu.memory_space<vmem>>
      %dma_start3A_573 = tpu.memref_squeeze %dma_start3A_572 : memref<1x1x8x1024xf32, #tpu.memory_space<vmem>> -> memref<8x1024xf32, #tpu.memory_space<vmem>>
      tpu.enqueue_dma source(%dma_start3A_573 : memref<8x1024xf32, #tpu.memory_space<vmem>>) target(%dma_start3A_569 : memref<8x1024xf32, #tpu.memory_space<hbm>>) target_semaphore(%arg16 : memref<!tpu.dma_semaphore, #tpu.memory_space<semaphore_mem>>)
    }
    %scan3A_98 = arith.constant 4 : i32
    %add3A_99 = arith.constant 48 : i32
    %add3A_100 = arith.addi %mul3A_2, %add3A_99 : i32
    %dma_wait3A_101 = arith.constant 0 : i32
    %dma_wait3A_102 = arith.constant 0 : i32
    %dma_wait3A_103 = arith.constant 0 : i32
    %dma_wait3A_104 = arith.constant 0 : i32
    %dma_wait3A_105 = arith.constant 0 : i32
    %dma_wait3A_106 = tpu.memref_slice %arg9[%dma_wait3A_101, %dma_wait3A_102, %dma_wait3A_104, %dma_wait3A_105] : memref<2x4x8x1024xf32, #tpu.memory_space<vmem>> -> memref<1x1x8x1024xf32, #tpu.memory_space<vmem>>
    %dma_wait3A_107 = tpu.memref_squeeze %dma_wait3A_106 : memref<1x1x8x1024xf32, #tpu.memory_space<vmem>> -> memref<8x1024xf32, #tpu.memory_space<vmem>>
    %dma_wait3A_108 = arith.constant 0 : i32
    %dma_wait3A_109 = tpu.memref_slice %arg7[%dma_wait3A_103, %add3A_100, %dma_wait3A_108] : memref<4x2048x1024xf32, #tpu.memory_space<hbm>> -> memref<1x8x1024xf32, #tpu.memory_space<hbm>>
    %dma_wait3A_110 = tpu.memref_squeeze %dma_wait3A_109 : memref<1x8x1024xf32, #tpu.memory_space<hbm>> -> memref<8x1024xf32, #tpu.memory_space<hbm>>
    %dma_wait3A_111 = arith.constant 0 : i32
    %dma_wait3A_112 = tpu.memref_slice %arg7[%dma_wait3A_103, %add3A_100, %dma_wait3A_111] : memref<4x2048x1024xf32, #tpu.memory_space<hbm>> -> memref<1x8x1024xf32, #tpu.memory_space<hbm>>
    %dma_wait3A_113 = tpu.memref_squeeze %dma_wait3A_112 : memref<1x8x1024xf32, #tpu.memory_space<hbm>> -> memref<8x1024xf32, #tpu.memory_space<hbm>>
    %dma_wait3A_114 = arith.constant 0 : i32
    %dma_wait3A_115 = arith.constant 0 : i32
    %dma_wait3A_116 = tpu.memref_slice %arg9[%dma_wait3A_101, %dma_wait3A_102, %dma_wait3A_114, %dma_wait3A_115] : memref<2x4x8x1024xf32, #tpu.memory_space<vmem>> -> memref<1x1x8x1024xf32, #tpu.memory_space<vmem>>
    %dma_wait3A_117 = tpu.memref_squeeze %dma_wait3A_116 : memref<1x1x8x1024xf32, #tpu.memory_space<vmem>> -> memref<8x1024xf32, #tpu.memory_space<vmem>>
    tpu.wait_dma2 semaphore(%arg15 : memref<!tpu.dma_semaphore, #tpu.memory_space<semaphore_mem>>) src(%dma_wait3A_117 : memref<8x1024xf32, #tpu.memory_space<vmem>>) dst(%dma_wait3A_113 : memref<8x1024xf32, #tpu.memory_space<hbm>>)
    %dma_wait3A_118 = arith.constant 0 : i32
    %dma_wait3A_119 = arith.constant 1 : i32
    %dma_wait3A_120 = arith.constant 1 : i32
    %dma_wait3A_121 = arith.constant 0 : i32
    %dma_wait3A_122 = arith.constant 0 : i32
    %dma_wait3A_123 = tpu.memref_slice %arg9[%dma_wait3A_118, %dma_wait3A_119, %dma_wait3A_121, %dma_wait3A_122] : memref<2x4x8x1024xf32, #tpu.memory_space<vmem>> -> memref<1x1x8x1024xf32, #tpu.memory_space<vmem>>
    %dma_wait3A_124 = tpu.memref_squeeze %dma_wait3A_123 : memref<1x1x8x1024xf32, #tpu.memory_space<vmem>> -> memref<8x1024xf32, #tpu.memory_space<vmem>>
    %dma_wait3A_125 = arith.constant 0 : i32
    %dma_wait3A_126 = tpu.memref_slice %arg7[%dma_wait3A_120, %add3A_100, %dma_wait3A_125] : memref<4x2048x1024xf32, #tpu.memory_space<hbm>> -> memref<1x8x1024xf32, #tpu.memory_space<hbm>>
    %dma_wait3A_127 = tpu.memref_squeeze %dma_wait3A_126 : memref<1x8x1024xf32, #tpu.memory_space<hbm>> -> memref<8x1024xf32, #tpu.memory_space<hbm>>
    %dma_wait3A_128 = arith.constant 0 : i32
    %dma_wait3A_129 = tpu.memref_slice %arg7[%dma_wait3A_120, %add3A_100, %dma_wait3A_128] : memref<4x2048x1024xf32, #tpu.memory_space<hbm>> -> memref<1x8x1024xf32, #tpu.memory_space<hbm>>
    %dma_wait3A_130 = tpu.memref_squeeze %dma_wait3A_129 : memref<1x8x1024xf32, #tpu.memory_space<hbm>> -> memref<8x1024xf32, #tpu.memory_space<hbm>>
    %dma_wait3A_131 = arith.constant 0 : i32
    %dma_wait3A_132 = arith.constant 0 : i32
    %dma_wait3A_133 = tpu.memref_slice %arg9[%dma_wait3A_118, %dma_wait3A_119, %dma_wait3A_131, %dma_wait3A_132] : memref<2x4x8x1024xf32, #tpu.memory_space<vmem>> -> memref<1x1x8x1024xf32, #tpu.memory_space<vmem>>
    %dma_wait3A_134 = tpu.memref_squeeze %dma_wait3A_133 : memref<1x1x8x1024xf32, #tpu.memory_space<vmem>> -> memref<8x1024xf32, #tpu.memory_space<vmem>>
    tpu.wait_dma2 semaphore(%arg15 : memref<!tpu.dma_semaphore, #tpu.memory_space<semaphore_mem>>) src(%dma_wait3A_134 : memref<8x1024xf32, #tpu.memory_space<vmem>>) dst(%dma_wait3A_130 : memref<8x1024xf32, #tpu.memory_space<hbm>>)
    %dma_wait3A_135 = arith.constant 0 : i32
    %dma_wait3A_136 = arith.constant 2 : i32
    %dma_wait3A_137 = arith.constant 2 : i32
    %dma_wait3A_138 = arith.constant 0 : i32
    %dma_wait3A_139 = arith.constant 0 : i32
    %dma_wait3A_140 = tpu.memref_slice %arg9[%dma_wait3A_135, %dma_wait3A_136, %dma_wait3A_138, %dma_wait3A_139] : memref<2x4x8x1024xf32, #tpu.memory_space<vmem>> -> memref<1x1x8x1024xf32, #tpu.memory_space<vmem>>
    %dma_wait3A_141 = tpu.memref_squeeze %dma_wait3A_140 : memref<1x1x8x1024xf32, #tpu.memory_space<vmem>> -> memref<8x1024xf32, #tpu.memory_space<vmem>>
    %dma_wait3A_142 = arith.constant 0 : i32
    %dma_wait3A_143 = tpu.memref_slice %arg7[%dma_wait3A_137, %add3A_100, %dma_wait3A_142] : memref<4x2048x1024xf32, #tpu.memory_space<hbm>> -> memref<1x8x1024xf32, #tpu.memory_space<hbm>>
    %dma_wait3A_144 = tpu.memref_squeeze %dma_wait3A_143 : memref<1x8x1024xf32, #tpu.memory_space<hbm>> -> memref<8x1024xf32, #tpu.memory_space<hbm>>
    %dma_wait3A_145 = arith.constant 0 : i32
    %dma_wait3A_146 = tpu.memref_slice %arg7[%dma_wait3A_137, %add3A_100, %dma_wait3A_145] : memref<4x2048x1024xf32, #tpu.memory_space<hbm>> -> memref<1x8x1024xf32, #tpu.memory_space<hbm>>
    %dma_wait3A_147 = tpu.memref_squeeze %dma_wait3A_146 : memref<1x8x1024xf32, #tpu.memory_space<hbm>> -> memref<8x1024xf32, #tpu.memory_space<hbm>>
    %dma_wait3A_148 = arith.constant 0 : i32
    %dma_wait3A_149 = arith.constant 0 : i32
    %dma_wait3A_150 = tpu.memref_slice %arg9[%dma_wait3A_135, %dma_wait3A_136, %dma_wait3A_148, %dma_wait3A_149] : memref<2x4x8x1024xf32, #tpu.memory_space<vmem>> -> memref<1x1x8x1024xf32, #tpu.memory_space<vmem>>
    %dma_wait3A_151 = tpu.memref_squeeze %dma_wait3A_150 : memref<1x1x8x1024xf32, #tpu.memory_space<vmem>> -> memref<8x1024xf32, #tpu.memory_space<vmem>>
    tpu.wait_dma2 semaphore(%arg15 : memref<!tpu.dma_semaphore, #tpu.memory_space<semaphore_mem>>) src(%dma_wait3A_151 : memref<8x1024xf32, #tpu.memory_space<vmem>>) dst(%dma_wait3A_147 : memref<8x1024xf32, #tpu.memory_space<hbm>>)
    %dma_wait3A_152 = arith.constant 0 : i32
    %dma_wait3A_153 = arith.constant 3 : i32
    %dma_wait3A_154 = arith.constant 3 : i32
    %dma_wait3A_155 = arith.constant 0 : i32
    %dma_wait3A_156 = arith.constant 0 : i32
    %dma_wait3A_157 = tpu.memref_slice %arg9[%dma_wait3A_152, %dma_wait3A_153, %dma_wait3A_155, %dma_wait3A_156] : memref<2x4x8x1024xf32, #tpu.memory_space<vmem>> -> memref<1x1x8x1024xf32, #tpu.memory_space<vmem>>
    %dma_wait3A_158 = tpu.memref_squeeze %dma_wait3A_157 : memref<1x1x8x1024xf32, #tpu.memory_space<vmem>> -> memref<8x1024xf32, #tpu.memory_space<vmem>>
    %dma_wait3A_159 = arith.constant 0 : i32
    %dma_wait3A_160 = tpu.memref_slice %arg7[%dma_wait3A_154, %add3A_100, %dma_wait3A_159] : memref<4x2048x1024xf32, #tpu.memory_space<hbm>> -> memref<1x8x1024xf32, #tpu.memory_space<hbm>>
    %dma_wait3A_161 = tpu.memref_squeeze %dma_wait3A_160 : memref<1x8x1024xf32, #tpu.memory_space<hbm>> -> memref<8x1024xf32, #tpu.memory_space<hbm>>
    %dma_wait3A_162 = arith.constant 0 : i32
    %dma_wait3A_163 = tpu.memref_slice %arg7[%dma_wait3A_154, %add3A_100, %dma_wait3A_162] : memref<4x2048x1024xf32, #tpu.memory_space<hbm>> -> memref<1x8x1024xf32, #tpu.memory_space<hbm>>
    %dma_wait3A_164 = tpu.memref_squeeze %dma_wait3A_163 : memref<1x8x1024xf32, #tpu.memory_space<hbm>> -> memref<8x1024xf32, #tpu.memory_space<hbm>>
    %dma_wait3A_165 = arith.constant 0 : i32
    %dma_wait3A_166 = arith.constant 0 : i32
    %dma_wait3A_167 = tpu.memref_slice %arg9[%dma_wait3A_152, %dma_wait3A_153, %dma_wait3A_165, %dma_wait3A_166] : memref<2x4x8x1024xf32, #tpu.memory_space<vmem>> -> memref<1x1x8x1024xf32, #tpu.memory_space<vmem>>
    %dma_wait3A_168 = tpu.memref_squeeze %dma_wait3A_167 : memref<1x1x8x1024xf32, #tpu.memory_space<vmem>> -> memref<8x1024xf32, #tpu.memory_space<vmem>>
    tpu.wait_dma2 semaphore(%arg15 : memref<!tpu.dma_semaphore, #tpu.memory_space<semaphore_mem>>) src(%dma_wait3A_168 : memref<8x1024xf32, #tpu.memory_space<vmem>>) dst(%dma_wait3A_164 : memref<8x1024xf32, #tpu.memory_space<hbm>>)
    %add3A_169 = arith.constant 56 : i32
    %add3A_170 = arith.addi %mul3A_2, %add3A_169 : i32
    %dma_wait3A_171 = arith.constant 1 : i32
    %dma_wait3A_172 = arith.constant 0 : i32
    %dma_wait3A_173 = arith.constant 0 : i32
    %dma_wait3A_174 = arith.constant 0 : i32
    %dma_wait3A_175 = arith.constant 0 : i32
    %dma_wait3A_176 = tpu.memref_slice %arg9[%dma_wait3A_171, %dma_wait3A_172, %dma_wait3A_174, %dma_wait3A_175] : memref<2x4x8x1024xf32, #tpu.memory_space<vmem>> -> memref<1x1x8x1024xf32, #tpu.memory_space<vmem>>
    %dma_wait3A_177 = tpu.memref_squeeze %dma_wait3A_176 : memref<1x1x8x1024xf32, #tpu.memory_space<vmem>> -> memref<8x1024xf32, #tpu.memory_space<vmem>>
    %dma_wait3A_178 = arith.constant 0 : i32
    %dma_wait3A_179 = tpu.memref_slice %arg7[%dma_wait3A_173, %add3A_170, %dma_wait3A_178] : memref<4x2048x1024xf32, #tpu.memory_space<hbm>> -> memref<1x8x1024xf32, #tpu.memory_space<hbm>>
    %dma_wait3A_180 = tpu.memref_squeeze %dma_wait3A_179 : memref<1x8x1024xf32, #tpu.memory_space<hbm>> -> memref<8x1024xf32, #tpu.memory_space<hbm>>
    %dma_wait3A_181 = arith.constant 0 : i32
    %dma_wait3A_182 = tpu.memref_slice %arg7[%dma_wait3A_173, %add3A_170, %dma_wait3A_181] : memref<4x2048x1024xf32, #tpu.memory_space<hbm>> -> memref<1x8x1024xf32, #tpu.memory_space<hbm>>
    %dma_wait3A_183 = tpu.memref_squeeze %dma_wait3A_182 : memref<1x8x1024xf32, #tpu.memory_space<hbm>> -> memref<8x1024xf32, #tpu.memory_space<hbm>>
    %dma_wait3A_184 = arith.constant 0 : i32
    %dma_wait3A_185 = arith.constant 0 : i32
    %dma_wait3A_186 = tpu.memref_slice %arg9[%dma_wait3A_171, %dma_wait3A_172, %dma_wait3A_184, %dma_wait3A_185] : memref<2x4x8x1024xf32, #tpu.memory_space<vmem>> -> memref<1x1x8x1024xf32, #tpu.memory_space<vmem>>
    %dma_wait3A_187 = tpu.memref_squeeze %dma_wait3A_186 : memref<1x1x8x1024xf32, #tpu.memory_space<vmem>> -> memref<8x1024xf32, #tpu.memory_space<vmem>>
    tpu.wait_dma2 semaphore(%arg16 : memref<!tpu.dma_semaphore, #tpu.memory_space<semaphore_mem>>) src(%dma_wait3A_187 : memref<8x1024xf32, #tpu.memory_space<vmem>>) dst(%dma_wait3A_183 : memref<8x1024xf32, #tpu.memory_space<hbm>>)
    %dma_wait3A_188 = arith.constant 1 : i32
    %dma_wait3A_189 = arith.constant 1 : i32
    %dma_wait3A_190 = arith.constant 1 : i32
    %dma_wait3A_191 = arith.constant 0 : i32
    %dma_wait3A_192 = arith.constant 0 : i32
    %dma_wait3A_193 = tpu.memref_slice %arg9[%dma_wait3A_188, %dma_wait3A_189, %dma_wait3A_191, %dma_wait3A_192] : memref<2x4x8x1024xf32, #tpu.memory_space<vmem>> -> memref<1x1x8x1024xf32, #tpu.memory_space<vmem>>
    %dma_wait3A_194 = tpu.memref_squeeze %dma_wait3A_193 : memref<1x1x8x1024xf32, #tpu.memory_space<vmem>> -> memref<8x1024xf32, #tpu.memory_space<vmem>>
    %dma_wait3A_195 = arith.constant 0 : i32
    %dma_wait3A_196 = tpu.memref_slice %arg7[%dma_wait3A_190, %add3A_170, %dma_wait3A_195] : memref<4x2048x1024xf32, #tpu.memory_space<hbm>> -> memref<1x8x1024xf32, #tpu.memory_space<hbm>>
    %dma_wait3A_197 = tpu.memref_squeeze %dma_wait3A_196 : memref<1x8x1024xf32, #tpu.memory_space<hbm>> -> memref<8x1024xf32, #tpu.memory_space<hbm>>
    %dma_wait3A_198 = arith.constant 0 : i32
    %dma_wait3A_199 = tpu.memref_slice %arg7[%dma_wait3A_190, %add3A_170, %dma_wait3A_198] : memref<4x2048x1024xf32, #tpu.memory_space<hbm>> -> memref<1x8x1024xf32, #tpu.memory_space<hbm>>
    %dma_wait3A_200 = tpu.memref_squeeze %dma_wait3A_199 : memref<1x8x1024xf32, #tpu.memory_space<hbm>> -> memref<8x1024xf32, #tpu.memory_space<hbm>>
    %dma_wait3A_201 = arith.constant 0 : i32
    %dma_wait3A_202 = arith.constant 0 : i32
    %dma_wait3A_203 = tpu.memref_slice %arg9[%dma_wait3A_188, %dma_wait3A_189, %dma_wait3A_201, %dma_wait3A_202] : memref<2x4x8x1024xf32, #tpu.memory_space<vmem>> -> memref<1x1x8x1024xf32, #tpu.memory_space<vmem>>
    %dma_wait3A_204 = tpu.memref_squeeze %dma_wait3A_203 : memref<1x1x8x1024xf32, #tpu.memory_space<vmem>> -> memref<8x1024xf32, #tpu.memory_space<vmem>>
    tpu.wait_dma2 semaphore(%arg16 : memref<!tpu.dma_semaphore, #tpu.memory_space<semaphore_mem>>) src(%dma_wait3A_204 : memref<8x1024xf32, #tpu.memory_space<vmem>>) dst(%dma_wait3A_200 : memref<8x1024xf32, #tpu.memory_space<hbm>>)
    %dma_wait3A_205 = arith.constant 1 : i32
    %dma_wait3A_206 = arith.constant 2 : i32
    %dma_wait3A_207 = arith.constant 2 : i32
    %dma_wait3A_208 = arith.constant 0 : i32
    %dma_wait3A_209 = arith.constant 0 : i32
    %dma_wait3A_210 = tpu.memref_slice %arg9[%dma_wait3A_205, %dma_wait3A_206, %dma_wait3A_208, %dma_wait3A_209] : memref<2x4x8x1024xf32, #tpu.memory_space<vmem>> -> memref<1x1x8x1024xf32, #tpu.memory_space<vmem>>
    %dma_wait3A_211 = tpu.memref_squeeze %dma_wait3A_210 : memref<1x1x8x1024xf32, #tpu.memory_space<vmem>> -> memref<8x1024xf32, #tpu.memory_space<vmem>>
    %dma_wait3A_212 = arith.constant 0 : i32
    %dma_wait3A_213 = tpu.memref_slice %arg7[%dma_wait3A_207, %add3A_170, %dma_wait3A_212] : memref<4x2048x1024xf32, #tpu.memory_space<hbm>> -> memref<1x8x1024xf32, #tpu.memory_space<hbm>>
    %dma_wait3A_214 = tpu.memref_squeeze %dma_wait3A_213 : memref<1x8x1024xf32, #tpu.memory_space<hbm>> -> memref<8x1024xf32, #tpu.memory_space<hbm>>
    %dma_wait3A_215 = arith.constant 0 : i32
    %dma_wait3A_216 = tpu.memref_slice %arg7[%dma_wait3A_207, %add3A_170, %dma_wait3A_215] : memref<4x2048x1024xf32, #tpu.memory_space<hbm>> -> memref<1x8x1024xf32, #tpu.memory_space<hbm>>
    %dma_wait3A_217 = tpu.memref_squeeze %dma_wait3A_216 : memref<1x8x1024xf32, #tpu.memory_space<hbm>> -> memref<8x1024xf32, #tpu.memory_space<hbm>>
    %dma_wait3A_218 = arith.constant 0 : i32
    %dma_wait3A_219 = arith.constant 0 : i32
    %dma_wait3A_220 = tpu.memref_slice %arg9[%dma_wait3A_205, %dma_wait3A_206, %dma_wait3A_218, %dma_wait3A_219] : memref<2x4x8x1024xf32, #tpu.memory_space<vmem>> -> memref<1x1x8x1024xf32, #tpu.memory_space<vmem>>
    %dma_wait3A_221 = tpu.memref_squeeze %dma_wait3A_220 : memref<1x1x8x1024xf32, #tpu.memory_space<vmem>> -> memref<8x1024xf32, #tpu.memory_space<vmem>>
    tpu.wait_dma2 semaphore(%arg16 : memref<!tpu.dma_semaphore, #tpu.memory_space<semaphore_mem>>) src(%dma_wait3A_221 : memref<8x1024xf32, #tpu.memory_space<vmem>>) dst(%dma_wait3A_217 : memref<8x1024xf32, #tpu.memory_space<hbm>>)
    %dma_wait3A_222 = arith.constant 1 : i32
    %dma_wait3A_223 = arith.constant 3 : i32
    %dma_wait3A_224 = arith.constant 3 : i32
    %dma_wait3A_225 = arith.constant 0 : i32
    %dma_wait3A_226 = arith.constant 0 : i32
    %dma_wait3A_227 = tpu.memref_slice %arg9[%dma_wait3A_222, %dma_wait3A_223, %dma_wait3A_225, %dma_wait3A_226] : memref<2x4x8x1024xf32, #tpu.memory_space<vmem>> -> memref<1x1x8x1024xf32, #tpu.memory_space<vmem>>
    %dma_wait3A_228 = tpu.memref_squeeze %dma_wait3A_227 : memref<1x1x8x1024xf32, #tpu.memory_space<vmem>> -> memref<8x1024xf32, #tpu.memory_space<vmem>>
    %dma_wait3A_229 = arith.constant 0 : i32
    %dma_wait3A_230 = tpu.memref_slice %arg7[%dma_wait3A_224, %add3A_170, %dma_wait3A_229] : memref<4x2048x1024xf32, #tpu.memory_space<hbm>> -> memref<1x8x1024xf32, #tpu.memory_space<hbm>>
    %dma_wait3A_231 = tpu.memref_squeeze %dma_wait3A_230 : memref<1x8x1024xf32, #tpu.memory_space<hbm>> -> memref<8x1024xf32, #tpu.memory_space<hbm>>
    %dma_wait3A_232 = arith.constant 0 : i32
    %dma_wait3A_233 = tpu.memref_slice %arg7[%dma_wait3A_224, %add3A_170, %dma_wait3A_232] : memref<4x2048x1024xf32, #tpu.memory_space<hbm>> -> memref<1x8x1024xf32, #tpu.memory_space<hbm>>
    %dma_wait3A_234 = tpu.memref_squeeze %dma_wait3A_233 : memref<1x8x1024xf32, #tpu.memory_space<hbm>> -> memref<8x1024xf32, #tpu.memory_space<hbm>>
    %dma_wait3A_235 = arith.constant 0 : i32
    %dma_wait3A_236 = arith.constant 0 : i32
    %dma_wait3A_237 = tpu.memref_slice %arg9[%dma_wait3A_222, %dma_wait3A_223, %dma_wait3A_235, %dma_wait3A_236] : memref<2x4x8x1024xf32, #tpu.memory_space<vmem>> -> memref<1x1x8x1024xf32, #tpu.memory_space<vmem>>
    %dma_wait3A_238 = tpu.memref_squeeze %dma_wait3A_237 : memref<1x1x8x1024xf32, #tpu.memory_space<vmem>> -> memref<8x1024xf32, #tpu.memory_space<vmem>>
    tpu.wait_dma2 semaphore(%arg16 : memref<!tpu.dma_semaphore, #tpu.memory_space<semaphore_mem>>) src(%dma_wait3A_238 : memref<8x1024xf32, #tpu.memory_space<vmem>>) dst(%dma_wait3A_234 : memref<8x1024xf32, #tpu.memory_space<hbm>>)
    return
  }
}

</mosaic_0001>

<sc_bundles>
// kernel: kernel.3.cloned.1.call-start
scs
__scs_entry_jumppad:
0x0: {  	(pc) =	sbr.rel $0x88, $3  }
0x1: {  	(tag) =	ssettag $0x0;
	lr =	simm.s32 $0x1  }
0x2: {  	[smem:$0x3F9C] =	sst lr;
	_ =	strace $0xD0000000  }
0x3: {  	_ = 	snop  }
0x4: {  	_ = 	snop  }
0x5: {  	_ = 	snop  }
0x6: {  	_ = 	snop  }
0x7: {  	_ = 	snop  }
__scs_overlays_trampoline_lowered:
0x8: {  	[smem:$0x3FAB] =	sst s0  }
0x9: {  	[smem:$0x3FAC] =	sst s1  }
0xa: {  	[smem:$0x3FAD] =	sst s2  }
0xb: {  	[smem:$0x3FAE] =	sst s3  }
0xc: {  	[smem:$0x3FAF] =	sst s4  }
0xd: {  	[smem:$0x3FB0] =	sst s5  }
0xe: {  	[smem:$0x3FB1] =	sst s6  }
0xf: {  	[smem:$0x3FB2] =	sst s7  }
0x10: {  	[smem:$0x3FB3] =	sst s8  }
0x11: {  	[smem:$0x3FB4] =	sst s9;
	s0 =	simm.s32 @!p0 $0x0  }
0x12: {  	s1 =	sld [smem:$0x3F9A];
	s0 =	simm.s32 @p0 $0x1  }
0x13: {  	[smem:$0x3FB5] =	sst s0;
	s0 =	simm.s32 @!p1 $0x0  }
0x14: {  	s2 =	sld [smem:$0x3F99];
	s0 =	simm.s32 @p1 $0x1  }
0x15: {  	[smem:$0x3FB6] =	sst s0;
	s0 =	simm.s32 @!p2 $0x0  }
0x16: {  	s3 =	sld [smem:$0x3FDB];
	s0 =	simm.s32 @p2 $0x1  }
0x17: {  	s4 =	simm.s32 $0x1BF5;
	[smem:$0x3FB8] =	sst s0  }
0x18: {  	s0 =	sld [smem:$0x3F9B];
	_ =	swait.ge [sflag:s4], $0x0  }
0x19: {  	s7 =	sld [smem:$0x3F9C]  }
0x1a: {  	s8 =	sadd.s32 $0xFFFFE003, lr  }
0x1b: {  	s9 =	sadd.s32 $0xFFFFFEF7, lr;
	s5 =	simm.s32 $0xFFFFFFFF;
	p2 =	slt.u32 s8, $0xFFFFF086  }
0x1c: {  	p1 =	slt.u32 s9, $0xF7A;
	s5 =	simm.s32 @!p2 $0x0  }
0x1d: {  	s5 =	simm.s32 @p1 $0x1;
	p0 =	seq.s32 s7, s2  }
0x1e: {  	s7 =	smul.u32 @!p0 $0xF7A, s2;
	p2 =	seq.s32 @!p0 s5, $0x0  }
0x1f: {  	s9 =	smul.u32 $0xF7A, s1;
	s8 =	simm.s32 @!p0 $0x1BF5;
	p2 =	por !p2, p0  }
0x20: {  	[sflag:s8] =	ssyncset.s32 @!p0 $0xFFFFF086;
	s6 =	sadd.s32 @!p0 s3, s7;
	s7 =	simm.s32 @!p0 $0x108  }
0x21: {  	s3 =	sadd.s32 s3, s9;
	s6 =	sadd.s32 @!p0 $0x88, s6;
	s7 =	simm.s32 @p2 $0x1082  }
0x22: {  	[simem:s7], [sflag:s8] =	dma.local @!p0 [hbm:s6], $0xF7A  }
0x23: {  	s9 =	sor.u32 $0xD0000000, s2;
	s6 =	simm.s32 $0x108;
	_ =	swait.ge @!p0 [sflag:s8], $0x0  }
0x24: {  	s3 =	sadd.s32 $0x88, s3;
	s6 =	simm.s32 @!p1 $0x1082;
	[sflag:s4] =	ssyncset.s32 $0xFFFFF086  }
0x25: {  	[simem:s6], [sflag:s4] =	dma.local [hbm:s3], $0xF7A  }
0x26: {  	[smem:$0x3F9C] =	sst s1;
	(tag) =	ssettag s2;
	_ =	strace s9  }
0x27: {  	s1 =	sld [smem:$0x3FAC]  }
0x28: {  	s2 =	sld [smem:$0x3FAD]  }
0x29: {  	s4 =	sld [smem:$0x3FAF]  }
0x2a: {  	p0 =	seq.s32 s5, $0x0;
	s5 =	sld [smem:$0x3FB0]  }
0x2b: {  	s6 =	sld [smem:$0x3FB1]  }
0x2c: {  	s7 =	sld [smem:$0x3FB2]  }
0x2d: {  	s3 =	simm.s32 $0x108;
	s8 =	sld [smem:$0x3FB3]  }
0x2e: {  	s3 =	simm.s32 @!p0 $0x1082;
	s9 =	sld [smem:$0x3FB4]  }
0x2f: {  	lr =	sadd.s32 s0, s3;
	s0 =	sld [smem:$0x3FAB]  }
0x30: {  	s3 =	sld [smem:$0x3FAE]  }
0x31: {  	[smem:$0x3FB7] =	sst s10  }
0x32: {  	s10 =	sld [smem:$0x3FB5];
	_ =	sdelay $0x3  }
0x33: {  	p0 =	seq.s32 s10, $0x1;
	s10 =	sld [smem:$0x3FB7];
	_ =	sdelay $0x3  }
0x34: {  	[smem:$0x3FB7] =	sst s10  }
0x35: {  	s10 =	sld [smem:$0x3FB6];
	_ =	sdelay $0x3  }
0x36: {  	p1 =	seq.s32 s10, $0x1;
	s10 =	sld [smem:$0x3FB7];
	_ =	sdelay $0x3  }
0x37: {  	[smem:$0x3FB7] =	sst s10  }
0x38: {  	s10 =	sld [smem:$0x3FB8]  }
0x39: {  	_ = 	snop;
	(pc) =	sbr.ind lr, $3  }
0x3a: {  	_ = 	snop  }
0x3b: {  	_ = 	snop  }
0x3c: {  	p2 =	seq.s32 s10, $0x1;
	s10 =	sld [smem:$0x3FB7]  }
0x3d: {  	_ =	shalt  }
0x3e: {  	_ =	shalt  }
0x3f: {  	_ =	shalt  }
0x40: {  	_ =	shalt  }
0x41: {  	_ =	shalt  }
0x42: {  	_ =	shalt  }
0x43: {  	_ =	shalt  }
0x44: {  	_ =	shalt  }
0x45: {  	_ =	shalt  }
0x46: {  	_ =	shalt  }
0x47: {  	_ =	shalt  }
0x48: {  	_ =	shalt  }
0x49: {  	_ =	shalt  }
0x4a: {  	_ =	shalt  }
0x4b: {  	_ =	shalt  }
0x4c: {  	_ =	shalt  }
0x4d: {  	_ =	shalt  }
0x4e: {  	_ =	shalt  }
0x4f: {  	_ =	shalt  }
0x50: {  	_ =	shalt  }
0x51: {  	_ =	shalt  }
0x52: {  	_ =	shalt  }
0x53: {  	_ =	shalt  }
0x54: {  	_ =	shalt  }
0x55: {  	_ =	shalt  }
0x56: {  	_ =	shalt  }
0x57: {  	_ =	shalt  }
0x58: {  	_ =	shalt  }
0x59: {  	_ =	shalt  }
0x5a: {  	_ =	shalt  }
0x5b: {  	_ =	shalt  }
0x5c: {  	_ =	shalt  }
0x5d: {  	_ =	shalt  }
0x5e: {  	_ =	shalt  }
0x5f: {  	_ =	shalt  }
0x60: {  	_ =	shalt  }
0x61: {  	_ =	shalt  }
0x62: {  	_ =	shalt  }
0x63: {  	_ =	shalt  }
0x64: {  	_ =	shalt  }
0x65: {  	_ =	shalt  }
0x66: {  	_ =	shalt  }
0x67: {  	_ =	shalt  }
0x68: {  	_ =	shalt  }
0x69: {  	_ =	shalt  }
0x6a: {  	_ =	shalt  }
0x6b: {  	_ =	shalt  }
0x6c: {  	_ =	shalt  }
0x6d: {  	_ =	shalt  }
0x6e: {  	_ =	shalt  }
0x6f: {  	_ =	shalt  }
0x70: {  	_ =	shalt  }
0x71: {  	_ =	shalt  }
0x72: {  	_ =	shalt  }
0x73: {  	_ =	shalt  }
0x74: {  	_ =	shalt  }
0x75: {  	_ =	shalt  }
0x76: {  	_ =	shalt  }
0x77: {  	_ =	shalt  }
0x78: {  	_ =	shalt  }
0x79: {  	_ =	shalt  }
0x7a: {  	_ =	shalt  }
0x7b: {  	_ =	shalt  }
0x7c: {  	_ =	shalt  }
0x7d: {  	_ =	shalt  }
0x7e: {  	_ =	shalt  }
0x7f: {  	_ =	shalt  }
0x80: {  	_ =	shalt  }
0x81: {  	_ =	shalt  }
0x82: {  	_ =	shalt  }
0x83: {  	_ =	shalt  }
0x84: {  	_ =	shalt  }
0x85: {  	_ =	shalt  }
0x86: {  	_ =	shalt  }
0x87: {  	_ =	shalt  }
.Lfunc_end0:
.L_simem_size_0:
called_computation_lowered:
.L_overlay_start_0:
0x88: {  	s2 =	sld [smem:$0x3FD9]  }
0x89: {  	s3 =	sld [smem:$0x3FFE];
	_ =	sdelay $0x1  }
0x8a: {  	s1 =	srdreg.scid  }
0x8b: {  	s0 =	sand.u32 $0x1, s1  }
0x8c: {  	s18 =	sshll.u32 s0, $0xA;
	s2 =	sadd.s32 s3, s2  }
0x8d: {  	s2 =	sadd.s32 s2, s18  }
0x8e: {  	[smem:$0x3FC3] =	sst s2  }
0x8f: {  	_ = 	snop  }
0x90: {  	s2 =	sld [smem:$0x3FC9]  }
0x91: {  	s19 =	sld [smem:$0x3FC8]  }
0x92: {  	s4 =	sld [smem:$0x3FC7]  }
0x93: {  	s5 =	sld [smem:$0x3FC6]  }
0x94: {  	s6 =	sld [smem:$0x3FC5]  }
0x95: {  	s7 =	sld [smem:$0x3FD0];
	(tm) =	ssettm $0x1  }
0x96: {  	s8 =	sld [smem:$0x3FFB];
	_ =	sdelay $0x3  }
0x97: {  	_ =	strace s8  }
0x98: {  	s8 =	sld [smem:$0x3FFC];
	_ =	sdelay $0x3  }
0x99: {  	_ =	strace s8  }
0x9a: {  	s8 =	sld [smem:$0x3FFD];
	_ =	sdelay $0x3  }
0x9b: {  	_ =	strace s8  }
0x9c: {  	_ =	strace $0x8FFFFFFF  }
0x9d: {  	s20 =	sld [smem:$0x3FDB];
	_ =	sdelay $0x1  }
0x9e: {  	s9 =	simm.s32 $_scs_section_size  }
0x9f: {  	s10 =	simm.s32 $_size__tile_overlayer_lowered;
	s11 =	simm.s32 $_tile_overlayer_lowered  }
0xa0: {  	s23 =	simm.s32 $0x1BFF;
	s22 =	sshll.u32 s11, $0x1;
	s8 =	sadd.s32 s9, s20  }
0xa1: {  	s12 =	simm.s32 $0x0;
	s21 =	sshll.u32 s10, $0x1;
	s10 =	sadd.s32 s22, s8  }
0xa2: {  	[timem:s12], [sflag:s23] =	dma.local [hbm:s10], s21  }
0xa3: {  	_ =	swait.ge [sflag:s23], s21  }
0xa4: {  	s9 =	ssub.s32 $0x0, s21;
	[sflag:s23] =	ssyncset.done $0x0  }
0xa5: {  	[sflag:s23] =	ssyncadd.s32 s9;
	_ =	sdelay $0x1  }
0xa6: {  	s24 =	simm.s32 $0x1B8B  }
0xa7: {  	_ =	swait.ge [sflag:s24], $0x1  }
0xa8: {  	[sflag:s24] =	ssyncset.done $0x0  }
0xa9: {  	s25 =	simm.s32 $0x1B8E;
	[sflag:s24] =	ssyncadd.s32 $0xFFFFFFFF  }
0xaa: {  	s26 =	simm.s32 $execute0_lowered;
	[smem:$0x3FD2] =	sst s25  }
0xab: {  	s9 =	sshll.u32 s26, $0x1;
	_ =	strace $0x80000046;
	[dreg:$0x1] =	wrdreg $0xFFFFFFFF  }
0xac: {  	s28 =	simm.s32 $_size_execute0_lowered;
	s8 =	sadd.s32 s8, s9;
	[dreg:$0x0] =	wrdreg $0x0  }
0xad: {  	s9 =	sshll.u32 s28, $0x1;
	[dreg:$0x2] =	wrdreg s8  }
0xae: {  	[dreg:$0x3] =	wrdreg s9  }
0xaf: {  	[dreg:$0x4] =	wrdreg $0xC0  }
0xb0: {  	_ =	task [dreg:s12], $0x5FFFF  }
0xb1: {  	[dreg:$0x1] =	wrdreg $0xFFFFFFFF  }
0xb2: {  	[dreg:$0x0] =	wrdreg $0x60  }
0xb3: {  	[dreg:$0x2] =	wrdreg s2  }
0xb4: {  	[dreg:$0x3] =	wrdreg s19  }
0xb5: {  	[dreg:$0x4] =	wrdreg s4  }
0xb6: {  	[dreg:$0x5] =	wrdreg s5  }
0xb7: {  	[dreg:$0x6] =	wrdreg s6  }
0xb8: {  	[dreg:$0x7] =	wrdreg s7  }
0xb9: {  	[dreg:$0x8] =	wrdreg $0x9  }
0xba: {  	_ =	task.clear_ibuf [dreg:s12], $0x9FFFF;
	_ =	strace $0x90000046  }
0xbb: {  	s29 =	simm.s32 $0x9;
	_ =	strace $0x80000048  }
0xbc: {  	_ =	swait.ge [sflag:s29], $0x1  }
0xbd: {  	[sflag:s29] =	ssyncadd.s32 $0xFFFFFFFF  }
0xbe: {  	_ =	strace $0x90000048  }
0xbf: {  	_ =	sfence  }
0xc0: {  	s30 =	sld [smem:$0x0];
	_ =	sdelay $0x2  }
0xc1: {  	s31 =	sshll.u32 s1, $0xD;
	s1 =	sshrl.u32 s1, $0x2  }
0xc2: {  	s3 =	sand.u32 $0x4000, s31;
	s1 =	sadd.s32 s1, s30  }
0xc3: {  	s0 =	sor.u32 s3, s0;
	s1 =	sshll.u32 s1, $0x11  }
0xc4: {  	s0 =	sor.u32 s1, s0  }
0xc5: {  	s0 =	sadd.s32 $0x8F2B, s0  }
0xc6: {  	[sflag:s0] =	ssyncadd.remote.s32 $0x1  }
0xc7: {  	_ =	sfence.sel $0xFFFF  }
0xc8: {  	[dreg:$0x0] =	wrdreg $0xFFFFFFFF;
	(pc) =	sbr.abs _section_cstart, $3  }
0xc9: {  	[dreg:$0x1] =	wrdreg $0xFFFFFFFF  }
0xca: {  	_ =	task.clear_ibuf [dreg:s12], $0x2FFFF;
	_ =	strace $0x9FFFFFFF  }
0xcb: {  	(tm) =	ssettm $0x7FFFFFFF  }
tec
execute0_lowered:
.L_overlay_start_1:
0x0: {  	(tag) =	ssettag $0x1  }
0x1: {  	s5 =	rddreg [dreg:$0x0]  }
0x2: {  	s6 =	rddreg [dreg:$0x1]  }
0x3: {  	s0 =	rddreg [dreg:$0x2]  }
0x4: {  	s7 =	rddreg [dreg:$0x5];
	s1 =	simm.s32 $0x0;
	s20 =	srdreg.scid  }
0x5: {  	s4 =	stileid.u32;
	[smem:$0x7FF] =	sst s1  }
0x6: {  	s1 =	sand.u32 $0x1, s20;
	s3 =	sshll.u32 s4, $0x7;
	p0 =	sgt.u32 s4, $0xB  }
0x7: {  	s28 =	sadd.s32 $0x40000, s7;
	s29 =	sadd.s32 $0x80000, s7;
	_ =	strace $0x80000047  }
0x8: {  	s2 =	ssub.s32 $0x2, s1;
	s1 =	sshll.u32 s1, $0x6;
	[smem:$0x7F8] =	sst s28  }
0x9: {  	s30 =	sadd.s32 $0xC0000, s7;
	[smem:$0x7F9] =	sst s29;
	s1 =	sor.u32 s1, s3  }
0xa: {  	[smem:$0x7FA] =	sst s30;
	s3 =	simm.s32 $0x10;
	s8 =	sshll.u32 s1, $0x7  }
0xb: {  	s3 =	simm.s32 @!p0 $0x0;
	s26 =	sshrl.u32 s1, $0x3;
	[dreg:$0x1f] =	wrdreg s8  }
0xc: {  	s0 =	sadd.s32 s0, s3;
	[smem:$0x7FB] =	sst s26  }
0xd: {  	s21 =	sshrl.u32 s2, $0x1;
	s23 =	sadd.s32 s6, s8;
	[smem:$0x7F2] =	sst s0  }
0xe: {  	s2 =	ssub.s32 s2, s21;
	s22 =	sadd.s32 s5, s8;
	[smem:$0x7F3] =	sst s23  }
0xf: {  	s31 =	smax.u32 s2, $0x1;
	[smem:$0x7F6] =	sst s22  }
0x10: {  	s24 =	sadd.s32 $0x40000, s22;
	[smem:$0x7FD] =	sst s31  }
0x11: {  	s4 =	simm.s32 $0xC000;
	s25 =	sadd.s32 $0x80000, s22;
	[smem:$0x7F4] =	sst s24  }
0x12: {  	s7 =	simm.s32 $0x12000;
	s0 =	sadd.s32 $0xC0000, s22;
	[smem:$0x7F5] =	sst s25  }
0x13: {  	s5 =	simm.s32 $0xE000;
	[smem:$0x7F7] =	sst s0;
	s0 =	sor.u32 $0x2, s26  }
0x14: {  	s6 =	simm.s32 $0x10000;
	s2 =	simm.s32 $0x0;
	[smem:$0x7FC] =	sst s0  }
.LBB2_1:
0x15: {  	s0 =	sld [smem:$0x7F2]  }
0x16: {  	s1 =	simm.s32 $0x80  }
0x17: {  	s15 =	simm.s32 $0x100;
	s3 =	simm.s32 $0x14000;
	s16 =	rddreg [dreg:$0x3]  }
0x18: {  	[tilespmem:s3], [sflag:$0x5] =	stream.strided.gather [hbm4b:s0+s1], $0x400, s15, s1, $0x38;
	[tilespmem:$0x14C00] =	vst v63  }
0x19: {  	s17 =	simm.s32 $0x0;
	s18 =	simm.s32 $0x14400;
	s19 =	rddreg [dreg:$0x4]  }
0x1a: {  	[tilespmem:s18], [sflag:$0x5] =	stream.linear.gather [hbm4b:s16+s17], $0x400, $0x38;
	[tilespmem:$0x14C00] =	vst v63  }
0x1b: {  	s20 =	simm.s32 $0x14800;
	s21 =	sld [smem:$0x7F3]  }
0x1c: {  	[tilespmem:s20], [sflag:$0x5] =	stream.linear.gather [hbm4b:s19+s17], $0x400, $0x38;
	[tilespmem:$0x14C00] =	vst v63  }
0x1d: {  	s22 =	sld [smem:$0x7F6]  }
0x1e: {  	[tilespmem:s17], [sflag:$0x1] =	stream.linear.gather [hbm4b:s21+s17], $0x2000, $0x38;
	[tilespmem:$0x14C00] =	vst v63  }
0x1f: {  	s23 =	simm.s32 $0x4000;
	s24 =	sld [smem:$0x7F4]  }
0x20: {  	[tilespmem:s23], [sflag:$0x1] =	stream.linear.gather [hbm4b:s22+s17], $0x2000, $0x38;
	[tilespmem:$0x14C00] =	vst v63  }
0x21: {  	s25 =	simm.s32 $0x6000;
	s26 =	sld [smem:$0x7F5]  }
0x22: {  	[tilespmem:s25], [sflag:$0x1] =	stream.linear.gather [hbm4b:s24+s17], $0x2000, $0x38;
	[tilespmem:$0x14C00] =	vst v63  }
0x23: {  	s28 =	simm.s32 $0x8000;
	s29 =	sld [smem:$0x7F7]  }
0x24: {  	[tilespmem:s28], [sflag:$0x1] =	stream.linear.gather [hbm4b:s26+s17], $0x2000, $0x38;
	[tilespmem:$0x14C00] =	vst v63  }
0x25: {  	[smem:$0x7F1] =	sst s2;
	s30 =	simm.s32 $0xA000;
	s31 =	simm.s32 $0x5  }
0x26: {  	[tilespmem:s30], [sflag:$0x1] =	stream.linear.gather [hbm4b:s29+s17], $0x2000, $0x38;
	[tilespmem:$0x14C00] =	vst v63  }
0x27: {  	_ =	swait.ge [sflag:s31], $0x400  }
0x28: {  	[sflag:s31] =	ssyncset.done $0x0  }
0x29: {  	[sflag:s31] =	ssyncadd.s32 $0xFFFFFC00  }
0x2a: {  	_ =	swait.ge [sflag:s31], $0x400  }
0x2b: {  	[sflag:s31] =	ssyncset.done $0x0  }
0x2c: {  	[sflag:s31] =	ssyncadd.s32 $0xFFFFFC00  }
0x2d: {  	_ =	swait.ge [sflag:s31], $0x400  }
0x2e: {  	[sflag:s31] =	ssyncset.done $0x0  }
0x2f: {  	s1 =	simm.s32 $0x0;
	[sflag:s31] =	ssyncadd.s32 $0xFFFFFC00  }
.LBB2_2:
0x30: {  	p0 =	seq.s32 s1, $0x0  }
0x31: {  	s0 =	simm.s32 @!p0 $0x4  }
0x32: {  	_ =	swait.ge @!p0 [sflag:s0], $0x2000  }
0x33: {  	[sflag:s0] =	ssyncset.done @!p0 $0x0  }
0x34: {  	[sflag:s0] =	ssyncadd.s32 @!p0 $0xFFFFE000  }
0x35: {  	_ =	swait.ge @!p0 [sflag:s0], $0x2000  }
0x36: {  	[sflag:s0] =	ssyncset.done @!p0 $0x0  }
0x37: {  	[sflag:s0] =	ssyncadd.s32 @!p0 $0xFFFFE000  }
0x38: {  	_ =	swait.ge @!p0 [sflag:s0], $0x2000  }
0x39: {  	[smem:$0x7EB] =	sst s1  }
0x3a: {  	s2 =	sshll.u32 s1, $0x1;
	[sflag:s0] =	ssyncset.done @!p0 $0x0;
	s23 =	sld [smem:$0x7FB]  }
0x3b: {  	[smem:$0x7EC] =	sst s2;
	[sflag:s0] =	ssyncadd.s32 @!p0 $0xFFFFE000  }
0x3c: {  	_ =	swait.ge @!p0 [sflag:s0], $0x2000  }
0x3d: {  	s1 =	sor.u32 s2, s23;
	[sflag:s0] =	ssyncset.done @!p0 $0x0  }
0x3e: {  	s1 =	sshll.u32 s1, $0xA;
	[sflag:s0] =	ssyncadd.s32 @!p0 $0xFFFFE000  }
0x3f: {  	s8 =	simm.s32 $0x0;
	s3 =	sor.u32 $0x400, s1;
	s0 =	rddreg [dreg:$0x1]  }
0x40: {  	s24 =	simm.s32 $0x2000;
	s25 =	rddreg [dreg:$0x0];
	s0 =	sadd.s32 s0, s3  }
0x41: {  	[tilespmem:s24], [sflag:$0x2] =	stream.linear.gather [hbm4b:s0+s8], $0x2000, $0x38;
	[tilespmem:$0x14C00] =	vst v63  }
0x42: {  	s28 =	sor.u32 $0x40400, s1;
	[smem:$0x7ED] =	sst s3;
	s26 =	sadd.s32 s25, s3  }
0x43: {  	[tilespmem:s4], [sflag:$0x2] =	stream.linear.gather [hbm4b:s26+s8], $0x2000, $0x38;
	[tilespmem:$0x14C00] =	vst v63  }
0x44: {  	s29 =	sor.u32 $0x80400, s1;
	[smem:$0x7EE] =	sst s28;
	s0 =	sadd.s32 s25, s28  }
0x45: {  	[tilespmem:s5], [sflag:$0x2] =	stream.linear.gather [hbm4b:s0+s8], $0x2000, $0x38;
	[tilespmem:$0x14C00] =	vst v63  }
0x46: {  	s30 =	sor.u32 $0xC0400, s1;
	[smem:$0x7EF] =	sst s29;
	s0 =	sadd.s32 s25, s29  }
0x47: {  	[tilespmem:s6], [sflag:$0x2] =	stream.linear.gather [hbm4b:s0+s8], $0x2000, $0x38;
	[tilespmem:$0x14C00] =	vst v63  }
0x48: {  	s31 =	simm.s32 $0x1;
	[smem:$0x7F0] =	sst s30;
	s0 =	sadd.s32 s25, s30  }
0x49: {  	[tilespmem:s7], [sflag:$0x2] =	stream.linear.gather [hbm4b:s0+s8], $0x2000, $0x38;
	[tilespmem:$0x14C00] =	vst v63  }
0x4a: {  	_ =	swait.ge [sflag:s31], $0x2000  }
0x4b: {  	[sflag:s31] =	ssyncset.done $0x0  }
0x4c: {  	[sflag:s31] =	ssyncadd.s32 $0xFFFFE000  }
0x4d: {  	_ =	swait.ge [sflag:s31], $0x2000  }
0x4e: {  	[sflag:s31] =	ssyncset.done $0x0  }
0x4f: {  	[sflag:s31] =	ssyncadd.s32 $0xFFFFE000  }
0x50: {  	_ =	swait.ge [sflag:s31], $0x2000  }
0x51: {  	[sflag:s31] =	ssyncset.done $0x0  }
0x52: {  	[sflag:s31] =	ssyncadd.s32 $0xFFFFE000  }
0x53: {  	_ =	swait.ge [sflag:s31], $0x2000  }
0x54: {  	[sflag:s31] =	ssyncset.done $0x0  }
0x55: {  	[sflag:s31] =	ssyncadd.s32 $0xFFFFE000  }
0x56: {  	_ =	swait.ge [sflag:s31], $0x2000  }
0x57: {  	[sflag:s31] =	ssyncset.done $0x0  }
0x58: {  	s0 =	simm.s32 $0x0;
	[sflag:s31] =	ssyncadd.s32 $0xFFFFE000  }
.LBB2_3:
0x59: {  	[smem:$0x7EA] =	sst s0;
	s5 =	simm.s32 $0x0  }
0x5a: {  	s17 =	sshll.u32 s0, $0x7;
	s1 =	sand.u32 $0x60, s5;
	s3 =	sand.u32 $0x1C00, s5  }
0x5b: {  	s15 =	simm.s32 $0x14000;
	s4 =	sor.u32 s17, s3;
	s2 =	sor.u32 $0x10, s1  }
0x5c: {  	v5 =	vld [tilespmem:s15+$0x0];
	s6 =	sor.u32 s2, s4  }
0x5d: {  	s16 =	sand.u32 $0x380, s5;
	s18 =	sor.u32 s1, s4;
	v0 =	vld [tilespmem:s6+$0x0]  }
0x5e: {  	s0 =	sor.u32 s2, s16;
	v1 =	vld [tilespmem:s18+$0x0]  }
0x5f: {  	v4 =	vld [tilespmem:s0+$0x14000]  }
0x60: {  	v2 =	vld [tilespmem:s18+$0x4000];
	_ =	sdelay $0x1  }
0x61: {  	v3 =	vld [tilespmem:s6+$0x4000]  }
0x62: {  	v6 =	vadd.f32 v1, v5;
	_ =	sdelay $0x1  }
0x63: {  	s19 =	sor.u32 $0x6000, s3;
	v1 =	vadd.f32 v0, v4;
	v2 =	vadd.f32 v6, v2  }
0x64: {  	s28 =	simm.s32 $0x14020;
	s21 =	sor.u32 $0xA000, s3;
	s7 =	sadd.s32 s17, s19  }
0x65: {  	s20 =	sor.u32 $0x8000, s3;
	s8 =	sadd.s32 s17, s21;
	s9 =	sadd.s32 s1, s7;
	v0 =	vld [tilespmem:s28+$0x0];
	v7 =	vadd.f32 v1, v3;
	[tilespmem:s18+$0x4000] =	vst v2  }
0x66: {  	s10 =	sadd.s32 s17, s20;
	s11 =	sadd.s32 s1, s8;
	v8 =	vld [tilespmem:s9+$0x0]  }
0x67: {  	s12 =	sadd.s32 s2, s10;
	[tilespmem:s6+$0x4000] =	vst v7;
	v9 =	vld [tilespmem:s11+$0x0]  }
0x68: {  	s25 =	simm.s32 $0x100;
	s7 =	sadd.s32 s2, s7;
	v11 =	vld [tilespmem:s12+$0x0]  }
0x69: {  	s26 =	simm.s32 $0x20;
	s13 =	sadd.s32 s2, s8;
	s6 =	sand.u32 $0x1C00, s25;
	v10 =	vld [tilespmem:s7+$0x0]  }
0x6a: {  	s14 =	sadd.s32 s1, s10;
	s8 =	sand.u32 $0x60, s26;
	v12 =	vld [tilespmem:s13+$0x0];
	s15 =	sor.u32 s17, s6  }
0x6b: {  	s24 =	sor.u32 $0x10, s8;
	v13 =	vld [tilespmem:s14+$0x0];
	s16 =	sor.u32 s8, s15  }
0x6c: {  	v3 =	vimm.f32 $0.0e+00;
	v14 =	vmul.f32 v2, v2;
	s15 =	sor.u32 s24, s15;
	v15 =	vld [tilespmem:s16+$0x0]  }
0x6d: {  	s10 =	sand.u32 $0x380, s26;
	v19 =	vadd.f32 v2, v3;
	v16 =	vld [tilespmem:s15+$0x0];
	v11 =	vadd.f32 v11, v1  }
0x6e: {  	s10 =	sor.u32 s24, s10;
	v17 =	vmul.f32 v7, v7;
	v14 =	vadd.f32 v14, v3;
	v18 =	vld [tilespmem:s16+$0x4000];
	v8 =	vadd.f32 v8, v6  }
0x6f: {  	v12 =	vadd.f32 v12, v1;
	v2 =	vadd.f32 v10, v1;
	v1 =	vld [tilespmem:s10+$0x14000];
	[tilespmem:s12+$0x0] =	vst v11  }
0x70: {  	s22 =	sor.u32 $0x80, s17;
	v14 =	vadd.f32 v17, v14;
	v9 =	vadd.f32 v9, v6;
	[tilespmem:s9+$0x0] =	vst v8  }
0x71: {  	s3 =	sor.u32 s22, s3;
	v17 =	vld [tilespmem:s15+$0x4000];
	v6 =	vadd.f32 v13, v6;
	v22 =	vadd.f32 v15, v0;
	[tilespmem:s13+$0x0] =	vst v12  }
0x72: {  	v7 =	vadd.f32 v7, v19;
	s10 =	sor.u32 s2, s3;
	v10 =	vadd.f32 v9, v3;
	[tilespmem:s7+$0x0] =	vst v2  }
0x73: {  	s31 =	sor.u32 $0x6000, s6;
	v21 =	vadd.f32 v8, v3;
	v13 =	vmul.f32 v6, v6;
	[tilespmem:s11+$0x0] =	vst v9;
	v18 =	vadd.f32 v22, v18;
	v15 =	vld [tilespmem:s10+$0x0]  }
0x74: {  	s12 =	sadd.s32 s17, s31;
	s11 =	sor.u32 s1, s3;
	v9 =	vmul.f32 v9, v9;
	[tilespmem:s14+$0x0] =	vst v6;
	v6 =	vadd.f32 v6, v3;
	v19 =	vld [tilespmem:s10+$0x4000];
	v24 =	vadd.f32 v16, v1  }
0x75: {  	s13 =	sor.u32 $0xA000, s6;
	s18 =	sadd.s32 s8, s12;
	v10 =	vadd.f32 v12, v10;
	v23 =	vadd.f32 v13, v3;
	v16 =	vld [tilespmem:s11+$0x0];
	[tilespmem:s16+$0x4000] =	vst v18  }
0x76: {  	v25 =	vmul.f32 v11, v11;
	s23 =	sadd.s32 s17, s13;
	v20 =	vadd.f32 v9, v3;
	v17 =	vadd.f32 v24, v17;
	v26 =	vld [tilespmem:s18+$0x0]  }
0x77: {  	s29 =	sadd.s32 s8, s23;
	v13 =	vadd.f32 v11, v6;
	v11 =	vld [tilespmem:s11+$0x4000];
	v6 =	vmul.f32 v18, v18;
	v18 =	vadd.f32 v18, v7  }
0x78: {  	s19 =	sadd.s32 s22, s19;
	s21 =	sadd.s32 s22, s21;
	s14 =	sadd.s32 s24, s12;
	v9 =	vadd.f32 v25, v23;
	[tilespmem:s15+$0x4000] =	vst v17;
	v4 =	vadd.f32 v15, v4;
	v15 =	vld [tilespmem:s29+$0x0]  }
0x79: {  	s25 =	sor.u32 $0x8000, s6;
	s31 =	sadd.s32 s22, s31;
	v7 =	vmul.f32 v8, v8;
	v6 =	vadd.f32 v6, v14;
	v8 =	vadd.f32 v17, v18;
	v25 =	vld [tilespmem:s14+$0x0];
	[dreg:$0x8] =	wrdreg s17  }
0x7a: {  	s5 =	sadd.s32 s22, s20;
	s26 =	sadd.s32 s17, s25;
	v23 =	vmul.f32 v17, v17;
	v14 =	vadd.f32 v16, v5;
	v5 =	vadd.f32 v2, v21;
	[dreg:$0xc] =	wrdreg s31  }
0x7b: {  	s4 =	simm.s32 $0x2;
	s20 =	sadd.s32 s24, s26;
	v17 =	vimm.f32 $0.0e+00;
	[dreg:$0x10] =	wrdreg s8;
	v19 =	vadd.f32 v4, v19;
	v16 =	vadd.f32 v26, v22  }
0x7c: {  	s3 =	sor.u32 s22, s6;
	s7 =	sadd.s32 s8, s26;
	v18 =	vimm.f32 $0.0e+00;
	v6 =	vadd.f32 v23, v6;
	v34 =	vld [tilespmem:s20+$0x0];
	[dreg:$0xa] =	wrdreg s22;
	v11 =	vadd.f32 v14, v11  }
0x7d: {  	s6 =	sadd.s32 s22, s25;
	s30 =	sadd.s32 s22, s13;
	v23 =	vmul.f32 v12, v12;
	s22 =	sadd.s32 s24, s23;
	v12 =	vimm.f32 $0.0e+00;
	v31 =	vld [tilespmem:s7+$0x0];
	v5 =	vadd.f32 v16, v5;
	[tilespmem:s10+$0x4000] =	vst v19  }
0x7e: {  	s26 =	sadd.s32 s2, s5;
	s13 =	simm.s32 $0x40;
	s17 =	sadd.s32 s2, s21;
	v33 =	vld [tilespmem:s22+$0x0];
	v26 =	vmul.f32 v16, v16;
	v29 =	vadd.f32 v11, v3;
	v35 =	vmul.f32 v11, v11;
	[tilespmem:s18+$0x0] =	vst v16  }
0x7f: {  	s16 =	smov.u32 s24;
	s15 =	sadd.s32 s2, s19;
	s8 =	sadd.s32 s1, s19;
	v16 =	vimm.f32 $0.0e+00;
	[tilespmem:s11+$0x4000] =	vst v11;
	v11 =	vimm.f32 $0.0e+00;
	v21 =	vadd.f32 v25, v24;
	v30 =	vld [tilespmem:s17+$0x0]  }
0x80: {  	s19 =	sadd.s32 s1, s21;
	s23 =	sadd.s32 s1, s5;
	s5 =	simm.s32 $0x200;
	v32 =	vadd.f32 v15, v22;
	v25 =	vimm.f32 $0.0e+00;
	v28 =	vld [tilespmem:s15+$0x0];
	v15 =	vimm.f32 $0.0e+00  }
.LBB2_4:
0x81: {  	_ = 	snop  }
0x82: {  	[dreg:$0x1e] =	wrdreg s6;
	s24 =	sand.u32 $0x60, s13;
	v36 =	vld [tilespmem:s19+$0x0];
	v20 =	vadd.f32 v23, v20;
	v3 =	vadd.f32 v35, v3  }
0x83: {  	s9 =	sand.u32 $0x1C00, s5;
	s28 =	sadd.s32 $0x20, s28;
	s21 =	rddreg [dreg:$0x8];
	v38 =	vmul.f32 v2, v2;
	v10 =	vadd.f32 v32, v10;
	v29 =	vadd.f32 v19, v29  }
0x84: {  	s10 =	sand.u32 $0x380, s13;
	s6 =	smov.u32 s30;
	s30 =	smov.u32 s17;
	v54 =	vld [tilespmem:s26+$0x0];
	v2 =	vmovc v21;
	v34 =	vadd.f32 v34, v24;
	v22 =	vadd.f32 v31, v22;
	v31 =	vmul.f32 v32, v32  }
0x85: {  	s17 =	smov.u32 s23;
	v27 =	vld [tilespmem:s28+$0x0];
	s1 =	sor.u32 s21, s9;
	s25 =	sor.u32 $0x10, s24;
	[tilespmem:s29+$0x0] =	vst v32;
	v18 =	vadd.f32 v7, v18;
	v5 =	vadd.f32 v2, v5  }
0x86: {  	s31 =	sor.u32 s25, s10;
	s10 =	sor.u32 s25, s1;
	v23 =	vadd.f32 v33, v24;
	v24 =	vmul.f32 v19, v19;
	[tilespmem:s20+$0x0] =	vst v34;
	v20 =	vadd.f32 v31, v20;
	v31 =	vld [tilespmem:s17+$0x0]  }
0x87: {  	s23 =	sor.u32 s24, s1;
	v57 =	vadd.f32 v36, v14;
	[tilespmem:s7+$0x0] =	vst v22;
	v13 =	vadd.f32 v22, v13;
	v22 =	vmul.f32 v22, v22;
	v56 =	vld [tilespmem:s10+$0x0]  }
0x88: {  	v18 =	vadd.f32 v38, v18;
	v3 =	vadd.f32 v24, v3;
	[tilespmem:s22+$0x0] =	vst v23;
	v24 =	vld [tilespmem:s23+$0x0]  }
0x89: {  	v55 =	vld [tilespmem:s8+$0x0];
	v30 =	vadd.f32 v30, v4;
	[tilespmem:s19+$0x0] =	vst v57;
	v9 =	vadd.f32 v22, v9;
	v22 =	vmul.f32 v34, v34  }
0x8a: {  	v28 =	vadd.f32 v28, v4;
	v32 =	vadd.f32 v54, v4;
	[tilespmem:s14+$0x0] =	vst v21;
	s22 =	sor.u32 s16, s3;
	v59 =	vld [tilespmem:s23+$0x4000]  }
0x8b: {  	s18 =	rddreg [dreg:$0xa];
	s12 =	sor.u32 $0x6000, s9;
	s0 =	sor.u32 $0x8000, s9;
	v10 =	vadd.f32 v23, v10;
	v58 =	vld [tilespmem:s22+$0x0];
	v9 =	vadd.f32 v22, v9;
	v22 =	vmul.f32 v57, v57  }
0x8c: {  	s2 =	sor.u32 $0xA000, s9;
	s11 =	sadd.s32 s21, s12;
	s7 =	sadd.s32 s21, s0;
	v17 =	vadd.f32 v57, v17;
	v19 =	vld [tilespmem:s31+$0x14000];
	v31 =	vadd.f32 v31, v14  }
0x8d: {  	s21 =	sadd.s32 s21, s2;
	s20 =	sor.u32 s18, s9;
	s9 =	sadd.s32 s18, s12;
	v25 =	vadd.f32 v22, v25;
	v22 =	vadd.f32 v24, v27  }
0x8e: {  	v7 =	vmov v26;
	s2 =	sadd.s32 s18, s2;
	s0 =	sadd.s32 s18, s0;
	s18 =	rddreg [dreg:$0x10];
	v13 =	vadd.f32 v34, v13;
	v26 =	vld [tilespmem:s10+$0x4000];
	[tilespmem:s30+$0x0] =	vst v30;
	v14 =	vadd.f32 v55, v14  }
0x8f: {  	s12 =	smov.u32 s18;
	v37 =	vld [tilespmem:s22+$0x4000];
	[tilespmem:s17+$0x0] =	vst v31;
	v16 =	vadd.f32 v31, v16;
	v21 =	vmul.f32 v31, v31;
	v31 =	vadd.f32 v22, v59  }
0x90: {  	s30 =	smov.u32 s2;
	s2 =	sor.u32 s12, s3;
	v17 =	vadd.f32 v30, v17;
	v30 =	vmul.f32 v30, v30;
	[tilespmem:s15+$0x0] =	vst v28;
	v4 =	vadd.f32 v58, v1  }
0x91: {  	[dreg:$0x1d] =	wrdreg s8;
	s4 =	sadd.s32 $0x2, s4;
	s8 =	smov.u32 s24;
	v24 =	vadd.f32 v56, v19;
	v12 =	vadd.f32 v14, v12;
	v60 =	vld [tilespmem:s2+$0x4000];
	[tilespmem:s23+$0x4000] =	vst v31  }
0x92: {  	s5 =	sadd.s32 $0x100, s5;
	s1 =	sadd.s32 s24, s11;
	[dreg:$0x10] =	wrdreg s8;
	[tilespmem:s26+$0x0] =	vst v32;
	v33 =	vmul.f32 v14, v14;
	v25 =	vadd.f32 v30, v25;
	v15 =	vadd.f32 v21, v15;
	v61 =	vld [tilespmem:s2+$0x0]  }
0x93: {  	s13 =	sadd.s32 $0x20, s13;
	p0 =	slt.u32 s4, $0x3E;
	s26 =	rddreg [dreg:$0x1d];
	v1 =	vmovc v19;
	v16 =	vadd.f32 v32, v16;
	v21 =	vmul.f32 v32, v32;
	v26 =	vadd.f32 v24, v26;
	v62 =	vld [tilespmem:s1+$0x0]  }
0x94: {  	s29 =	sadd.s32 s24, s21;
	s18 =	smov.u32 s25;
	s24 =	rddreg [dreg:$0xc];
	v19 =	vadd.f32 v4, v37;
	v11 =	vadd.f32 v33, v11;
	v34 =	vmul.f32 v31, v31;
	[tilespmem:s26+$0x0] =	vst v14  }
0x95: {  	s19 =	smov.u32 s16;
	s25 =	smov.u32 s24;
	s14 =	sadd.s32 s18, s11;
	v12 =	vadd.f32 v28, v12;
	v8 =	vadd.f32 v31, v8;
	v63 =	vld [tilespmem:s29+$0x0];
	[tilespmem:s10+$0x4000] =	vst v26;
	v14 =	vmul.f32 v28, v28  }
0x96: {  	s3 =	smov.u32 s20;
	s20 =	sadd.s32 s18, s7;
	s7 =	sadd.s32 s8, s7;
	v15 =	vadd.f32 v21, v15;
	v21 =	vmul.f32 v26, v26;
	v6 =	vadd.f32 v34, v6;
	v28 =	vld [tilespmem:s14+$0x0]  }
.Ltmp0:
0x97: {  	s31 =	smov.u32 s9;
	s16 =	smov.u32 s18;
	v31 =	vld [tilespmem:s7+$0x0];
	[tilespmem:s22+$0x4000] =	vst v19;
	v11 =	vadd.f32 v14, v11;
	v14 =	vadd.f32 v61, v0;
	(pc) =	sbr.rel @p0 .LBB2_4-.Ltmp0, $4  }
0x98: {  	[dreg:$0xc] =	wrdreg s31;
	s31 =	smov.u32 s6;
	s22 =	sadd.s32 s18, s21;
	v34 =	vld [tilespmem:s20+$0x0];
	v6 =	vadd.f32 v21, v6;
	v21 =	vadd.f32 v62, v22  }
0x99: {  	v23 =	vmul.f32 v23, v23;
	s6 =	rddreg [dreg:$0x1e];
	s15 =	sadd.s32 s19, s25;
	s17 =	sadd.s32 s19, s31;
	v8 =	vadd.f32 v26, v8;
	v33 =	vld [tilespmem:s22+$0x0];
	v0 =	vmovc v27;
	v27 =	vadd.f32 v14, v60  }
0x9a: {  	s8 =	sadd.s32 s12, s25;
	s9 =	smov.u32 s6;
	s6 =	smov.u32 s0;
	v30 =	vld [tilespmem:s17+$0x0];
	v32 =	vadd.f32 v63, v22;
	[tilespmem:s1+$0x0] =	vst v21;
	v5 =	vadd.f32 v21, v5;
	v26 =	vmul.f32 v21, v21  }
0x9b: {  	s23 =	sadd.s32 s12, s9;
	s26 =	sadd.s32 s19, s9;
	s19 =	sadd.s32 s12, s31;
	v21 =	vadd.f32 v28, v24;
	v28 =	vld [tilespmem:s15+$0x0];
	[tilespmem:s2+$0x4000] =	vst v27;
	v29 =	vadd.f32 v27, v29;
	v35 =	vmul.f32 v27, v27  }
0x9c: {  	v20 =	vadd.f32 v23, v20;
	v22 =	vadd.f32 v31, v22  }
0x9d: {  	v10 =	vadd.f32 v32, v10;
	[tilespmem:s29+$0x0] =	vst v32;
	v27 =	vadd.f32 v34, v24  }
0x9e: {  	v23 =	vld [tilespmem:s19+$0x0];
	v54 =	vmul.f32 v19, v19;
	v56 =	vmul.f32 v32, v32;
	v24 =	vadd.f32 v33, v24;
	[tilespmem:s7+$0x0] =	vst v22  }
0x9f: {  	v36 =	vld [tilespmem:s26+$0x0];
	v18 =	vadd.f32 v7, v18;
	v2 =	vmul.f32 v2, v2;
	v13 =	vadd.f32 v22, v13;
	[tilespmem:s20+$0x0] =	vst v27  }
0xa0: {  	v31 =	vadd.f32 v35, v3;
	v19 =	vadd.f32 v19, v29;
	v55 =	vmul.f32 v22, v22;
	v22 =	vld [tilespmem:s8+$0x0];
	[tilespmem:s22+$0x0] =	vst v24  }
0xa1: {  	s0 =	sor.u32 s16, s3;
	v5 =	vadd.f32 v21, v5;
	v57 =	vmul.f32 v27, v27;
	v13 =	vadd.f32 v27, v13;
	v27 =	vld [tilespmem:s23+$0x0];
	[tilespmem:s14+$0x0] =	vst v21  }
0xa2: {  	v20 =	vadd.f32 v56, v20;
	v18 =	vadd.f32 v2, v18;
	v58 =	vld [tilespmem:s0+$0x0];
	s14 =	rddreg [dreg:$0x10]  }
0xa3: {  	v9 =	vadd.f32 v55, v9;
	v7 =	vadd.f32 v28, v4;
	v28 =	vld [tilespmem:s0+$0x4000];
	s1 =	sor.u32 s14, s3  }
0xa4: {  	v3 =	vadd.f32 v30, v4;
	v30 =	vadd.f32 v24, v10;
	v59 =	vld [tilespmem:s1+$0x0]  }
0xa5: {  	v10 =	vadd.f32 v23, v14;
	v23 =	vadd.f32 v57, v9  }
0xa6: {  	(xrf2) =	vadd.scan.msk.f32 $0xffff, v8;
	v9 =	vadd.f32 v36, v4;
	v4 =	vadd.f32 v27, v14;
	v27 =	vld [tilespmem:s1+$0x4000]  }
0xa7: {  	(xrf2) =	vadd.scan.msk.f32 $0xffff, v6;
	v6 =	vadd.f32 v26, v18;
	v1 =	vadd.f32 v58, v1  }
0xa8: {  	v2 =	vadd.f32 v22, v14;
	v14 =	vmul.f32 v21, v21;
	v8 =	vadd.f32 v4, v16  }
0xa9: {  	v16 =	vmul.f32 v4, v4;
	v0 =	vadd.f32 v59, v0;
	v18 =	vadd.f32 v1, v28  }
0xaa: {  	v31 =	vadd.f32 v54, v31;
	(xrf2) =	vadd.scan.msk.f32 $0xffff, v5;
	v29 =	vmul.f32 v10, v10;
	v6 =	vadd.f32 v14, v6  }
0xab: {  	s2 =	smov.u32 s16;
	v5 =	vmul.f32 v9, v9;
	v14 =	vadd.f32 v16, v15;
	v22 =	vadd.f32 v0, v27;
	[tilespmem:s0+$0x4000] =	vst v18  }
0xac: {  	s5 =	sadd.s32 s2, s30;
	v17 =	vadd.f32 v10, v17;
	v21 =	vmul.f32 v24, v24;
	v15 =	vmul.f32 v2, v2;
	s0 =	rddreg [dreg:$0xc]  }
0xad: {  	v12 =	vadd.f32 v2, v12;
	v14 =	vadd.f32 v5, v14;
	v16 =	vld [tilespmem:s5+$0x0];
	s3 =	sadd.s32 s14, s0;
	[tilespmem:s1+$0x4000] =	vst v22;
	v5 =	vmul.f32 v22, v22  }
0xae: {  	s4 =	sadd.s32 s2, s6;
	(xrf2) =	vadd.scan.msk.f32 $0xffff, v6;
	v24 =	vadd.f32 v9, v8;
	v8 =	vmul.f32 v7, v7;
	v6 =	vadd.f32 v15, v11;
	v11 =	vld [tilespmem:s3+$0x0]  }
0xaf: {  	s6 =	sadd.s32 s14, s6;
	v25 =	vadd.f32 v29, v25;
	v15 =	vadd.f32 v7, v12;
	v12 =	vld [tilespmem:s4+$0x0]  }
0xb0: {  	v26 =	vadd.f32 v8, v6;
	s13 =	sadd.s32 s2, s0;
	v6 =	vadd.f32 v22, v19;
	v19 =	vld [tilespmem:s6+$0x0]  }
0xb1: {  	v20 =	vadd.f32 v21, v20;
	v22 =	vld [tilespmem:s13+$0x0];
	v21 =	vadd.f32 v5, v31;
	v5, _, _ =	vpop (xrf2)  }
0xb2: {  	(xrf2) =	vadd.scan.msk.f32 $0xffff, v13;
	v13 =	vmul.f32 v18, v18;
	v8 =	vadd.f32 v16, v1;
	(v2sf) =	vpush v5, $0xF;
	v16, _, _ =	vpop (xrf2)  }
0xb3: {  	(xrf2) =	vadd.scan.msk.f32 $0xffff, v23;
	v5 =	vadd.f32 v11, v0;
	(v2sf) =	vpush v16, $0xF  }
0xb4: {  	s22 =	smov.u32 s8;
	s8 =	sadd.s32 s14, s30;
	v21 =	vadd.f32 v13, v21;
	v13 =	vadd.f32 v18, v6  }
0xb5: {  	v16 =	vld [tilespmem:s8+$0x0];
	(xrf2) =	vadd.scan.msk.f32 $0xffff, v30;
	v6 =	vadd.f32 v12, v1;
	v11 =	vadd.f32 v19, v0  }
0xb6: {  	v12 =	vadd.f32 v22, v1;
	(xrf2) =	vadd.scan.msk.f32 $0xffff, v20;
	v18 =	vmul.f32 v5, v5;
	v1 =	vadd.f32 v5, v15;
	v15, _, _ =	vpop (xrf2)  }
0xb7: {  	v17 =	vadd.f32 v3, v17;
	v19 =	vmul.f32 v11, v11;
	(v2sf) =	vpush v15, $0xF  }
0xb8: {  	v20 =	vmul.f32 v12, v12;
	v15, _, _ =	vpop (xrf2);
	v18 =	vadd.f32 v18, v26;
	v1 =	vadd.f32 v12, v1  }
0xb9: {  	(xrf2) =	vadd.scan.msk.f32 $0xffff, v13;
	(v2sf) =	vpush v15, $0xF;
	v14 =	vadd.f32 v19, v14;
	v15 =	vmul.f32 v6, v6  }
0xba: {  	(xrf2) =	vadd.scan.msk.f32 $0xffff, v21;
	v13 =	vadd.f32 v16, v0;
	v0 =	vadd.f32 v11, v24  }
0xbb: {  	v16 =	vadd.f32 v20, v18;
	(xrf2) =	vadd.scan.msk.f32 $0xffff, v1;
	v1 =	vmul.f32 v3, v3;
	v14 =	vadd.f32 v15, v14  }
0xbc: {  	v17 =	vadd.f32 v13, v17;
	v0 =	vadd.f32 v6, v0;
	v18, _, _ =	vpop (xrf2)  }
0xbd: {  	(xrf2) =	vadd.scan.msk.f32 $0xffff, v16;
	v1 =	vadd.f32 v1, v25;
	v16 =	vmul.f32 v13, v13;
	(v2sf) =	vpush v18, $0xF;
	v15, _, _ =	vpop (xrf2)  }
0xbe: {  	(xrf2) =	vadd.scan.msk.f32 $0xffff, v0;
	(v2sf) =	vpush v15, $0xF  }
0xbf: {  	v0 =	vadd.f32 v8, v17;
	v15, _, _ =	vpop (xrf2);
	(xrf2) =	vadd.scan.msk.f32 $0xffff, v14;
	v1 =	vadd.f32 v16, v1;
	v14 =	vmul.f32 v8, v8  }
0xc0: {  	(v2sf) =	vpush v15, $0xF;
	v15, _, _ =	vpop (xrf2)  }
0xc1: {  	(xrf2) =	vadd.scan.msk.f32 $0xffff, v0;
	(v2sf) =	vpush v15, $0xF;
	v0 =	vadd.f32 v14, v1;
	_ =	sdelay $0x1  }
0xc2: {  	v1, _, _ =	vpop (xrf2)  }
0xc3: {  	s16 =	spop (v2sf);
	(xrf2) =	vadd.scan.msk.f32 $0xffff, v0;
	(v2sf) =	vpush v1, $0xF;
	v1, _, _ =	vpop (xrf2)  }
0xc4: {  	s18 =	spop (v2sf);
	s20 =	smul.f32 $9.765625000e-04, s16;
	v0, _, _ =	vpop (xrf2);
	(v2sf) =	vpush v1, $0xF  }
0xc5: {  	s21 =	smul.f32 $9.765625000e-04, s18;
	(v2sf) =	vpush v0, $0xF  }
0xc6: {  	s24 =	smul.f32 s20, s20;
	v0, _, _ =	vpop (xrf2);
	s25 =	spop (v2sf)  }
0xc7: {  	v1, _, _ =	vpop (xrf2);
	s31 =	spop (v2sf);
	s14 =	smul.f32 $9.765625000e-04, s25;
	(v2sf) =	vpush v0, $0xF  }
0xc8: {  	s0 =	ssub.f32 s21, s24;
	s2 =	smul.f32 $9.765625000e-04, s31;
	(v2sf) =	vpush v1, $0xF  }
0xc9: {  	v0, _, _ =	vpop (xrf2);
	s7 =	smul.f32 s14, s14  }
0xca: {  	s0 =	sadd.f32 $9.999999960e-13, s0;
	(v2sf) =	vpush v0, $0xF  }
0xcb: {  	s9 =	ssub.f32 s2, s7;
	s10 =	spop (v2sf)  }
0xcc: {  	v0, _, _ =	vpop (xrf2);
	v1 =	vmov s0;
	s11 =	spop (v2sf);
	s18 =	smul.f32 $9.765625000e-04, s10  }
0xcd: {  	(v2sf) =	vpush v0, $0xF;
	v0 =	vshra.s32 v1, $0x1;
	v1 =	vmul.f32 $5.000000000e-01, v1;
	v14, _, _ =	vpop (xrf2);
	s0 =	sadd.f32 $9.999999960e-13, s9;
	s2 =	smul.f32 $9.765625000e-04, s11  }
0xce: {  	v0 =	vsub.s32 $0x5F3759DF, v0;
	(v2sf) =	vpush v14, $0xF;
	s16 =	spop (v2sf);
	s12 =	smul.f32 s18, s18  }
0xcf: {  	v15 =	vmul.f32 v0, v1;
	s9 =	spop (v2sf);
	s1 =	smul.f32 $9.765625000e-04, s16  }
0xd0: {  	s24 =	smul.f32 $9.765625000e-04, s9;
	s21 =	ssub.f32 s2, s12  }
0xd1: {  	v14 =	vmul.f32 v0, v15;
	v15 =	vmov s0;
	s25 =	smul.f32 s1, s1  }
0xd2: {  	v16 =	vshra.s32 v15, $0x1;
	v15 =	vmul.f32 $5.000000000e-01, v15;
	s31 =	spop (v2sf);
	s0 =	sadd.f32 $9.999999960e-13, s21  }
0xd3: {  	v14 =	vsub.f32 $1.500000000e+00, v14;
	v16 =	vsub.s32 $0x5F3759DF, v16;
	s10 =	spop (v2sf);
	s2 =	ssub.f32 s24, s25  }
0xd4: {  	v17 =	vmul.f32 v16, v15;
	s7 =	smul.f32 $9.765625000e-04, s31;
	s11 =	spop (v2sf)  }
0xd5: {  	v0 =	vmul.f32 v0, v14;
	s16 =	smul.f32 $9.765625000e-04, s10;
	v14 =	vmov s0;
	s9 =	sadd.f32 $9.999999960e-13, s2  }
0xd6: {  	v17 =	vmul.f32 v16, v17;
	s25 =	smul.f32 s7, s7;
	v18 =	vshra.s32 v14, $0x1;
	v14 =	vmul.f32 $5.000000000e-01, v14;
	s24 =	spop (v2sf)  }
0xd7: {  	s21 =	smul.f32 $9.765625000e-04, s11;
	v1 =	vmul.f32 v0, v1;
	v18 =	vsub.s32 $0x5F3759DF, v18;
	s12 =	spop (v2sf)  }
0xd8: {  	v17 =	vsub.f32 $1.500000000e+00, v17;
	v20 =	vmov s9;
	s9 =	smul.f32 $9.765625000e-04, s24;
	s2 =	ssub.f32 s16, s25;
	v19 =	vmul.f32 v18, v14  }
0xd9: {  	s11 =	smul.f32 s21, s21;
	s31 =	spop (v2sf);
	v1 =	vmul.f32 v1, v0;
	v21 =	vshra.s32 v20, $0x1;
	v20 =	vmul.f32 $5.000000000e-01, v20  }
0xda: {  	s12 =	smul.f32 $9.765625000e-04, s12;
	v16 =	vmul.f32 v16, v17;
	s2 =	sadd.f32 $9.999999960e-13, s2;
	v17 =	vmul.f32 v18, v19;
	v19 =	vsub.s32 $0x5F3759DF, v21  }
0xdb: {  	s0 =	smul.f32 $9.765625000e-04, s31;
	s9 =	ssub.f32 s9, s11;
	v1 =	vsub.f32 $1.500000000e+00, v1;
	v21 =	vmul.f32 v19, v20  }
0xdc: {  	s24 =	smul.f32 s12, s12;
	s16 =	spop (v2sf);
	v15 =	vmul.f32 v16, v15;
	v17 =	vsub.f32 $1.500000000e+00, v17  }
0xdd: {  	[tilespmem:s19+$0x0] =	vst v10;
	v0 =	vmul.f32 v1, v0;
	s25 =	spop (v2sf);
	s19 =	smul.f32 $9.765625000e-04, s16;
	v1 =	vmul.f32 v19, v21  }
0xde: {  	[tilespmem:s17+$0x0] =	vst v3;
	v10 =	vmul.f32 v15, v16;
	v15 =	vmul.f32 v18, v17;
	v17 =	vmov s2;
	s2 =	smul.f32 $9.765625000e-04, s25  }
0xdf: {  	[tilespmem:s15+$0x0] =	vst v7;
	s9 =	sadd.f32 $9.999999960e-13, s9;
	s31 =	smul.f32 s19, s19;
	v1 =	vsub.f32 $1.500000000e+00, v1;
	v3 =	vshra.s32 v17, $0x1;
	v17 =	vmul.f32 $5.000000000e-01, v17  }
0xe0: {  	[tilespmem:s23+$0x0] =	vst v4;
	s0 =	ssub.f32 s0, s24;
	v7 =	vsub.f32 $1.500000000e+00, v10;
	v10 =	vmul.f32 v15, v14;
	v3 =	vsub.s32 $0x5F3759DF, v3  }
0xe1: {  	[tilespmem:s26+$0x0] =	vst v9;
	s2 =	ssub.f32 s2, s31;
	v14 =	vmul.f32 v19, v1;
	v4 =	vmul.f32 v3, v17  }
0xe2: {  	[tilespmem:s22+$0x0] =	vst v2;
	s0 =	sadd.f32 $9.999999960e-13, s0;
	v1 =	vmul.f32 v7, v16;
	v7 =	vmul.f32 v10, v15  }
0xe3: {  	[tilespmem:s5+$0x0] =	vst v8;
	s10 =	sadd.f32 $9.999999960e-13, s2;
	v9 =	vmul.f32 v14, v20;
	v2 =	vmul.f32 v3, v4;
	v4 =	vmov s9  }
0xe4: {  	[tilespmem:s8+$0x0] =	vst v13;
	v10 =	vshra.s32 v4, $0x1;
	v13 =	vmul.f32 $5.000000000e-01, v4;
	v4 =	vmov s0  }
0xe5: {  	[tilespmem:s13+$0x0] =	vst v12;
	v12 =	vmov s10;
	v8 =	vsub.s32 $0x5F3759DF, v10;
	v10 =	vshra.s32 v4, $0x1  }
0xe6: {  	[tilespmem:s4+$0x0] =	vst v6;
	v16 =	vmul.f32 $5.000000000e-01, v4;
	v18 =	vshra.s32 v12, $0x1;
	v12 =	vmul.f32 $5.000000000e-01, v12  }
0xe7: {  	[tilespmem:s6+$0x0] =	vst v11;
	s11 =	simm.s32 $0x0;
	v6 =	vsub.f32 $1.500000000e+00, v2;
	v4 =	vmul.f32 v8, v13;
	v10 =	vsub.s32 $0x5F3759DF, v10  }
0xe8: {  	[tilespmem:s3+$0x0] =	vst v5;
	s13 =	sand.u32 $0x1C00, s11;
	v7 =	vsub.f32 $1.500000000e+00, v7;
	v9 =	vmul.f32 v9, v14;
	v11 =	vmul.f32 v10, v16  }
0xe9: {  	s3 =	sand.u32 $0x60, s11;
	s17 =	sor.u32 $0x6000, s13;
	s16 =	rddreg [dreg:$0xa];
	v18 =	vsub.s32 $0x5F3759DF, v18;
	v19 =	vmul.f32 v3, v6;
	v4 =	vmul.f32 v8, v4  }
0xea: {  	s15 =	simm.s32 $0x14400;
	s10 =	sor.u32 $0x10, s3;
	v2 =	vmov s20;
	s20 =	sadd.s32 s16, s17;
	v5 =	vmul.f32 v10, v11;
	v11 =	vmul.f32 v18, v12  }
0xeb: {  	s4 =	sor.u32 $0x8000, s13;
	s25 =	sadd.s32 s10, s20;
	v3 =	vld [tilespmem:s15+$0x0];
	v9 =	vsub.f32 $1.500000000e+00, v9;
	v4 =	vsub.f32 $1.500000000e+00, v4  }
0xec: {  	s5 =	sadd.s32 s16, s4;
	s0 =	sand.u32 $0x380, s11;
	s11 =	sadd.s32 s3, s20;
	v24 =	vld [tilespmem:s25+$0x0];
	v17 =	vmul.f32 v19, v17;
	v5 =	vsub.f32 $1.500000000e+00, v5;
	v11 =	vmul.f32 v18, v11  }
0xed: {  	s15 =	sadd.s32 s3, s5;
	v26 =	vld [tilespmem:s11+$0x0];
	v9 =	vmul.f32 v9, v14;
	v22 =	vmul.f32 v8, v4  }
0xee: {  	s23 =	sor.u32 $0x4000, s13;
	s2 =	rddreg [dreg:$0x8];
	s0 =	sor.u32 s0, s10;
	v21 =	vld [tilespmem:s15+$0x0];
	v4 =	vmul.f32 v7, v15;
	v10 =	vmul.f32 v10, v5;
	v11 =	vsub.f32 $1.500000000e+00, v11  }
0xef: {  	s26 =	sadd.s32 s16, s23;
	s22 =	sadd.s32 s2, s17;
	v15 =	vmul.f32 v17, v19;
	v7 =	vld [tilespmem:s0+$0x14800];
	v13 =	vmul.f32 v22, v13  }
0xf0: {  	s24 =	sor.u32 $0xA000, s13;
	s17 =	sadd.s32 s3, s26;
	v6 =	vmov s14;
	v5 =	vld [tilespmem:s0+$0x14400];
	s0 =	sadd.s32 s10, s22;
	v16 =	vmul.f32 v10, v16;
	v25 =	vmul.f32 v18, v11  }
0xf1: {  	s31 =	sadd.s32 s2, s24;
	v14 =	vmov s1;
	v17 =	vmov s21;
	v27 =	vld [tilespmem:s0+$0x0];
	[dreg:$0xe] =	wrdreg s17;
	v13 =	vmul.f32 v13, v22  }
0xf2: {  	s13 =	sadd.s32 s10, s31;
	v11 =	vsub.f32 $1.500000000e+00, v15;
	v28 =	vld [tilespmem:s17+$0x0];
	v16 =	vmul.f32 v16, v10;
	v12 =	vmul.f32 v25, v12  }
0xf3: {  	s20 =	simm.s32 $0x14800;
	v8 =	vmov s18;
	v24 =	vsub.f32 v24, v17;
	v31 =	vld [tilespmem:s13+$0x0];
	v13 =	vsub.f32 $1.500000000e+00, v13  }
0xf4: {  	s23 =	sadd.s32 s2, s23;
	s6 =	sadd.s32 s3, s31;
	v20 =	vld [tilespmem:s20+$0x0];
	v11 =	vmul.f32 v11, v19;
	v29 =	vsub.f32 $1.500000000e+00, v16;
	v12 =	vmul.f32 v12, v25  }
0xf5: {  	s24 =	sadd.s32 s16, s24;
	s20 =	sadd.s32 s10, s23;
	v19 =	vld [tilespmem:s6+$0x0];
	v16 =	vmov s12;
	v18 =	vmul.f32 v13, v22;
	v22 =	vsub.f32 v26, v17  }
0xf6: {  	s16 =	sadd.s32 s3, s24;
	v15 =	vmov s7;
	v21 =	vsub.f32 v21, v16;
	v26 =	vld [tilespmem:s20+$0x0];
	v13 =	vmul.f32 v29, v10  }
0xf7: {  	s8 =	sadd.s32 s3, s22;
	s31 =	sadd.s32 s2, s4;
	v60 =	vsub.f32 v28, v15;
	v10 =	vsub.f32 $1.500000000e+00, v12;
	v29 =	vld [tilespmem:s16+$0x0];
	v22 =	vmul.f32 v22, v18  }
0xf8: {  	s4 =	sadd.s32 s10, s26;
	s26 =	sadd.s32 s10, s31;
	v23 =	vld [tilespmem:s8+$0x0];
	v31 =	vsub.f32 v31, v14;
	v12 =	vmov s19;
	v21 =	vmul.f32 v21, v13  }
0xf9: {  	v28 =	vld [tilespmem:s26+$0x0];
	v10 =	vmul.f32 v10, v25;
	v25 =	vsub.f32 v27, v6;
	v22 =	vmul.f32 v22, v3  }
0xfa: {  	s18 =	sadd.s32 s10, s5;
	v30 =	vsub.f32 v19, v14;
	v24 =	vmul.f32 v24, v18;
	v27 =	vld [tilespmem:s4+$0x0];
	v61 =	vmul.f32 v21, v3  }
0xfb: {  	s29 =	simm.s32 $0x20;
	s28 =	sadd.s32 s3, s31;
	v19 =	vmul.f32 v25, v1;
	v63 =	vsub.f32 v26, v2;
	v25 =	vld [tilespmem:s18+$0x0];
	v62 =	vadd.f32 v22, v20  }
0xfc: {  	s30 =	simm.s32 $0x14420;
	s3 =	sadd.s32 s3, s23;
	s19 =	sadd.s32 s10, s24;
	v32 =	vmul.f32 v60, v11;
	v21 =	vmul.f32 v30, v9;
	v26 =	vld [tilespmem:s28+$0x0];
	v30 =	vsub.f32 v29, v12  }
0xfd: {  	s14 =	simm.s32 $0x14820;
	s5 =	simm.s32 $0x0;
	s21 =	simm.s32 $0x100;
	v29 =	vmul.f32 v24, v5;
	v24 =	vld [tilespmem:s19+$0x0];
	v22 =	vadd.f32 v61, v20;
	v33 =	vmul.f32 v63, v0;
	[tilespmem:s11+$0x0] =	vst v62  }
.LBB2_6:
0xfe: {  	[dreg:$0x1c] =	wrdreg s8  }
0xff: {  	[dreg:$0x1a] =	wrdreg s16  }
0x100: {  	[dreg:$0x14] =	wrdreg s0;
	v35 =	vmov v3  }
0x101: {  	[dreg:$0x12] =	wrdreg s6;
	s7 =	sand.u32 $0x60, s29;
	v32 =	vmul.f32 v32, v35;
	v37 =	vmul.f32 v33, v5  }
0x102: {  	s9 =	sand.u32 $0x1C00, s21;
	s10 =	sand.u32 $0x380, s29;
	v36 =	vmovc v5;
	s6 =	rddreg [dreg:$0x8];
	v5 =	vmul.f32 v31, v9;
	v31 =	vmov v7;
	v21 =	vmul.f32 v21, v35  }
0x103: {  	s16 =	smov.u32 s15;
	s15 =	rddreg [dreg:$0xa];
	v53 =	vmov v20;
	s12 =	sor.u32 $0x8000, s9;
	v29 =	vadd.f32 v29, v7;
	v7 =	vadd.f32 v37, v31  }
0x104: {  	v34 =	vld [tilespmem:s3+$0x0];
	s11 =	sor.u32 $0x6000, s9;
	s1 =	sor.u32 $0x10, s7;
	s22 =	sadd.s32 s15, s12;
	v32 =	vadd.f32 v32, v53;
	v21 =	vadd.f32 v21, v53  }
0x105: {  	v3 =	vld [tilespmem:s30+$0x0];
	v30 =	vmul.f32 v30, v10;
	s23 =	sadd.s32 s6, s11;
	s11 =	sadd.s32 s15, s11;
	s0 =	sadd.s32 s7, s22;
	[tilespmem:s25+$0x0] =	vst v29;
	v23 =	vsub.f32 v23, v6;
	v27 =	vsub.f32 v27, v15  }
0x106: {  	s2 =	sor.u32 $0x4000, s9;
	s8 =	sor.u32 $0xA000, s9;
	v19 =	vmul.f32 v19, v36;
	s25 =	sadd.s32 s1, s11;
	v28 =	vsub.f32 v28, v8;
	v25 =	vsub.f32 v25, v16;
	v54 =	vld [tilespmem:s0+$0x0];
	[tilespmem:s16+$0x0] =	vst v22  }
0x107: {  	s31 =	sor.u32 s10, s1;
	s12 =	sadd.s32 s6, s12;
	s9 =	sadd.s32 s6, s8;
	v20 =	vsub.f32 v26, v8;
	v26 =	vmul.f32 v5, v36;
	v29 =	vld [tilespmem:s25+$0x0];
	v22 =	vmul.f32 v30, v35;
	[tilespmem:s20+$0x0] =	vst v7  }
0x108: {  	s10 =	sadd.s32 s7, s23;
	s24 =	sadd.s32 s7, s12;
	s23 =	sadd.s32 s1, s23;
	v24 =	vsub.f32 v24, v12;
	v23 =	vmul.f32 v23, v1;
	v28 =	vmul.f32 v28, v4;
	v5 =	vld [tilespmem:s31+$0x14400]  }
0x109: {  	s20 =	sadd.s32 s1, s12;
	s12 =	sadd.s32 s7, s11;
	v27 =	vmul.f32 v27, v11;
	v26 =	vadd.f32 v26, v31;
	v7 =	vld [tilespmem:s31+$0x14800];
	v20 =	vmul.f32 v20, v4;
	s31 =	rddreg [dreg:$0xe]  }
0x10a: {  	v34 =	vsub.f32 v34, v2;
	s11 =	sadd.s32 s15, s8;
	s8 =	sadd.s32 s6, s2;
	s2 =	sadd.s32 s15, s2;
	v25 =	vmul.f32 v25, v13;
	v55 =	vld [tilespmem:s12+$0x0];
	[tilespmem:s31+$0x0] =	vst v32;
	v28 =	vmul.f32 v28, v36  }
0x10b: {  	s15 =	sadd.s32 s7, s2;
	v22 =	vadd.f32 v22, v53;
	v27 =	vmul.f32 v27, v36;
	[tilespmem:s13+$0x0] =	vst v26;
	v26 =	vld [tilespmem:s23+$0x0];
	v20 =	vmul.f32 v20, v35  }
0x10c: {  	s16 =	rddreg [dreg:$0x1a];
	v24 =	vmul.f32 v24, v10;
	v34 =	vmul.f32 v34, v0;
	v30 =	vld [tilespmem:s15+$0x0];
	v28 =	vadd.f32 v28, v31  }
0x10d: {  	s17 =	sadd.s32 s1, s22;
	s22 =	sadd.s32 s7, s9;
	v25 =	vmul.f32 v25, v36;
	v27 =	vadd.f32 v27, v31;
	v38 =	vadd.f32 v20, v53;
	v20 =	vld [tilespmem:s14+$0x0];
	[tilespmem:s16+$0x0] =	vst v22  }
0x10e: {  	v24 =	vmul.f32 v24, v36;
	v56 =	vmul.f32 v23, v35;
	v57 =	vsub.f32 v54, v16;
	[tilespmem:s26+$0x0] =	vst v28;
	v28 =	vld [tilespmem:s22+$0x0]  }
0x10f: {  	v23 =	vld [tilespmem:s10+$0x0];
	v34 =	vmul.f32 v34, v35;
	v25 =	vadd.f32 v25, v31;
	v32 =	vsub.f32 v55, v17;
	s26 =	smov.u32 s20;
	[tilespmem:s4+$0x0] =	vst v27;
	s20 =	sadd.s32 s1, s8  }
0x110: {  	s5 =	sadd.s32 $0x2, s5;
	s13 =	sadd.s32 s1, s9;
	v29 =	vsub.f32 v29, v17;
	v24 =	vadd.f32 v24, v31;
	[tilespmem:s28+$0x0] =	vst v38;
	v58 =	vld [tilespmem:s20+$0x0]  }
0x111: {  	s21 =	sadd.s32 $0x100, s21;
	p0 =	slt.u32 s5, $0x3E;
	v60 =	vld [tilespmem:s13+$0x0];
	s16 =	sadd.s32 s7, s11;
	v31 =	vadd.f32 v19, v31;
	v27 =	vadd.f32 v34, v53;
	[tilespmem:s18+$0x0] =	vst v25;
	v22 =	vmul.f32 v32, v18  }
0x112: {  	v59 =	vld [tilespmem:s16+$0x0];
	v29 =	vmul.f32 v29, v18;
	s28 =	smov.u32 s24;
	v34 =	vadd.f32 v56, v53;
	s24 =	rddreg [dreg:$0x12];
	[tilespmem:s19+$0x0] =	vst v24;
	s19 =	sadd.s32 s1, s11;
	v26 =	vsub.f32 v26, v6  }
.Ltmp1:
0x113: {  	s29 =	sadd.s32 $0x20, s29;
	s4 =	sadd.s32 s1, s2;
	[tilespmem:s24+$0x0] =	vst v21;
	v24 =	vld [tilespmem:s19+$0x0];
	v22 =	vmul.f32 v22, v3;
	v25 =	vsub.f32 v28, v14;
	v28 =	vmul.f32 v57, v13;
	(pc) =	sbr.rel @p0 .LBB2_6-.Ltmp1, $4  }
0x114: {  	s31 =	sadd.s32 s7, s8;
	s18 =	smov.u32 s17;
	s17 =	rddreg [dreg:$0x1c];
	v61 =	vsub.f32 v30, v15;
	v29 =	vmul.f32 v29, v5;
	[tilespmem:s3+$0x0] =	vst v27;
	v27 =	vld [tilespmem:s4+$0x0];
	v19 =	vmul.f32 v26, v1  }
0x115: {  	s30 =	sadd.s32 $0x20, s30;
	s3 =	smov.u32 s31;
	[tilespmem:s17+$0x0] =	vst v34;
	s31 =	rddreg [dreg:$0x14];
	v26 =	vld [tilespmem:s28+$0x0];
	v62 =	vadd.f32 v22, v20;
	v63 =	vsub.f32 v58, v2;
	v30 =	vmul.f32 v28, v3  }
0x116: {  	s6 =	smov.u32 s22;
	[dreg:$0xe] =	wrdreg s15;
	s15 =	smov.u32 s0;
	[tilespmem:s31+$0x0] =	vst v31;
	v32 =	vmul.f32 v61, v11;
	v31 =	vsub.f32 v60, v14;
	v28 =	vld [tilespmem:s26+$0x0];
	v21 =	vmul.f32 v25, v9  }
0x117: {  	s0 =	smov.u32 s23;
	s14 =	sadd.s32 $0x20, s14;
	s8 =	smov.u32 s10;
	v25 =	vld [tilespmem:s18+$0x0];
	[tilespmem:s12+$0x0] =	vst v62;
	v33 =	vmul.f32 v63, v0;
	v22 =	vadd.f32 v30, v20;
	v30 =	vsub.f32 v59, v12  }
0x118: {  	_ = 	snop  }
0x119: {  	v6 =	vsub.f32 v23, v6;
	v9 =	vmul.f32 v31, v9  }
0x11a: {  	v17 =	vld [tilespmem:s3+$0x0];
	v46 =	vmul.f32 v32, v3;
	v14 =	vmul.f32 v33, v5;
	v48 =	vsub.f32 v26, v8  }
0x11b: {  	v47 =	vadd.f32 v29, v7;
	v9 =	vmul.f32 v9, v5;
	v18 =	vsub.f32 v28, v8  }
0x11c: {  	v15 =	vsub.f32 v27, v15;
	v14 =	vadd.f32 v14, v7;
	v50 =	vmul.f32 v48, v4  }
0x11d: {  	v51 =	vmul.f32 v30, v10;
	[tilespmem:s25+$0x0] =	vst v47;
	v9 =	vadd.f32 v9, v7;
	v18 =	vmul.f32 v18, v4  }
0x11e: {  	v23 =	vadd.f32 v46, v20;
	v16 =	vsub.f32 v25, v16;
	[tilespmem:s20+$0x0] =	vst v14;
	v4 =	vmul.f32 v50, v3  }
0x11f: {  	v11 =	vmul.f32 v15, v11;
	v2 =	vsub.f32 v17, v2;
	s1 =	rddreg [dreg:$0xe];
	[tilespmem:s13+$0x0] =	vst v9;
	v49 =	vmul.f32 v18, v5  }
0x120: {  	v52 =	vmul.f32 v51, v3;
	v13 =	vmul.f32 v16, v13;
	[tilespmem:s1+$0x0] =	vst v23;
	v4 =	vadd.f32 v4, v20  }
0x121: {  	v11 =	vmul.f32 v11, v5;
	v0 =	vmul.f32 v2, v0;
	[tilespmem:s15+$0x0] =	vst v22;
	v14 =	vadd.f32 v49, v7  }
0x122: {  	v1 =	vmul.f32 v6, v1;
	v2 =	vadd.f32 v52, v20;
	v54 =	vmul.f32 v13, v5;
	[tilespmem:s28+$0x0] =	vst v4  }
0x123: {  	v53 =	vadd.f32 v11, v7;
	v0 =	vmul.f32 v0, v3;
	[tilespmem:s26+$0x0] =	vst v14  }
0x124: {  	v1 =	vmul.f32 v1, v3;
	v56 =	vadd.f32 v54, v7;
	[tilespmem:s16+$0x0] =	vst v2  }
0x125: {  	v59 =	vmul.f32 v19, v5;
	v0 =	vadd.f32 v0, v20;
	[tilespmem:s4+$0x0] =	vst v53  }
0x126: {  	v58 =	vmul.f32 v21, v3;
	v1 =	vadd.f32 v1, v20;
	[tilespmem:s18+$0x0] =	vst v56  }
0x127: {  	v62 =	vadd.f32 v59, v7;
	[tilespmem:s3+$0x0] =	vst v0  }
0x128: {  	v61 =	vadd.f32 v58, v20;
	[tilespmem:s8+$0x0] =	vst v1  }
0x129: {  	[tilespmem:s0+$0x0] =	vst v62  }
0x12a: {  	[tilespmem:s6+$0x0] =	vst v61  }
0x12b: {  	v55 =	vsub.f32 v24, v12;
	s1 =	sld [smem:$0x7EA];
	_ =	sdelay $0x1  }
0x12c: {  	v57 =	vmul.f32 v55, v10  }
0x12d: {  	p0 =	slt.u32 s1, $0x6  }
.Ltmp2:
0x12e: {  	v60 =	vmul.f32 v57, v5;
	(pc) =	sbr.rel @p0 .LBB2_3-.Ltmp2, $3  }
0x12f: {  	_ = 	snop  }
0x130: {  	v63 =	vadd.f32 v60, v7;
	_ =	sdelay $0x1  }
0x131: {  	[tilespmem:s19+$0x0] =	vst v63;
	s0 =	sadd.s32 $0x2, s1  }
0x132: {  	s4 =	sld [smem:$0x7EB];
	_ =	sdelay $0x1  }
0x133: {  	s1 =	rddreg [dreg:$0x1f]  }
0x134: {  	s23 =	rddreg [dreg:$0x5];
	s0 =	sshll.u32 s4, $0xB  }
0x135: {  	s2 =	simm.s32 $0x0;
	s24 =	sld [smem:$0x7F8];
	s0 =	sadd.s32 s1, s0  }
0x136: {  	s3 =	simm.s32 $0x4000;
	s26 =	sld [smem:$0x7F9];
	s1 =	sadd.s32 s23, s0  }
0x137: {  	[hbm4b:s1+s2] =	stream.linear.scatter [tilespmem:s3], [sflag:$0x3], $0x2000, $0x38;
	[tilespmem:$0x14C00] =	vst v63  }
0x138: {  	s25 =	simm.s32 $0x6000;
	s29 =	sld [smem:$0x7FA];
	s1 =	sadd.s32 s0, s24  }
0x139: {  	[hbm4b:s1+s2] =	stream.linear.scatter [tilespmem:s25], [sflag:$0x3], $0x2000, $0x38;
	[tilespmem:$0x14C00] =	vst v63  }
0x13a: {  	s28 =	simm.s32 $0x8000;
	s1 =	sadd.s32 s0, s26  }
0x13b: {  	[hbm4b:s1+s2] =	stream.linear.scatter [tilespmem:s28], [sflag:$0x3], $0x2000, $0x38;
	[tilespmem:$0x14C00] =	vst v63  }
0x13c: {  	s30 =	simm.s32 $0xA000;
	p0 =	seq.s32 s4, $0x3;
	s0 =	sadd.s32 s0, s29  }
0x13d: {  	[hbm4b:s0+s2] =	stream.linear.scatter [tilespmem:s30], [sflag:$0x3], $0x2000, $0x38;
	[tilespmem:$0x14C00] =	vst v63  }
0x13e: {  	s0 =	simm.s32 @!p0 $0x3  }
0x13f: {  	_ =	swait.ge @!p0 [sflag:s0], $0x2000  }
0x140: {  	[sflag:s0] =	ssyncset.done @!p0 $0x0  }
0x141: {  	[sflag:s0] =	ssyncadd.s32 @!p0 $0xFFFFE000  }
0x142: {  	_ =	swait.ge @!p0 [sflag:s0], $0x2000  }
0x143: {  	[sflag:s0] =	ssyncset.done @!p0 $0x0  }
0x144: {  	[sflag:s0] =	ssyncadd.s32 @!p0 $0xFFFFE000  }
0x145: {  	_ =	swait.ge @!p0 [sflag:s0], $0x2000  }
0x146: {  	[sflag:s0] =	ssyncset.done @!p0 $0x0  }
0x147: {  	[sflag:s0] =	ssyncadd.s32 @!p0 $0xFFFFE000  }
0x148: {  	_ =	swait.ge @!p0 [sflag:s0], $0x2000  }
0x149: {  	s1 =	sld [smem:$0x7FC]  }
0x14a: {  	s2 =	sld [smem:$0x7EC];
	_ =	sdelay $0x1  }
0x14b: {  	[sflag:s0] =	ssyncset.done @!p0 $0x0  }
0x14c: {  	[sflag:s0] =	ssyncadd.s32 @!p0 $0xFFFFE000;
	s1 =	sadd.s32 @!p0 s2, s1  }
0x14d: {  	s0 =	rddreg [dreg:$0x1];
	s1 =	sshll.u32 @!p0 s1, $0xA  }
0x14e: {  	s5 =	rddreg [dreg:$0x0];
	s2 =	simm.s32 @!p0 $0x0;
	s0 =	sadd.s32 @!p0 s0, s1  }
0x14f: {  	[tilespmem:s2], [sflag:$0x1] =	stream.linear.gather @!p0 [hbm4b:s0+s2], $0x2000, $0x38;
	[tilespmem:$0x14C00] =	vst v63  }
0x150: {  	s3 =	simm.s32 @!p0 $0x4000;
	s0 =	sadd.s32 @!p0 s5, s1  }
0x151: {  	[tilespmem:s3], [sflag:$0x1] =	stream.linear.gather @!p0 [hbm4b:s0+s2], $0x2000, $0x38;
	[tilespmem:$0x14C00] =	vst v63  }
0x152: {  	s0 =	sand.u32 @!p0 $0x1FFFFC00, s1  }
0x153: {  	s0 =	sadd.s32 @!p0 s5, s0  }
0x154: {  	s4 =	simm.s32 @!p0 $0x6000;
	s1 =	sor.u32 @!p0 $0x80000, s1;
	s3 =	sadd.s32 @!p0 $0x40000, s0  }
0x155: {  	[tilespmem:s4], [sflag:$0x1] =	stream.linear.gather @!p0 [hbm4b:s3+s2], $0x2000, $0x38;
	[tilespmem:$0x14C00] =	vst v63  }
0x156: {  	s1 =	sadd.s32 @!p0 s5, s1;
	s3 =	simm.s32 @!p0 $0x8000  }
0x157: {  	[tilespmem:s3], [sflag:$0x1] =	stream.linear.gather @!p0 [hbm4b:s1+s2], $0x2000, $0x38;
	[tilespmem:$0x14C00] =	vst v63  }
0x158: {  	s31 =	simm.s32 $0x2;
	s0 =	sadd.s32 @!p0 $0xC0000, s0;
	s1 =	simm.s32 @!p0 $0xA000  }
0x159: {  	[tilespmem:s1], [sflag:$0x1] =	stream.linear.gather @!p0 [hbm4b:s0+s2], $0x2000, $0x38;
	[tilespmem:$0x14C00] =	vst v63  }
0x15a: {  	_ =	swait.ge [sflag:s31], $0x2000  }
0x15b: {  	[sflag:s31] =	ssyncset.done $0x0  }
0x15c: {  	[sflag:s31] =	ssyncadd.s32 $0xFFFFE000  }
0x15d: {  	_ =	swait.ge [sflag:s31], $0x2000  }
0x15e: {  	[sflag:s31] =	ssyncset.done $0x0  }
0x15f: {  	[sflag:s31] =	ssyncadd.s32 $0xFFFFE000  }
0x160: {  	_ =	swait.ge [sflag:s31], $0x2000  }
0x161: {  	[sflag:s31] =	ssyncset.done $0x0  }
0x162: {  	[sflag:s31] =	ssyncadd.s32 $0xFFFFE000  }
0x163: {  	_ =	swait.ge [sflag:s31], $0x2000  }
0x164: {  	[sflag:s31] =	ssyncset.done $0x0  }
0x165: {  	[sflag:s31] =	ssyncadd.s32 $0xFFFFE000  }
0x166: {  	_ =	swait.ge [sflag:s31], $0x2000  }
0x167: {  	[sflag:s31] =	ssyncset.done $0x0  }
0x168: {  	s1 =	simm.s32 $0x0;
	[sflag:s31] =	ssyncadd.s32 $0xFFFFE000  }
.LBB2_9:
0x169: {  	s7 =	simm.s32 $0x0;
	[smem:$0x7E9] =	sst s1;
	s18 =	sshll.u32 s1, $0x7  }
0x16a: {  	s2 =	simm.s32 $0x14000;
	s0 =	sand.u32 $0x1C00, s7;
	s4 =	sand.u32 $0x60, s7  }
0x16b: {  	s16 =	sand.u32 $0x380, s7;
	s31 =	sor.u32 $0xE000, s0;
	s3 =	sor.u32 $0x10, s4  }
0x16c: {  	v2 =	vld [tilespmem:s2+$0x0];
	s5 =	sadd.s32 s18, s31;
	s2 =	sor.u32 s3, s16  }
0x16d: {  	s17 =	sor.u32 $0x2000, s0;
	s6 =	sadd.s32 s3, s5;
	v7 =	vld [tilespmem:s2+$0x14000]  }
0x16e: {  	s8 =	sadd.s32 s18, s17;
	s5 =	sadd.s32 s4, s5;
	v5 =	vld [tilespmem:s6+$0x0]  }
0x16f: {  	s9 =	sor.u32 $0x10000, s0;
	s10 =	sadd.s32 s3, s8;
	v1 =	vld [tilespmem:s5+$0x0]  }
0x170: {  	s19 =	sor.u32 $0xC000, s0;
	s11 =	sadd.s32 s18, s9;
	s8 =	sadd.s32 s4, s8;
	v0 =	vld [tilespmem:s10+$0x0]  }
0x171: {  	s21 =	sadd.s32 s18, s19;
	s12 =	sadd.s32 s3, s11;
	v3 =	vld [tilespmem:s8+$0x0]  }
0x172: {  	s13 =	sor.u32 $0x12000, s0;
	s22 =	sadd.s32 s4, s21;
	v4 =	vld [tilespmem:s12+$0x0]  }
0x173: {  	s26 =	sadd.s32 s18, s13;
	s11 =	sadd.s32 s4, s11;
	v6 =	vld [tilespmem:s22+$0x0]  }
0x174: {  	s20 =	sor.u32 $0x80, s18;
	v9 =	vld [tilespmem:s11+$0x0];
	s10 =	sadd.s32 s4, s26  }
0x175: {  	s15 =	sadd.s32 s20, s19;
	s24 =	sadd.s32 s3, s21;
	v12 =	vld [tilespmem:s10+$0x0]  }
0x176: {  	s14 =	sadd.s32 s3, s26;
	s2 =	sadd.s32 s3, s15;
	v8 =	vld [tilespmem:s24+$0x0];
	v10 =	vadd.f32 v0, v7  }
0x177: {  	s9 =	sadd.s32 s20, s9;
	v11 =	vld [tilespmem:s14+$0x0];
	[dreg:$0xb] =	wrdreg s2;
	v3 =	vadd.f32 v3, v2  }
0x178: {  	s23 =	sadd.s32 s4, s9;
	v0 =	vld [tilespmem:s2+$0x0];
	v14 =	vadd.f32 v4, v10  }
0x179: {  	s13 =	sadd.s32 s20, s13;
	s1 =	sadd.s32 s3, s9;
	s9 =	simm.s32 $0x14020;
	v15 =	vadd.f32 v3, v6;
	v16 =	vadd.f32 v1, v3;
	v6 =	vld [tilespmem:s23+$0x0]  }
0x17a: {  	s16 =	sadd.s32 s20, s31;
	s2 =	sadd.s32 s3, s13;
	v17 =	vadd.f32 v9, v3;
	v21 =	vadd.f32 v12, v3;
	v3 =	vld [tilespmem:s9+$0x0];
	[tilespmem:s12+$0x0] =	vst v14  }
0x17b: {  	s28 =	sadd.s32 s3, s16;
	[tilespmem:s22+$0x0] =	vst v15;
	v18 =	vld [tilespmem:s2+$0x0]  }
0x17c: {  	[tilespmem:s5+$0x0] =	vst v16;
	v4 =	vld [tilespmem:s28+$0x0]  }
0x17d: {  	s31 =	sadd.s32 s20, s17;
	s25 =	sadd.s32 s4, s13;
	v20 =	vadd.f32 v11, v10;
	v22 =	vld [tilespmem:s1+$0x0];
	[tilespmem:s11+$0x0] =	vst v17  }
0x17e: {  	s21 =	sadd.s32 s3, s31;
	v5 =	vadd.f32 v5, v10;
	s12 =	sadd.s32 s4, s31;
	v1 =	vld [tilespmem:s25+$0x0];
	[tilespmem:s10+$0x0] =	vst v21  }
0x17f: {  	s8 =	simm.s32 $0x100;
	s13 =	simm.s32 $0x20;
	v24 =	vadd.f32 v10, v8;
	[tilespmem:s14+$0x0] =	vst v20;
	s10 =	sadd.s32 s4, s16;
	v9 =	vld [tilespmem:s12+$0x0]  }
0x180: {  	s17 =	sand.u32 $0x1C00, s8;
	s9 =	sadd.s32 s4, s15;
	s5 =	sand.u32 $0x60, s13;
	[tilespmem:s6+$0x0] =	vst v5;
	v10 =	vld [tilespmem:s10+$0x0]  }
0x181: {  	s19 =	sor.u32 $0xE000, s17;
	s22 =	sand.u32 $0x380, s13;
	v8 =	vmul.f32 v15, v15;
	s7 =	sor.u32 $0x10, s5;
	[tilespmem:s24+$0x0] =	vst v24;
	v11 =	vld [tilespmem:s9+$0x0]  }
0x182: {  	v13 =	vimm.f32 $0.0e+00;
	s3 =	sor.u32 $0x2000, s17;
	s16 =	sadd.s32 s18, s19;
	s11 =	sor.u32 s7, s22;
	v25 =	vld [tilespmem:s21+$0x0]  }
0x183: {  	v12 =	vadd.f32 v16, v13;
	s14 =	sor.u32 $0x10000, s17;
	v28 =	vadd.f32 v8, v13;
	s24 =	sadd.s32 s18, s3;
	s8 =	sadd.s32 s7, s16;
	v8 =	vld [tilespmem:s11+$0x14000]  }
0x184: {  	s15 =	sor.u32 $0xC000, s17;
	v15 =	vadd.f32 v15, v13;
	v19 =	vadd.f32 v21, v13;
	s31 =	sadd.s32 s18, s14;
	s0 =	sadd.s32 s7, s24;
	v26 =	vld [tilespmem:s8+$0x0]  }
0x185: {  	v27 =	vadd.f32 v17, v13;
	s13 =	sadd.s32 s18, s15;
	v30 =	vadd.f32 v5, v12;
	v12 =	vmul.f32 v17, v17;
	s26 =	sadd.s32 s5, s24;
	s24 =	sadd.s32 s7, s31;
	v29 =	vld [tilespmem:s0+$0x0]  }
0x186: {  	v23 =	vadd.f32 v20, v19;
	v39 =	vadd.f32 v24, v15;
	v21 =	vmul.f32 v21, v21;
	s11 =	sadd.s32 s5, s13;
	v31 =	vld [tilespmem:s24+$0x0]  }
0x187: {  	v32 =	vadd.f32 v12, v13;
	v33 =	vld [tilespmem:s11+$0x0];
	v9 =	vadd.f32 v9, v2  }
0x188: {  	s22 =	sor.u32 $0x12000, s17;
	v12 =	vadd.f32 v14, v27;
	s0 =	sadd.s32 s5, s16;
	v37 =	vadd.f32 v21, v13;
	v2 =	vld [tilespmem:s26+$0x0];
	[dreg:$0x7] =	wrdreg s18  }
0x189: {  	v20 =	vmul.f32 v20, v20;
	s17 =	sadd.s32 s18, s22;
	s12 =	sadd.s32 s5, s31;
	v25 =	vadd.f32 v25, v7;
	v34 =	vld [tilespmem:s0+$0x0];
	v17 =	vadd.f32 v9, v11  }
0x18a: {  	v14 =	vmul.f32 v14, v14;
	s16 =	sadd.s32 s7, s17;
	v35 =	vld [tilespmem:s12+$0x0];
	v40 =	vadd.f32 v29, v8;
	v19 =	vadd.f32 v10, v9  }
0x18b: {  	s21 =	sadd.s32 s5, s17;
	s26 =	sadd.s32 s7, s13;
	v11 =	vmul.f32 v16, v16;
	v10 =	vmul.f32 v5, v5;
	v5 =	vadd.f32 v18, v25;
	v18 =	vld [tilespmem:s16+$0x0];
	[tilespmem:s9+$0x0] =	vst v17  }
0x18c: {  	v7 =	vadd.f32 v22, v25;
	v22 =	vld [tilespmem:s21+$0x0];
	v16 =	vadd.f32 v14, v32;
	v32 =	vimm.f32 $0.0e+00;
	[dreg:$0xd] =	wrdreg s26  }
0x18d: {  	v15 =	vadd.f32 v31, v40;
	v41 =	vadd.f32 v26, v40;
	v26 =	vmul.f32 v24, v24;
	[tilespmem:s10+$0x0] =	vst v19  }
0x18e: {  	s4 =	sadd.s32 s20, s19;
	s31 =	sadd.s32 s20, s15;
	v31 =	vimm.f32 $0.0e+00;
	v42 =	vmul.f32 v17, v17;
	v38 =	vadd.f32 v2, v3;
	[tilespmem:s2+$0x0] =	vst v5  }
0x18f: {  	s17 =	sadd.s32 s7, s31;
	s30 =	sadd.s32 s5, s31;
	v11 =	vadd.f32 v11, v13;
	v14 =	vmul.f32 v7, v7;
	v2 =	vmul.f32 v5, v5;
	v63 =	vld [tilespmem:s26+$0x0];
	s26 =	sadd.s32 s20, s14;
	[tilespmem:s1+$0x0] =	vst v7  }
0x190: {  	s31 =	sadd.s32 s20, s22;
	v24 =	vmul.f32 v41, v41;
	v48 =	vadd.f32 v26, v28;
	v29 =	vld [tilespmem:s17+$0x0];
	v47 =	vadd.f32 v38, v33;
	s15 =	sadd.s32 s5, s26;
	[dreg:$0x9] =	wrdreg s20  }
0x191: {  	s3 =	sadd.s32 s20, s3;
	s29 =	sadd.s32 s5, s4;
	s18 =	sadd.s32 s7, s31;
	v26 =	vimm.f32 $0.0e+00;
	v27 =	vadd.f32 v34, v38;
	v35 =	vadd.f32 v35, v38;
	v43 =	vld [tilespmem:s15+$0x0];
	[tilespmem:s24+$0x0] =	vst v15  }
0x192: {  	s13 =	simm.s32 $0x200;
	s2 =	sadd.s32 s5, s31;
	v36 =	vadd.f32 v18, v40;
	v38 =	vadd.f32 v22, v38;
	v33 =	vimm.f32 $0.0e+00;
	s24 =	sadd.s32 s7, s4;
	[tilespmem:s11+$0x0] =	vst v47;
	v21 =	vld [tilespmem:s18+$0x0]  }
0x193: {  	s14 =	simm.s32 $0x40;
	s19 =	sadd.s32 s7, s26;
	s1 =	sadd.s32 s5, s3;
	v34 =	vimm.f32 $0.0e+00;
	v18 =	vimm.f32 $0.0e+00;
	v46 =	vadd.f32 v27, v30;
	[tilespmem:s0+$0x0] =	vst v27;
	v44 =	vld [tilespmem:s24+$0x0]  }
0x194: {  	s3 =	sadd.s32 s7, s3;
	s5 =	simm.s32 $0x2;
	s20 =	simm.s32 $0x14040;
	v45 =	vmul.f32 v36, v36;
	v30 =	vimm.f32 $0.0e+00;
	v28 =	vld [tilespmem:s19+$0x0];
	v22 =	vadd.f32 v40, v63;
	[tilespmem:s12+$0x0] =	vst v35  }
.LBB2_10:
0x195: {  	[dreg:$0x18] =	wrdreg s18  }
0x196: {  	[dreg:$0x17] =	wrdreg s23  }
0x197: {  	[dreg:$0x13] =	wrdreg s2  }
0x198: {  	[dreg:$0x11] =	wrdreg s19;
	v51 =	vadd.f32 v6, v9  }
0x199: {  	s23 =	sand.u32 $0x60, s14;
	v39 =	vadd.f32 v47, v39;
	s22 =	rddreg [dreg:$0x7];
	v33 =	vadd.f32 v19, v33  }
0x19a: {  	s7 =	sand.u32 $0x1C00, s13;
	s11 =	sand.u32 $0x380, s14;
	v49 =	vmul.f32 v47, v47;
	v50 =	vld [tilespmem:s2+$0x0];
	s2 =	rddreg [dreg:$0x9];
	v63 =	vadd.f32 v4, v25;
	v17 =	vadd.f32 v17, v32  }
0x19b: {  	v60 =	vmul.f32 v35, v35;
	v25 =	vadd.f32 v25, v0;
	s19 =	smov.u32 s24;
	s18 =	smov.u32 s15;
	s15 =	smov.u32 s17;
	v12 =	vadd.f32 v35, v12  }
0x19c: {  	[tilespmem:s16+$0x0] =	vst v36;
	v19 =	vmul.f32 v19, v19;
	s17 =	smov.u32 s25;
	s24 =	rddreg [dreg:$0xb];
	v37 =	vadd.f32 v20, v37;
	s0 =	sor.u32 $0x2000, s7;
	v23 =	vadd.f32 v38, v23  }
0x19d: {  	v52 =	vld [tilespmem:s20+$0x0];
	s4 =	sor.u32 $0xE000, s7;
	s12 =	sor.u32 $0x10000, s7;
	[tilespmem:s21+$0x0] =	vst v38;
	v40 =	vmul.f32 v38, v38;
	s31 =	sor.u32 $0x12000, s7;
	v13 =	vadd.f32 v42, v13;
	v38 =	vadd.f32 v49, v48  }
0x19e: {  	[tilespmem:s8+$0x0] =	vst v41;
	v62 =	vld [tilespmem:s29+$0x0];
	s9 =	sor.u32 $0x10, s23;
	s21 =	rddreg [dreg:$0xd];
	s6 =	sadd.s32 s22, s4;
	v19 =	vadd.f32 v19, v31;
	v32 =	vadd.f32 v25, v17  }
0x19f: {  	s10 =	sadd.s32 s2, s4;
	v61 =	vld [tilespmem:s1+$0x0];
	s26 =	sadd.s32 s22, s0;
	s1 =	sadd.s32 s22, s31;
	[tilespmem:s28+$0x0] =	vst v63;
	v33 =	vadd.f32 v63, v33;
	v16 =	vadd.f32 v60, v16  }
0x1a0: {  	v53 =	vld [tilespmem:s30+$0x0];
	s4 =	sor.u32 $0xC000, s7;
	s25 =	sadd.s32 s2, s12;
	[tilespmem:s21+$0x0] =	vst v22;
	v17 =	vmul.f32 v25, v25;
	s31 =	sadd.s32 s2, s31;
	v12 =	vadd.f32 v15, v12;
	v39 =	vadd.f32 v22, v39  }
0x1a1: {  	v59 =	vmul.f32 v51, v51;
	v26 =	vadd.f32 v51, v26;
	s7 =	sadd.s32 s23, s6;
	s8 =	sadd.s32 s9, s6;
	s16 =	sadd.s32 s22, s4;
	v55 =	vld [tilespmem:s3+$0x0];
	[tilespmem:s24+$0x0] =	vst v25;
	v25 =	vadd.f32 v1, v9  }
0x1a2: {  	v20 =	vmovc v45;
	v15 =	vmul.f32 v15, v15;
	s6 =	smov.u32 s30;
	s30 =	sadd.s32 s22, s12;
	s28 =	sadd.s32 s2, s4;
	v23 =	vadd.f32 v36, v23;
	v37 =	vadd.f32 v40, v37;
	v45 =	vld [tilespmem:s8+$0x0]  }
0x1a3: {  	v22 =	vmul.f32 v22, v22;
	s21 =	sadd.s32 s23, s1;
	s4 =	smov.u32 s29;
	s29 =	sor.u32 s9, s11;
	v4 =	vmovc v44;
	v44 =	vadd.f32 v41, v46;
	v46 =	vld [tilespmem:s7+$0x0];
	v13 =	vadd.f32 v17, v13  }
0x1a4: {  	s3 =	sadd.s32 s2, s0;
	s22 =	sadd.s32 s23, s16;
	s16 =	sadd.s32 s9, s16;
	v56 =	vld [tilespmem:s29+$0x14000];
	v18 =	vadd.f32 v59, v18;
	v16 =	vadd.f32 v15, v16  }
0x1a5: {  	v0 =	vmovc v29;
	v29 =	vmul.f32 v63, v63;
	s12 =	sadd.s32 s23, s30;
	s11 =	sadd.s32 s9, s30;
	s30 =	sadd.s32 s9, s26;
	v26 =	vadd.f32 v7, v26;
	v48 =	vadd.f32 v22, v38;
	v49 =	vld [tilespmem:s16+$0x0]  }
0x1a6: {  	s0 =	sadd.s32 s9, s25;
	s24 =	sadd.s32 s23, s28;
	s26 =	sadd.s32 s23, s26;
	[tilespmem:s17+$0x0] =	vst v25;
	v34 =	vadd.f32 v25, v34;
	v58 =	vld [tilespmem:s30+$0x0];
	v54 =	vadd.f32 v61, v3  }
0x1a7: {  	s28 =	sadd.s32 s9, s28;
	s29 =	sadd.s32 s9, s10;
	[dreg:$0xd] =	wrdreg s16;
	v31 =	vadd.f32 v29, v19;
	v29 =	vmul.f32 v25, v25;
	v57 =	vld [tilespmem:s26+$0x0];
	v18 =	vadd.f32 v14, v18  }
0x1a8: {  	s16 =	sadd.s32 s9, s1;
	v1 =	vmovc v50;
	v50 =	vld [tilespmem:s11+$0x0];
	s1 =	sadd.s32 s23, s3;
	s3 =	sadd.s32 s9, s3;
	v34 =	vadd.f32 v5, v34;
	v25 =	vadd.f32 v55, v8;
	v9 =	vmov v54  }
0x1a9: {  	v27 =	vmul.f32 v27, v27;
	s9 =	sadd.s32 s9, s31;
	s26 =	sadd.s32 s23, s31;
	s31 =	rddreg [dreg:$0x17];
	v61 =	vld [tilespmem:s22+$0x0];
	v30 =	vadd.f32 v29, v30;
	v17 =	vadd.f32 v9, v53  }
0x1aa: {  	s5 =	sadd.s32 $0x2, s5;
	v60 =	vld [tilespmem:s12+$0x0];
	[tilespmem:s31+$0x0] =	vst v51;
	v29 =	vadd.f32 v10, v11;
	v8 =	vmov v56;
	v19 =	vadd.f32 v62, v9  }
0x1ab: {  	p0 =	slt.u32 s5, $0x3E;
	s25 =	sadd.s32 s23, s25;
	v36 =	vld [tilespmem:s16+$0x0];
	v3 =	vmov v52;
	v21 =	vadd.f32 v21, v25;
	v63 =	vadd.f32 v58, v8;
	[tilespmem:s6+$0x0] =	vst v17  }
0x1ac: {  	s10 =	sadd.s32 s23, s10;
	s2 =	smov.u32 s26;
	s26 =	rddreg [dreg:$0x18];
	v10 =	vmov v24;
	v24 =	vadd.f32 v28, v25;
	v28 =	vadd.f32 v57, v3;
	[tilespmem:s4+$0x0] =	vst v19  }
0x1ad: {  	v6 =	vmov v43;
	s17 =	smov.u32 s15;
	s15 =	smov.u32 s25;
	s31 =	rddreg [dreg:$0x11];
	v11 =	vadd.f32 v27, v29;
	v62 =	vld [tilespmem:s21+$0x0];
	[tilespmem:s26+$0x0] =	vst v21;
	v15 =	vadd.f32 v50, v63  }
.Ltmp3:
0x1ae: {  	[dreg:$0xb] =	wrdreg s17;
	s17 =	smov.u32 s28;
	v43 =	vld [tilespmem:s15+$0x0];
	v30 =	vadd.f32 v2, v30;
	v42 =	vmul.f32 v17, v17;
	[tilespmem:s31+$0x0] =	vst v24;
	v47 =	vadd.f32 v28, v61;
	(pc) =	sbr.rel @p0 .LBB2_10-.Ltmp3, $4  }
0x1af: {  	s30 =	smov.u32 s24;
	s23 =	smov.u32 s18;
	s18 =	smov.u32 s9;
	v29 =	vld [tilespmem:s17+$0x0];
	v2 =	vmul.f32 v21, v21;
	v41 =	vadd.f32 v45, v63;
	v27 =	vadd.f32 v46, v28;
	[tilespmem:s11+$0x0] =	vst v15  }
0x1b0: {  	s24 =	smov.u32 s29;
	s28 =	smov.u32 s19;
	s19 =	rddreg [dreg:$0x13];
	v7 =	vmovc v24;
	v5 =	vmov v21;
	v36 =	vadd.f32 v36, v63;
	v35 =	vadd.f32 v60, v28;
	v21 =	vld [tilespmem:s18+$0x0];
	[tilespmem:s22+$0x0] =	vst v47  }
0x1b1: {  	s13 =	sadd.s32 $0x100, s13;
	s25 =	smov.u32 s19;
	s19 =	smov.u32 s0;
	v22 =	vadd.f32 v63, v49;
	v14 =	vmul.f32 v24, v7;
	[tilespmem:s7+$0x0] =	vst v27;
	v46 =	vadd.f32 v27, v44;
	v44 =	vld [tilespmem:s24+$0x0]  }
0x1b2: {  	s14 =	sadd.s32 $0x20, s14;
	s20 =	sadd.s32 $0x20, s20;
	s29 =	smov.u32 s10;
	v24 =	vmul.f32 v41, v41;
	v45 =	vmul.f32 v36, v36;
	[tilespmem:s12+$0x0] =	vst v35;
	v38 =	vadd.f32 v62, v28;
	v28 =	vld [tilespmem:s19+$0x0]  }
0x1b3: {  	v6 =	vadd.f32 v6, v9  }
0x1b4: {  	v20 =	vadd.f32 v20, v37;
	v56 =	vadd.f32 v47, v39  }
0x1b5: {  	v42 =	vadd.f32 v42, v13;
	v33 =	vadd.f32 v19, v33  }
0x1b6: {  	v49 =	vld [tilespmem:s2+$0x0];
	v13 =	vadd.f32 v4, v25;
	v17 =	vadd.f32 v17, v32;
	[tilespmem:s21+$0x0] =	vst v38  }
0x1b7: {  	v40 =	vmul.f32 v47, v47;
	v4 =	vadd.f32 v25, v0;
	v0 =	vadd.f32 v41, v46;
	v58 =	vld [tilespmem:s1+$0x0]  }
0x1b8: {  	v19 =	vmul.f32 v19, v19;
	v1 =	vadd.f32 v1, v9;
	v12 =	vadd.f32 v35, v12  }
0x1b9: {  	v11 =	vadd.f32 v10, v11;
	v23 =	vadd.f32 v38, v23  }
0x1ba: {  	v61 =	vmul.f32 v35, v35;
	v57 =	vadd.f32 v40, v48;
	v19 =	vadd.f32 v19, v31  }
0x1bb: {  	[tilespmem:s16+$0x0] =	vst v36;
	v25 =	vmul.f32 v13, v13;
	v31 =	vld [tilespmem:s30+$0x0];
	v17 =	vadd.f32 v4, v17;
	v9 =	vadd.f32 v22, v56  }
0x1bc: {  	[tilespmem:s8+$0x0] =	vst v41;
	v33 =	vadd.f32 v13, v33;
	v60 =	vld [tilespmem:s29+$0x0];
	v40 =	vadd.f32 v58, v3;
	v3 =	vmul.f32 v22, v22  }
0x1bd: {  	v59 =	vmul.f32 v4, v4;
	s0 =	rddreg [dreg:$0xd];
	v16 =	vadd.f32 v61, v16;
	v12 =	vadd.f32 v15, v12;
	(xrf2) =	vadd.scan.msk.f32 $0xffff, v9  }
0x1be: {  	v27 =	vmul.f32 v27, v27;
	[tilespmem:s0+$0x0] =	vst v22;
	v23 =	vadd.f32 v36, v23;
	v3 =	vadd.f32 v3, v57  }
0x1bf: {  	v19 =	vadd.f32 v25, v19;
	v25 =	vld [tilespmem:s3+$0x0];
	v22 =	vadd.f32 v59, v42  }
0x1c0: {  	v10 =	vadd.f32 v40, v31;
	v31 =	vmul.f32 v6, v6;
	(xrf2) =	vadd.scan.msk.f32 $0xffff, v3;
	v3 =	vadd.f32 v27, v11  }
0x1c1: {  	v9 =	vadd.f32 v60, v40;
	v27 =	vadd.f32 v1, v34  }
0x1c2: {  	v11 =	vmul.f32 v1, v1;
	v18 =	vadd.f32 v31, v18;
	v3 =	vadd.f32 v24, v3  }
0x1c3: {  	v17 =	vadd.f32 v10, v17;
	(xrf2) =	vadd.scan.msk.f32 $0xffff, v0;
	v0 =	vmul.f32 v15, v15;
	v15 =	vadd.f32 v6, v26  }
0x1c4: {  	v24 =	vadd.f32 v25, v8;
	v25 =	vadd.f32 v11, v30;
	(xrf2) =	vadd.scan.msk.f32 $0xffff, v3  }
0x1c5: {  	v14 =	vadd.f32 v14, v18;
	v0 =	vadd.f32 v0, v16;
	v3 =	vmul.f32 v38, v38  }
0x1c6: {  	v15 =	vadd.f32 v7, v15;
	v16 =	vadd.f32 v5, v27  }
0x1c7: {  	v5, _, _ =	vpop (xrf2);
	v11 =	vadd.f32 v21, v24;
	v7 =	vadd.f32 v3, v20  }
0x1c8: {  	v8 =	vadd.f32 v28, v24;
	(v2sf) =	vpush v5, $0xF;
	(xrf2) =	vadd.scan.msk.f32 $0xffff, v12  }
0x1c9: {  	v5 =	vadd.f32 v24, v29;
	v12 =	vmul.f32 v10, v10;
	v3 =	vadd.f32 v43, v40  }
0x1ca: {  	v20 =	vadd.f32 v9, v33;
	v18 =	vadd.f32 v45, v7  }
0x1cb: {  	v15 =	vadd.f32 v3, v15;
	v7, _, _ =	vpop (xrf2);
	(xrf2) =	vadd.scan.msk.f32 $0xffff, v0;
	v0 =	vadd.f32 v12, v22;
	v12 =	vmul.f32 v9, v9  }
0x1cc: {  	v21 =	vmul.f32 v5, v5;
	(v2sf) =	vpush v7, $0xF;
	(xrf2) =	vadd.scan.msk.f32 $0xffff, v23;
	v7 =	vadd.f32 v44, v24  }
0x1cd: {  	(xrf2) =	vadd.scan.msk.f32 $0xffff, v18;
	v18 =	vadd.f32 v12, v19;
	v12 =	vadd.f32 v5, v17;
	v17, _, _ =	vpop (xrf2)  }
0x1ce: {  	v0 =	vadd.f32 v21, v0;
	(v2sf) =	vpush v17, $0xF;
	v17, _, _ =	vpop (xrf2)  }
0x1cf: {  	v21 =	vmul.f32 v3, v3;
	v19 =	vmul.f32 v7, v7;
	(xrf2) =	vadd.scan.msk.f32 $0xffff, v12;
	(v2sf) =	vpush v17, $0xF  }
0x1d0: {  	v20 =	vadd.f32 v7, v20;
	v12 =	vadd.f32 v49, v40;
	(xrf2) =	vadd.scan.msk.f32 $0xffff, v0  }
0x1d1: {  	v14 =	vadd.f32 v21, v14;
	v17 =	vadd.f32 v19, v18  }
0x1d2: {  	v15 =	vadd.f32 v8, v15;
	v0 =	vmul.f32 v8, v8;
	(xrf2) =	vadd.scan.msk.f32 $0xffff, v20;
	v18, _, _ =	vpop (xrf2)  }
0x1d3: {  	v2 =	vadd.f32 v2, v25;
	(v2sf) =	vpush v18, $0xF;
	(xrf2) =	vadd.scan.msk.f32 $0xffff, v17;
	v17 =	vmul.f32 v12, v12  }
0x1d4: {  	v0 =	vadd.f32 v0, v14  }
0x1d5: {  	v16 =	vadd.f32 v12, v16;
	v2 =	vadd.f32 v17, v2;
	v14, _, _ =	vpop (xrf2);
	(xrf2) =	vadd.scan.msk.f32 $0xffff, v15  }
0x1d6: {  	(v2sf) =	vpush v14, $0xF;
	v15, _, _ =	vpop (xrf2);
	(xrf2) =	vadd.scan.msk.f32 $0xffff, v0;
	v0 =	vmul.f32 v11, v11  }
0x1d7: {  	v14 =	vadd.f32 v11, v16;
	(v2sf) =	vpush v15, $0xF;
	v15, _, _ =	vpop (xrf2)  }
0x1d8: {  	(v2sf) =	vpush v15, $0xF;
	v0 =	vadd.f32 v0, v2  }
0x1d9: {  	s11 =	spop (v2sf);
	(xrf2) =	vadd.scan.msk.f32 $0xffff, v14;
	v2, _, _ =	vpop (xrf2)  }
0x1da: {  	s5 =	smul.f32 $9.765625000e-04, s11;
	(v2sf) =	vpush v2, $0xF;
	v2, _, _ =	vpop (xrf2)  }
0x1db: {  	(xrf2) =	vadd.scan.msk.f32 $0xffff, v0;
	s12 =	spop (v2sf);
	(v2sf) =	vpush v2, $0xF  }
0x1dc: {  	s14 =	smul.f32 s5, s5;
	v0, _, _ =	vpop (xrf2)  }
0x1dd: {  	s13 =	smul.f32 $9.765625000e-04, s12;
	(v2sf) =	vpush v0, $0xF;
	s16 =	spop (v2sf)  }
0x1de: {  	v0, _, _ =	vpop (xrf2);
	s3 =	smul.f32 $9.765625000e-04, s16;
	s4 =	spop (v2sf)  }
0x1df: {  	s0 =	ssub.f32 s13, s14;
	(v2sf) =	vpush v0, $0xF;
	s20 =	smul.f32 $9.765625000e-04, s4  }
0x1e0: {  	v2, _, _ =	vpop (xrf2);
	s21 =	smul.f32 s3, s3  }
0x1e1: {  	v0, _, _ =	vpop (xrf2);
	(v2sf) =	vpush v2, $0xF;
	s0 =	sadd.f32 $9.999999960e-13, s0  }
0x1e2: {  	(v2sf) =	vpush v0, $0xF;
	s26 =	spop (v2sf);
	s22 =	ssub.f32 s20, s21  }
0x1e3: {  	v0, _, _ =	vpop (xrf2);
	v2 =	vmov s0;
	s4 =	smul.f32 $9.765625000e-04, s26  }
0x1e4: {  	(v2sf) =	vpush v0, $0xF;
	v0 =	vshra.s32 v2, $0x1;
	v2 =	vmul.f32 $5.000000000e-01, v2;
	s0 =	sadd.f32 $9.999999960e-13, s22  }
0x1e5: {  	v0 =	vsub.s32 $0x5F3759DF, v0;
	v14, _, _ =	vpop (xrf2);
	s7 =	smul.f32 s4, s4;
	s6 =	spop (v2sf)  }
0x1e6: {  	v15 =	vmul.f32 v0, v2;
	(v2sf) =	vpush v14, $0xF;
	s6 =	smul.f32 $9.765625000e-04, s6;
	s31 =	spop (v2sf)  }
0x1e7: {  	s9 =	spop (v2sf);
	s1 =	smul.f32 $9.765625000e-04, s31  }
0x1e8: {  	v14 =	vmul.f32 v0, v15;
	v15 =	vmov s0;
	s8 =	ssub.f32 s6, s7;
	s9 =	smul.f32 $9.765625000e-04, s9  }
0x1e9: {  	v16 =	vshra.s32 v15, $0x1;
	v15 =	vmul.f32 $5.000000000e-01, v15;
	s11 =	smul.f32 s1, s1;
	s12 =	spop (v2sf)  }
0x1ea: {  	v14 =	vsub.f32 $1.500000000e+00, v14;
	v16 =	vsub.s32 $0x5F3759DF, v16;
	s0 =	sadd.f32 $9.999999960e-13, s8;
	s10 =	spop (v2sf)  }
0x1eb: {  	v17 =	vmul.f32 v16, v15;
	s7 =	smul.f32 $9.765625000e-04, s12;
	s6 =	ssub.f32 s9, s11  }
0x1ec: {  	v0 =	vmul.f32 v0, v14;
	s14 =	smul.f32 $9.765625000e-04, s10;
	s11 =	spop (v2sf);
	v14 =	vmov s0  }
0x1ed: {  	[tilespmem:s28+$0x0] =	vst v13;
	v17 =	vmul.f32 v16, v17;
	s20 =	smul.f32 s7, s7;
	v18 =	vshra.s32 v14, $0x1;
	v14 =	vmul.f32 $5.000000000e-01, v14;
	s13 =	sadd.f32 $9.999999960e-13, s6  }
0x1ee: {  	s8 =	rddreg [dreg:$0xb];
	s16 =	spop (v2sf);
	v2 =	vmul.f32 v0, v2;
	v18 =	vsub.s32 $0x5F3759DF, v18  }
0x1ef: {  	v17 =	vsub.f32 $1.500000000e+00, v17;
	s9 =	smul.f32 $9.765625000e-04, s16;
	s6 =	ssub.f32 s14, s20;
	v19 =	vmul.f32 v18, v14;
	v20 =	vmov s13  }
0x1f0: {  	s12 =	spop (v2sf);
	s13 =	smul.f32 $9.765625000e-04, s11;
	v2 =	vmul.f32 v2, v0;
	v21 =	vshra.s32 v20, $0x1;
	v20 =	vmul.f32 $5.000000000e-01, v20  }
0x1f1: {  	s21 =	spop (v2sf);
	v16 =	vmul.f32 v16, v17;
	s12 =	smul.f32 $9.765625000e-04, s12;
	v17 =	vmul.f32 v18, v19;
	v19 =	vsub.s32 $0x5F3759DF, v21  }
0x1f2: {  	s6 =	sadd.f32 $9.999999960e-13, s6;
	s22 =	smul.f32 s13, s13;
	v2 =	vsub.f32 $1.500000000e+00, v2;
	v21 =	vmul.f32 v19, v20  }
0x1f3: {  	s0 =	smul.f32 $9.765625000e-04, s21;
	s26 =	spop (v2sf);
	v15 =	vmul.f32 v16, v15  }
0x1f4: {  	[tilespmem:s25+$0x0] =	vst v1;
	s31 =	smul.f32 s12, s12;
	v17 =	vsub.f32 $1.500000000e+00, v17;
	v0 =	vmul.f32 v2, v0;
	s9 =	ssub.f32 s9, s22;
	v2 =	vmul.f32 v19, v21  }
0x1f5: {  	[tilespmem:s30+$0x0] =	vst v10;
	s14 =	smul.f32 $9.765625000e-04, s26;
	v13 =	vmul.f32 v15, v16;
	s16 =	spop (v2sf)  }
0x1f6: {  	[tilespmem:s18+$0x0] =	vst v11;
	s0 =	ssub.f32 s0, s31;
	v15 =	vmul.f32 v18, v17;
	v17 =	vmov s6;
	s6 =	smul.f32 $9.765625000e-04, s16;
	v2 =	vsub.f32 $1.500000000e+00, v2  }
0x1f7: {  	[tilespmem:s8+$0x0] =	vst v4;
	s9 =	sadd.f32 $9.999999960e-13, s9;
	s20 =	smul.f32 s14, s14;
	v4 =	vshra.s32 v17, $0x1;
	v17 =	vmul.f32 $5.000000000e-01, v17;
	v1 =	vsub.f32 $1.500000000e+00, v13  }
0x1f8: {  	[tilespmem:s23+$0x0] =	vst v6;
	s0 =	sadd.f32 $9.999999960e-13, s0;
	v13 =	vmul.f32 v15, v14;
	v4 =	vsub.s32 $0x5F3759DF, v4;
	v14 =	vmul.f32 v19, v2  }
0x1f9: {  	[tilespmem:s29+$0x0] =	vst v9;
	s6 =	ssub.f32 s6, s20;
	v10 =	vmov s9;
	v2 =	vmul.f32 v4, v17;
	v1 =	vmul.f32 v1, v16  }
0x1fa: {  	[tilespmem:s19+$0x0] =	vst v8;
	v11 =	vshra.s32 v10, $0x1;
	v10 =	vmul.f32 $5.000000000e-01, v10;
	v6 =	vmul.f32 v13, v15  }
0x1fb: {  	[tilespmem:s24+$0x0] =	vst v7;
	v13 =	vmov s0;
	s21 =	sadd.f32 $9.999999960e-13, s6;
	v8 =	vsub.s32 $0x5F3759DF, v11;
	v9 =	vmul.f32 v14, v20  }
0x1fc: {  	[tilespmem:s2+$0x0] =	vst v12;
	v2 =	vmul.f32 v4, v2;
	v11 =	vshra.s32 v13, $0x1;
	v13 =	vmul.f32 $5.000000000e-01, v13  }
0x1fd: {  	[tilespmem:s17+$0x0] =	vst v5;
	s22 =	simm.s32 $0x0;
	v7 =	vmul.f32 v8, v10;
	v11 =	vsub.s32 $0x5F3759DF, v11;
	v16 =	vmov s21  }
0x1fe: {  	[tilespmem:s15+$0x0] =	vst v3;
	s23 =	sand.u32 $0x1C00, s22;
	v5 =	vmul.f32 v11, v13;
	v18 =	vshra.s32 v16, $0x1;
	v16 =	vmul.f32 $5.000000000e-01, v16  }
0x1ff: {  	s11 =	sand.u32 $0x60, s22;
	s25 =	sor.u32 $0xE000, s23;
	s20 =	rddreg [dreg:$0x9];
	v12 =	vsub.f32 $1.500000000e+00, v2;
	v7 =	vmul.f32 v8, v7;
	v18 =	vsub.s32 $0x5F3759DF, v18  }
0x200: {  	s24 =	simm.s32 $0x14400;
	s18 =	sor.u32 $0x10, s11;
	s26 =	sadd.s32 s20, s25;
	v20 =	vsub.f32 $1.500000000e+00, v6;
	v5 =	vmul.f32 v11, v5;
	v19 =	vmul.f32 v18, v16  }
0x201: {  	v3 =	vld [tilespmem:s24+$0x0];
	s10 =	sor.u32 $0x10000, s23;
	s16 =	sadd.s32 s18, s26;
	v2 =	vmov s5;
	v12 =	vmul.f32 v4, v12;
	v4 =	vsub.f32 $1.500000000e+00, v7  }
0x202: {  	v22 =	vld [tilespmem:s16+$0x0];
	s21 =	sadd.s32 s11, s26;
	s5 =	sadd.s32 s20, s10;
	v7 =	vmul.f32 v9, v14;
	v5 =	vsub.f32 $1.500000000e+00, v5;
	v9 =	vmul.f32 v18, v19  }
0x203: {  	s0 =	sand.u32 $0x380, s22;
	v6 =	vmov s3;
	v26 =	vld [tilespmem:s21+$0x0];
	s6 =	sadd.s32 s11, s5;
	v17 =	vmul.f32 v12, v17;
	v21 =	vmul.f32 v8, v4  }
0x204: {  	s2 =	rddreg [dreg:$0x7];
	s31 =	sor.u32 $0xC000, s23;
	s0 =	sor.u32 s0, s18;
	v19 =	vld [tilespmem:s6+$0x0];
	v4 =	vmul.f32 v20, v15;
	v24 =	vmul.f32 v11, v5;
	v9 =	vsub.f32 $1.500000000e+00, v9  }
0x205: {  	s30 =	sadd.s32 s2, s25;
	s26 =	sadd.s32 s20, s31;
	v5 =	vld [tilespmem:s0+$0x14400];
	v11 =	vsub.f32 $1.500000000e+00, v7;
	v15 =	vmul.f32 v17, v12;
	v10 =	vmul.f32 v21, v10  }
0x206: {  	s19 =	sor.u32 $0x12000, s23;
	s23 =	sadd.s32 s11, s26;
	v8 =	vmov s4;
	v7 =	vld [tilespmem:s0+$0x14800];
	s0 =	sadd.s32 s18, s30;
	v13 =	vmul.f32 v24, v13;
	v25 =	vmul.f32 v18, v9  }
0x207: {  	s22 =	sadd.s32 s2, s19;
	v17 =	vmov s13;
	v27 =	vld [tilespmem:s0+$0x0];
	[dreg:$0xf] =	wrdreg s23;
	v9 =	vmul.f32 v11, v14;
	v10 =	vmul.f32 v10, v21  }
0x208: {  	s8 =	sadd.s32 s11, s22;
	v11 =	vsub.f32 $1.500000000e+00, v15;
	v28 =	vld [tilespmem:s23+$0x0];
	v13 =	vmul.f32 v13, v24;
	v16 =	vmul.f32 v25, v16  }
0x209: {  	s24 =	simm.s32 $0x14800;
	v22 =	vsub.f32 v22, v17;
	v15 =	vmov s7;
	v29 =	vld [tilespmem:s8+$0x0];
	v10 =	vsub.f32 $1.500000000e+00, v10  }
0x20a: {  	s25 =	sadd.s32 s2, s31;
	s13 =	sadd.s32 s18, s22;
	v20 =	vld [tilespmem:s24+$0x0];
	v11 =	vmul.f32 v11, v12;
	v12 =	vsub.f32 $1.500000000e+00, v13;
	v30 =	vmul.f32 v16, v25  }
0x20b: {  	s9 =	sadd.s32 s11, s30;
	s30 =	sadd.s32 s20, s19;
	s20 =	sadd.s32 s18, s25;
	v31 =	vld [tilespmem:s13+$0x0];
	v18 =	vmul.f32 v10, v21;
	v16 =	vmov s12;
	v10 =	vsub.f32 v26, v17  }
0x20c: {  	v19 =	vsub.f32 v19, v16;
	v13 =	vmul.f32 v12, v24;
	v21 =	vsub.f32 $1.500000000e+00, v30;
	v24 =	vld [tilespmem:s20+$0x0]  }
0x20d: {  	s31 =	sadd.s32 s2, s10;
	s15 =	sadd.s32 s11, s30;
	v14 =	vmov s1;
	v23 =	vld [tilespmem:s9+$0x0];
	v62 =	vsub.f32 v28, v15;
	v26 =	vmul.f32 v10, v18  }
0x20e: {  	s19 =	sadd.s32 s18, s31;
	v30 =	vld [tilespmem:s15+$0x0];
	v10 =	vmul.f32 v21, v25;
	v21 =	vsub.f32 v27, v6;
	v19 =	vmul.f32 v19, v13  }
0x20f: {  	s4 =	sadd.s32 s18, s26;
	v28 =	vld [tilespmem:s19+$0x0];
	v25 =	vsub.f32 v29, v14;
	v26 =	vmul.f32 v26, v3;
	v29 =	vmul.f32 v22, v18  }
0x210: {  	s17 =	sadd.s32 s18, s5;
	v31 =	vsub.f32 v31, v14;
	v27 =	vld [tilespmem:s4+$0x0];
	v22 =	vmul.f32 v19, v3;
	v19 =	vmul.f32 v21, v1  }
0x211: {  	s28 =	simm.s32 $0x20;
	s26 =	sadd.s32 s11, s31;
	v21 =	vmul.f32 v25, v9;
	v63 =	vadd.f32 v26, v20;
	v25 =	vld [tilespmem:s17+$0x0];
	v24 =	vsub.f32 v24, v2  }
0x212: {  	s29 =	simm.s32 $0x14420;
	s3 =	sadd.s32 s11, s25;
	s18 =	sadd.s32 s18, s30;
	v12 =	vmov s14;
	v32 =	vmul.f32 v62, v11;
	v26 =	vld [tilespmem:s26+$0x0];
	v29 =	vmul.f32 v29, v5  }
0x213: {  	s5 =	simm.s32 $0x0;
	s14 =	simm.s32 $0x14820;
	v30 =	vsub.f32 v30, v12;
	v22 =	vadd.f32 v22, v20;
	[tilespmem:s21+$0x0] =	vst v63;
	s21 =	simm.s32 $0x100;
	v33 =	vmul.f32 v24, v0;
	v24 =	vld [tilespmem:s18+$0x0]  }
.LBB2_12:
0x214: {  	[dreg:$0x1b] =	wrdreg s15  }
0x215: {  	[dreg:$0x16] =	wrdreg s9  }
0x216: {  	[dreg:$0x15] =	wrdreg s0;
	s7 =	sand.u32 $0x60, s28;
	s10 =	sand.u32 $0x1C00, s21;
	v35 =	vmov v3  }
0x217: {  	s11 =	sand.u32 $0x380, s28;
	v36 =	vmovc v5;
	s9 =	rddreg [dreg:$0x7];
	s15 =	smov.u32 s6;
	v53 =	vmov v20;
	v32 =	vmul.f32 v32, v35;
	v37 =	vmul.f32 v33, v5  }
0x218: {  	s6 =	rddreg [dreg:$0x9];
	v30 =	vmul.f32 v30, v10;
	s22 =	sor.u32 $0x10000, s10;
	s1 =	sor.u32 $0x10, s7;
	v5 =	vmul.f32 v31, v9;
	v29 =	vadd.f32 v29, v7;
	v31 =	vmovc v7  }
0x219: {  	v34 =	vld [tilespmem:s3+$0x0];
	s12 =	sor.u32 $0xE000, s10;
	v21 =	vmul.f32 v21, v35;
	s24 =	sadd.s32 s6, s22;
	s25 =	sor.u32 s11, s1;
	v7 =	vadd.f32 v37, v31;
	v32 =	vadd.f32 v32, v53  }
0x21a: {  	v3 =	vld [tilespmem:s29+$0x0];
	v19 =	vmul.f32 v19, v36;
	s11 =	sadd.s32 s9, s22;
	s22 =	sadd.s32 s6, s12;
	s0 =	sadd.s32 s7, s24;
	v23 =	vsub.f32 v23, v6;
	v27 =	vsub.f32 v27, v15  }
0x21b: {  	[tilespmem:s16+$0x0] =	vst v29;
	s16 =	sadd.s32 s1, s22;
	v28 =	vsub.f32 v28, v8;
	v54 =	vld [tilespmem:s0+$0x0];
	v20 =	vsub.f32 v26, v8;
	v26 =	vmul.f32 v5, v36  }
0x21c: {  	s22 =	sadd.s32 s7, s22;
	v25 =	vsub.f32 v25, v16;
	v29 =	vld [tilespmem:s16+$0x0];
	[tilespmem:s15+$0x0] =	vst v22;
	v22 =	vmul.f32 v30, v35;
	v23 =	vmul.f32 v23, v1  }
0x21d: {  	v24 =	vsub.f32 v24, v12;
	v55 =	vld [tilespmem:s22+$0x0];
	[tilespmem:s20+$0x0] =	vst v7;
	v28 =	vmul.f32 v28, v4;
	v27 =	vmul.f32 v27, v11  }
0x21e: {  	s23 =	sadd.s32 s9, s12;
	v5 =	vld [tilespmem:s25+$0x14400];
	v26 =	vadd.f32 v26, v31;
	v25 =	vmul.f32 v25, v13;
	v20 =	vmul.f32 v20, v4  }
0x21f: {  	[dreg:$0x19] =	wrdreg s8;
	s12 =	sadd.s32 s7, s23;
	s23 =	sadd.s32 s1, s23;
	v34 =	vsub.f32 v34, v2;
	v7 =	vld [tilespmem:s25+$0x14800];
	v24 =	vmul.f32 v24, v10;
	v28 =	vmul.f32 v28, v36  }
0x220: {  	s2 =	sor.u32 $0xC000, s10;
	s8 =	sor.u32 $0x12000, s10;
	s25 =	rddreg [dreg:$0xf];
	v22 =	vadd.f32 v22, v53;
	v27 =	vmul.f32 v27, v36;
	[tilespmem:s13+$0x0] =	vst v26;
	v26 =	vld [tilespmem:s23+$0x0];
	v20 =	vmul.f32 v20, v35  }
0x221: {  	s31 =	sadd.s32 s9, s8;
	s30 =	sadd.s32 s7, s11;
	s15 =	rddreg [dreg:$0x1b];
	[tilespmem:s25+$0x0] =	vst v32;
	v34 =	vmul.f32 v34, v0;
	v56 =	vmul.f32 v23, v35;
	v23 =	vld [tilespmem:s12+$0x0];
	v28 =	vadd.f32 v28, v31  }
0x222: {  	s10 =	sadd.s32 s7, s31;
	s25 =	sadd.s32 s9, s2;
	s2 =	sadd.s32 s6, s2;
	v25 =	vmul.f32 v25, v36;
	v27 =	vadd.f32 v27, v31;
	v38 =	vadd.f32 v20, v53;
	v20 =	vld [tilespmem:s14+$0x0];
	[tilespmem:s15+$0x0] =	vst v22  }
0x223: {  	v21 =	vadd.f32 v21, v53;
	s20 =	sadd.s32 s1, s11;
	s11 =	sadd.s32 s6, s8;
	s6 =	sadd.s32 s7, s2;
	v24 =	vmul.f32 v24, v36;
	v32 =	vsub.f32 v55, v17;
	[tilespmem:s19+$0x0] =	vst v28;
	v28 =	vld [tilespmem:s10+$0x0]  }
0x224: {  	v30 =	vld [tilespmem:s6+$0x0];
	v34 =	vmul.f32 v34, v35;
	v57 =	vsub.f32 v54, v16;
	v25 =	vadd.f32 v25, v31;
	s19 =	smov.u32 s20;
	[tilespmem:s4+$0x0] =	vst v27;
	s20 =	sadd.s32 s1, s25  }
0x225: {  	s5 =	sadd.s32 $0x2, s5;
	s21 =	sadd.s32 $0x100, s21;
	s13 =	sadd.s32 s1, s31;
	v29 =	vsub.f32 v29, v17;
	v24 =	vadd.f32 v24, v31;
	[tilespmem:s26+$0x0] =	vst v38;
	v58 =	vld [tilespmem:s20+$0x0]  }
0x226: {  	s28 =	sadd.s32 $0x20, s28;
	s29 =	sadd.s32 $0x20, s29;
	v60 =	vld [tilespmem:s13+$0x0];
	s15 =	sadd.s32 s7, s11;
	v31 =	vadd.f32 v19, v31;
	v22 =	vmul.f32 v32, v18;
	v27 =	vadd.f32 v34, v53;
	[tilespmem:s17+$0x0] =	vst v25  }
0x227: {  	p0 =	slt.u32 s5, $0x3E;
	s31 =	rddreg [dreg:$0x15];
	v59 =	vld [tilespmem:s15+$0x0];
	v29 =	vmul.f32 v29, v18;
	v34 =	vadd.f32 v56, v53;
	[tilespmem:s18+$0x0] =	vst v24;
	s18 =	sadd.s32 s1, s11;
	v26 =	vsub.f32 v26, v6  }
.Ltmp4:
0x228: {  	[dreg:$0xf] =	wrdreg s6;
	s4 =	sadd.s32 s1, s2;
	[tilespmem:s31+$0x0] =	vst v31;
	v22 =	vmul.f32 v22, v3;
	v24 =	vld [tilespmem:s18+$0x0];
	v25 =	vsub.f32 v28, v14;
	v28 =	vmul.f32 v57, v13;
	(pc) =	sbr.rel @p0 .LBB2_12-.Ltmp4, $4  }
0x229: {  	s24 =	sadd.s32 s1, s24;
	s26 =	smov.u32 s30;
	s30 =	rddreg [dreg:$0x19];
	v29 =	vmul.f32 v29, v5;
	[tilespmem:s3+$0x0] =	vst v27;
	v27 =	vld [tilespmem:s4+$0x0];
	v61 =	vsub.f32 v30, v15;
	v19 =	vmul.f32 v26, v1  }
0x22a: {  	s8 =	smov.u32 s10;
	s9 =	sadd.s32 s7, s25;
	s25 =	rddreg [dreg:$0x16];
	[tilespmem:s30+$0x0] =	vst v21;
	v62 =	vadd.f32 v22, v20;
	v26 =	vld [tilespmem:s26+$0x0];
	v63 =	vsub.f32 v58, v2;
	v30 =	vmul.f32 v28, v3  }
0x22b: {  	s6 =	smov.u32 s0;
	s0 =	smov.u32 s23;
	s17 =	smov.u32 s24;
	[tilespmem:s25+$0x0] =	vst v34;
	v31 =	vsub.f32 v60, v14;
	v32 =	vmul.f32 v61, v11;
	v28 =	vld [tilespmem:s19+$0x0];
	v21 =	vmul.f32 v25, v9  }
0x22c: {  	s14 =	sadd.s32 $0x20, s14;
	s3 =	smov.u32 s9;
	s9 =	smov.u32 s12;
	[tilespmem:s22+$0x0] =	vst v62;
	v25 =	vld [tilespmem:s17+$0x0];
	v33 =	vmul.f32 v63, v0;
	v22 =	vadd.f32 v30, v20;
	v30 =	vsub.f32 v59, v12  }
0x22d: {  	_ = 	snop  }
0x22e: {  	v6 =	vsub.f32 v23, v6;
	v9 =	vmul.f32 v31, v9  }
0x22f: {  	v17 =	vld [tilespmem:s3+$0x0];
	v46 =	vmul.f32 v32, v3;
	v14 =	vmul.f32 v33, v5;
	v48 =	vsub.f32 v26, v8  }
0x230: {  	v47 =	vadd.f32 v29, v7;
	v9 =	vmul.f32 v9, v5;
	v18 =	vsub.f32 v28, v8  }
0x231: {  	v15 =	vsub.f32 v27, v15;
	v14 =	vadd.f32 v14, v7;
	v50 =	vmul.f32 v48, v4  }
0x232: {  	v51 =	vmul.f32 v30, v10;
	[tilespmem:s16+$0x0] =	vst v47;
	v9 =	vadd.f32 v9, v7;
	v18 =	vmul.f32 v18, v4  }
0x233: {  	v23 =	vadd.f32 v46, v20;
	v16 =	vsub.f32 v25, v16;
	[tilespmem:s20+$0x0] =	vst v14;
	v4 =	vmul.f32 v50, v3  }
0x234: {  	v11 =	vmul.f32 v15, v11;
	v2 =	vsub.f32 v17, v2;
	s1 =	rddreg [dreg:$0xf];
	[tilespmem:s13+$0x0] =	vst v9;
	v49 =	vmul.f32 v18, v5  }
0x235: {  	v52 =	vmul.f32 v51, v3;
	v13 =	vmul.f32 v16, v13;
	[tilespmem:s1+$0x0] =	vst v23;
	v4 =	vadd.f32 v4, v20  }
0x236: {  	v11 =	vmul.f32 v11, v5;
	v0 =	vmul.f32 v2, v0;
	[tilespmem:s6+$0x0] =	vst v22;
	v14 =	vadd.f32 v49, v7  }
0x237: {  	v1 =	vmul.f32 v6, v1;
	v2 =	vadd.f32 v52, v20;
	v54 =	vmul.f32 v13, v5;
	[tilespmem:s26+$0x0] =	vst v4  }
0x238: {  	v53 =	vadd.f32 v11, v7;
	v0 =	vmul.f32 v0, v3;
	[tilespmem:s19+$0x0] =	vst v14  }
0x239: {  	v1 =	vmul.f32 v1, v3;
	v56 =	vadd.f32 v54, v7;
	[tilespmem:s15+$0x0] =	vst v2  }
0x23a: {  	v59 =	vmul.f32 v19, v5;
	v0 =	vadd.f32 v0, v20;
	[tilespmem:s4+$0x0] =	vst v53  }
0x23b: {  	v58 =	vmul.f32 v21, v3;
	v1 =	vadd.f32 v1, v20;
	[tilespmem:s17+$0x0] =	vst v56  }
0x23c: {  	v62 =	vadd.f32 v59, v7;
	[tilespmem:s3+$0x0] =	vst v0  }
0x23d: {  	v61 =	vadd.f32 v58, v20;
	[tilespmem:s9+$0x0] =	vst v1  }
0x23e: {  	[tilespmem:s0+$0x0] =	vst v62  }
0x23f: {  	[tilespmem:s8+$0x0] =	vst v61  }
0x240: {  	v55 =	vsub.f32 v24, v12;
	s1 =	sld [smem:$0x7E9];
	_ =	sdelay $0x1  }
0x241: {  	v57 =	vmul.f32 v55, v10  }
0x242: {  	p0 =	slt.u32 s1, $0x6  }
.Ltmp5:
0x243: {  	v60 =	vmul.f32 v57, v5;
	(pc) =	sbr.rel @p0 .LBB2_9-.Ltmp5, $4  }
0x244: {  	_ = 	snop  }
0x245: {  	v63 =	vadd.f32 v60, v7  }
0x246: {  	s31 =	sadd.s32 $0x2, s1  }
0x247: {  	[tilespmem:s18+$0x0] =	vst v63;
	s1 =	smov.u32 s31  }
0x248: {  	s1 =	rddreg [dreg:$0x5]  }
0x249: {  	s0 =	sld [smem:$0x7ED]  }
0x24a: {  	s28 =	sld [smem:$0x7EE]  }
0x24b: {  	s2 =	simm.s32 $0x0;
	s29 =	sld [smem:$0x7EF]  }
0x24c: {  	s4 =	simm.s32 $0xC000;
	s30 =	sld [smem:$0x7F0];
	s0 =	sadd.s32 s1, s0  }
0x24d: {  	[hbm4b:s0+s2] =	stream.linear.scatter [tilespmem:s4], [sflag:$0x4], $0x2000, $0x38;
	[tilespmem:$0x14C00] =	vst v63  }
0x24e: {  	s5 =	simm.s32 $0xE000;
	s31 =	sld [smem:$0x7EB];
	s0 =	sadd.s32 s1, s28  }
0x24f: {  	[hbm4b:s0+s2] =	stream.linear.scatter [tilespmem:s5], [sflag:$0x4], $0x2000, $0x38;
	[tilespmem:$0x14C00] =	vst v63  }
0x250: {  	s6 =	simm.s32 $0x10000;
	s0 =	sadd.s32 s1, s29  }
0x251: {  	[hbm4b:s0+s2] =	stream.linear.scatter [tilespmem:s6], [sflag:$0x4], $0x2000, $0x38;
	[tilespmem:$0x14C00] =	vst v63  }
0x252: {  	s0 =	sadd.s32 s1, s30;
	s1 =	sadd.s32 $0x1, s31  }
0x253: {  	p0 =	sne.s32 s1, $0x4  }
.Ltmp6:
0x254: {  	_ = 	snop;
	(pc) =	sbr.rel @p0 .LBB2_2-.Ltmp6, $3  }
0x255: {  	_ =	sdelay $0x1  }
0x256: {  	s7 =	simm.s32 $0x12000  }
0x257: {  	[hbm4b:s0+s2] =	stream.linear.scatter [tilespmem:s7], [sflag:$0x4], $0x2000, $0x38;
	[tilespmem:$0x14C00] =	vst v63  }
0x258: {  	s0 =	simm.s32 $0x3  }
0x259: {  	_ =	swait.ge [sflag:s0], $0x2000  }
0x25a: {  	[sflag:s0] =	ssyncset.done $0x0  }
0x25b: {  	[sflag:s0] =	ssyncadd.s32 $0xFFFFE000  }
0x25c: {  	_ =	swait.ge [sflag:s0], $0x2000  }
0x25d: {  	[sflag:s0] =	ssyncset.done $0x0  }
0x25e: {  	[sflag:s0] =	ssyncadd.s32 $0xFFFFE000  }
0x25f: {  	_ =	swait.ge [sflag:s0], $0x2000  }
0x260: {  	[sflag:s0] =	ssyncset.done $0x0  }
0x261: {  	[sflag:s0] =	ssyncadd.s32 $0xFFFFE000  }
0x262: {  	_ =	swait.ge [sflag:s0], $0x2000  }
0x263: {  	[sflag:s0] =	ssyncset.done $0x0  }
0x264: {  	s1 =	simm.s32 $0x4;
	[sflag:s0] =	ssyncadd.s32 $0xFFFFE000  }
0x265: {  	_ =	swait.ge [sflag:s1], $0x2000  }
0x266: {  	[sflag:s1] =	ssyncset.done $0x0  }
0x267: {  	[sflag:s1] =	ssyncadd.s32 $0xFFFFE000  }
0x268: {  	_ =	swait.ge [sflag:s1], $0x2000  }
0x269: {  	[sflag:s1] =	ssyncset.done $0x0  }
0x26a: {  	[sflag:s1] =	ssyncadd.s32 $0xFFFFE000  }
0x26b: {  	_ =	swait.ge [sflag:s1], $0x2000  }
0x26c: {  	[sflag:s1] =	ssyncset.done $0x0  }
0x26d: {  	[sflag:s1] =	ssyncadd.s32 $0xFFFFE000  }
0x26e: {  	_ =	swait.ge [sflag:s1], $0x2000  }
0x26f: {  	s2 =	sld [smem:$0x7F1]  }
0x270: {  	s31 =	sld [smem:$0x7FD];
	_ =	sdelay $0x1  }
0x271: {  	s2 =	sadd.s32 $0x1, s2  }
0x272: {  	p0 =	sne.s32 s2, s31  }
.Ltmp7:
0x273: {  	_ = 	snop;
	(pc) =	sbr.rel @p0 .LBB2_1-.Ltmp7, $3  }
0x274: {  	_ =	sdelay $0x1  }
0x275: {  	[sflag:s1] =	ssyncset.done $0x0  }
0x276: {  	[sflag:s1] =	ssyncadd.s32 $0xFFFFE000  }
0x277: {  	_ =	sfence.sel $0x180000  }
0x278: {  	[bflag:$0x0] =	sbarrier.arrive $0xFFFF  }
0x279: {  	_ =	strace $0x90000047  }
0x27a: {  	s0 =	stileid.u32;
	[bflag:$0x2] =	sbarrier.arrive $0xFFFF  }
0x27b: {  	p0 =	sne.s32 s0, $0x0;
	s0 =	rddreg [dreg:$0x6]  }
0x27c: {  	s0 =	sadd.s32 @!p0 $0x100000, s0  }
0x27d: {  	[sflag:s0] =	ssyncadd.tile.s32 @!p0 $0x1;
	_ =	shalt  }
.Lfunc_end2:
_tile_overlayer_lowered:
.L_overlay_start_2:
0x27e: {  	(tag) =	ssettag $0x2  }
0x27f: {  	s0 =	rddreg [dreg:$0x0];
	s2 =	stileid.u32  }
0x280: {  	s1 =	rddreg [dreg:$0x1];
	p0 =	sne.s32 s2, $0x0  }
0x281: {  	s3 =	rddreg [dreg:$0x2];
	[bflag:$0x3] =	sbarrier.arrive $0xFFFF;
	s2 =	simm.s32 @!p0 $0x1C06  }
0x282: {  	[timem:s3], [sflag:s2] =	dma.local @!p0 [hbm:s0], s1  }
0x283: {  	s0 =	simm.s32 @!p0 $0x6  }
0x284: {  	_ =	swait.ge @!p0 [sflag:s0], s1  }
0x285: {  	s1 =	ssub.s32 @!p0 $0x0, s1;
	[sflag:s0] =	ssyncset.done @!p0 $0x0  }
0x286: {  	[sflag:s0] =	ssyncadd.s32 @!p0 s1  }
0x287: {  	[bflag:$0x3] =	sbarrier.arrive $0xFFFF  }
0x288: {  	_ =	shalt  }

</sc_bundles>
